<compile_context>
chip_gen: v7x
topology: tpu7x:2x2x1
jax: 0.10.2.dev20260603
libtpu: 0.0.44.dev20260713+nightly
codegen_flags: <defaults>
</compile_context>

<pallas_src>
import functools

import numpy as np
import jax
import jax.numpy as jnp
from jax import lax
from jax.experimental import pallas as pl
from jax.experimental.pallas import tpu as pltpu
from jax.experimental.pallas import tpu_sc as plsc

N = 10000
E = 320000
S = 8
V = 4
D_EDGE = 4
H_MSG = 64

NW = 32
EW = E // NW
SUB = 80
NCHUNK = EW // SUB
SB = 400
SUBS = SB // SUB
NSUP = EW // SB
NTILE = 16
ROWS_T = N // NTILE
WCH = 125
NWCH = ROWS_T // WCH

SQRT3 = float(np.sqrt(3.0))
ALPHA = float(1.0 / np.sqrt(S + V))
INV_SQRT_NN = float(1.0 / np.sqrt(E / N))
INV_SQRT_HUPD = float(1.0 / np.sqrt(128.0))


def _build_consts():
    RSH = np.zeros((3, 12), np.float32)
    CD = np.zeros((12, 4), np.float32)
    for u in range(4):
        for i in range(3):
            RSH[i, 3 * u + i] = 1.0
            CD[3 * u + i, u] = 1.0 / np.sqrt(3.0)
    RA = np.zeros((12, 96), np.float32)
    for u in range(8):
        for v in range(8):
            RA[u, 8 * u + v] = 1.0
    for u in range(4):
        for v in range(8):
            RA[8 + u, 64 + 8 * u + v] = 1.0
    CS = np.zeros((96, 8), np.float32)
    for a in range(96):
        CS[a, a % 8] = 1.0
    R2M = np.zeros((8, 32), np.float32)
    C2M = np.zeros((32, 4), np.float32)
    for u in range(8):
        for v in range(4):
            R2M[u, 4 * u + v] = 1.0
            C2M[4 * u + v, v] = 1.0
    RG = np.zeros((4, 12), np.float32)
    RS = np.zeros((3, 12), np.float32)
    for v in range(4):
        for i in range(3):
            RG[v, 3 * v + i] = 1.0
            RS[i, 3 * v + i] = 1.0
    R4 = np.zeros((16, 48), np.float32)
    R5 = np.zeros((12, 48), np.float32)
    C3 = np.zeros((48, 12), np.float32)
    for u in range(4):
        for v in range(4):
            for i in range(3):
                R4[4 * u + v, 12 * u + 3 * v + i] = 1.0
                R5[3 * u + i, 12 * u + 3 * v + i] = 1.0
                C3[12 * u + 3 * v + i, 3 * v + i] = 1.0
    return RSH, CD, RA, CS, R2M, C2M, RG, RS, R4, R5, C3


_RSH, _CD, _RA, _CS, _R2M, _C2M, _RG, _RS, _R4, _R5, _C3 = _build_consts()


def _mm(a, b):
    return jax.lax.dot(a, b, precision=jax.lax.Precision.DEFAULT,
                       preferred_element_type=jnp.float32)


@functools.cache
def _get_gather_kernel():
    mesh = plsc.VectorSubcoreMesh(core_axis_name="c", subcore_axis_name="s")

    @functools.partial(
        pl.kernel,
        mesh=mesh,
        out_type=[jax.ShapeDtypeStruct((E, 32), jnp.float32),
                  jax.ShapeDtypeStruct((E, 32), jnp.float32)],
        scratch_types=[
            pltpu.VMEM((NCHUNK, SUB), jnp.int32),
            pltpu.VMEM((NCHUNK, SUB), jnp.int32),
            pltpu.VMEM((SB, 32), jnp.float32),
            pltpu.VMEM((SB, 32), jnp.float32),
            pltpu.VMEM((SB, 32), jnp.float32),
            pltpu.VMEM((SB, 32), jnp.float32),
            pltpu.SemaphoreType.DMA,
            pltpu.SemaphoreType.DMA,
            pltpu.SemaphoreType.DMA,
            pltpu.SemaphoreType.DMA,
        ],
        compiler_params=pltpu.CompilerParams(use_tc_tiling_on_sc=False),
    )
    def _gather_kernel(xt_hbm, src2d_hbm, dst2d_hbm, xs_out, xd_out,
                       sidx, didx, sr0, sr1, dr0, dr1, gsem, psem, w0, w1):
        c = lax.axis_index("c")
        s = lax.axis_index("s")
        wid = s * 2 + c
        base = wid * EW
        crow = wid * NCHUNK
        pltpu.sync_copy(src2d_hbm.at[pl.ds(crow, NCHUNK)], sidx)
        pltpu.sync_copy(dst2d_hbm.at[pl.ds(crow, NCHUNK)], didx)

        def fire(g, sr, dr):
            descs = []
            for k in range(SUBS):
                row = g * SUBS + k
                descs.append(pltpu.async_copy(
                    xt_hbm.at[sidx.at[row]],
                    sr.at[pl.ds(k * SUB, SUB)], gsem))
                descs.append(pltpu.async_copy(
                    xt_hbm.at[didx.at[row]],
                    dr.at[pl.ds(k * SUB, SUB)], psem))
            return descs

        def super_chunk(g, sr, dr, wsem):
            for d in fire(g, sr, dr):
                d.wait()
            off = base + g * SB
            wa = pltpu.async_copy(sr, xs_out.at[pl.ds(off, SB)], wsem)
            wb = pltpu.async_copy(dr, xd_out.at[pl.ds(off, SB)], wsem)
            return wa, wb

        def double_body(j, carry):
            wa0, wb0 = super_chunk(2 * j, sr0, dr0, w0)
            wa1, wb1 = super_chunk(2 * j + 1, sr1, dr1, w1)
            wa0.wait()
            wb0.wait()
            wa1.wait()
            wb1.wait()
            return carry

        lax.fori_loop(0, NSUP // 2, double_body, 0)
        wa, wb = super_chunk(NSUP - 1, sr0, dr0, w0)
        wa.wait()
        wb.wait()

    return _gather_kernel


BE = 6400
BEQ = BE // 4


def _edge_subset(xs, xd, ea_t, w1, w2, crefs):
    (rsh, cd, ra, cs, r2m, c2m, rg, rs, r4, r5, c3) = crefs
    ev = xd[:, 20:23] - xs[:, 20:23]
    r = jnp.sqrt(jnp.sum(ev * ev, axis=1, keepdims=True))
    unit = ev / jnp.maximum(r, 1e-12)
    sh = SQRT3 * jnp.concatenate(
        [unit[:, 1:2], unit[:, 2:3], unit[:, 0:1]], axis=1)
    h = jax.lax.dot_general(
        ea_t, w1, (((0,), (0,)), ((), ())),
        precision=jax.lax.Precision.DEFAULT,
        preferred_element_type=jnp.float32) * 0.5
    h = h * jax.nn.sigmoid(h)
    tpw = _mm(h, w2) * 0.125
    s1 = xs[:, :S]
    v1 = xs[:, S:20]
    dots = _mm(v1 * _mm(sh, rsh), cd)
    amat = _mm(jnp.concatenate([s1, dots], axis=1), ra)
    out_s = _mm(tpw[:, :96] * amat, cs) * ALPHA
    g = _mm(tpw[:, 96:128] * _mm(s1, r2m), c2m)
    t1 = _mm(g, rg) * _mm(sh, rs)
    t2 = _mm(_mm(tpw[:, 128:144], r4) * _mm(v1, r5), c3)
    out_v = (t1 + t2) * ALPHA
    return jnp.concatenate(
        [out_s, out_v, jnp.zeros((out_s.shape[0], 12), jnp.float32)], axis=1)


def _edge_body(xs_ref, xd_ref, ea_ref, w1_ref, w2_ref,
               rsh_ref, cd_ref, ra_ref, cs_ref, r2m_ref, c2m_ref,
               rg_ref, rs_ref, r4_ref, r5_ref, c3_ref, out_ref):
    xsp = xs_ref[...]
    xdp = xd_ref[...]
    eap = ea_ref[...]
    w1 = w1_ref[...]
    w2 = w2_ref[...]
    crefs = (rsh_ref[...], cd_ref[...], ra_ref[...], cs_ref[...],
             r2m_ref[...], c2m_ref[...], rg_ref[...], rs_ref[...],
             r4_ref[...], r5_ref[...], c3_ref[...])
    nq = xsp.shape[0]
    outs = []
    for j in range(4):
        o = 32 * j
        outs.append(_edge_subset(
            xsp[:, o:o + 32], xdp[:, o:o + 32],
            eap[:, j * nq:(j + 1) * nq], w1, w2, crefs))
    out_ref[...] = jnp.concatenate(outs, axis=1)


_CONSTS = (_RSH, _CD, _RA, _CS, _R2M, _C2M, _RG, _RS, _R4, _R5, _C3)


def _edge_perm():
    q = np.arange(E, dtype=np.int64)
    rr = q // 4
    j = q % 4
    b = rr // BEQ
    r = rr % BEQ
    return (b * BE + j * BEQ + r).astype(np.int32)


_PERM = _edge_perm()


def _edge_in_specs(beq):
    specs = [
        pl.BlockSpec((beq, 128), lambda i: (i, 0)),
        pl.BlockSpec((beq, 128), lambda i: (i, 0)),
        pl.BlockSpec((4, 4 * beq), lambda i: (0, i)),
        pl.BlockSpec((D_EDGE, H_MSG), lambda i: (0, 0)),
        pl.BlockSpec((H_MSG, 144), lambda i: (0, 0)),
    ]
    for cmat in _CONSTS:
        specs.append(pl.BlockSpec(cmat.shape, lambda i: (0, 0)))
    return specs


def _edge_pallas(xs, xd, edge_attr, W1, W2):
    return pl.pallas_call(
        _edge_body,
        grid=(E // BE,),
        in_specs=_edge_in_specs(BEQ),
        out_specs=pl.BlockSpec((BEQ, 128), lambda i: (i, 0)),
        out_shape=jax.ShapeDtypeStruct((E // 4, 128), jnp.float32),
    )(xs.reshape(E // 4, 128), xd.reshape(E // 4, 128),
      edge_attr.T, W1, W2,
      *[jnp.asarray(c) for c in _CONSTS])


@functools.cache
def _get_scatter_kernel():
    mesh = plsc.VectorSubcoreMesh(core_axis_name="c", subcore_axis_name="s")

    @functools.partial(
        pl.kernel,
        mesh=mesh,
        out_type=jax.ShapeDtypeStruct((2, N, 32), jnp.float32),
        scratch_types=[
            pltpu.VMEM((NCHUNK, SUB), jnp.int32),
            pltpu.VMEM((SB, 32), jnp.float32),
            pltpu.VMEM((SB, 32), jnp.float32),
            pltpu.VMEM((WCH, 32), jnp.float32),
            pltpu.VMEM_SHARED((N, 32), jnp.float32),
            pltpu.SemaphoreType.DMA,
            pltpu.SemaphoreType.DMA,
            pltpu.SemaphoreType.DMA,
            pltpu.SemaphoreType.DMA,
        ],
        compiler_params=pltpu.CompilerParams(use_tc_tiling_on_sc=False),
    )
    def _scatter_kernel(tp_hbm, dst2d_hbm, out_hbm, didx, r0buf, r1buf,
                        bounce, acc, l0, l1, a0, a1):
        c = lax.axis_index("c")
        s = lax.axis_index("s")
        wid = s * 2 + c
        base = wid * EW
        crow = wid * NCHUNK
        pltpu.sync_copy(dst2d_hbm.at[pl.ds(crow, NCHUNK)], didx)

        zeros16 = jnp.zeros((16,), jnp.float32)

        def zrow(r, carry):
            bounce[r, pl.ds(0, 16)] = zeros16
            bounce[r, pl.ds(16, 16)] = zeros16
            return carry

        lax.fori_loop(0, WCH, zrow, 0)

        def zchunk(k, carry):
            pltpu.sync_copy(bounce, acc.at[pl.ds(s * ROWS_T + k * WCH, WCH)])
            return carry

        lax.fori_loop(0, NWCH, zchunk, 0)
        plsc.subcore_barrier()

        def load(g, rbuf, lsem):
            return pltpu.async_copy(
                tp_hbm.at[pl.ds(base + g * SB, SB)], rbuf, lsem)

        def adds(g, rbuf, asem):
            descs = []
            for k in range(SUBS):
                descs.append(pltpu.async_copy(
                    rbuf.at[pl.ds(k * SUB, SUB)],
                    acc.at[didx.at[g * SUBS + k]], asem, add=True))
            return descs

        def double_body(j, carry):
            ld0 = load(2 * j, r0buf, l0)
            ld1 = load(2 * j + 1, r1buf, l1)
            ld0.wait()
            d0 = adds(2 * j, r0buf, a0)
            ld1.wait()
            d1 = adds(2 * j + 1, r1buf, a1)
            for d in d0:
                d.wait()
            for d in d1:
                d.wait()
            return carry

        lax.fori_loop(0, NSUP // 2, double_body, 0)
        load(NSUP - 1, r0buf, l0).wait()
        for d in adds(NSUP - 1, r0buf, a0):
            d.wait()
        plsc.subcore_barrier()

        def wchunk(k, carry):
            r0 = s * ROWS_T + k * WCH
            pltpu.sync_copy(acc.at[pl.ds(r0, WCH)], bounce)
            pltpu.sync_copy(bounce, out_hbm.at[c, pl.ds(r0, WCH)])
            return carry

        lax.fori_loop(0, NWCH, wchunk, 0)

    return _scatter_kernel


BN = 2000


def _node_body(p0_ref, p1_ref, x_ref, imp_ref, wn1_ref, wn2_ref, out_ref):
    msgs = (p0_ref[...] + p1_ref[...])[:, :20] * (imp_ref[0, 0] * INV_SQRT_NN)
    xb = x_ref[...]
    sc_in = jnp.concatenate([msgs[:, :S], xb[:, :S]], axis=1)
    hn = _mm(sc_in, wn1_ref[...]) * 0.25
    hn = hn * jax.nn.sigmoid(hn)
    scalars = _mm(hn, wn2_ref[...]) * INV_SQRT_HUPD
    geoms = (msgs[:, S:20] + xb[:, S:20]) * 0.5
    out_ref[...] = jnp.concatenate([scalars, geoms], axis=1)


def _node_pallas(p0, p1, x, imp, Wn1, Wn2):
    return pl.pallas_call(
        _node_body,
        grid=(N // BN,),
        in_specs=[
            pl.BlockSpec((BN, 32), lambda i: (i, 0)),
            pl.BlockSpec((BN, 32), lambda i: (i, 0)),
            pl.BlockSpec((BN, 20), lambda i: (i, 0)),
            pl.BlockSpec(memory_space=pltpu.SMEM),
            pl.BlockSpec((2 * S, 128), lambda i: (0, 0)),
            pl.BlockSpec((128, S), lambda i: (0, 0)),
        ],
        out_specs=pl.BlockSpec((BN, 20), lambda i: (i, 0)),
        out_shape=jax.ShapeDtypeStruct((N, 20), jnp.float32),
    )(p0, p1, x, imp, Wn1, Wn2)


def kernel(x, pos, edge_index, edge_attr, importance, W1, W2, Wn1, Wn2):
    perm = jnp.asarray(_PERM)
    src2d = jnp.take(edge_index[0], perm).reshape(E // SUB, SUB)
    dst2d = jnp.take(edge_index[1], perm).reshape(E // SUB, SUB)
    xt = jnp.concatenate(
        [x, pos, jnp.zeros((N, 9), jnp.float32)], axis=1)
    xs, xd = _get_gather_kernel()(xt, src2d, dst2d)
    tp = _edge_pallas(xs, xd, edge_attr, W1, W2).reshape(E, 32)
    partials = _get_scatter_kernel()(tp, dst2d)
    imp = importance.reshape(1, 1)
    return _node_pallas(partials[0], partials[1], x, imp, Wn1, Wn2)

# --- scband reference (transcript-rebuilt; emitter-appended) ---
"""Pipeline reference for scband-e3mp-step-64931315581498 (READ-ONLY COPY).

The authoritative reference and input builder live on the scoring server;
editing this copy changes nothing except your own understanding.
"""

import jax, jax.numpy as jnp
import numpy as np

N = 10000
E = 320000
S = 8   # node_embedding_scalars (0e)
V = 4   # node_embedding_vectors (1o)
D_EDGE = 4
H_MSG = 64
H_UPD = 128
WNUM = S*S + V*S + S*V + V*V  # 144 = e3tp_message.weight_numel


def setup_inputs(seed: int = 0) -> dict:
    key = jax.random.key(seed)
    ks = jax.random.split(key, 10)
    x = jax.random.normal(ks[0], (N, S + 3*V), dtype=jnp.float32)
    pos = jax.random.normal(ks[1], (N, 3), dtype=jnp.float32)
    edge_index = jax.random.randint(ks[2], (2, E), 0, N, dtype=jnp.int32)
    edge_attr = jax.random.normal(ks[3], (E, D_EDGE), dtype=jnp.float32)
    importance = jax.random.normal(ks[4], (1,), dtype=jnp.float32)
    W1 = jax.random.normal(ks[5], (D_EDGE, H_MSG), dtype=jnp.float32)
    W2 = jax.random.normal(ks[6], (H_MSG, WNUM), dtype=jnp.float32)
    Wn1 = jax.random.normal(ks[7], (2*S, H_UPD), dtype=jnp.float32)
    Wn2 = jax.random.normal(ks[8], (H_UPD, S), dtype=jnp.float32)
    return {"x": x, "pos": pos, "edge_index": edge_index, "edge_attr": edge_attr,
            "importance": importance, "W1": W1, "W2": W2, "Wn1": Wn1, "Wn2": Wn2}


def reference(x, pos, edge_index, edge_attr, importance, W1, W2, Wn1, Wn2):
    src = edge_index[0]
    dst = edge_index[1]
    num_neighbors = E / N
    # relative vectors + spherical harmonics (lmax=1, normalize=True, component norm)
    edge_vec = pos[dst] - pos[src]
    r = jnp.linalg.norm(edge_vec, axis=1, keepdims=True)
    unit = edge_vec / jnp.maximum(r, 1e-12)
    sh1 = jnp.sqrt(3.0) * unit[:, jnp.array([1, 2, 0])]  # e3nn (y,z,x) order, component-normalized
    # FullyConnectedNet for per-edge TP weights (e3nn-style variance-preserving linear layers)
    h = jax.nn.silu(edge_attr @ W1 / np.sqrt(D_EDGE))
    tpw = h @ W2 / np.sqrt(H_MSG)  # [E, 144]
    o0 = S*S; o1 = o0 + V*S; o2 = o1 + S*V
    w_ss = tpw[:, :o0].reshape(E, S, S)      # 0e x 0e -> 0e
    w_vvs = tpw[:, o0:o1].reshape(E, V, S)   # 1o x 1o -> 0e (dot)
    w_sv = tpw[:, o1:o2].reshape(E, S, V)    # 0e x 1o -> 1o
    w_vs = tpw[:, o2:].reshape(E, V, V)      # 1o x 0e -> 1o
    # gather source features (memory-bound)
    xs = x[src]
    s1 = xs[:, :S]
    v1 = xs[:, S:].reshape(E, V, 3)
    alpha = 1.0 / np.sqrt(S + V)  # fan-in path normalization per output irrep
    dots = jnp.einsum('evi,ei->ev', v1, sh1) / np.sqrt(3.0)  # w3j(1,1,0) normalization
    out_s = (jnp.einsum('euv,eu->ev', w_ss, s1) + jnp.einsum('euv,eu->ev', w_vvs, dots)) * alpha
    out_v = (jnp.einsum('euv,eu,ei->evi', w_sv, s1, sh1)
             + jnp.einsum('euv,eui->evi', w_vs, v1)) * alpha  # sh l=0 component is 1
    tp_results = jnp.concatenate([out_s, out_v.reshape(E, 3*V)], axis=1)
    # scatter-add to destination nodes (memory-bound)
    messages = jax.ops.segment_sum(tp_results, dst, num_segments=N) / np.sqrt(num_neighbors)
    messages = messages * importance
    # node update MLP on scalar channels
    sc_in = jnp.concatenate([messages[:, :S], x[:, :S]], axis=1)
    hn = jax.nn.silu(sc_in @ Wn1 / np.sqrt(2*S))
    scalars = hn @ Wn2 / np.sqrt(H_UPD)
    geoms = (messages[:, S:] + x[:, S:]) / 2.0  # is_initial=False
    return jnp.concatenate([scalars, geoms], axis=1)

if __name__ == "__main__":
    import jax
    _d = setup_inputs()
    print(jax.jit(kernel)(*tuple(_d.values())))

</pallas_src>

<mosaic_0001>
#map = affine_map<(d0, d1) -> (0, 0)>
module attributes {stable_mosaic.version = 14 : i64} {
  func.func @_gather_kernel(%arg0: i32, %arg1: i32, %arg2: memref<10000x32xf32, #tpu.memory_space<hbm>>, %arg3: memref<4000x80xi32, #tpu.memory_space<hbm>>, %arg4: memref<4000x80xi32, #tpu.memory_space<hbm>>, %arg5: memref<320000x32xf32, #tpu.memory_space<hbm>>, %arg6: memref<320000x32xf32, #tpu.memory_space<hbm>>, %arg7: memref<125x80xi32, #tpu.memory_space<vmem>>, %arg8: memref<125x80xi32, #tpu.memory_space<vmem>>, %arg9: memref<400x32xf32, #tpu.memory_space<vmem>>, %arg10: memref<400x32xf32, #tpu.memory_space<vmem>>, %arg11: memref<400x32xf32, #tpu.memory_space<vmem>>, %arg12: memref<400x32xf32, #tpu.memory_space<vmem>>, %arg13: memref<!tpu.dma_semaphore, #tpu.memory_space<semaphore_mem>>, %arg14: memref<!tpu.dma_semaphore, #tpu.memory_space<semaphore_mem>>, %arg15: memref<!tpu.dma_semaphore, #tpu.memory_space<semaphore_mem>>, %arg16: memref<!tpu.dma_semaphore, #tpu.memory_space<semaphore_mem>>) attributes {dimension_semantics = [#tpu.dimension_semantics<core_parallel>, #tpu.dimension_semantics<subcore_parallel>], iteration_bounds = array<i64: 2, 16>, scalar_prefetch = 0 : i64, scratch_operands = 10 : i64, tpu.core_type = #tpu.core_type<sc_vector_subcore>, window_params = [{transform_indices = #map}, {transform_indices = #map}, {transform_indices = #map}, {transform_indices = #map}, {transform_indices = #map}]} {
    %mul3A = arith.constant 2 : i32
    %mul3A_0 = arith.muli %arg1, %mul3A : i32
    %add3A = arith.addi %mul3A_0, %arg0 : i32
    %mul3A_1 = arith.constant 10000 : i32
    %mul3A_2 = arith.muli %add3A, %mul3A_1 : i32
    %mul3A_3 = arith.constant 125 : i32
    %mul3A_4 = arith.muli %add3A, %mul3A_3 : i32
    "tpu.region"() ({
      %run_scoped3A = tpu.sem_alloc : memref<!tpu.dma_semaphore, #tpu.memory_space<semaphore_mem>>
      %dma_start3A_226 = arith.constant 0 : i32
      %dma_start3A_227 = tpu.memref_slice %arg3[%mul3A_4, %dma_start3A_226] : memref<4000x80xi32, #tpu.memory_space<hbm>> -> memref<125x80xi32, #tpu.memory_space<hbm>>
      %dma_start3A_228 = arith.constant 0 : i32
      %dma_start3A_229 = tpu.memref_slice %arg3[%mul3A_4, %dma_start3A_228] : memref<4000x80xi32, #tpu.memory_space<hbm>> -> memref<125x80xi32, #tpu.memory_space<hbm>>
      tpu.enqueue_dma source(%dma_start3A_229 : memref<125x80xi32, #tpu.memory_space<hbm>>) target(%arg7 : memref<125x80xi32, #tpu.memory_space<vmem>>) target_semaphore(%run_scoped3A : memref<!tpu.dma_semaphore, #tpu.memory_space<semaphore_mem>>)
      %dma_wait3A_230 = arith.constant 0 : i32
      %dma_wait3A_231 = tpu.memref_slice %arg3[%mul3A_4, %dma_wait3A_230] : memref<4000x80xi32, #tpu.memory_space<hbm>> -> memref<125x80xi32, #tpu.memory_space<hbm>>
      %dma_wait3A_232 = arith.constant 0 : i32
      %dma_wait3A_233 = tpu.memref_slice %arg3[%mul3A_4, %dma_wait3A_232] : memref<4000x80xi32, #tpu.memory_space<hbm>> -> memref<125x80xi32, #tpu.memory_space<hbm>>
      tpu.wait_dma2 semaphore(%run_scoped3A : memref<!tpu.dma_semaphore, #tpu.memory_space<semaphore_mem>>) src(%dma_wait3A_233 : memref<125x80xi32, #tpu.memory_space<hbm>>) dst(%arg7 : memref<125x80xi32, #tpu.memory_space<vmem>>)
      tpu.yield
    }) : () -> ()
    "tpu.region"() ({
      %run_scoped3A = tpu.sem_alloc : memref<!tpu.dma_semaphore, #tpu.memory_space<semaphore_mem>>
      %dma_start3A_226 = arith.constant 0 : i32
      %dma_start3A_227 = tpu.memref_slice %arg4[%mul3A_4, %dma_start3A_226] : memref<4000x80xi32, #tpu.memory_space<hbm>> -> memref<125x80xi32, #tpu.memory_space<hbm>>
      %dma_start3A_228 = arith.constant 0 : i32
      %dma_start3A_229 = tpu.memref_slice %arg4[%mul3A_4, %dma_start3A_228] : memref<4000x80xi32, #tpu.memory_space<hbm>> -> memref<125x80xi32, #tpu.memory_space<hbm>>
      tpu.enqueue_dma source(%dma_start3A_229 : memref<125x80xi32, #tpu.memory_space<hbm>>) target(%arg8 : memref<125x80xi32, #tpu.memory_space<vmem>>) target_semaphore(%run_scoped3A : memref<!tpu.dma_semaphore, #tpu.memory_space<semaphore_mem>>)
      %dma_wait3A_230 = arith.constant 0 : i32
      %dma_wait3A_231 = tpu.memref_slice %arg4[%mul3A_4, %dma_wait3A_230] : memref<4000x80xi32, #tpu.memory_space<hbm>> -> memref<125x80xi32, #tpu.memory_space<hbm>>
      %dma_wait3A_232 = arith.constant 0 : i32
      %dma_wait3A_233 = tpu.memref_slice %arg4[%mul3A_4, %dma_wait3A_232] : memref<4000x80xi32, #tpu.memory_space<hbm>> -> memref<125x80xi32, #tpu.memory_space<hbm>>
      tpu.wait_dma2 semaphore(%run_scoped3A : memref<!tpu.dma_semaphore, #tpu.memory_space<semaphore_mem>>) src(%dma_wait3A_233 : memref<125x80xi32, #tpu.memory_space<hbm>>) dst(%arg8 : memref<125x80xi32, #tpu.memory_space<vmem>>)
      tpu.yield
    }) : () -> ()
    %scan3A = arith.constant 0 : i32
    %scan3A_5 = arith.constant 0 : i32
    %scan3A_6 = arith.constant 12 : i32
    %scan3A_7 = arith.addi %scan3A_5, %scan3A_6 : i32
    %scan3A_8 = arith.constant 1 : i32
    scf.for %scan3A_226 = %scan3A_5 to %scan3A_7 step %scan3A_8  : i32 {
      %mul3A_227 = arith.constant 2 : i32
      %mul3A_228 = arith.muli %mul3A_227, %scan3A_226 : i32
      %mul3A_229 = arith.constant 5 : i32
      %mul3A_230 = arith.muli %mul3A_228, %mul3A_229 : i32
      %add3A_231 = arith.constant 0 : i32
      %add3A_232 = arith.addi %mul3A_230, %add3A_231 : i32
      %dma_start3A_233 = arith.constant 0 : i32
      %dma_start3A_234 = arith.constant 0 : i32
      %dma_start3A_235 = tpu.memref_slice %arg9[%dma_start3A_233, %dma_start3A_234] : memref<400x32xf32, #tpu.memory_space<vmem>> -> memref<80x32xf32, #tpu.memory_space<vmem>>
      %dma_start3A_236 = arith.constant 0 : i32
      %dma_start3A_237 = tpu.memref_slice %arg7[%add3A_232, %dma_start3A_236] : memref<125x80xi32, #tpu.memory_space<vmem>> -> memref<1x80xi32, #tpu.memory_space<vmem>>
      %dma_start3A_238 = tpu.memref_squeeze %dma_start3A_237 : memref<1x80xi32, #tpu.memory_space<vmem>> -> memref<80xi32, #tpu.memory_space<vmem>>
      %dma_start3A_239 = arith.constant 0 : i32
      %dma_start3A_240 = arith.constant 0 : i32
      %dma_start3A_241 = tpu.memref_slice %arg2[%dma_start3A_239, %dma_start3A_240] : memref<10000x32xf32, #tpu.memory_space<hbm>> -> memref<10000x32xf32, #tpu.memory_space<hbm>>
      tpu.enqueue_indirect_dma source(%dma_start3A_241 : memref<10000x32xf32, #tpu.memory_space<hbm>>) target(%dma_start3A_235 : memref<80x32xf32, #tpu.memory_space<vmem>>) offsets(%dma_start3A_238 : memref<80xi32, #tpu.memory_space<vmem>>) semaphore(%arg13 : memref<!tpu.dma_semaphore, #tpu.memory_space<semaphore_mem>>)
      %dma_start3A_242 = arith.constant 0 : i32
      %dma_start3A_243 = arith.constant 0 : i32
      %dma_start3A_244 = tpu.memref_slice %arg11[%dma_start3A_242, %dma_start3A_243] : memref<400x32xf32, #tpu.memory_space<vmem>> -> memref<80x32xf32, #tpu.memory_space<vmem>>
      %dma_start3A_245 = arith.constant 0 : i32
      %dma_start3A_246 = tpu.memref_slice %arg8[%add3A_232, %dma_start3A_245] : memref<125x80xi32, #tpu.memory_space<vmem>> -> memref<1x80xi32, #tpu.memory_space<vmem>>
      %dma_start3A_247 = tpu.memref_squeeze %dma_start3A_246 : memref<1x80xi32, #tpu.memory_space<vmem>> -> memref<80xi32, #tpu.memory_space<vmem>>
      %dma_start3A_248 = arith.constant 0 : i32
      %dma_start3A_249 = arith.constant 0 : i32
      %dma_start3A_250 = tpu.memref_slice %arg2[%dma_start3A_248, %dma_start3A_249] : memref<10000x32xf32, #tpu.memory_space<hbm>> -> memref<10000x32xf32, #tpu.memory_space<hbm>>
      tpu.enqueue_indirect_dma source(%dma_start3A_250 : memref<10000x32xf32, #tpu.memory_space<hbm>>) target(%dma_start3A_244 : memref<80x32xf32, #tpu.memory_space<vmem>>) offsets(%dma_start3A_247 : memref<80xi32, #tpu.memory_space<vmem>>) semaphore(%arg14 : memref<!tpu.dma_semaphore, #tpu.memory_space<semaphore_mem>>)
      %mul3A_251 = arith.constant 5 : i32
      %mul3A_252 = arith.muli %mul3A_228, %mul3A_251 : i32
      %add3A_253 = arith.constant 1 : i32
      %add3A_254 = arith.addi %mul3A_252, %add3A_253 : i32
      %dma_start3A_255 = arith.constant 80 : i32
      %dma_start3A_256 = arith.constant 0 : i32
      %dma_start3A_257 = tpu.memref_slice %arg9[%dma_start3A_255, %dma_start3A_256] : memref<400x32xf32, #tpu.memory_space<vmem>> -> memref<80x32xf32, #tpu.memory_space<vmem>>
      %dma_start3A_258 = arith.constant 0 : i32
      %dma_start3A_259 = tpu.memref_slice %arg7[%add3A_254, %dma_start3A_258] : memref<125x80xi32, #tpu.memory_space<vmem>> -> memref<1x80xi32, #tpu.memory_space<vmem>>
      %dma_start3A_260 = tpu.memref_squeeze %dma_start3A_259 : memref<1x80xi32, #tpu.memory_space<vmem>> -> memref<80xi32, #tpu.memory_space<vmem>>
      %dma_start3A_261 = arith.constant 0 : i32
      %dma_start3A_262 = arith.constant 0 : i32
      %dma_start3A_263 = tpu.memref_slice %arg2[%dma_start3A_261, %dma_start3A_262] : memref<10000x32xf32, #tpu.memory_space<hbm>> -> memref<10000x32xf32, #tpu.memory_space<hbm>>
      tpu.enqueue_indirect_dma source(%dma_start3A_263 : memref<10000x32xf32, #tpu.memory_space<hbm>>) target(%dma_start3A_257 : memref<80x32xf32, #tpu.memory_space<vmem>>) offsets(%dma_start3A_260 : memref<80xi32, #tpu.memory_space<vmem>>) semaphore(%arg13 : memref<!tpu.dma_semaphore, #tpu.memory_space<semaphore_mem>>)
      %dma_start3A_264 = arith.constant 80 : i32
      %dma_start3A_265 = arith.constant 0 : i32
      %dma_start3A_266 = tpu.memref_slice %arg11[%dma_start3A_264, %dma_start3A_265] : memref<400x32xf32, #tpu.memory_space<vmem>> -> memref<80x32xf32, #tpu.memory_space<vmem>>
      %dma_start3A_267 = arith.constant 0 : i32
      %dma_start3A_268 = tpu.memref_slice %arg8[%add3A_254, %dma_start3A_267] : memref<125x80xi32, #tpu.memory_space<vmem>> -> memref<1x80xi32, #tpu.memory_space<vmem>>
      %dma_start3A_269 = tpu.memref_squeeze %dma_start3A_268 : memref<1x80xi32, #tpu.memory_space<vmem>> -> memref<80xi32, #tpu.memory_space<vmem>>
      %dma_start3A_270 = arith.constant 0 : i32
      %dma_start3A_271 = arith.constant 0 : i32
      %dma_start3A_272 = tpu.memref_slice %arg2[%dma_start3A_270, %dma_start3A_271] : memref<10000x32xf32, #tpu.memory_space<hbm>> -> memref<10000x32xf32, #tpu.memory_space<hbm>>
      tpu.enqueue_indirect_dma source(%dma_start3A_272 : memref<10000x32xf32, #tpu.memory_space<hbm>>) target(%dma_start3A_266 : memref<80x32xf32, #tpu.memory_space<vmem>>) offsets(%dma_start3A_269 : memref<80xi32, #tpu.memory_space<vmem>>) semaphore(%arg14 : memref<!tpu.dma_semaphore, #tpu.memory_space<semaphore_mem>>)
      %mul3A_273 = arith.constant 5 : i32
      %mul3A_274 = arith.muli %mul3A_228, %mul3A_273 : i32
      %add3A_275 = arith.constant 2 : i32
      %add3A_276 = arith.addi %mul3A_274, %add3A_275 : i32
      %dma_start3A_277 = arith.constant 160 : i32
      %dma_start3A_278 = arith.constant 0 : i32
      %dma_start3A_279 = tpu.memref_slice %arg9[%dma_start3A_277, %dma_start3A_278] : memref<400x32xf32, #tpu.memory_space<vmem>> -> memref<80x32xf32, #tpu.memory_space<vmem>>
      %dma_start3A_280 = arith.constant 0 : i32
      %dma_start3A_281 = tpu.memref_slice %arg7[%add3A_276, %dma_start3A_280] : memref<125x80xi32, #tpu.memory_space<vmem>> -> memref<1x80xi32, #tpu.memory_space<vmem>>
      %dma_start3A_282 = tpu.memref_squeeze %dma_start3A_281 : memref<1x80xi32, #tpu.memory_space<vmem>> -> memref<80xi32, #tpu.memory_space<vmem>>
      %dma_start3A_283 = arith.constant 0 : i32
      %dma_start3A_284 = arith.constant 0 : i32
      %dma_start3A_285 = tpu.memref_slice %arg2[%dma_start3A_283, %dma_start3A_284] : memref<10000x32xf32, #tpu.memory_space<hbm>> -> memref<10000x32xf32, #tpu.memory_space<hbm>>
      tpu.enqueue_indirect_dma source(%dma_start3A_285 : memref<10000x32xf32, #tpu.memory_space<hbm>>) target(%dma_start3A_279 : memref<80x32xf32, #tpu.memory_space<vmem>>) offsets(%dma_start3A_282 : memref<80xi32, #tpu.memory_space<vmem>>) semaphore(%arg13 : memref<!tpu.dma_semaphore, #tpu.memory_space<semaphore_mem>>)
      %dma_start3A_286 = arith.constant 160 : i32
      %dma_start3A_287 = arith.constant 0 : i32
      %dma_start3A_288 = tpu.memref_slice %arg11[%dma_start3A_286, %dma_start3A_287] : memref<400x32xf32, #tpu.memory_space<vmem>> -> memref<80x32xf32, #tpu.memory_space<vmem>>
      %dma_start3A_289 = arith.constant 0 : i32
      %dma_start3A_290 = tpu.memref_slice %arg8[%add3A_276, %dma_start3A_289] : memref<125x80xi32, #tpu.memory_space<vmem>> -> memref<1x80xi32, #tpu.memory_space<vmem>>
      %dma_start3A_291 = tpu.memref_squeeze %dma_start3A_290 : memref<1x80xi32, #tpu.memory_space<vmem>> -> memref<80xi32, #tpu.memory_space<vmem>>
      %dma_start3A_292 = arith.constant 0 : i32
      %dma_start3A_293 = arith.constant 0 : i32
      %dma_start3A_294 = tpu.memref_slice %arg2[%dma_start3A_292, %dma_start3A_293] : memref<10000x32xf32, #tpu.memory_space<hbm>> -> memref<10000x32xf32, #tpu.memory_space<hbm>>
      tpu.enqueue_indirect_dma source(%dma_start3A_294 : memref<10000x32xf32, #tpu.memory_space<hbm>>) target(%dma_start3A_288 : memref<80x32xf32, #tpu.memory_space<vmem>>) offsets(%dma_start3A_291 : memref<80xi32, #tpu.memory_space<vmem>>) semaphore(%arg14 : memref<!tpu.dma_semaphore, #tpu.memory_space<semaphore_mem>>)
      %mul3A_295 = arith.constant 5 : i32
      %mul3A_296 = arith.muli %mul3A_228, %mul3A_295 : i32
      %add3A_297 = arith.constant 3 : i32
      %add3A_298 = arith.addi %mul3A_296, %add3A_297 : i32
      %dma_start3A_299 = arith.constant 240 : i32
      %dma_start3A_300 = arith.constant 0 : i32
      %dma_start3A_301 = tpu.memref_slice %arg9[%dma_start3A_299, %dma_start3A_300] : memref<400x32xf32, #tpu.memory_space<vmem>> -> memref<80x32xf32, #tpu.memory_space<vmem>>
      %dma_start3A_302 = arith.constant 0 : i32
      %dma_start3A_303 = tpu.memref_slice %arg7[%add3A_298, %dma_start3A_302] : memref<125x80xi32, #tpu.memory_space<vmem>> -> memref<1x80xi32, #tpu.memory_space<vmem>>
      %dma_start3A_304 = tpu.memref_squeeze %dma_start3A_303 : memref<1x80xi32, #tpu.memory_space<vmem>> -> memref<80xi32, #tpu.memory_space<vmem>>
      %dma_start3A_305 = arith.constant 0 : i32
      %dma_start3A_306 = arith.constant 0 : i32
      %dma_start3A_307 = tpu.memref_slice %arg2[%dma_start3A_305, %dma_start3A_306] : memref<10000x32xf32, #tpu.memory_space<hbm>> -> memref<10000x32xf32, #tpu.memory_space<hbm>>
      tpu.enqueue_indirect_dma source(%dma_start3A_307 : memref<10000x32xf32, #tpu.memory_space<hbm>>) target(%dma_start3A_301 : memref<80x32xf32, #tpu.memory_space<vmem>>) offsets(%dma_start3A_304 : memref<80xi32, #tpu.memory_space<vmem>>) semaphore(%arg13 : memref<!tpu.dma_semaphore, #tpu.memory_space<semaphore_mem>>)
      %dma_start3A_308 = arith.constant 240 : i32
      %dma_start3A_309 = arith.constant 0 : i32
      %dma_start3A_310 = tpu.memref_slice %arg11[%dma_start3A_308, %dma_start3A_309] : memref<400x32xf32, #tpu.memory_space<vmem>> -> memref<80x32xf32, #tpu.memory_space<vmem>>
      %dma_start3A_311 = arith.constant 0 : i32
      %dma_start3A_312 = tpu.memref_slice %arg8[%add3A_298, %dma_start3A_311] : memref<125x80xi32, #tpu.memory_space<vmem>> -> memref<1x80xi32, #tpu.memory_space<vmem>>
      %dma_start3A_313 = tpu.memref_squeeze %dma_start3A_312 : memref<1x80xi32, #tpu.memory_space<vmem>> -> memref<80xi32, #tpu.memory_space<vmem>>
      %dma_start3A_314 = arith.constant 0 : i32
      %dma_start3A_315 = arith.constant 0 : i32
      %dma_start3A_316 = tpu.memref_slice %arg2[%dma_start3A_314, %dma_start3A_315] : memref<10000x32xf32, #tpu.memory_space<hbm>> -> memref<10000x32xf32, #tpu.memory_space<hbm>>
      tpu.enqueue_indirect_dma source(%dma_start3A_316 : memref<10000x32xf32, #tpu.memory_space<hbm>>) target(%dma_start3A_310 : memref<80x32xf32, #tpu.memory_space<vmem>>) offsets(%dma_start3A_313 : memref<80xi32, #tpu.memory_space<vmem>>) semaphore(%arg14 : memref<!tpu.dma_semaphore, #tpu.memory_space<semaphore_mem>>)
      %mul3A_317 = arith.constant 5 : i32
      %mul3A_318 = arith.muli %mul3A_228, %mul3A_317 : i32
      %add3A_319 = arith.constant 4 : i32
      %add3A_320 = arith.addi %mul3A_318, %add3A_319 : i32
      %dma_start3A_321 = arith.constant 320 : i32
      %dma_start3A_322 = arith.constant 0 : i32
      %dma_start3A_323 = tpu.memref_slice %arg9[%dma_start3A_321, %dma_start3A_322] : memref<400x32xf32, #tpu.memory_space<vmem>> -> memref<80x32xf32, #tpu.memory_space<vmem>>
      %dma_start3A_324 = arith.constant 0 : i32
      %dma_start3A_325 = tpu.memref_slice %arg7[%add3A_320, %dma_start3A_324] : memref<125x80xi32, #tpu.memory_space<vmem>> -> memref<1x80xi32, #tpu.memory_space<vmem>>
      %dma_start3A_326 = tpu.memref_squeeze %dma_start3A_325 : memref<1x80xi32, #tpu.memory_space<vmem>> -> memref<80xi32, #tpu.memory_space<vmem>>
      %dma_start3A_327 = arith.constant 0 : i32
      %dma_start3A_328 = arith.constant 0 : i32
      %dma_start3A_329 = tpu.memref_slice %arg2[%dma_start3A_327, %dma_start3A_328] : memref<10000x32xf32, #tpu.memory_space<hbm>> -> memref<10000x32xf32, #tpu.memory_space<hbm>>
      tpu.enqueue_indirect_dma source(%dma_start3A_329 : memref<10000x32xf32, #tpu.memory_space<hbm>>) target(%dma_start3A_323 : memref<80x32xf32, #tpu.memory_space<vmem>>) offsets(%dma_start3A_326 : memref<80xi32, #tpu.memory_space<vmem>>) semaphore(%arg13 : memref<!tpu.dma_semaphore, #tpu.memory_space<semaphore_mem>>)
      %dma_start3A_330 = arith.constant 320 : i32
      %dma_start3A_331 = arith.constant 0 : i32
      %dma_start3A_332 = tpu.memref_slice %arg11[%dma_start3A_330, %dma_start3A_331] : memref<400x32xf32, #tpu.memory_space<vmem>> -> memref<80x32xf32, #tpu.memory_space<vmem>>
      %dma_start3A_333 = arith.constant 0 : i32
      %dma_start3A_334 = tpu.memref_slice %arg8[%add3A_320, %dma_start3A_333] : memref<125x80xi32, #tpu.memory_space<vmem>> -> memref<1x80xi32, #tpu.memory_space<vmem>>
      %dma_start3A_335 = tpu.memref_squeeze %dma_start3A_334 : memref<1x80xi32, #tpu.memory_space<vmem>> -> memref<80xi32, #tpu.memory_space<vmem>>
      %dma_start3A_336 = arith.constant 0 : i32
      %dma_start3A_337 = arith.constant 0 : i32
      %dma_start3A_338 = tpu.memref_slice %arg2[%dma_start3A_336, %dma_start3A_337] : memref<10000x32xf32, #tpu.memory_space<hbm>> -> memref<10000x32xf32, #tpu.memory_space<hbm>>
      tpu.enqueue_indirect_dma source(%dma_start3A_338 : memref<10000x32xf32, #tpu.memory_space<hbm>>) target(%dma_start3A_332 : memref<80x32xf32, #tpu.memory_space<vmem>>) offsets(%dma_start3A_335 : memref<80xi32, #tpu.memory_space<vmem>>) semaphore(%arg14 : memref<!tpu.dma_semaphore, #tpu.memory_space<semaphore_mem>>)
      %dma_wait3A_339 = arith.constant 0 : i32
      %dma_wait3A_340 = arith.constant 0 : i32
      %dma_wait3A_341 = tpu.memref_slice %arg9[%dma_wait3A_339, %dma_wait3A_340] : memref<400x32xf32, #tpu.memory_space<vmem>> -> memref<80x32xf32, #tpu.memory_space<vmem>>
      %dma_wait3A_342 = arith.constant 0 : i32
      %dma_wait3A_343 = tpu.memref_slice %arg7[%add3A_232, %dma_wait3A_342] : memref<125x80xi32, #tpu.memory_space<vmem>> -> memref<1x80xi32, #tpu.memory_space<vmem>>
      %dma_wait3A_344 = tpu.memref_squeeze %dma_wait3A_343 : memref<1x80xi32, #tpu.memory_space<vmem>> -> memref<80xi32, #tpu.memory_space<vmem>>
      %dma_wait3A_345 = arith.constant 0 : i32
      %dma_wait3A_346 = arith.constant 0 : i32
      %dma_wait3A_347 = tpu.memref_slice %arg2[%dma_wait3A_345, %dma_wait3A_346] : memref<10000x32xf32, #tpu.memory_space<hbm>> -> memref<10000x32xf32, #tpu.memory_space<hbm>>
      tpu.wait_indirect_dma semaphore(%arg13 : memref<!tpu.dma_semaphore, #tpu.memory_space<semaphore_mem>>) src(%dma_wait3A_347 : memref<10000x32xf32, #tpu.memory_space<hbm>>) dst(%dma_wait3A_341 : memref<80x32xf32, #tpu.memory_space<vmem>>)
      %dma_wait3A_348 = arith.constant 0 : i32
      %dma_wait3A_349 = arith.constant 0 : i32
      %dma_wait3A_350 = tpu.memref_slice %arg11[%dma_wait3A_348, %dma_wait3A_349] : memref<400x32xf32, #tpu.memory_space<vmem>> -> memref<80x32xf32, #tpu.memory_space<vmem>>
      %dma_wait3A_351 = arith.constant 0 : i32
      %dma_wait3A_352 = tpu.memref_slice %arg8[%add3A_232, %dma_wait3A_351] : memref<125x80xi32, #tpu.memory_space<vmem>> -> memref<1x80xi32, #tpu.memory_space<vmem>>
      %dma_wait3A_353 = tpu.memref_squeeze %dma_wait3A_352 : memref<1x80xi32, #tpu.memory_space<vmem>> -> memref<80xi32, #tpu.memory_space<vmem>>
      %dma_wait3A_354 = arith.constant 0 : i32
      %dma_wait3A_355 = arith.constant 0 : i32
      %dma_wait3A_356 = tpu.memref_slice %arg2[%dma_wait3A_354, %dma_wait3A_355] : memref<10000x32xf32, #tpu.memory_space<hbm>> -> memref<10000x32xf32, #tpu.memory_space<hbm>>
      tpu.wait_indirect_dma semaphore(%arg14 : memref<!tpu.dma_semaphore, #tpu.memory_space<semaphore_mem>>) src(%dma_wait3A_356 : memref<10000x32xf32, #tpu.memory_space<hbm>>) dst(%dma_wait3A_350 : memref<80x32xf32, #tpu.memory_space<vmem>>)
      %dma_wait3A_357 = arith.constant 80 : i32
      %dma_wait3A_358 = arith.constant 0 : i32
      %dma_wait3A_359 = tpu.memref_slice %arg9[%dma_wait3A_357, %dma_wait3A_358] : memref<400x32xf32, #tpu.memory_space<vmem>> -> memref<80x32xf32, #tpu.memory_space<vmem>>
      %dma_wait3A_360 = arith.constant 0 : i32
      %dma_wait3A_361 = tpu.memref_slice %arg7[%add3A_254, %dma_wait3A_360] : memref<125x80xi32, #tpu.memory_space<vmem>> -> memref<1x80xi32, #tpu.memory_space<vmem>>
      %dma_wait3A_362 = tpu.memref_squeeze %dma_wait3A_361 : memref<1x80xi32, #tpu.memory_space<vmem>> -> memref<80xi32, #tpu.memory_space<vmem>>
      %dma_wait3A_363 = arith.constant 0 : i32
      %dma_wait3A_364 = arith.constant 0 : i32
      %dma_wait3A_365 = tpu.memref_slice %arg2[%dma_wait3A_363, %dma_wait3A_364] : memref<10000x32xf32, #tpu.memory_space<hbm>> -> memref<10000x32xf32, #tpu.memory_space<hbm>>
      tpu.wait_indirect_dma semaphore(%arg13 : memref<!tpu.dma_semaphore, #tpu.memory_space<semaphore_mem>>) src(%dma_wait3A_365 : memref<10000x32xf32, #tpu.memory_space<hbm>>) dst(%dma_wait3A_359 : memref<80x32xf32, #tpu.memory_space<vmem>>)
      %dma_wait3A_366 = arith.constant 80 : i32
      %dma_wait3A_367 = arith.constant 0 : i32
      %dma_wait3A_368 = tpu.memref_slice %arg11[%dma_wait3A_366, %dma_wait3A_367] : memref<400x32xf32, #tpu.memory_space<vmem>> -> memref<80x32xf32, #tpu.memory_space<vmem>>
      %dma_wait3A_369 = arith.constant 0 : i32
      %dma_wait3A_370 = tpu.memref_slice %arg8[%add3A_254, %dma_wait3A_369] : memref<125x80xi32, #tpu.memory_space<vmem>> -> memref<1x80xi32, #tpu.memory_space<vmem>>
      %dma_wait3A_371 = tpu.memref_squeeze %dma_wait3A_370 : memref<1x80xi32, #tpu.memory_space<vmem>> -> memref<80xi32, #tpu.memory_space<vmem>>
      %dma_wait3A_372 = arith.constant 0 : i32
      %dma_wait3A_373 = arith.constant 0 : i32
      %dma_wait3A_374 = tpu.memref_slice %arg2[%dma_wait3A_372, %dma_wait3A_373] : memref<10000x32xf32, #tpu.memory_space<hbm>> -> memref<10000x32xf32, #tpu.memory_space<hbm>>
      tpu.wait_indirect_dma semaphore(%arg14 : memref<!tpu.dma_semaphore, #tpu.memory_space<semaphore_mem>>) src(%dma_wait3A_374 : memref<10000x32xf32, #tpu.memory_space<hbm>>) dst(%dma_wait3A_368 : memref<80x32xf32, #tpu.memory_space<vmem>>)
      %dma_wait3A_375 = arith.constant 160 : i32
      %dma_wait3A_376 = arith.constant 0 : i32
      %dma_wait3A_377 = tpu.memref_slice %arg9[%dma_wait3A_375, %dma_wait3A_376] : memref<400x32xf32, #tpu.memory_space<vmem>> -> memref<80x32xf32, #tpu.memory_space<vmem>>
      %dma_wait3A_378 = arith.constant 0 : i32
      %dma_wait3A_379 = tpu.memref_slice %arg7[%add3A_276, %dma_wait3A_378] : memref<125x80xi32, #tpu.memory_space<vmem>> -> memref<1x80xi32, #tpu.memory_space<vmem>>
      %dma_wait3A_380 = tpu.memref_squeeze %dma_wait3A_379 : memref<1x80xi32, #tpu.memory_space<vmem>> -> memref<80xi32, #tpu.memory_space<vmem>>
      %dma_wait3A_381 = arith.constant 0 : i32
      %dma_wait3A_382 = arith.constant 0 : i32
      %dma_wait3A_383 = tpu.memref_slice %arg2[%dma_wait3A_381, %dma_wait3A_382] : memref<10000x32xf32, #tpu.memory_space<hbm>> -> memref<10000x32xf32, #tpu.memory_space<hbm>>
      tpu.wait_indirect_dma semaphore(%arg13 : memref<!tpu.dma_semaphore, #tpu.memory_space<semaphore_mem>>) src(%dma_wait3A_383 : memref<10000x32xf32, #tpu.memory_space<hbm>>) dst(%dma_wait3A_377 : memref<80x32xf32, #tpu.memory_space<vmem>>)
      %dma_wait3A_384 = arith.constant 160 : i32
      %dma_wait3A_385 = arith.constant 0 : i32
      %dma_wait3A_386 = tpu.memref_slice %arg11[%dma_wait3A_384, %dma_wait3A_385] : memref<400x32xf32, #tpu.memory_space<vmem>> -> memref<80x32xf32, #tpu.memory_space<vmem>>
      %dma_wait3A_387 = arith.constant 0 : i32
      %dma_wait3A_388 = tpu.memref_slice %arg8[%add3A_276, %dma_wait3A_387] : memref<125x80xi32, #tpu.memory_space<vmem>> -> memref<1x80xi32, #tpu.memory_space<vmem>>
      %dma_wait3A_389 = tpu.memref_squeeze %dma_wait3A_388 : memref<1x80xi32, #tpu.memory_space<vmem>> -> memref<80xi32, #tpu.memory_space<vmem>>
      %dma_wait3A_390 = arith.constant 0 : i32
      %dma_wait3A_391 = arith.constant 0 : i32
      %dma_wait3A_392 = tpu.memref_slice %arg2[%dma_wait3A_390, %dma_wait3A_391] : memref<10000x32xf32, #tpu.memory_space<hbm>> -> memref<10000x32xf32, #tpu.memory_space<hbm>>
      tpu.wait_indirect_dma semaphore(%arg14 : memref<!tpu.dma_semaphore, #tpu.memory_space<semaphore_mem>>) src(%dma_wait3A_392 : memref<10000x32xf32, #tpu.memory_space<hbm>>) dst(%dma_wait3A_386 : memref<80x32xf32, #tpu.memory_space<vmem>>)
      %dma_wait3A_393 = arith.constant 240 : i32
      %dma_wait3A_394 = arith.constant 0 : i32
      %dma_wait3A_395 = tpu.memref_slice %arg9[%dma_wait3A_393, %dma_wait3A_394] : memref<400x32xf32, #tpu.memory_space<vmem>> -> memref<80x32xf32, #tpu.memory_space<vmem>>
      %dma_wait3A_396 = arith.constant 0 : i32
      %dma_wait3A_397 = tpu.memref_slice %arg7[%add3A_298, %dma_wait3A_396] : memref<125x80xi32, #tpu.memory_space<vmem>> -> memref<1x80xi32, #tpu.memory_space<vmem>>
      %dma_wait3A_398 = tpu.memref_squeeze %dma_wait3A_397 : memref<1x80xi32, #tpu.memory_space<vmem>> -> memref<80xi32, #tpu.memory_space<vmem>>
      %dma_wait3A_399 = arith.constant 0 : i32
      %dma_wait3A_400 = arith.constant 0 : i32
      %dma_wait3A_401 = tpu.memref_slice %arg2[%dma_wait3A_399, %dma_wait3A_400] : memref<10000x32xf32, #tpu.memory_space<hbm>> -> memref<10000x32xf32, #tpu.memory_space<hbm>>
      tpu.wait_indirect_dma semaphore(%arg13 : memref<!tpu.dma_semaphore, #tpu.memory_space<semaphore_mem>>) src(%dma_wait3A_401 : memref<10000x32xf32, #tpu.memory_space<hbm>>) dst(%dma_wait3A_395 : memref<80x32xf32, #tpu.memory_space<vmem>>)
      %dma_wait3A_402 = arith.constant 240 : i32
      %dma_wait3A_403 = arith.constant 0 : i32
      %dma_wait3A_404 = tpu.memref_slice %arg11[%dma_wait3A_402, %dma_wait3A_403] : memref<400x32xf32, #tpu.memory_space<vmem>> -> memref<80x32xf32, #tpu.memory_space<vmem>>
      %dma_wait3A_405 = arith.constant 0 : i32
      %dma_wait3A_406 = tpu.memref_slice %arg8[%add3A_298, %dma_wait3A_405] : memref<125x80xi32, #tpu.memory_space<vmem>> -> memref<1x80xi32, #tpu.memory_space<vmem>>
      %dma_wait3A_407 = tpu.memref_squeeze %dma_wait3A_406 : memref<1x80xi32, #tpu.memory_space<vmem>> -> memref<80xi32, #tpu.memory_space<vmem>>
      %dma_wait3A_408 = arith.constant 0 : i32
      %dma_wait3A_409 = arith.constant 0 : i32
      %dma_wait3A_410 = tpu.memref_slice %arg2[%dma_wait3A_408, %dma_wait3A_409] : memref<10000x32xf32, #tpu.memory_space<hbm>> -> memref<10000x32xf32, #tpu.memory_space<hbm>>
      tpu.wait_indirect_dma semaphore(%arg14 : memref<!tpu.dma_semaphore, #tpu.memory_space<semaphore_mem>>) src(%dma_wait3A_410 : memref<10000x32xf32, #tpu.memory_space<hbm>>) dst(%dma_wait3A_404 : memref<80x32xf32, #tpu.memory_space<vmem>>)
      %dma_wait3A_411 = arith.constant 320 : i32
      %dma_wait3A_412 = arith.constant 0 : i32
      %dma_wait3A_413 = tpu.memref_slice %arg9[%dma_wait3A_411, %dma_wait3A_412] : memref<400x32xf32, #tpu.memory_space<vmem>> -> memref<80x32xf32, #tpu.memory_space<vmem>>
      %dma_wait3A_414 = arith.constant 0 : i32
      %dma_wait3A_415 = tpu.memref_slice %arg7[%add3A_320, %dma_wait3A_414] : memref<125x80xi32, #tpu.memory_space<vmem>> -> memref<1x80xi32, #tpu.memory_space<vmem>>
      %dma_wait3A_416 = tpu.memref_squeeze %dma_wait3A_415 : memref<1x80xi32, #tpu.memory_space<vmem>> -> memref<80xi32, #tpu.memory_space<vmem>>
      %dma_wait3A_417 = arith.constant 0 : i32
      %dma_wait3A_418 = arith.constant 0 : i32
      %dma_wait3A_419 = tpu.memref_slice %arg2[%dma_wait3A_417, %dma_wait3A_418] : memref<10000x32xf32, #tpu.memory_space<hbm>> -> memref<10000x32xf32, #tpu.memory_space<hbm>>
      tpu.wait_indirect_dma semaphore(%arg13 : memref<!tpu.dma_semaphore, #tpu.memory_space<semaphore_mem>>) src(%dma_wait3A_419 : memref<10000x32xf32, #tpu.memory_space<hbm>>) dst(%dma_wait3A_413 : memref<80x32xf32, #tpu.memory_space<vmem>>)
      %dma_wait3A_420 = arith.constant 320 : i32
      %dma_wait3A_421 = arith.constant 0 : i32
      %dma_wait3A_422 = tpu.memref_slice %arg11[%dma_wait3A_420, %dma_wait3A_421] : memref<400x32xf32, #tpu.memory_space<vmem>> -> memref<80x32xf32, #tpu.memory_space<vmem>>
      %dma_wait3A_423 = arith.constant 0 : i32
      %dma_wait3A_424 = tpu.memref_slice %arg8[%add3A_320, %dma_wait3A_423] : memref<125x80xi32, #tpu.memory_space<vmem>> -> memref<1x80xi32, #tpu.memory_space<vmem>>
      %dma_wait3A_425 = tpu.memref_squeeze %dma_wait3A_424 : memref<1x80xi32, #tpu.memory_space<vmem>> -> memref<80xi32, #tpu.memory_space<vmem>>
      %dma_wait3A_426 = arith.constant 0 : i32
      %dma_wait3A_427 = arith.constant 0 : i32
      %dma_wait3A_428 = tpu.memref_slice %arg2[%dma_wait3A_426, %dma_wait3A_427] : memref<10000x32xf32, #tpu.memory_space<hbm>> -> memref<10000x32xf32, #tpu.memory_space<hbm>>
      tpu.wait_indirect_dma semaphore(%arg14 : memref<!tpu.dma_semaphore, #tpu.memory_space<semaphore_mem>>) src(%dma_wait3A_428 : memref<10000x32xf32, #tpu.memory_space<hbm>>) dst(%dma_wait3A_422 : memref<80x32xf32, #tpu.memory_space<vmem>>)
      %mul3A_429 = arith.constant 400 : i32
      %mul3A_430 = arith.muli %mul3A_228, %mul3A_429 : i32
      %add3A_431 = arith.addi %mul3A_2, %mul3A_430 : i32
      %dma_start3A_432 = arith.constant 0 : i32
      %dma_start3A_433 = tpu.memref_slice %arg5[%add3A_431, %dma_start3A_432] : memref<320000x32xf32, #tpu.memory_space<hbm>> -> memref<400x32xf32, #tpu.memory_space<hbm>>
      %dma_start3A_434 = arith.constant 0 : i32
      %dma_start3A_435 = tpu.memref_slice %arg5[%add3A_431, %dma_start3A_434] : memref<320000x32xf32, #tpu.memory_space<hbm>> -> memref<400x32xf32, #tpu.memory_space<hbm>>
      tpu.enqueue_dma source(%arg9 : memref<400x32xf32, #tpu.memory_space<vmem>>) target(%dma_start3A_435 : memref<400x32xf32, #tpu.memory_space<hbm>>) target_semaphore(%arg15 : memref<!tpu.dma_semaphore, #tpu.memory_space<semaphore_mem>>)
      %dma_start3A_436 = arith.constant 0 : i32
      %dma_start3A_437 = tpu.memref_slice %arg6[%add3A_431, %dma_start3A_436] : memref<320000x32xf32, #tpu.memory_space<hbm>> -> memref<400x32xf32, #tpu.memory_space<hbm>>
      %dma_start3A_438 = arith.constant 0 : i32
      %dma_start3A_439 = tpu.memref_slice %arg6[%add3A_431, %dma_start3A_438] : memref<320000x32xf32, #tpu.memory_space<hbm>> -> memref<400x32xf32, #tpu.memory_space<hbm>>
      tpu.enqueue_dma source(%arg11 : memref<400x32xf32, #tpu.memory_space<vmem>>) target(%dma_start3A_439 : memref<400x32xf32, #tpu.memory_space<hbm>>) target_semaphore(%arg15 : memref<!tpu.dma_semaphore, #tpu.memory_space<semaphore_mem>>)
      %mul3A_440 = arith.constant 2 : i32
      %mul3A_441 = arith.muli %mul3A_440, %scan3A_226 : i32
      %add3A_442 = arith.constant 1 : i32
      %add3A_443 = arith.addi %mul3A_441, %add3A_442 : i32
      %mul3A_444 = arith.constant 5 : i32
      %mul3A_445 = arith.muli %add3A_443, %mul3A_444 : i32
      %add3A_446 = arith.constant 0 : i32
      %add3A_447 = arith.addi %mul3A_445, %add3A_446 : i32
      %dma_start3A_448 = arith.constant 0 : i32
      %dma_start3A_449 = arith.constant 0 : i32
      %dma_start3A_450 = tpu.memref_slice %arg10[%dma_start3A_448, %dma_start3A_449] : memref<400x32xf32, #tpu.memory_space<vmem>> -> memref<80x32xf32, #tpu.memory_space<vmem>>
      %dma_start3A_451 = arith.constant 0 : i32
      %dma_start3A_452 = tpu.memref_slice %arg7[%add3A_447, %dma_start3A_451] : memref<125x80xi32, #tpu.memory_space<vmem>> -> memref<1x80xi32, #tpu.memory_space<vmem>>
      %dma_start3A_453 = tpu.memref_squeeze %dma_start3A_452 : memref<1x80xi32, #tpu.memory_space<vmem>> -> memref<80xi32, #tpu.memory_space<vmem>>
      %dma_start3A_454 = arith.constant 0 : i32
      %dma_start3A_455 = arith.constant 0 : i32
      %dma_start3A_456 = tpu.memref_slice %arg2[%dma_start3A_454, %dma_start3A_455] : memref<10000x32xf32, #tpu.memory_space<hbm>> -> memref<10000x32xf32, #tpu.memory_space<hbm>>
      tpu.enqueue_indirect_dma source(%dma_start3A_456 : memref<10000x32xf32, #tpu.memory_space<hbm>>) target(%dma_start3A_450 : memref<80x32xf32, #tpu.memory_space<vmem>>) offsets(%dma_start3A_453 : memref<80xi32, #tpu.memory_space<vmem>>) semaphore(%arg13 : memref<!tpu.dma_semaphore, #tpu.memory_space<semaphore_mem>>)
      %dma_start3A_457 = arith.constant 0 : i32
      %dma_start3A_458 = arith.constant 0 : i32
      %dma_start3A_459 = tpu.memref_slice %arg12[%dma_start3A_457, %dma_start3A_458] : memref<400x32xf32, #tpu.memory_space<vmem>> -> memref<80x32xf32, #tpu.memory_space<vmem>>
      %dma_start3A_460 = arith.constant 0 : i32
      %dma_start3A_461 = tpu.memref_slice %arg8[%add3A_447, %dma_start3A_460] : memref<125x80xi32, #tpu.memory_space<vmem>> -> memref<1x80xi32, #tpu.memory_space<vmem>>
      %dma_start3A_462 = tpu.memref_squeeze %dma_start3A_461 : memref<1x80xi32, #tpu.memory_space<vmem>> -> memref<80xi32, #tpu.memory_space<vmem>>
      %dma_start3A_463 = arith.constant 0 : i32
      %dma_start3A_464 = arith.constant 0 : i32
      %dma_start3A_465 = tpu.memref_slice %arg2[%dma_start3A_463, %dma_start3A_464] : memref<10000x32xf32, #tpu.memory_space<hbm>> -> memref<10000x32xf32, #tpu.memory_space<hbm>>
      tpu.enqueue_indirect_dma source(%dma_start3A_465 : memref<10000x32xf32, #tpu.memory_space<hbm>>) target(%dma_start3A_459 : memref<80x32xf32, #tpu.memory_space<vmem>>) offsets(%dma_start3A_462 : memref<80xi32, #tpu.memory_space<vmem>>) semaphore(%arg14 : memref<!tpu.dma_semaphore, #tpu.memory_space<semaphore_mem>>)
      %mul3A_466 = arith.constant 5 : i32
      %mul3A_467 = arith.muli %add3A_443, %mul3A_466 : i32
      %add3A_468 = arith.constant 1 : i32
      %add3A_469 = arith.addi %mul3A_467, %add3A_468 : i32
      %dma_start3A_470 = arith.constant 80 : i32
      %dma_start3A_471 = arith.constant 0 : i32
      %dma_start3A_472 = tpu.memref_slice %arg10[%dma_start3A_470, %dma_start3A_471] : memref<400x32xf32, #tpu.memory_space<vmem>> -> memref<80x32xf32, #tpu.memory_space<vmem>>
      %dma_start3A_473 = arith.constant 0 : i32
      %dma_start3A_474 = tpu.memref_slice %arg7[%add3A_469, %dma_start3A_473] : memref<125x80xi32, #tpu.memory_space<vmem>> -> memref<1x80xi32, #tpu.memory_space<vmem>>
      %dma_start3A_475 = tpu.memref_squeeze %dma_start3A_474 : memref<1x80xi32, #tpu.memory_space<vmem>> -> memref<80xi32, #tpu.memory_space<vmem>>
      %dma_start3A_476 = arith.constant 0 : i32
      %dma_start3A_477 = arith.constant 0 : i32
      %dma_start3A_478 = tpu.memref_slice %arg2[%dma_start3A_476, %dma_start3A_477] : memref<10000x32xf32, #tpu.memory_space<hbm>> -> memref<10000x32xf32, #tpu.memory_space<hbm>>
      tpu.enqueue_indirect_dma source(%dma_start3A_478 : memref<10000x32xf32, #tpu.memory_space<hbm>>) target(%dma_start3A_472 : memref<80x32xf32, #tpu.memory_space<vmem>>) offsets(%dma_start3A_475 : memref<80xi32, #tpu.memory_space<vmem>>) semaphore(%arg13 : memref<!tpu.dma_semaphore, #tpu.memory_space<semaphore_mem>>)
      %dma_start3A_479 = arith.constant 80 : i32
      %dma_start3A_480 = arith.constant 0 : i32
      %dma_start3A_481 = tpu.memref_slice %arg12[%dma_start3A_479, %dma_start3A_480] : memref<400x32xf32, #tpu.memory_space<vmem>> -> memref<80x32xf32, #tpu.memory_space<vmem>>
      %dma_start3A_482 = arith.constant 0 : i32
      %dma_start3A_483 = tpu.memref_slice %arg8[%add3A_469, %dma_start3A_482] : memref<125x80xi32, #tpu.memory_space<vmem>> -> memref<1x80xi32, #tpu.memory_space<vmem>>
      %dma_start3A_484 = tpu.memref_squeeze %dma_start3A_483 : memref<1x80xi32, #tpu.memory_space<vmem>> -> memref<80xi32, #tpu.memory_space<vmem>>
      %dma_start3A_485 = arith.constant 0 : i32
      %dma_start3A_486 = arith.constant 0 : i32
      %dma_start3A_487 = tpu.memref_slice %arg2[%dma_start3A_485, %dma_start3A_486] : memref<10000x32xf32, #tpu.memory_space<hbm>> -> memref<10000x32xf32, #tpu.memory_space<hbm>>
      tpu.enqueue_indirect_dma source(%dma_start3A_487 : memref<10000x32xf32, #tpu.memory_space<hbm>>) target(%dma_start3A_481 : memref<80x32xf32, #tpu.memory_space<vmem>>) offsets(%dma_start3A_484 : memref<80xi32, #tpu.memory_space<vmem>>) semaphore(%arg14 : memref<!tpu.dma_semaphore, #tpu.memory_space<semaphore_mem>>)
      %mul3A_488 = arith.constant 5 : i32
      %mul3A_489 = arith.muli %add3A_443, %mul3A_488 : i32
      %add3A_490 = arith.constant 2 : i32
      %add3A_491 = arith.addi %mul3A_489, %add3A_490 : i32
      %dma_start3A_492 = arith.constant 160 : i32
      %dma_start3A_493 = arith.constant 0 : i32
      %dma_start3A_494 = tpu.memref_slice %arg10[%dma_start3A_492, %dma_start3A_493] : memref<400x32xf32, #tpu.memory_space<vmem>> -> memref<80x32xf32, #tpu.memory_space<vmem>>
      %dma_start3A_495 = arith.constant 0 : i32
      %dma_start3A_496 = tpu.memref_slice %arg7[%add3A_491, %dma_start3A_495] : memref<125x80xi32, #tpu.memory_space<vmem>> -> memref<1x80xi32, #tpu.memory_space<vmem>>
      %dma_start3A_497 = tpu.memref_squeeze %dma_start3A_496 : memref<1x80xi32, #tpu.memory_space<vmem>> -> memref<80xi32, #tpu.memory_space<vmem>>
      %dma_start3A_498 = arith.constant 0 : i32
      %dma_start3A_499 = arith.constant 0 : i32
      %dma_start3A_500 = tpu.memref_slice %arg2[%dma_start3A_498, %dma_start3A_499] : memref<10000x32xf32, #tpu.memory_space<hbm>> -> memref<10000x32xf32, #tpu.memory_space<hbm>>
      tpu.enqueue_indirect_dma source(%dma_start3A_500 : memref<10000x32xf32, #tpu.memory_space<hbm>>) target(%dma_start3A_494 : memref<80x32xf32, #tpu.memory_space<vmem>>) offsets(%dma_start3A_497 : memref<80xi32, #tpu.memory_space<vmem>>) semaphore(%arg13 : memref<!tpu.dma_semaphore, #tpu.memory_space<semaphore_mem>>)
      %dma_start3A_501 = arith.constant 160 : i32
      %dma_start3A_502 = arith.constant 0 : i32
      %dma_start3A_503 = tpu.memref_slice %arg12[%dma_start3A_501, %dma_start3A_502] : memref<400x32xf32, #tpu.memory_space<vmem>> -> memref<80x32xf32, #tpu.memory_space<vmem>>
      %dma_start3A_504 = arith.constant 0 : i32
      %dma_start3A_505 = tpu.memref_slice %arg8[%add3A_491, %dma_start3A_504] : memref<125x80xi32, #tpu.memory_space<vmem>> -> memref<1x80xi32, #tpu.memory_space<vmem>>
      %dma_start3A_506 = tpu.memref_squeeze %dma_start3A_505 : memref<1x80xi32, #tpu.memory_space<vmem>> -> memref<80xi32, #tpu.memory_space<vmem>>
      %dma_start3A_507 = arith.constant 0 : i32
      %dma_start3A_508 = arith.constant 0 : i32
      %dma_start3A_509 = tpu.memref_slice %arg2[%dma_start3A_507, %dma_start3A_508] : memref<10000x32xf32, #tpu.memory_space<hbm>> -> memref<10000x32xf32, #tpu.memory_space<hbm>>
      tpu.enqueue_indirect_dma source(%dma_start3A_509 : memref<10000x32xf32, #tpu.memory_space<hbm>>) target(%dma_start3A_503 : memref<80x32xf32, #tpu.memory_space<vmem>>) offsets(%dma_start3A_506 : memref<80xi32, #tpu.memory_space<vmem>>) semaphore(%arg14 : memref<!tpu.dma_semaphore, #tpu.memory_space<semaphore_mem>>)
      %mul3A_510 = arith.constant 5 : i32
      %mul3A_511 = arith.muli %add3A_443, %mul3A_510 : i32
      %add3A_512 = arith.constant 3 : i32
      %add3A_513 = arith.addi %mul3A_511, %add3A_512 : i32
      %dma_start3A_514 = arith.constant 240 : i32
      %dma_start3A_515 = arith.constant 0 : i32
      %dma_start3A_516 = tpu.memref_slice %arg10[%dma_start3A_514, %dma_start3A_515] : memref<400x32xf32, #tpu.memory_space<vmem>> -> memref<80x32xf32, #tpu.memory_space<vmem>>
      %dma_start3A_517 = arith.constant 0 : i32
      %dma_start3A_518 = tpu.memref_slice %arg7[%add3A_513, %dma_start3A_517] : memref<125x80xi32, #tpu.memory_space<vmem>> -> memref<1x80xi32, #tpu.memory_space<vmem>>
      %dma_start3A_519 = tpu.memref_squeeze %dma_start3A_518 : memref<1x80xi32, #tpu.memory_space<vmem>> -> memref<80xi32, #tpu.memory_space<vmem>>
      %dma_start3A_520 = arith.constant 0 : i32
      %dma_start3A_521 = arith.constant 0 : i32
      %dma_start3A_522 = tpu.memref_slice %arg2[%dma_start3A_520, %dma_start3A_521] : memref<10000x32xf32, #tpu.memory_space<hbm>> -> memref<10000x32xf32, #tpu.memory_space<hbm>>
      tpu.enqueue_indirect_dma source(%dma_start3A_522 : memref<10000x32xf32, #tpu.memory_space<hbm>>) target(%dma_start3A_516 : memref<80x32xf32, #tpu.memory_space<vmem>>) offsets(%dma_start3A_519 : memref<80xi32, #tpu.memory_space<vmem>>) semaphore(%arg13 : memref<!tpu.dma_semaphore, #tpu.memory_space<semaphore_mem>>)
      %dma_start3A_523 = arith.constant 240 : i32
      %dma_start3A_524 = arith.constant 0 : i32
      %dma_start3A_525 = tpu.memref_slice %arg12[%dma_start3A_523, %dma_start3A_524] : memref<400x32xf32, #tpu.memory_space<vmem>> -> memref<80x32xf32, #tpu.memory_space<vmem>>
      %dma_start3A_526 = arith.constant 0 : i32
      %dma_start3A_527 = tpu.memref_slice %arg8[%add3A_513, %dma_start3A_526] : memref<125x80xi32, #tpu.memory_space<vmem>> -> memref<1x80xi32, #tpu.memory_space<vmem>>
      %dma_start3A_528 = tpu.memref_squeeze %dma_start3A_527 : memref<1x80xi32, #tpu.memory_space<vmem>> -> memref<80xi32, #tpu.memory_space<vmem>>
      %dma_start3A_529 = arith.constant 0 : i32
      %dma_start3A_530 = arith.constant 0 : i32
      %dma_start3A_531 = tpu.memref_slice %arg2[%dma_start3A_529, %dma_start3A_530] : memref<10000x32xf32, #tpu.memory_space<hbm>> -> memref<10000x32xf32, #tpu.memory_space<hbm>>
      tpu.enqueue_indirect_dma source(%dma_start3A_531 : memref<10000x32xf32, #tpu.memory_space<hbm>>) target(%dma_start3A_525 : memref<80x32xf32, #tpu.memory_space<vmem>>) offsets(%dma_start3A_528 : memref<80xi32, #tpu.memory_space<vmem>>) semaphore(%arg14 : memref<!tpu.dma_semaphore, #tpu.memory_space<semaphore_mem>>)
      %mul3A_532 = arith.constant 5 : i32
      %mul3A_533 = arith.muli %add3A_443, %mul3A_532 : i32
      %add3A_534 = arith.constant 4 : i32
      %add3A_535 = arith.addi %mul3A_533, %add3A_534 : i32
      %dma_start3A_536 = arith.constant 320 : i32
      %dma_start3A_537 = arith.constant 0 : i32
      %dma_start3A_538 = tpu.memref_slice %arg10[%dma_start3A_536, %dma_start3A_537] : memref<400x32xf32, #tpu.memory_space<vmem>> -> memref<80x32xf32, #tpu.memory_space<vmem>>
      %dma_start3A_539 = arith.constant 0 : i32
      %dma_start3A_540 = tpu.memref_slice %arg7[%add3A_535, %dma_start3A_539] : memref<125x80xi32, #tpu.memory_space<vmem>> -> memref<1x80xi32, #tpu.memory_space<vmem>>
      %dma_start3A_541 = tpu.memref_squeeze %dma_start3A_540 : memref<1x80xi32, #tpu.memory_space<vmem>> -> memref<80xi32, #tpu.memory_space<vmem>>
      %dma_start3A_542 = arith.constant 0 : i32
      %dma_start3A_543 = arith.constant 0 : i32
      %dma_start3A_544 = tpu.memref_slice %arg2[%dma_start3A_542, %dma_start3A_543] : memref<10000x32xf32, #tpu.memory_space<hbm>> -> memref<10000x32xf32, #tpu.memory_space<hbm>>
      tpu.enqueue_indirect_dma source(%dma_start3A_544 : memref<10000x32xf32, #tpu.memory_space<hbm>>) target(%dma_start3A_538 : memref<80x32xf32, #tpu.memory_space<vmem>>) offsets(%dma_start3A_541 : memref<80xi32, #tpu.memory_space<vmem>>) semaphore(%arg13 : memref<!tpu.dma_semaphore, #tpu.memory_space<semaphore_mem>>)
      %dma_start3A_545 = arith.constant 320 : i32
      %dma_start3A_546 = arith.constant 0 : i32
      %dma_start3A_547 = tpu.memref_slice %arg12[%dma_start3A_545, %dma_start3A_546] : memref<400x32xf32, #tpu.memory_space<vmem>> -> memref<80x32xf32, #tpu.memory_space<vmem>>
      %dma_start3A_548 = arith.constant 0 : i32
      %dma_start3A_549 = tpu.memref_slice %arg8[%add3A_535, %dma_start3A_548] : memref<125x80xi32, #tpu.memory_space<vmem>> -> memref<1x80xi32, #tpu.memory_space<vmem>>
      %dma_start3A_550 = tpu.memref_squeeze %dma_start3A_549 : memref<1x80xi32, #tpu.memory_space<vmem>> -> memref<80xi32, #tpu.memory_space<vmem>>
      %dma_start3A_551 = arith.constant 0 : i32
      %dma_start3A_552 = arith.constant 0 : i32
      %dma_start3A_553 = tpu.memref_slice %arg2[%dma_start3A_551, %dma_start3A_552] : memref<10000x32xf32, #tpu.memory_space<hbm>> -> memref<10000x32xf32, #tpu.memory_space<hbm>>
      tpu.enqueue_indirect_dma source(%dma_start3A_553 : memref<10000x32xf32, #tpu.memory_space<hbm>>) target(%dma_start3A_547 : memref<80x32xf32, #tpu.memory_space<vmem>>) offsets(%dma_start3A_550 : memref<80xi32, #tpu.memory_space<vmem>>) semaphore(%arg14 : memref<!tpu.dma_semaphore, #tpu.memory_space<semaphore_mem>>)
      %dma_wait3A_554 = arith.constant 0 : i32
      %dma_wait3A_555 = arith.constant 0 : i32
      %dma_wait3A_556 = tpu.memref_slice %arg10[%dma_wait3A_554, %dma_wait3A_555] : memref<400x32xf32, #tpu.memory_space<vmem>> -> memref<80x32xf32, #tpu.memory_space<vmem>>
      %dma_wait3A_557 = arith.constant 0 : i32
      %dma_wait3A_558 = tpu.memref_slice %arg7[%add3A_447, %dma_wait3A_557] : memref<125x80xi32, #tpu.memory_space<vmem>> -> memref<1x80xi32, #tpu.memory_space<vmem>>
      %dma_wait3A_559 = tpu.memref_squeeze %dma_wait3A_558 : memref<1x80xi32, #tpu.memory_space<vmem>> -> memref<80xi32, #tpu.memory_space<vmem>>
      %dma_wait3A_560 = arith.constant 0 : i32
      %dma_wait3A_561 = arith.constant 0 : i32
      %dma_wait3A_562 = tpu.memref_slice %arg2[%dma_wait3A_560, %dma_wait3A_561] : memref<10000x32xf32, #tpu.memory_space<hbm>> -> memref<10000x32xf32, #tpu.memory_space<hbm>>
      tpu.wait_indirect_dma semaphore(%arg13 : memref<!tpu.dma_semaphore, #tpu.memory_space<semaphore_mem>>) src(%dma_wait3A_562 : memref<10000x32xf32, #tpu.memory_space<hbm>>) dst(%dma_wait3A_556 : memref<80x32xf32, #tpu.memory_space<vmem>>)
      %dma_wait3A_563 = arith.constant 0 : i32
      %dma_wait3A_564 = arith.constant 0 : i32
      %dma_wait3A_565 = tpu.memref_slice %arg12[%dma_wait3A_563, %dma_wait3A_564] : memref<400x32xf32, #tpu.memory_space<vmem>> -> memref<80x32xf32, #tpu.memory_space<vmem>>
      %dma_wait3A_566 = arith.constant 0 : i32
      %dma_wait3A_567 = tpu.memref_slice %arg8[%add3A_447, %dma_wait3A_566] : memref<125x80xi32, #tpu.memory_space<vmem>> -> memref<1x80xi32, #tpu.memory_space<vmem>>
      %dma_wait3A_568 = tpu.memref_squeeze %dma_wait3A_567 : memref<1x80xi32, #tpu.memory_space<vmem>> -> memref<80xi32, #tpu.memory_space<vmem>>
      %dma_wait3A_569 = arith.constant 0 : i32
      %dma_wait3A_570 = arith.constant 0 : i32
      %dma_wait3A_571 = tpu.memref_slice %arg2[%dma_wait3A_569, %dma_wait3A_570] : memref<10000x32xf32, #tpu.memory_space<hbm>> -> memref<10000x32xf32, #tpu.memory_space<hbm>>
      tpu.wait_indirect_dma semaphore(%arg14 : memref<!tpu.dma_semaphore, #tpu.memory_space<semaphore_mem>>) src(%dma_wait3A_571 : memref<10000x32xf32, #tpu.memory_space<hbm>>) dst(%dma_wait3A_565 : memref<80x32xf32, #tpu.memory_space<vmem>>)
      %dma_wait3A_572 = arith.constant 80 : i32
      %dma_wait3A_573 = arith.constant 0 : i32
      %dma_wait3A_574 = tpu.memref_slice %arg10[%dma_wait3A_572, %dma_wait3A_573] : memref<400x32xf32, #tpu.memory_space<vmem>> -> memref<80x32xf32, #tpu.memory_space<vmem>>
      %dma_wait3A_575 = arith.constant 0 : i32
      %dma_wait3A_576 = tpu.memref_slice %arg7[%add3A_469, %dma_wait3A_575] : memref<125x80xi32, #tpu.memory_space<vmem>> -> memref<1x80xi32, #tpu.memory_space<vmem>>
      %dma_wait3A_577 = tpu.memref_squeeze %dma_wait3A_576 : memref<1x80xi32, #tpu.memory_space<vmem>> -> memref<80xi32, #tpu.memory_space<vmem>>
      %dma_wait3A_578 = arith.constant 0 : i32
      %dma_wait3A_579 = arith.constant 0 : i32
      %dma_wait3A_580 = tpu.memref_slice %arg2[%dma_wait3A_578, %dma_wait3A_579] : memref<10000x32xf32, #tpu.memory_space<hbm>> -> memref<10000x32xf32, #tpu.memory_space<hbm>>
      tpu.wait_indirect_dma semaphore(%arg13 : memref<!tpu.dma_semaphore, #tpu.memory_space<semaphore_mem>>) src(%dma_wait3A_580 : memref<10000x32xf32, #tpu.memory_space<hbm>>) dst(%dma_wait3A_574 : memref<80x32xf32, #tpu.memory_space<vmem>>)
      %dma_wait3A_581 = arith.constant 80 : i32
      %dma_wait3A_582 = arith.constant 0 : i32
      %dma_wait3A_583 = tpu.memref_slice %arg12[%dma_wait3A_581, %dma_wait3A_582] : memref<400x32xf32, #tpu.memory_space<vmem>> -> memref<80x32xf32, #tpu.memory_space<vmem>>
      %dma_wait3A_584 = arith.constant 0 : i32
      %dma_wait3A_585 = tpu.memref_slice %arg8[%add3A_469, %dma_wait3A_584] : memref<125x80xi32, #tpu.memory_space<vmem>> -> memref<1x80xi32, #tpu.memory_space<vmem>>
      %dma_wait3A_586 = tpu.memref_squeeze %dma_wait3A_585 : memref<1x80xi32, #tpu.memory_space<vmem>> -> memref<80xi32, #tpu.memory_space<vmem>>
      %dma_wait3A_587 = arith.constant 0 : i32
      %dma_wait3A_588 = arith.constant 0 : i32
      %dma_wait3A_589 = tpu.memref_slice %arg2[%dma_wait3A_587, %dma_wait3A_588] : memref<10000x32xf32, #tpu.memory_space<hbm>> -> memref<10000x32xf32, #tpu.memory_space<hbm>>
      tpu.wait_indirect_dma semaphore(%arg14 : memref<!tpu.dma_semaphore, #tpu.memory_space<semaphore_mem>>) src(%dma_wait3A_589 : memref<10000x32xf32, #tpu.memory_space<hbm>>) dst(%dma_wait3A_583 : memref<80x32xf32, #tpu.memory_space<vmem>>)
      %dma_wait3A_590 = arith.constant 160 : i32
      %dma_wait3A_591 = arith.constant 0 : i32
      %dma_wait3A_592 = tpu.memref_slice %arg10[%dma_wait3A_590, %dma_wait3A_591] : memref<400x32xf32, #tpu.memory_space<vmem>> -> memref<80x32xf32, #tpu.memory_space<vmem>>
      %dma_wait3A_593 = arith.constant 0 : i32
      %dma_wait3A_594 = tpu.memref_slice %arg7[%add3A_491, %dma_wait3A_593] : memref<125x80xi32, #tpu.memory_space<vmem>> -> memref<1x80xi32, #tpu.memory_space<vmem>>
      %dma_wait3A_595 = tpu.memref_squeeze %dma_wait3A_594 : memref<1x80xi32, #tpu.memory_space<vmem>> -> memref<80xi32, #tpu.memory_space<vmem>>
      %dma_wait3A_596 = arith.constant 0 : i32
      %dma_wait3A_597 = arith.constant 0 : i32
      %dma_wait3A_598 = tpu.memref_slice %arg2[%dma_wait3A_596, %dma_wait3A_597] : memref<10000x32xf32, #tpu.memory_space<hbm>> -> memref<10000x32xf32, #tpu.memory_space<hbm>>
      tpu.wait_indirect_dma semaphore(%arg13 : memref<!tpu.dma_semaphore, #tpu.memory_space<semaphore_mem>>) src(%dma_wait3A_598 : memref<10000x32xf32, #tpu.memory_space<hbm>>) dst(%dma_wait3A_592 : memref<80x32xf32, #tpu.memory_space<vmem>>)
      %dma_wait3A_599 = arith.constant 160 : i32
      %dma_wait3A_600 = arith.constant 0 : i32
      %dma_wait3A_601 = tpu.memref_slice %arg12[%dma_wait3A_599, %dma_wait3A_600] : memref<400x32xf32, #tpu.memory_space<vmem>> -> memref<80x32xf32, #tpu.memory_space<vmem>>
      %dma_wait3A_602 = arith.constant 0 : i32
      %dma_wait3A_603 = tpu.memref_slice %arg8[%add3A_491, %dma_wait3A_602] : memref<125x80xi32, #tpu.memory_space<vmem>> -> memref<1x80xi32, #tpu.memory_space<vmem>>
      %dma_wait3A_604 = tpu.memref_squeeze %dma_wait3A_603 : memref<1x80xi32, #tpu.memory_space<vmem>> -> memref<80xi32, #tpu.memory_space<vmem>>
      %dma_wait3A_605 = arith.constant 0 : i32
      %dma_wait3A_606 = arith.constant 0 : i32
      %dma_wait3A_607 = tpu.memref_slice %arg2[%dma_wait3A_605, %dma_wait3A_606] : memref<10000x32xf32, #tpu.memory_space<hbm>> -> memref<10000x32xf32, #tpu.memory_space<hbm>>
      tpu.wait_indirect_dma semaphore(%arg14 : memref<!tpu.dma_semaphore, #tpu.memory_space<semaphore_mem>>) src(%dma_wait3A_607 : memref<10000x32xf32, #tpu.memory_space<hbm>>) dst(%dma_wait3A_601 : memref<80x32xf32, #tpu.memory_space<vmem>>)
      %dma_wait3A_608 = arith.constant 240 : i32
      %dma_wait3A_609 = arith.constant 0 : i32
      %dma_wait3A_610 = tpu.memref_slice %arg10[%dma_wait3A_608, %dma_wait3A_609] : memref<400x32xf32, #tpu.memory_space<vmem>> -> memref<80x32xf32, #tpu.memory_space<vmem>>
      %dma_wait3A_611 = arith.constant 0 : i32
      %dma_wait3A_612 = tpu.memref_slice %arg7[%add3A_513, %dma_wait3A_611] : memref<125x80xi32, #tpu.memory_space<vmem>> -> memref<1x80xi32, #tpu.memory_space<vmem>>
      %dma_wait3A_613 = tpu.memref_squeeze %dma_wait3A_612 : memref<1x80xi32, #tpu.memory_space<vmem>> -> memref<80xi32, #tpu.memory_space<vmem>>
      %dma_wait3A_614 = arith.constant 0 : i32
      %dma_wait3A_615 = arith.constant 0 : i32
      %dma_wait3A_616 = tpu.memref_slice %arg2[%dma_wait3A_614, %dma_wait3A_615] : memref<10000x32xf32, #tpu.memory_space<hbm>> -> memref<10000x32xf32, #tpu.memory_space<hbm>>
      tpu.wait_indirect_dma semaphore(%arg13 : memref<!tpu.dma_semaphore, #tpu.memory_space<semaphore_mem>>) src(%dma_wait3A_616 : memref<10000x32xf32, #tpu.memory_space<hbm>>) dst(%dma_wait3A_610 : memref<80x32xf32, #tpu.memory_space<vmem>>)
      %dma_wait3A_617 = arith.constant 240 : i32
      %dma_wait3A_618 = arith.constant 0 : i32
      %dma_wait3A_619 = tpu.memref_slice %arg12[%dma_wait3A_617, %dma_wait3A_618] : memref<400x32xf32, #tpu.memory_space<vmem>> -> memref<80x32xf32, #tpu.memory_space<vmem>>
      %dma_wait3A_620 = arith.constant 0 : i32
      %dma_wait3A_621 = tpu.memref_slice %arg8[%add3A_513, %dma_wait3A_620] : memref<125x80xi32, #tpu.memory_space<vmem>> -> memref<1x80xi32, #tpu.memory_space<vmem>>
      %dma_wait3A_622 = tpu.memref_squeeze %dma_wait3A_621 : memref<1x80xi32, #tpu.memory_space<vmem>> -> memref<80xi32, #tpu.memory_space<vmem>>
      %dma_wait3A_623 = arith.constant 0 : i32
      %dma_wait3A_624 = arith.constant 0 : i32
      %dma_wait3A_625 = tpu.memref_slice %arg2[%dma_wait3A_623, %dma_wait3A_624] : memref<10000x32xf32, #tpu.memory_space<hbm>> -> memref<10000x32xf32, #tpu.memory_space<hbm>>
      tpu.wait_indirect_dma semaphore(%arg14 : memref<!tpu.dma_semaphore, #tpu.memory_space<semaphore_mem>>) src(%dma_wait3A_625 : memref<10000x32xf32, #tpu.memory_space<hbm>>) dst(%dma_wait3A_619 : memref<80x32xf32, #tpu.memory_space<vmem>>)
      %dma_wait3A_626 = arith.constant 320 : i32
      %dma_wait3A_627 = arith.constant 0 : i32
      %dma_wait3A_628 = tpu.memref_slice %arg10[%dma_wait3A_626, %dma_wait3A_627] : memref<400x32xf32, #tpu.memory_space<vmem>> -> memref<80x32xf32, #tpu.memory_space<vmem>>
      %dma_wait3A_629 = arith.constant 0 : i32
      %dma_wait3A_630 = tpu.memref_slice %arg7[%add3A_535, %dma_wait3A_629] : memref<125x80xi32, #tpu.memory_space<vmem>> -> memref<1x80xi32, #tpu.memory_space<vmem>>
      %dma_wait3A_631 = tpu.memref_squeeze %dma_wait3A_630 : memref<1x80xi32, #tpu.memory_space<vmem>> -> memref<80xi32, #tpu.memory_space<vmem>>
      %dma_wait3A_632 = arith.constant 0 : i32
      %dma_wait3A_633 = arith.constant 0 : i32
      %dma_wait3A_634 = tpu.memref_slice %arg2[%dma_wait3A_632, %dma_wait3A_633] : memref<10000x32xf32, #tpu.memory_space<hbm>> -> memref<10000x32xf32, #tpu.memory_space<hbm>>
      tpu.wait_indirect_dma semaphore(%arg13 : memref<!tpu.dma_semaphore, #tpu.memory_space<semaphore_mem>>) src(%dma_wait3A_634 : memref<10000x32xf32, #tpu.memory_space<hbm>>) dst(%dma_wait3A_628 : memref<80x32xf32, #tpu.memory_space<vmem>>)
      %dma_wait3A_635 = arith.constant 320 : i32
      %dma_wait3A_636 = arith.constant 0 : i32
      %dma_wait3A_637 = tpu.memref_slice %arg12[%dma_wait3A_635, %dma_wait3A_636] : memref<400x32xf32, #tpu.memory_space<vmem>> -> memref<80x32xf32, #tpu.memory_space<vmem>>
      %dma_wait3A_638 = arith.constant 0 : i32
      %dma_wait3A_639 = tpu.memref_slice %arg8[%add3A_535, %dma_wait3A_638] : memref<125x80xi32, #tpu.memory_space<vmem>> -> memref<1x80xi32, #tpu.memory_space<vmem>>
      %dma_wait3A_640 = tpu.memref_squeeze %dma_wait3A_639 : memref<1x80xi32, #tpu.memory_space<vmem>> -> memref<80xi32, #tpu.memory_space<vmem>>
      %dma_wait3A_641 = arith.constant 0 : i32
      %dma_wait3A_642 = arith.constant 0 : i32
      %dma_wait3A_643 = tpu.memref_slice %arg2[%dma_wait3A_641, %dma_wait3A_642] : memref<10000x32xf32, #tpu.memory_space<hbm>> -> memref<10000x32xf32, #tpu.memory_space<hbm>>
      tpu.wait_indirect_dma semaphore(%arg14 : memref<!tpu.dma_semaphore, #tpu.memory_space<semaphore_mem>>) src(%dma_wait3A_643 : memref<10000x32xf32, #tpu.memory_space<hbm>>) dst(%dma_wait3A_637 : memref<80x32xf32, #tpu.memory_space<vmem>>)
      %mul3A_644 = arith.constant 400 : i32
      %mul3A_645 = arith.muli %add3A_443, %mul3A_644 : i32
      %add3A_646 = arith.addi %mul3A_2, %mul3A_645 : i32
      %dma_start3A_647 = arith.constant 0 : i32
      %dma_start3A_648 = tpu.memref_slice %arg5[%add3A_646, %dma_start3A_647] : memref<320000x32xf32, #tpu.memory_space<hbm>> -> memref<400x32xf32, #tpu.memory_space<hbm>>
      %dma_start3A_649 = arith.constant 0 : i32
      %dma_start3A_650 = tpu.memref_slice %arg5[%add3A_646, %dma_start3A_649] : memref<320000x32xf32, #tpu.memory_space<hbm>> -> memref<400x32xf32, #tpu.memory_space<hbm>>
      tpu.enqueue_dma source(%arg10 : memref<400x32xf32, #tpu.memory_space<vmem>>) target(%dma_start3A_650 : memref<400x32xf32, #tpu.memory_space<hbm>>) target_semaphore(%arg16 : memref<!tpu.dma_semaphore, #tpu.memory_space<semaphore_mem>>)
      %dma_start3A_651 = arith.constant 0 : i32
      %dma_start3A_652 = tpu.memref_slice %arg6[%add3A_646, %dma_start3A_651] : memref<320000x32xf32, #tpu.memory_space<hbm>> -> memref<400x32xf32, #tpu.memory_space<hbm>>
      %dma_start3A_653 = arith.constant 0 : i32
      %dma_start3A_654 = tpu.memref_slice %arg6[%add3A_646, %dma_start3A_653] : memref<320000x32xf32, #tpu.memory_space<hbm>> -> memref<400x32xf32, #tpu.memory_space<hbm>>
      tpu.enqueue_dma source(%arg12 : memref<400x32xf32, #tpu.memory_space<vmem>>) target(%dma_start3A_654 : memref<400x32xf32, #tpu.memory_space<hbm>>) target_semaphore(%arg16 : memref<!tpu.dma_semaphore, #tpu.memory_space<semaphore_mem>>)
      %dma_wait3A_655 = arith.constant 0 : i32
      %dma_wait3A_656 = tpu.memref_slice %arg5[%add3A_431, %dma_wait3A_655] : memref<320000x32xf32, #tpu.memory_space<hbm>> -> memref<400x32xf32, #tpu.memory_space<hbm>>
      %dma_wait3A_657 = arith.constant 0 : i32
      %dma_wait3A_658 = tpu.memref_slice %arg5[%add3A_431, %dma_wait3A_657] : memref<320000x32xf32, #tpu.memory_space<hbm>> -> memref<400x32xf32, #tpu.memory_space<hbm>>
      tpu.wait_dma2 semaphore(%arg15 : memref<!tpu.dma_semaphore, #tpu.memory_space<semaphore_mem>>) src(%arg9 : memref<400x32xf32, #tpu.memory_space<vmem>>) dst(%dma_wait3A_658 : memref<400x32xf32, #tpu.memory_space<hbm>>)
      %dma_wait3A_659 = arith.constant 0 : i32
      %dma_wait3A_660 = tpu.memref_slice %arg6[%add3A_431, %dma_wait3A_659] : memref<320000x32xf32, #tpu.memory_space<hbm>> -> memref<400x32xf32, #tpu.memory_space<hbm>>
      %dma_wait3A_661 = arith.constant 0 : i32
      %dma_wait3A_662 = tpu.memref_slice %arg6[%add3A_431, %dma_wait3A_661] : memref<320000x32xf32, #tpu.memory_space<hbm>> -> memref<400x32xf32, #tpu.memory_space<hbm>>
      tpu.wait_dma2 semaphore(%arg15 : memref<!tpu.dma_semaphore, #tpu.memory_space<semaphore_mem>>) src(%arg11 : memref<400x32xf32, #tpu.memory_space<vmem>>) dst(%dma_wait3A_662 : memref<400x32xf32, #tpu.memory_space<hbm>>)
      %dma_wait3A_663 = arith.constant 0 : i32
      %dma_wait3A_664 = tpu.memref_slice %arg5[%add3A_646, %dma_wait3A_663] : memref<320000x32xf32, #tpu.memory_space<hbm>> -> memref<400x32xf32, #tpu.memory_space<hbm>>
      %dma_wait3A_665 = arith.constant 0 : i32
      %dma_wait3A_666 = tpu.memref_slice %arg5[%add3A_646, %dma_wait3A_665] : memref<320000x32xf32, #tpu.memory_space<hbm>> -> memref<400x32xf32, #tpu.memory_space<hbm>>
      tpu.wait_dma2 semaphore(%arg16 : memref<!tpu.dma_semaphore, #tpu.memory_space<semaphore_mem>>) src(%arg10 : memref<400x32xf32, #tpu.memory_space<vmem>>) dst(%dma_wait3A_666 : memref<400x32xf32, #tpu.memory_space<hbm>>)
      %dma_wait3A_667 = arith.constant 0 : i32
      %dma_wait3A_668 = tpu.memref_slice %arg6[%add3A_646, %dma_wait3A_667] : memref<320000x32xf32, #tpu.memory_space<hbm>> -> memref<400x32xf32, #tpu.memory_space<hbm>>
      %dma_wait3A_669 = arith.constant 0 : i32
      %dma_wait3A_670 = tpu.memref_slice %arg6[%add3A_646, %dma_wait3A_669] : memref<320000x32xf32, #tpu.memory_space<hbm>> -> memref<400x32xf32, #tpu.memory_space<hbm>>
      tpu.wait_dma2 semaphore(%arg16 : memref<!tpu.dma_semaphore, #tpu.memory_space<semaphore_mem>>) src(%arg12 : memref<400x32xf32, #tpu.memory_space<vmem>>) dst(%dma_wait3A_670 : memref<400x32xf32, #tpu.memory_space<hbm>>)
    }
    %scan3A_9 = arith.constant 12 : i32
    %dma_start3A = arith.constant 120 : i32
    %dma_start3A_10 = arith.constant 0 : i32
    %dma_start3A_11 = arith.constant 0 : i32
    %dma_start3A_12 = tpu.memref_slice %arg9[%dma_start3A_10, %dma_start3A_11] : memref<400x32xf32, #tpu.memory_space<vmem>> -> memref<80x32xf32, #tpu.memory_space<vmem>>
    %dma_start3A_13 = arith.constant 0 : i32
    %dma_start3A_14 = tpu.memref_slice %arg7[%dma_start3A, %dma_start3A_13] : memref<125x80xi32, #tpu.memory_space<vmem>> -> memref<1x80xi32, #tpu.memory_space<vmem>>
    %dma_start3A_15 = tpu.memref_squeeze %dma_start3A_14 : memref<1x80xi32, #tpu.memory_space<vmem>> -> memref<80xi32, #tpu.memory_space<vmem>>
    %dma_start3A_16 = arith.constant 0 : i32
    %dma_start3A_17 = arith.constant 0 : i32
    %dma_start3A_18 = tpu.memref_slice %arg2[%dma_start3A_16, %dma_start3A_17] : memref<10000x32xf32, #tpu.memory_space<hbm>> -> memref<10000x32xf32, #tpu.memory_space<hbm>>
    tpu.enqueue_indirect_dma source(%dma_start3A_18 : memref<10000x32xf32, #tpu.memory_space<hbm>>) target(%dma_start3A_12 : memref<80x32xf32, #tpu.memory_space<vmem>>) offsets(%dma_start3A_15 : memref<80xi32, #tpu.memory_space<vmem>>) semaphore(%arg13 : memref<!tpu.dma_semaphore, #tpu.memory_space<semaphore_mem>>)
    %dma_start3A_19 = arith.constant 120 : i32
    %dma_start3A_20 = arith.constant 0 : i32
    %dma_start3A_21 = arith.constant 0 : i32
    %dma_start3A_22 = tpu.memref_slice %arg11[%dma_start3A_20, %dma_start3A_21] : memref<400x32xf32, #tpu.memory_space<vmem>> -> memref<80x32xf32, #tpu.memory_space<vmem>>
    %dma_start3A_23 = arith.constant 0 : i32
    %dma_start3A_24 = tpu.memref_slice %arg8[%dma_start3A_19, %dma_start3A_23] : memref<125x80xi32, #tpu.memory_space<vmem>> -> memref<1x80xi32, #tpu.memory_space<vmem>>
    %dma_start3A_25 = tpu.memref_squeeze %dma_start3A_24 : memref<1x80xi32, #tpu.memory_space<vmem>> -> memref<80xi32, #tpu.memory_space<vmem>>
    %dma_start3A_26 = arith.constant 0 : i32
    %dma_start3A_27 = arith.constant 0 : i32
    %dma_start3A_28 = tpu.memref_slice %arg2[%dma_start3A_26, %dma_start3A_27] : memref<10000x32xf32, #tpu.memory_space<hbm>> -> memref<10000x32xf32, #tpu.memory_space<hbm>>
    tpu.enqueue_indirect_dma source(%dma_start3A_28 : memref<10000x32xf32, #tpu.memory_space<hbm>>) target(%dma_start3A_22 : memref<80x32xf32, #tpu.memory_space<vmem>>) offsets(%dma_start3A_25 : memref<80xi32, #tpu.memory_space<vmem>>) semaphore(%arg14 : memref<!tpu.dma_semaphore, #tpu.memory_space<semaphore_mem>>)
    %dma_start3A_29 = arith.constant 121 : i32
    %dma_start3A_30 = arith.constant 80 : i32
    %dma_start3A_31 = arith.constant 0 : i32
    %dma_start3A_32 = tpu.memref_slice %arg9[%dma_start3A_30, %dma_start3A_31] : memref<400x32xf32, #tpu.memory_space<vmem>> -> memref<80x32xf32, #tpu.memory_space<vmem>>
    %dma_start3A_33 = arith.constant 0 : i32
    %dma_start3A_34 = tpu.memref_slice %arg7[%dma_start3A_29, %dma_start3A_33] : memref<125x80xi32, #tpu.memory_space<vmem>> -> memref<1x80xi32, #tpu.memory_space<vmem>>
    %dma_start3A_35 = tpu.memref_squeeze %dma_start3A_34 : memref<1x80xi32, #tpu.memory_space<vmem>> -> memref<80xi32, #tpu.memory_space<vmem>>
    %dma_start3A_36 = arith.constant 0 : i32
    %dma_start3A_37 = arith.constant 0 : i32
    %dma_start3A_38 = tpu.memref_slice %arg2[%dma_start3A_36, %dma_start3A_37] : memref<10000x32xf32, #tpu.memory_space<hbm>> -> memref<10000x32xf32, #tpu.memory_space<hbm>>
    tpu.enqueue_indirect_dma source(%dma_start3A_38 : memref<10000x32xf32, #tpu.memory_space<hbm>>) target(%dma_start3A_32 : memref<80x32xf32, #tpu.memory_space<vmem>>) offsets(%dma_start3A_35 : memref<80xi32, #tpu.memory_space<vmem>>) semaphore(%arg13 : memref<!tpu.dma_semaphore, #tpu.memory_space<semaphore_mem>>)
    %dma_start3A_39 = arith.constant 121 : i32
    %dma_start3A_40 = arith.constant 80 : i32
    %dma_start3A_41 = arith.constant 0 : i32
    %dma_start3A_42 = tpu.memref_slice %arg11[%dma_start3A_40, %dma_start3A_41] : memref<400x32xf32, #tpu.memory_space<vmem>> -> memref<80x32xf32, #tpu.memory_space<vmem>>
    %dma_start3A_43 = arith.constant 0 : i32
    %dma_start3A_44 = tpu.memref_slice %arg8[%dma_start3A_39, %dma_start3A_43] : memref<125x80xi32, #tpu.memory_space<vmem>> -> memref<1x80xi32, #tpu.memory_space<vmem>>
    %dma_start3A_45 = tpu.memref_squeeze %dma_start3A_44 : memref<1x80xi32, #tpu.memory_space<vmem>> -> memref<80xi32, #tpu.memory_space<vmem>>
    %dma_start3A_46 = arith.constant 0 : i32
    %dma_start3A_47 = arith.constant 0 : i32
    %dma_start3A_48 = tpu.memref_slice %arg2[%dma_start3A_46, %dma_start3A_47] : memref<10000x32xf32, #tpu.memory_space<hbm>> -> memref<10000x32xf32, #tpu.memory_space<hbm>>
    tpu.enqueue_indirect_dma source(%dma_start3A_48 : memref<10000x32xf32, #tpu.memory_space<hbm>>) target(%dma_start3A_42 : memref<80x32xf32, #tpu.memory_space<vmem>>) offsets(%dma_start3A_45 : memref<80xi32, #tpu.memory_space<vmem>>) semaphore(%arg14 : memref<!tpu.dma_semaphore, #tpu.memory_space<semaphore_mem>>)
    %dma_start3A_49 = arith.constant 122 : i32
    %dma_start3A_50 = arith.constant 160 : i32
    %dma_start3A_51 = arith.constant 0 : i32
    %dma_start3A_52 = tpu.memref_slice %arg9[%dma_start3A_50, %dma_start3A_51] : memref<400x32xf32, #tpu.memory_space<vmem>> -> memref<80x32xf32, #tpu.memory_space<vmem>>
    %dma_start3A_53 = arith.constant 0 : i32
    %dma_start3A_54 = tpu.memref_slice %arg7[%dma_start3A_49, %dma_start3A_53] : memref<125x80xi32, #tpu.memory_space<vmem>> -> memref<1x80xi32, #tpu.memory_space<vmem>>
    %dma_start3A_55 = tpu.memref_squeeze %dma_start3A_54 : memref<1x80xi32, #tpu.memory_space<vmem>> -> memref<80xi32, #tpu.memory_space<vmem>>
    %dma_start3A_56 = arith.constant 0 : i32
    %dma_start3A_57 = arith.constant 0 : i32
    %dma_start3A_58 = tpu.memref_slice %arg2[%dma_start3A_56, %dma_start3A_57] : memref<10000x32xf32, #tpu.memory_space<hbm>> -> memref<10000x32xf32, #tpu.memory_space<hbm>>
    tpu.enqueue_indirect_dma source(%dma_start3A_58 : memref<10000x32xf32, #tpu.memory_space<hbm>>) target(%dma_start3A_52 : memref<80x32xf32, #tpu.memory_space<vmem>>) offsets(%dma_start3A_55 : memref<80xi32, #tpu.memory_space<vmem>>) semaphore(%arg13 : memref<!tpu.dma_semaphore, #tpu.memory_space<semaphore_mem>>)
    %dma_start3A_59 = arith.constant 122 : i32
    %dma_start3A_60 = arith.constant 160 : i32
    %dma_start3A_61 = arith.constant 0 : i32
    %dma_start3A_62 = tpu.memref_slice %arg11[%dma_start3A_60, %dma_start3A_61] : memref<400x32xf32, #tpu.memory_space<vmem>> -> memref<80x32xf32, #tpu.memory_space<vmem>>
    %dma_start3A_63 = arith.constant 0 : i32
    %dma_start3A_64 = tpu.memref_slice %arg8[%dma_start3A_59, %dma_start3A_63] : memref<125x80xi32, #tpu.memory_space<vmem>> -> memref<1x80xi32, #tpu.memory_space<vmem>>
    %dma_start3A_65 = tpu.memref_squeeze %dma_start3A_64 : memref<1x80xi32, #tpu.memory_space<vmem>> -> memref<80xi32, #tpu.memory_space<vmem>>
    %dma_start3A_66 = arith.constant 0 : i32
    %dma_start3A_67 = arith.constant 0 : i32
    %dma_start3A_68 = tpu.memref_slice %arg2[%dma_start3A_66, %dma_start3A_67] : memref<10000x32xf32, #tpu.memory_space<hbm>> -> memref<10000x32xf32, #tpu.memory_space<hbm>>
    tpu.enqueue_indirect_dma source(%dma_start3A_68 : memref<10000x32xf32, #tpu.memory_space<hbm>>) target(%dma_start3A_62 : memref<80x32xf32, #tpu.memory_space<vmem>>) offsets(%dma_start3A_65 : memref<80xi32, #tpu.memory_space<vmem>>) semaphore(%arg14 : memref<!tpu.dma_semaphore, #tpu.memory_space<semaphore_mem>>)
    %dma_start3A_69 = arith.constant 123 : i32
    %dma_start3A_70 = arith.constant 240 : i32
    %dma_start3A_71 = arith.constant 0 : i32
    %dma_start3A_72 = tpu.memref_slice %arg9[%dma_start3A_70, %dma_start3A_71] : memref<400x32xf32, #tpu.memory_space<vmem>> -> memref<80x32xf32, #tpu.memory_space<vmem>>
    %dma_start3A_73 = arith.constant 0 : i32
    %dma_start3A_74 = tpu.memref_slice %arg7[%dma_start3A_69, %dma_start3A_73] : memref<125x80xi32, #tpu.memory_space<vmem>> -> memref<1x80xi32, #tpu.memory_space<vmem>>
    %dma_start3A_75 = tpu.memref_squeeze %dma_start3A_74 : memref<1x80xi32, #tpu.memory_space<vmem>> -> memref<80xi32, #tpu.memory_space<vmem>>
    %dma_start3A_76 = arith.constant 0 : i32
    %dma_start3A_77 = arith.constant 0 : i32
    %dma_start3A_78 = tpu.memref_slice %arg2[%dma_start3A_76, %dma_start3A_77] : memref<10000x32xf32, #tpu.memory_space<hbm>> -> memref<10000x32xf32, #tpu.memory_space<hbm>>
    tpu.enqueue_indirect_dma source(%dma_start3A_78 : memref<10000x32xf32, #tpu.memory_space<hbm>>) target(%dma_start3A_72 : memref<80x32xf32, #tpu.memory_space<vmem>>) offsets(%dma_start3A_75 : memref<80xi32, #tpu.memory_space<vmem>>) semaphore(%arg13 : memref<!tpu.dma_semaphore, #tpu.memory_space<semaphore_mem>>)
    %dma_start3A_79 = arith.constant 123 : i32
    %dma_start3A_80 = arith.constant 240 : i32
    %dma_start3A_81 = arith.constant 0 : i32
    %dma_start3A_82 = tpu.memref_slice %arg11[%dma_start3A_80, %dma_start3A_81] : memref<400x32xf32, #tpu.memory_space<vmem>> -> memref<80x32xf32, #tpu.memory_space<vmem>>
    %dma_start3A_83 = arith.constant 0 : i32
    %dma_start3A_84 = tpu.memref_slice %arg8[%dma_start3A_79, %dma_start3A_83] : memref<125x80xi32, #tpu.memory_space<vmem>> -> memref<1x80xi32, #tpu.memory_space<vmem>>
    %dma_start3A_85 = tpu.memref_squeeze %dma_start3A_84 : memref<1x80xi32, #tpu.memory_space<vmem>> -> memref<80xi32, #tpu.memory_space<vmem>>
    %dma_start3A_86 = arith.constant 0 : i32
    %dma_start3A_87 = arith.constant 0 : i32
    %dma_start3A_88 = tpu.memref_slice %arg2[%dma_start3A_86, %dma_start3A_87] : memref<10000x32xf32, #tpu.memory_space<hbm>> -> memref<10000x32xf32, #tpu.memory_space<hbm>>
    tpu.enqueue_indirect_dma source(%dma_start3A_88 : memref<10000x32xf32, #tpu.memory_space<hbm>>) target(%dma_start3A_82 : memref<80x32xf32, #tpu.memory_space<vmem>>) offsets(%dma_start3A_85 : memref<80xi32, #tpu.memory_space<vmem>>) semaphore(%arg14 : memref<!tpu.dma_semaphore, #tpu.memory_space<semaphore_mem>>)
    %dma_start3A_89 = arith.constant 124 : i32
    %dma_start3A_90 = arith.constant 320 : i32
    %dma_start3A_91 = arith.constant 0 : i32
    %dma_start3A_92 = tpu.memref_slice %arg9[%dma_start3A_90, %dma_start3A_91] : memref<400x32xf32, #tpu.memory_space<vmem>> -> memref<80x32xf32, #tpu.memory_space<vmem>>
    %dma_start3A_93 = arith.constant 0 : i32
    %dma_start3A_94 = tpu.memref_slice %arg7[%dma_start3A_89, %dma_start3A_93] : memref<125x80xi32, #tpu.memory_space<vmem>> -> memref<1x80xi32, #tpu.memory_space<vmem>>
    %dma_start3A_95 = tpu.memref_squeeze %dma_start3A_94 : memref<1x80xi32, #tpu.memory_space<vmem>> -> memref<80xi32, #tpu.memory_space<vmem>>
    %dma_start3A_96 = arith.constant 0 : i32
    %dma_start3A_97 = arith.constant 0 : i32
    %dma_start3A_98 = tpu.memref_slice %arg2[%dma_start3A_96, %dma_start3A_97] : memref<10000x32xf32, #tpu.memory_space<hbm>> -> memref<10000x32xf32, #tpu.memory_space<hbm>>
    tpu.enqueue_indirect_dma source(%dma_start3A_98 : memref<10000x32xf32, #tpu.memory_space<hbm>>) target(%dma_start3A_92 : memref<80x32xf32, #tpu.memory_space<vmem>>) offsets(%dma_start3A_95 : memref<80xi32, #tpu.memory_space<vmem>>) semaphore(%arg13 : memref<!tpu.dma_semaphore, #tpu.memory_space<semaphore_mem>>)
    %dma_start3A_99 = arith.constant 124 : i32
    %dma_start3A_100 = arith.constant 320 : i32
    %dma_start3A_101 = arith.constant 0 : i32
    %dma_start3A_102 = tpu.memref_slice %arg11[%dma_start3A_100, %dma_start3A_101] : memref<400x32xf32, #tpu.memory_space<vmem>> -> memref<80x32xf32, #tpu.memory_space<vmem>>
    %dma_start3A_103 = arith.constant 0 : i32
    %dma_start3A_104 = tpu.memref_slice %arg8[%dma_start3A_99, %dma_start3A_103] : memref<125x80xi32, #tpu.memory_space<vmem>> -> memref<1x80xi32, #tpu.memory_space<vmem>>
    %dma_start3A_105 = tpu.memref_squeeze %dma_start3A_104 : memref<1x80xi32, #tpu.memory_space<vmem>> -> memref<80xi32, #tpu.memory_space<vmem>>
    %dma_start3A_106 = arith.constant 0 : i32
    %dma_start3A_107 = arith.constant 0 : i32
    %dma_start3A_108 = tpu.memref_slice %arg2[%dma_start3A_106, %dma_start3A_107] : memref<10000x32xf32, #tpu.memory_space<hbm>> -> memref<10000x32xf32, #tpu.memory_space<hbm>>
    tpu.enqueue_indirect_dma source(%dma_start3A_108 : memref<10000x32xf32, #tpu.memory_space<hbm>>) target(%dma_start3A_102 : memref<80x32xf32, #tpu.memory_space<vmem>>) offsets(%dma_start3A_105 : memref<80xi32, #tpu.memory_space<vmem>>) semaphore(%arg14 : memref<!tpu.dma_semaphore, #tpu.memory_space<semaphore_mem>>)
    %dma_wait3A = arith.constant 120 : i32
    %dma_wait3A_109 = arith.constant 0 : i32
    %dma_wait3A_110 = arith.constant 0 : i32
    %dma_wait3A_111 = tpu.memref_slice %arg9[%dma_wait3A_109, %dma_wait3A_110] : memref<400x32xf32, #tpu.memory_space<vmem>> -> memref<80x32xf32, #tpu.memory_space<vmem>>
    %dma_wait3A_112 = arith.constant 0 : i32
    %dma_wait3A_113 = tpu.memref_slice %arg7[%dma_wait3A, %dma_wait3A_112] : memref<125x80xi32, #tpu.memory_space<vmem>> -> memref<1x80xi32, #tpu.memory_space<vmem>>
    %dma_wait3A_114 = tpu.memref_squeeze %dma_wait3A_113 : memref<1x80xi32, #tpu.memory_space<vmem>> -> memref<80xi32, #tpu.memory_space<vmem>>
    %dma_wait3A_115 = arith.constant 0 : i32
    %dma_wait3A_116 = arith.constant 0 : i32
    %dma_wait3A_117 = tpu.memref_slice %arg2[%dma_wait3A_115, %dma_wait3A_116] : memref<10000x32xf32, #tpu.memory_space<hbm>> -> memref<10000x32xf32, #tpu.memory_space<hbm>>
    tpu.wait_indirect_dma semaphore(%arg13 : memref<!tpu.dma_semaphore, #tpu.memory_space<semaphore_mem>>) src(%dma_wait3A_117 : memref<10000x32xf32, #tpu.memory_space<hbm>>) dst(%dma_wait3A_111 : memref<80x32xf32, #tpu.memory_space<vmem>>)
    %dma_wait3A_118 = arith.constant 120 : i32
    %dma_wait3A_119 = arith.constant 0 : i32
    %dma_wait3A_120 = arith.constant 0 : i32
    %dma_wait3A_121 = tpu.memref_slice %arg11[%dma_wait3A_119, %dma_wait3A_120] : memref<400x32xf32, #tpu.memory_space<vmem>> -> memref<80x32xf32, #tpu.memory_space<vmem>>
    %dma_wait3A_122 = arith.constant 0 : i32
    %dma_wait3A_123 = tpu.memref_slice %arg8[%dma_wait3A_118, %dma_wait3A_122] : memref<125x80xi32, #tpu.memory_space<vmem>> -> memref<1x80xi32, #tpu.memory_space<vmem>>
    %dma_wait3A_124 = tpu.memref_squeeze %dma_wait3A_123 : memref<1x80xi32, #tpu.memory_space<vmem>> -> memref<80xi32, #tpu.memory_space<vmem>>
    %dma_wait3A_125 = arith.constant 0 : i32
    %dma_wait3A_126 = arith.constant 0 : i32
    %dma_wait3A_127 = tpu.memref_slice %arg2[%dma_wait3A_125, %dma_wait3A_126] : memref<10000x32xf32, #tpu.memory_space<hbm>> -> memref<10000x32xf32, #tpu.memory_space<hbm>>
    tpu.wait_indirect_dma semaphore(%arg14 : memref<!tpu.dma_semaphore, #tpu.memory_space<semaphore_mem>>) src(%dma_wait3A_127 : memref<10000x32xf32, #tpu.memory_space<hbm>>) dst(%dma_wait3A_121 : memref<80x32xf32, #tpu.memory_space<vmem>>)
    %dma_wait3A_128 = arith.constant 121 : i32
    %dma_wait3A_129 = arith.constant 80 : i32
    %dma_wait3A_130 = arith.constant 0 : i32
    %dma_wait3A_131 = tpu.memref_slice %arg9[%dma_wait3A_129, %dma_wait3A_130] : memref<400x32xf32, #tpu.memory_space<vmem>> -> memref<80x32xf32, #tpu.memory_space<vmem>>
    %dma_wait3A_132 = arith.constant 0 : i32
    %dma_wait3A_133 = tpu.memref_slice %arg7[%dma_wait3A_128, %dma_wait3A_132] : memref<125x80xi32, #tpu.memory_space<vmem>> -> memref<1x80xi32, #tpu.memory_space<vmem>>
    %dma_wait3A_134 = tpu.memref_squeeze %dma_wait3A_133 : memref<1x80xi32, #tpu.memory_space<vmem>> -> memref<80xi32, #tpu.memory_space<vmem>>
    %dma_wait3A_135 = arith.constant 0 : i32
    %dma_wait3A_136 = arith.constant 0 : i32
    %dma_wait3A_137 = tpu.memref_slice %arg2[%dma_wait3A_135, %dma_wait3A_136] : memref<10000x32xf32, #tpu.memory_space<hbm>> -> memref<10000x32xf32, #tpu.memory_space<hbm>>
    tpu.wait_indirect_dma semaphore(%arg13 : memref<!tpu.dma_semaphore, #tpu.memory_space<semaphore_mem>>) src(%dma_wait3A_137 : memref<10000x32xf32, #tpu.memory_space<hbm>>) dst(%dma_wait3A_131 : memref<80x32xf32, #tpu.memory_space<vmem>>)
    %dma_wait3A_138 = arith.constant 121 : i32
    %dma_wait3A_139 = arith.constant 80 : i32
    %dma_wait3A_140 = arith.constant 0 : i32
    %dma_wait3A_141 = tpu.memref_slice %arg11[%dma_wait3A_139, %dma_wait3A_140] : memref<400x32xf32, #tpu.memory_space<vmem>> -> memref<80x32xf32, #tpu.memory_space<vmem>>
    %dma_wait3A_142 = arith.constant 0 : i32
    %dma_wait3A_143 = tpu.memref_slice %arg8[%dma_wait3A_138, %dma_wait3A_142] : memref<125x80xi32, #tpu.memory_space<vmem>> -> memref<1x80xi32, #tpu.memory_space<vmem>>
    %dma_wait3A_144 = tpu.memref_squeeze %dma_wait3A_143 : memref<1x80xi32, #tpu.memory_space<vmem>> -> memref<80xi32, #tpu.memory_space<vmem>>
    %dma_wait3A_145 = arith.constant 0 : i32
    %dma_wait3A_146 = arith.constant 0 : i32
    %dma_wait3A_147 = tpu.memref_slice %arg2[%dma_wait3A_145, %dma_wait3A_146] : memref<10000x32xf32, #tpu.memory_space<hbm>> -> memref<10000x32xf32, #tpu.memory_space<hbm>>
    tpu.wait_indirect_dma semaphore(%arg14 : memref<!tpu.dma_semaphore, #tpu.memory_space<semaphore_mem>>) src(%dma_wait3A_147 : memref<10000x32xf32, #tpu.memory_space<hbm>>) dst(%dma_wait3A_141 : memref<80x32xf32, #tpu.memory_space<vmem>>)
    %dma_wait3A_148 = arith.constant 122 : i32
    %dma_wait3A_149 = arith.constant 160 : i32
    %dma_wait3A_150 = arith.constant 0 : i32
    %dma_wait3A_151 = tpu.memref_slice %arg9[%dma_wait3A_149, %dma_wait3A_150] : memref<400x32xf32, #tpu.memory_space<vmem>> -> memref<80x32xf32, #tpu.memory_space<vmem>>
    %dma_wait3A_152 = arith.constant 0 : i32
    %dma_wait3A_153 = tpu.memref_slice %arg7[%dma_wait3A_148, %dma_wait3A_152] : memref<125x80xi32, #tpu.memory_space<vmem>> -> memref<1x80xi32, #tpu.memory_space<vmem>>
    %dma_wait3A_154 = tpu.memref_squeeze %dma_wait3A_153 : memref<1x80xi32, #tpu.memory_space<vmem>> -> memref<80xi32, #tpu.memory_space<vmem>>
    %dma_wait3A_155 = arith.constant 0 : i32
    %dma_wait3A_156 = arith.constant 0 : i32
    %dma_wait3A_157 = tpu.memref_slice %arg2[%dma_wait3A_155, %dma_wait3A_156] : memref<10000x32xf32, #tpu.memory_space<hbm>> -> memref<10000x32xf32, #tpu.memory_space<hbm>>
    tpu.wait_indirect_dma semaphore(%arg13 : memref<!tpu.dma_semaphore, #tpu.memory_space<semaphore_mem>>) src(%dma_wait3A_157 : memref<10000x32xf32, #tpu.memory_space<hbm>>) dst(%dma_wait3A_151 : memref<80x32xf32, #tpu.memory_space<vmem>>)
    %dma_wait3A_158 = arith.constant 122 : i32
    %dma_wait3A_159 = arith.constant 160 : i32
    %dma_wait3A_160 = arith.constant 0 : i32
    %dma_wait3A_161 = tpu.memref_slice %arg11[%dma_wait3A_159, %dma_wait3A_160] : memref<400x32xf32, #tpu.memory_space<vmem>> -> memref<80x32xf32, #tpu.memory_space<vmem>>
    %dma_wait3A_162 = arith.constant 0 : i32
    %dma_wait3A_163 = tpu.memref_slice %arg8[%dma_wait3A_158, %dma_wait3A_162] : memref<125x80xi32, #tpu.memory_space<vmem>> -> memref<1x80xi32, #tpu.memory_space<vmem>>
    %dma_wait3A_164 = tpu.memref_squeeze %dma_wait3A_163 : memref<1x80xi32, #tpu.memory_space<vmem>> -> memref<80xi32, #tpu.memory_space<vmem>>
    %dma_wait3A_165 = arith.constant 0 : i32
    %dma_wait3A_166 = arith.constant 0 : i32
    %dma_wait3A_167 = tpu.memref_slice %arg2[%dma_wait3A_165, %dma_wait3A_166] : memref<10000x32xf32, #tpu.memory_space<hbm>> -> memref<10000x32xf32, #tpu.memory_space<hbm>>
    tpu.wait_indirect_dma semaphore(%arg14 : memref<!tpu.dma_semaphore, #tpu.memory_space<semaphore_mem>>) src(%dma_wait3A_167 : memref<10000x32xf32, #tpu.memory_space<hbm>>) dst(%dma_wait3A_161 : memref<80x32xf32, #tpu.memory_space<vmem>>)
    %dma_wait3A_168 = arith.constant 123 : i32
    %dma_wait3A_169 = arith.constant 240 : i32
    %dma_wait3A_170 = arith.constant 0 : i32
    %dma_wait3A_171 = tpu.memref_slice %arg9[%dma_wait3A_169, %dma_wait3A_170] : memref<400x32xf32, #tpu.memory_space<vmem>> -> memref<80x32xf32, #tpu.memory_space<vmem>>
    %dma_wait3A_172 = arith.constant 0 : i32
    %dma_wait3A_173 = tpu.memref_slice %arg7[%dma_wait3A_168, %dma_wait3A_172] : memref<125x80xi32, #tpu.memory_space<vmem>> -> memref<1x80xi32, #tpu.memory_space<vmem>>
    %dma_wait3A_174 = tpu.memref_squeeze %dma_wait3A_173 : memref<1x80xi32, #tpu.memory_space<vmem>> -> memref<80xi32, #tpu.memory_space<vmem>>
    %dma_wait3A_175 = arith.constant 0 : i32
    %dma_wait3A_176 = arith.constant 0 : i32
    %dma_wait3A_177 = tpu.memref_slice %arg2[%dma_wait3A_175, %dma_wait3A_176] : memref<10000x32xf32, #tpu.memory_space<hbm>> -> memref<10000x32xf32, #tpu.memory_space<hbm>>
    tpu.wait_indirect_dma semaphore(%arg13 : memref<!tpu.dma_semaphore, #tpu.memory_space<semaphore_mem>>) src(%dma_wait3A_177 : memref<10000x32xf32, #tpu.memory_space<hbm>>) dst(%dma_wait3A_171 : memref<80x32xf32, #tpu.memory_space<vmem>>)
    %dma_wait3A_178 = arith.constant 123 : i32
    %dma_wait3A_179 = arith.constant 240 : i32
    %dma_wait3A_180 = arith.constant 0 : i32
    %dma_wait3A_181 = tpu.memref_slice %arg11[%dma_wait3A_179, %dma_wait3A_180] : memref<400x32xf32, #tpu.memory_space<vmem>> -> memref<80x32xf32, #tpu.memory_space<vmem>>
    %dma_wait3A_182 = arith.constant 0 : i32
    %dma_wait3A_183 = tpu.memref_slice %arg8[%dma_wait3A_178, %dma_wait3A_182] : memref<125x80xi32, #tpu.memory_space<vmem>> -> memref<1x80xi32, #tpu.memory_space<vmem>>
    %dma_wait3A_184 = tpu.memref_squeeze %dma_wait3A_183 : memref<1x80xi32, #tpu.memory_space<vmem>> -> memref<80xi32, #tpu.memory_space<vmem>>
    %dma_wait3A_185 = arith.constant 0 : i32
    %dma_wait3A_186 = arith.constant 0 : i32
    %dma_wait3A_187 = tpu.memref_slice %arg2[%dma_wait3A_185, %dma_wait3A_186] : memref<10000x32xf32, #tpu.memory_space<hbm>> -> memref<10000x32xf32, #tpu.memory_space<hbm>>
    tpu.wait_indirect_dma semaphore(%arg14 : memref<!tpu.dma_semaphore, #tpu.memory_space<semaphore_mem>>) src(%dma_wait3A_187 : memref<10000x32xf32, #tpu.memory_space<hbm>>) dst(%dma_wait3A_181 : memref<80x32xf32, #tpu.memory_space<vmem>>)
    %dma_wait3A_188 = arith.constant 124 : i32
    %dma_wait3A_189 = arith.constant 320 : i32
    %dma_wait3A_190 = arith.constant 0 : i32
    %dma_wait3A_191 = tpu.memref_slice %arg9[%dma_wait3A_189, %dma_wait3A_190] : memref<400x32xf32, #tpu.memory_space<vmem>> -> memref<80x32xf32, #tpu.memory_space<vmem>>
    %dma_wait3A_192 = arith.constant 0 : i32
    %dma_wait3A_193 = tpu.memref_slice %arg7[%dma_wait3A_188, %dma_wait3A_192] : memref<125x80xi32, #tpu.memory_space<vmem>> -> memref<1x80xi32, #tpu.memory_space<vmem>>
    %dma_wait3A_194 = tpu.memref_squeeze %dma_wait3A_193 : memref<1x80xi32, #tpu.memory_space<vmem>> -> memref<80xi32, #tpu.memory_space<vmem>>
    %dma_wait3A_195 = arith.constant 0 : i32
    %dma_wait3A_196 = arith.constant 0 : i32
    %dma_wait3A_197 = tpu.memref_slice %arg2[%dma_wait3A_195, %dma_wait3A_196] : memref<10000x32xf32, #tpu.memory_space<hbm>> -> memref<10000x32xf32, #tpu.memory_space<hbm>>
    tpu.wait_indirect_dma semaphore(%arg13 : memref<!tpu.dma_semaphore, #tpu.memory_space<semaphore_mem>>) src(%dma_wait3A_197 : memref<10000x32xf32, #tpu.memory_space<hbm>>) dst(%dma_wait3A_191 : memref<80x32xf32, #tpu.memory_space<vmem>>)
    %dma_wait3A_198 = arith.constant 124 : i32
    %dma_wait3A_199 = arith.constant 320 : i32
    %dma_wait3A_200 = arith.constant 0 : i32
    %dma_wait3A_201 = tpu.memref_slice %arg11[%dma_wait3A_199, %dma_wait3A_200] : memref<400x32xf32, #tpu.memory_space<vmem>> -> memref<80x32xf32, #tpu.memory_space<vmem>>
    %dma_wait3A_202 = arith.constant 0 : i32
    %dma_wait3A_203 = tpu.memref_slice %arg8[%dma_wait3A_198, %dma_wait3A_202] : memref<125x80xi32, #tpu.memory_space<vmem>> -> memref<1x80xi32, #tpu.memory_space<vmem>>
    %dma_wait3A_204 = tpu.memref_squeeze %dma_wait3A_203 : memref<1x80xi32, #tpu.memory_space<vmem>> -> memref<80xi32, #tpu.memory_space<vmem>>
    %dma_wait3A_205 = arith.constant 0 : i32
    %dma_wait3A_206 = arith.constant 0 : i32
    %dma_wait3A_207 = tpu.memref_slice %arg2[%dma_wait3A_205, %dma_wait3A_206] : memref<10000x32xf32, #tpu.memory_space<hbm>> -> memref<10000x32xf32, #tpu.memory_space<hbm>>
    tpu.wait_indirect_dma semaphore(%arg14 : memref<!tpu.dma_semaphore, #tpu.memory_space<semaphore_mem>>) src(%dma_wait3A_207 : memref<10000x32xf32, #tpu.memory_space<hbm>>) dst(%dma_wait3A_201 : memref<80x32xf32, #tpu.memory_space<vmem>>)
    %add3A_208 = arith.constant 9600 : i32
    %add3A_209 = arith.addi %mul3A_2, %add3A_208 : i32
    %dma_start3A_210 = arith.constant 0 : i32
    %dma_start3A_211 = tpu.memref_slice %arg5[%add3A_209, %dma_start3A_210] : memref<320000x32xf32, #tpu.memory_space<hbm>> -> memref<400x32xf32, #tpu.memory_space<hbm>>
    %dma_start3A_212 = arith.constant 0 : i32
    %dma_start3A_213 = tpu.memref_slice %arg5[%add3A_209, %dma_start3A_212] : memref<320000x32xf32, #tpu.memory_space<hbm>> -> memref<400x32xf32, #tpu.memory_space<hbm>>
    tpu.enqueue_dma source(%arg9 : memref<400x32xf32, #tpu.memory_space<vmem>>) target(%dma_start3A_213 : memref<400x32xf32, #tpu.memory_space<hbm>>) target_semaphore(%arg15 : memref<!tpu.dma_semaphore, #tpu.memory_space<semaphore_mem>>)
    %dma_start3A_214 = arith.constant 0 : i32
    %dma_start3A_215 = tpu.memref_slice %arg6[%add3A_209, %dma_start3A_214] : memref<320000x32xf32, #tpu.memory_space<hbm>> -> memref<400x32xf32, #tpu.memory_space<hbm>>
    %dma_start3A_216 = arith.constant 0 : i32
    %dma_start3A_217 = tpu.memref_slice %arg6[%add3A_209, %dma_start3A_216] : memref<320000x32xf32, #tpu.memory_space<hbm>> -> memref<400x32xf32, #tpu.memory_space<hbm>>
    tpu.enqueue_dma source(%arg11 : memref<400x32xf32, #tpu.memory_space<vmem>>) target(%dma_start3A_217 : memref<400x32xf32, #tpu.memory_space<hbm>>) target_semaphore(%arg15 : memref<!tpu.dma_semaphore, #tpu.memory_space<semaphore_mem>>)
    %dma_wait3A_218 = arith.constant 0 : i32
    %dma_wait3A_219 = tpu.memref_slice %arg5[%add3A_209, %dma_wait3A_218] : memref<320000x32xf32, #tpu.memory_space<hbm>> -> memref<400x32xf32, #tpu.memory_space<hbm>>
    %dma_wait3A_220 = arith.constant 0 : i32
    %dma_wait3A_221 = tpu.memref_slice %arg5[%add3A_209, %dma_wait3A_220] : memref<320000x32xf32, #tpu.memory_space<hbm>> -> memref<400x32xf32, #tpu.memory_space<hbm>>
    tpu.wait_dma2 semaphore(%arg15 : memref<!tpu.dma_semaphore, #tpu.memory_space<semaphore_mem>>) src(%arg9 : memref<400x32xf32, #tpu.memory_space<vmem>>) dst(%dma_wait3A_221 : memref<400x32xf32, #tpu.memory_space<hbm>>)
    %dma_wait3A_222 = arith.constant 0 : i32
    %dma_wait3A_223 = tpu.memref_slice %arg6[%add3A_209, %dma_wait3A_222] : memref<320000x32xf32, #tpu.memory_space<hbm>> -> memref<400x32xf32, #tpu.memory_space<hbm>>
    %dma_wait3A_224 = arith.constant 0 : i32
    %dma_wait3A_225 = tpu.memref_slice %arg6[%add3A_209, %dma_wait3A_224] : memref<320000x32xf32, #tpu.memory_space<hbm>> -> memref<400x32xf32, #tpu.memory_space<hbm>>
    tpu.wait_dma2 semaphore(%arg15 : memref<!tpu.dma_semaphore, #tpu.memory_space<semaphore_mem>>) src(%arg11 : memref<400x32xf32, #tpu.memory_space<vmem>>) dst(%dma_wait3A_225 : memref<400x32xf32, #tpu.memory_space<hbm>>)
    return
  }
}

#map = affine_map<(d0, d1) -> (0, 0)>
#map1 = affine_map<(d0, d1) -> (0, 0, 0)>
module attributes {stable_mosaic.version = 14 : i64} {
  func.func @_scatter_kernel(%arg0: i32, %arg1: i32, %arg2: memref<320000x32xf32, #tpu.memory_space<hbm>>, %arg3: memref<4000x80xi32, #tpu.memory_space<hbm>>, %arg4: memref<2x10000x32xf32, #tpu.memory_space<hbm>>, %arg5: memref<125x80xi32, #tpu.memory_space<vmem>>, %arg6: memref<400x32xf32, #tpu.memory_space<vmem>>, %arg7: memref<400x32xf32, #tpu.memory_space<vmem>>, %arg8: memref<125x32xf32, #tpu.memory_space<vmem>>, %arg9: memref<10000x32xf32, #tpu.memory_space<vmem_shared>>, %arg10: memref<!tpu.dma_semaphore, #tpu.memory_space<semaphore_mem>>, %arg11: memref<!tpu.dma_semaphore, #tpu.memory_space<semaphore_mem>>, %arg12: memref<!tpu.dma_semaphore, #tpu.memory_space<semaphore_mem>>, %arg13: memref<!tpu.dma_semaphore, #tpu.memory_space<semaphore_mem>>) attributes {dimension_semantics = [#tpu.dimension_semantics<core_parallel>, #tpu.dimension_semantics<subcore_parallel>], iteration_bounds = array<i64: 2, 16>, scalar_prefetch = 0 : i64, scratch_operands = 9 : i64, tpu.core_type = #tpu.core_type<sc_vector_subcore>, window_params = [{transform_indices = #map}, {transform_indices = #map}, {transform_indices = #map1}]} {
    %mul3A = arith.constant 2 : i32
    %mul3A_0 = arith.muli %arg1, %mul3A : i32
    %add3A = arith.addi %mul3A_0, %arg0 : i32
    %mul3A_1 = arith.constant 10000 : i32
    %mul3A_2 = arith.muli %add3A, %mul3A_1 : i32
    %mul3A_3 = arith.constant 125 : i32
    %mul3A_4 = arith.muli %add3A, %mul3A_3 : i32
    "tpu.region"() ({
      %run_scoped3A = tpu.sem_alloc : memref<!tpu.dma_semaphore, #tpu.memory_space<semaphore_mem>>
      %dma_start3A_138 = arith.constant 0 : i32
      %dma_start3A_139 = tpu.memref_slice %arg3[%mul3A_4, %dma_start3A_138] : memref<4000x80xi32, #tpu.memory_space<hbm>> -> memref<125x80xi32, #tpu.memory_space<hbm>>
      %dma_start3A_140 = arith.constant 0 : i32
      %dma_start3A_141 = tpu.memref_slice %arg3[%mul3A_4, %dma_start3A_140] : memref<4000x80xi32, #tpu.memory_space<hbm>> -> memref<125x80xi32, #tpu.memory_space<hbm>>
      tpu.enqueue_dma source(%dma_start3A_141 : memref<125x80xi32, #tpu.memory_space<hbm>>) target(%arg5 : memref<125x80xi32, #tpu.memory_space<vmem>>) target_semaphore(%run_scoped3A : memref<!tpu.dma_semaphore, #tpu.memory_space<semaphore_mem>>)
      %dma_wait3A_142 = arith.constant 0 : i32
      %dma_wait3A_143 = tpu.memref_slice %arg3[%mul3A_4, %dma_wait3A_142] : memref<4000x80xi32, #tpu.memory_space<hbm>> -> memref<125x80xi32, #tpu.memory_space<hbm>>
      %dma_wait3A_144 = arith.constant 0 : i32
      %dma_wait3A_145 = tpu.memref_slice %arg3[%mul3A_4, %dma_wait3A_144] : memref<4000x80xi32, #tpu.memory_space<hbm>> -> memref<125x80xi32, #tpu.memory_space<hbm>>
      tpu.wait_dma2 semaphore(%run_scoped3A : memref<!tpu.dma_semaphore, #tpu.memory_space<semaphore_mem>>) src(%dma_wait3A_145 : memref<125x80xi32, #tpu.memory_space<hbm>>) dst(%arg5 : memref<125x80xi32, #tpu.memory_space<vmem>>)
      tpu.yield
    }) : () -> ()
    %broadcast_in_dim3A = arith.constant 0.000000e+00 : f32
    %broadcast_in_dim3A_5 = vector.broadcast %broadcast_in_dim3A : f32 to vector<16xf32>
    %scan3A = arith.constant 0 : i32
    %scan3A_6 = arith.constant 0 : i32
    %scan3A_7 = arith.constant 125 : i32
    %scan3A_8 = arith.addi %scan3A_6, %scan3A_7 : i32
    %scan3A_9 = arith.constant 1 : i32
    scf.for %scan3A_138 = %scan3A_6 to %scan3A_8 step %scan3A_9  : i32 {
      %swap3A = arith.index_cast %scan3A_138 : i32 to index
      %swap3A_139 = arith.constant 0 : index
      %swap3A_140 = tpu.vector_load %arg8[%swap3A, %swap3A_139] {strides = array<i32>} : memref<125x32xf32, #tpu.memory_space<vmem>>, vector<1x16xf32>,
      %swap3A_141 = vector.shape_cast %swap3A_140 : vector<1x16xf32> to vector<16xf32>
      %swap3A_142 = vector.shape_cast %broadcast_in_dim3A_5 : vector<16xf32> to vector<1x16xf32>
      tpu.vector_store %arg8[%swap3A, %swap3A_139], %swap3A_142 {strides = array<i32>} : memref<125x32xf32, #tpu.memory_space<vmem>>, vector<1x16xf32>,
      %swap3A_143 = arith.index_cast %scan3A_138 : i32 to index
      %swap3A_144 = arith.constant 16 : index
      %swap3A_145 = tpu.vector_load %arg8[%swap3A_143, %swap3A_144] {strides = array<i32>} : memref<125x32xf32, #tpu.memory_space<vmem>>, vector<1x16xf32>,
      %swap3A_146 = vector.shape_cast %swap3A_145 : vector<1x16xf32> to vector<16xf32>
      %swap3A_147 = vector.shape_cast %broadcast_in_dim3A_5 : vector<16xf32> to vector<1x16xf32>
      tpu.vector_store %arg8[%swap3A_143, %swap3A_144], %swap3A_147 {strides = array<i32>} : memref<125x32xf32, #tpu.memory_space<vmem>>, vector<1x16xf32>,
    }
    %scan3A_10 = arith.constant 125 : i32
    %scan3A_11 = arith.constant 0 : i32
    %scan3A_12 = arith.constant 0 : i32
    %scan3A_13 = arith.constant 5 : i32
    %scan3A_14 = arith.addi %scan3A_12, %scan3A_13 : i32
    %scan3A_15 = arith.constant 1 : i32
    scf.for %scan3A_138 = %scan3A_12 to %scan3A_14 step %scan3A_15  : i32 {
      %mul3A_139 = arith.constant 625 : i32
      %mul3A_140 = arith.muli %arg1, %mul3A_139 : i32
      %mul3A_141 = arith.constant 125 : i32
      %mul3A_142 = arith.muli %scan3A_138, %mul3A_141 : i32
      %add3A_143 = arith.addi %mul3A_140, %mul3A_142 : i32
      "tpu.region"() ({
        %run_scoped3A = tpu.sem_alloc : memref<!tpu.dma_semaphore, #tpu.memory_space<semaphore_mem>>
        %dma_start3A_144 = arith.constant 0 : i32
        %dma_start3A_145 = tpu.memref_slice %arg9[%add3A_143, %dma_start3A_144] : memref<10000x32xf32, #tpu.memory_space<vmem_shared>> -> memref<125x32xf32, #tpu.memory_space<vmem_shared>>
        %dma_start3A_146 = arith.constant 0 : i32
        %dma_start3A_147 = tpu.memref_slice %arg9[%add3A_143, %dma_start3A_146] : memref<10000x32xf32, #tpu.memory_space<vmem_shared>> -> memref<125x32xf32, #tpu.memory_space<vmem_shared>>
        tpu.enqueue_dma source(%arg8 : memref<125x32xf32, #tpu.memory_space<vmem>>) target(%dma_start3A_147 : memref<125x32xf32, #tpu.memory_space<vmem_shared>>) target_semaphore(%run_scoped3A : memref<!tpu.dma_semaphore, #tpu.memory_space<semaphore_mem>>)
        %dma_wait3A_148 = arith.constant 0 : i32
        %dma_wait3A_149 = tpu.memref_slice %arg9[%add3A_143, %dma_wait3A_148] : memref<10000x32xf32, #tpu.memory_space<vmem_shared>> -> memref<125x32xf32, #tpu.memory_space<vmem_shared>>
        %dma_wait3A_150 = arith.constant 0 : i32
        %dma_wait3A_151 = tpu.memref_slice %arg9[%add3A_143, %dma_wait3A_150] : memref<10000x32xf32, #tpu.memory_space<vmem_shared>> -> memref<125x32xf32, #tpu.memory_space<vmem_shared>>
        tpu.wait_dma2 semaphore(%run_scoped3A : memref<!tpu.dma_semaphore, #tpu.memory_space<semaphore_mem>>) src(%arg8 : memref<125x32xf32, #tpu.memory_space<vmem>>) dst(%dma_wait3A_151 : memref<125x32xf32, #tpu.memory_space<vmem_shared>>)
        tpu.yield
      }) : () -> ()
    }
    %scan3A_16 = arith.constant 5 : i32
    %barrier3A = arith.constant 0 : index
    tpu.barrier barrier_id(%barrier3A)
    %scan3A_17 = arith.constant 0 : i32
    %scan3A_18 = arith.constant 0 : i32
    %scan3A_19 = arith.constant 12 : i32
    %scan3A_20 = arith.addi %scan3A_18, %scan3A_19 : i32
    %scan3A_21 = arith.constant 1 : i32
    scf.for %scan3A_138 = %scan3A_18 to %scan3A_20 step %scan3A_21  : i32 {
      %mul3A_139 = arith.constant 2 : i32
      %mul3A_140 = arith.muli %mul3A_139, %scan3A_138 : i32
      %mul3A_141 = arith.constant 400 : i32
      %mul3A_142 = arith.muli %mul3A_140, %mul3A_141 : i32
      %add3A_143 = arith.addi %mul3A_2, %mul3A_142 : i32
      %dma_start3A_144 = arith.constant 0 : i32
      %dma_start3A_145 = tpu.memref_slice %arg2[%add3A_143, %dma_start3A_144] : memref<320000x32xf32, #tpu.memory_space<hbm>> -> memref<400x32xf32, #tpu.memory_space<hbm>>
      %dma_start3A_146 = arith.constant 0 : i32
      %dma_start3A_147 = tpu.memref_slice %arg2[%add3A_143, %dma_start3A_146] : memref<320000x32xf32, #tpu.memory_space<hbm>> -> memref<400x32xf32, #tpu.memory_space<hbm>>
      tpu.enqueue_dma source(%dma_start3A_147 : memref<400x32xf32, #tpu.memory_space<hbm>>) target(%arg6 : memref<400x32xf32, #tpu.memory_space<vmem>>) target_semaphore(%arg10 : memref<!tpu.dma_semaphore, #tpu.memory_space<semaphore_mem>>)
      %mul3A_148 = arith.constant 2 : i32
      %mul3A_149 = arith.muli %mul3A_148, %scan3A_138 : i32
      %add3A_150 = arith.constant 1 : i32
      %add3A_151 = arith.addi %mul3A_149, %add3A_150 : i32
      %mul3A_152 = arith.constant 400 : i32
      %mul3A_153 = arith.muli %add3A_151, %mul3A_152 : i32
      %add3A_154 = arith.addi %mul3A_2, %mul3A_153 : i32
      %dma_start3A_155 = arith.constant 0 : i32
      %dma_start3A_156 = tpu.memref_slice %arg2[%add3A_154, %dma_start3A_155] : memref<320000x32xf32, #tpu.memory_space<hbm>> -> memref<400x32xf32, #tpu.memory_space<hbm>>
      %dma_start3A_157 = arith.constant 0 : i32
      %dma_start3A_158 = tpu.memref_slice %arg2[%add3A_154, %dma_start3A_157] : memref<320000x32xf32, #tpu.memory_space<hbm>> -> memref<400x32xf32, #tpu.memory_space<hbm>>
      tpu.enqueue_dma source(%dma_start3A_158 : memref<400x32xf32, #tpu.memory_space<hbm>>) target(%arg7 : memref<400x32xf32, #tpu.memory_space<vmem>>) target_semaphore(%arg11 : memref<!tpu.dma_semaphore, #tpu.memory_space<semaphore_mem>>)
      %dma_wait3A_159 = arith.constant 0 : i32
      %dma_wait3A_160 = tpu.memref_slice %arg2[%add3A_143, %dma_wait3A_159] : memref<320000x32xf32, #tpu.memory_space<hbm>> -> memref<400x32xf32, #tpu.memory_space<hbm>>
      %dma_wait3A_161 = arith.constant 0 : i32
      %dma_wait3A_162 = tpu.memref_slice %arg2[%add3A_143, %dma_wait3A_161] : memref<320000x32xf32, #tpu.memory_space<hbm>> -> memref<400x32xf32, #tpu.memory_space<hbm>>
      tpu.wait_dma2 semaphore(%arg10 : memref<!tpu.dma_semaphore, #tpu.memory_space<semaphore_mem>>) src(%dma_wait3A_162 : memref<400x32xf32, #tpu.memory_space<hbm>>) dst(%arg6 : memref<400x32xf32, #tpu.memory_space<vmem>>)
      %mul3A_163 = arith.constant 2 : i32
      %mul3A_164 = arith.muli %mul3A_163, %scan3A_138 : i32
      %mul3A_165 = arith.constant 5 : i32
      %mul3A_166 = arith.muli %mul3A_164, %mul3A_165 : i32
      %add3A_167 = arith.constant 0 : i32
      %add3A_168 = arith.addi %mul3A_166, %add3A_167 : i32
      %dma_start3A_169 = arith.constant 0 : i32
      %dma_start3A_170 = arith.constant 0 : i32
      %dma_start3A_171 = tpu.memref_slice %arg6[%dma_start3A_169, %dma_start3A_170] : memref<400x32xf32, #tpu.memory_space<vmem>> -> memref<80x32xf32, #tpu.memory_space<vmem>>
      %dma_start3A_172 = arith.constant 0 : i32
      %dma_start3A_173 = tpu.memref_slice %arg5[%add3A_168, %dma_start3A_172] : memref<125x80xi32, #tpu.memory_space<vmem>> -> memref<1x80xi32, #tpu.memory_space<vmem>>
      %dma_start3A_174 = tpu.memref_squeeze %dma_start3A_173 : memref<1x80xi32, #tpu.memory_space<vmem>> -> memref<80xi32, #tpu.memory_space<vmem>>
      %dma_start3A_175 = arith.constant 0 : i32
      %dma_start3A_176 = arith.constant 0 : i32
      %dma_start3A_177 = tpu.memref_slice %arg9[%dma_start3A_175, %dma_start3A_176] : memref<10000x32xf32, #tpu.memory_space<vmem_shared>> -> memref<10000x32xf32, #tpu.memory_space<vmem_shared>>
      tpu.enqueue_indirect_dma source(%dma_start3A_171 : memref<80x32xf32, #tpu.memory_space<vmem>>) target(%dma_start3A_177 : memref<10000x32xf32, #tpu.memory_space<vmem_shared>>) offsets(%dma_start3A_174 : memref<80xi32, #tpu.memory_space<vmem>>) semaphore(%arg12 : memref<!tpu.dma_semaphore, #tpu.memory_space<semaphore_mem>>) {add = true}
      %mul3A_178 = arith.constant 5 : i32
      %mul3A_179 = arith.muli %mul3A_164, %mul3A_178 : i32
      %add3A_180 = arith.constant 1 : i32
      %add3A_181 = arith.addi %mul3A_179, %add3A_180 : i32
      %dma_start3A_182 = arith.constant 80 : i32
      %dma_start3A_183 = arith.constant 0 : i32
      %dma_start3A_184 = tpu.memref_slice %arg6[%dma_start3A_182, %dma_start3A_183] : memref<400x32xf32, #tpu.memory_space<vmem>> -> memref<80x32xf32, #tpu.memory_space<vmem>>
      %dma_start3A_185 = arith.constant 0 : i32
      %dma_start3A_186 = tpu.memref_slice %arg5[%add3A_181, %dma_start3A_185] : memref<125x80xi32, #tpu.memory_space<vmem>> -> memref<1x80xi32, #tpu.memory_space<vmem>>
      %dma_start3A_187 = tpu.memref_squeeze %dma_start3A_186 : memref<1x80xi32, #tpu.memory_space<vmem>> -> memref<80xi32, #tpu.memory_space<vmem>>
      %dma_start3A_188 = arith.constant 0 : i32
      %dma_start3A_189 = arith.constant 0 : i32
      %dma_start3A_190 = tpu.memref_slice %arg9[%dma_start3A_188, %dma_start3A_189] : memref<10000x32xf32, #tpu.memory_space<vmem_shared>> -> memref<10000x32xf32, #tpu.memory_space<vmem_shared>>
      tpu.enqueue_indirect_dma source(%dma_start3A_184 : memref<80x32xf32, #tpu.memory_space<vmem>>) target(%dma_start3A_190 : memref<10000x32xf32, #tpu.memory_space<vmem_shared>>) offsets(%dma_start3A_187 : memref<80xi32, #tpu.memory_space<vmem>>) semaphore(%arg12 : memref<!tpu.dma_semaphore, #tpu.memory_space<semaphore_mem>>) {add = true}
      %mul3A_191 = arith.constant 5 : i32
      %mul3A_192 = arith.muli %mul3A_164, %mul3A_191 : i32
      %add3A_193 = arith.constant 2 : i32
      %add3A_194 = arith.addi %mul3A_192, %add3A_193 : i32
      %dma_start3A_195 = arith.constant 160 : i32
      %dma_start3A_196 = arith.constant 0 : i32
      %dma_start3A_197 = tpu.memref_slice %arg6[%dma_start3A_195, %dma_start3A_196] : memref<400x32xf32, #tpu.memory_space<vmem>> -> memref<80x32xf32, #tpu.memory_space<vmem>>
      %dma_start3A_198 = arith.constant 0 : i32
      %dma_start3A_199 = tpu.memref_slice %arg5[%add3A_194, %dma_start3A_198] : memref<125x80xi32, #tpu.memory_space<vmem>> -> memref<1x80xi32, #tpu.memory_space<vmem>>
      %dma_start3A_200 = tpu.memref_squeeze %dma_start3A_199 : memref<1x80xi32, #tpu.memory_space<vmem>> -> memref<80xi32, #tpu.memory_space<vmem>>
      %dma_start3A_201 = arith.constant 0 : i32
      %dma_start3A_202 = arith.constant 0 : i32
      %dma_start3A_203 = tpu.memref_slice %arg9[%dma_start3A_201, %dma_start3A_202] : memref<10000x32xf32, #tpu.memory_space<vmem_shared>> -> memref<10000x32xf32, #tpu.memory_space<vmem_shared>>
      tpu.enqueue_indirect_dma source(%dma_start3A_197 : memref<80x32xf32, #tpu.memory_space<vmem>>) target(%dma_start3A_203 : memref<10000x32xf32, #tpu.memory_space<vmem_shared>>) offsets(%dma_start3A_200 : memref<80xi32, #tpu.memory_space<vmem>>) semaphore(%arg12 : memref<!tpu.dma_semaphore, #tpu.memory_space<semaphore_mem>>) {add = true}
      %mul3A_204 = arith.constant 5 : i32
      %mul3A_205 = arith.muli %mul3A_164, %mul3A_204 : i32
      %add3A_206 = arith.constant 3 : i32
      %add3A_207 = arith.addi %mul3A_205, %add3A_206 : i32
      %dma_start3A_208 = arith.constant 240 : i32
      %dma_start3A_209 = arith.constant 0 : i32
      %dma_start3A_210 = tpu.memref_slice %arg6[%dma_start3A_208, %dma_start3A_209] : memref<400x32xf32, #tpu.memory_space<vmem>> -> memref<80x32xf32, #tpu.memory_space<vmem>>
      %dma_start3A_211 = arith.constant 0 : i32
      %dma_start3A_212 = tpu.memref_slice %arg5[%add3A_207, %dma_start3A_211] : memref<125x80xi32, #tpu.memory_space<vmem>> -> memref<1x80xi32, #tpu.memory_space<vmem>>
      %dma_start3A_213 = tpu.memref_squeeze %dma_start3A_212 : memref<1x80xi32, #tpu.memory_space<vmem>> -> memref<80xi32, #tpu.memory_space<vmem>>
      %dma_start3A_214 = arith.constant 0 : i32
      %dma_start3A_215 = arith.constant 0 : i32
      %dma_start3A_216 = tpu.memref_slice %arg9[%dma_start3A_214, %dma_start3A_215] : memref<10000x32xf32, #tpu.memory_space<vmem_shared>> -> memref<10000x32xf32, #tpu.memory_space<vmem_shared>>
      tpu.enqueue_indirect_dma source(%dma_start3A_210 : memref<80x32xf32, #tpu.memory_space<vmem>>) target(%dma_start3A_216 : memref<10000x32xf32, #tpu.memory_space<vmem_shared>>) offsets(%dma_start3A_213 : memref<80xi32, #tpu.memory_space<vmem>>) semaphore(%arg12 : memref<!tpu.dma_semaphore, #tpu.memory_space<semaphore_mem>>) {add = true}
      %mul3A_217 = arith.constant 5 : i32
      %mul3A_218 = arith.muli %mul3A_164, %mul3A_217 : i32
      %add3A_219 = arith.constant 4 : i32
      %add3A_220 = arith.addi %mul3A_218, %add3A_219 : i32
      %dma_start3A_221 = arith.constant 320 : i32
      %dma_start3A_222 = arith.constant 0 : i32
      %dma_start3A_223 = tpu.memref_slice %arg6[%dma_start3A_221, %dma_start3A_222] : memref<400x32xf32, #tpu.memory_space<vmem>> -> memref<80x32xf32, #tpu.memory_space<vmem>>
      %dma_start3A_224 = arith.constant 0 : i32
      %dma_start3A_225 = tpu.memref_slice %arg5[%add3A_220, %dma_start3A_224] : memref<125x80xi32, #tpu.memory_space<vmem>> -> memref<1x80xi32, #tpu.memory_space<vmem>>
      %dma_start3A_226 = tpu.memref_squeeze %dma_start3A_225 : memref<1x80xi32, #tpu.memory_space<vmem>> -> memref<80xi32, #tpu.memory_space<vmem>>
      %dma_start3A_227 = arith.constant 0 : i32
      %dma_start3A_228 = arith.constant 0 : i32
      %dma_start3A_229 = tpu.memref_slice %arg9[%dma_start3A_227, %dma_start3A_228] : memref<10000x32xf32, #tpu.memory_space<vmem_shared>> -> memref<10000x32xf32, #tpu.memory_space<vmem_shared>>
      tpu.enqueue_indirect_dma source(%dma_start3A_223 : memref<80x32xf32, #tpu.memory_space<vmem>>) target(%dma_start3A_229 : memref<10000x32xf32, #tpu.memory_space<vmem_shared>>) offsets(%dma_start3A_226 : memref<80xi32, #tpu.memory_space<vmem>>) semaphore(%arg12 : memref<!tpu.dma_semaphore, #tpu.memory_space<semaphore_mem>>) {add = true}
      %dma_wait3A_230 = arith.constant 0 : i32
      %dma_wait3A_231 = tpu.memref_slice %arg2[%add3A_154, %dma_wait3A_230] : memref<320000x32xf32, #tpu.memory_space<hbm>> -> memref<400x32xf32, #tpu.memory_space<hbm>>
      %dma_wait3A_232 = arith.constant 0 : i32
      %dma_wait3A_233 = tpu.memref_slice %arg2[%add3A_154, %dma_wait3A_232] : memref<320000x32xf32, #tpu.memory_space<hbm>> -> memref<400x32xf32, #tpu.memory_space<hbm>>
      tpu.wait_dma2 semaphore(%arg11 : memref<!tpu.dma_semaphore, #tpu.memory_space<semaphore_mem>>) src(%dma_wait3A_233 : memref<400x32xf32, #tpu.memory_space<hbm>>) dst(%arg7 : memref<400x32xf32, #tpu.memory_space<vmem>>)
      %mul3A_234 = arith.constant 2 : i32
      %mul3A_235 = arith.muli %mul3A_234, %scan3A_138 : i32
      %add3A_236 = arith.constant 1 : i32
      %add3A_237 = arith.addi %mul3A_235, %add3A_236 : i32
      %mul3A_238 = arith.constant 5 : i32
      %mul3A_239 = arith.muli %add3A_237, %mul3A_238 : i32
      %add3A_240 = arith.constant 0 : i32
      %add3A_241 = arith.addi %mul3A_239, %add3A_240 : i32
      %dma_start3A_242 = arith.constant 0 : i32
      %dma_start3A_243 = arith.constant 0 : i32
      %dma_start3A_244 = tpu.memref_slice %arg7[%dma_start3A_242, %dma_start3A_243] : memref<400x32xf32, #tpu.memory_space<vmem>> -> memref<80x32xf32, #tpu.memory_space<vmem>>
      %dma_start3A_245 = arith.constant 0 : i32
      %dma_start3A_246 = tpu.memref_slice %arg5[%add3A_241, %dma_start3A_245] : memref<125x80xi32, #tpu.memory_space<vmem>> -> memref<1x80xi32, #tpu.memory_space<vmem>>
      %dma_start3A_247 = tpu.memref_squeeze %dma_start3A_246 : memref<1x80xi32, #tpu.memory_space<vmem>> -> memref<80xi32, #tpu.memory_space<vmem>>
      %dma_start3A_248 = arith.constant 0 : i32
      %dma_start3A_249 = arith.constant 0 : i32
      %dma_start3A_250 = tpu.memref_slice %arg9[%dma_start3A_248, %dma_start3A_249] : memref<10000x32xf32, #tpu.memory_space<vmem_shared>> -> memref<10000x32xf32, #tpu.memory_space<vmem_shared>>
      tpu.enqueue_indirect_dma source(%dma_start3A_244 : memref<80x32xf32, #tpu.memory_space<vmem>>) target(%dma_start3A_250 : memref<10000x32xf32, #tpu.memory_space<vmem_shared>>) offsets(%dma_start3A_247 : memref<80xi32, #tpu.memory_space<vmem>>) semaphore(%arg13 : memref<!tpu.dma_semaphore, #tpu.memory_space<semaphore_mem>>) {add = true}
      %mul3A_251 = arith.constant 5 : i32
      %mul3A_252 = arith.muli %add3A_237, %mul3A_251 : i32
      %add3A_253 = arith.constant 1 : i32
      %add3A_254 = arith.addi %mul3A_252, %add3A_253 : i32
      %dma_start3A_255 = arith.constant 80 : i32
      %dma_start3A_256 = arith.constant 0 : i32
      %dma_start3A_257 = tpu.memref_slice %arg7[%dma_start3A_255, %dma_start3A_256] : memref<400x32xf32, #tpu.memory_space<vmem>> -> memref<80x32xf32, #tpu.memory_space<vmem>>
      %dma_start3A_258 = arith.constant 0 : i32
      %dma_start3A_259 = tpu.memref_slice %arg5[%add3A_254, %dma_start3A_258] : memref<125x80xi32, #tpu.memory_space<vmem>> -> memref<1x80xi32, #tpu.memory_space<vmem>>
      %dma_start3A_260 = tpu.memref_squeeze %dma_start3A_259 : memref<1x80xi32, #tpu.memory_space<vmem>> -> memref<80xi32, #tpu.memory_space<vmem>>
      %dma_start3A_261 = arith.constant 0 : i32
      %dma_start3A_262 = arith.constant 0 : i32
      %dma_start3A_263 = tpu.memref_slice %arg9[%dma_start3A_261, %dma_start3A_262] : memref<10000x32xf32, #tpu.memory_space<vmem_shared>> -> memref<10000x32xf32, #tpu.memory_space<vmem_shared>>
      tpu.enqueue_indirect_dma source(%dma_start3A_257 : memref<80x32xf32, #tpu.memory_space<vmem>>) target(%dma_start3A_263 : memref<10000x32xf32, #tpu.memory_space<vmem_shared>>) offsets(%dma_start3A_260 : memref<80xi32, #tpu.memory_space<vmem>>) semaphore(%arg13 : memref<!tpu.dma_semaphore, #tpu.memory_space<semaphore_mem>>) {add = true}
      %mul3A_264 = arith.constant 5 : i32
      %mul3A_265 = arith.muli %add3A_237, %mul3A_264 : i32
      %add3A_266 = arith.constant 2 : i32
      %add3A_267 = arith.addi %mul3A_265, %add3A_266 : i32
      %dma_start3A_268 = arith.constant 160 : i32
      %dma_start3A_269 = arith.constant 0 : i32
      %dma_start3A_270 = tpu.memref_slice %arg7[%dma_start3A_268, %dma_start3A_269] : memref<400x32xf32, #tpu.memory_space<vmem>> -> memref<80x32xf32, #tpu.memory_space<vmem>>
      %dma_start3A_271 = arith.constant 0 : i32
      %dma_start3A_272 = tpu.memref_slice %arg5[%add3A_267, %dma_start3A_271] : memref<125x80xi32, #tpu.memory_space<vmem>> -> memref<1x80xi32, #tpu.memory_space<vmem>>
      %dma_start3A_273 = tpu.memref_squeeze %dma_start3A_272 : memref<1x80xi32, #tpu.memory_space<vmem>> -> memref<80xi32, #tpu.memory_space<vmem>>
      %dma_start3A_274 = arith.constant 0 : i32
      %dma_start3A_275 = arith.constant 0 : i32
      %dma_start3A_276 = tpu.memref_slice %arg9[%dma_start3A_274, %dma_start3A_275] : memref<10000x32xf32, #tpu.memory_space<vmem_shared>> -> memref<10000x32xf32, #tpu.memory_space<vmem_shared>>
      tpu.enqueue_indirect_dma source(%dma_start3A_270 : memref<80x32xf32, #tpu.memory_space<vmem>>) target(%dma_start3A_276 : memref<10000x32xf32, #tpu.memory_space<vmem_shared>>) offsets(%dma_start3A_273 : memref<80xi32, #tpu.memory_space<vmem>>) semaphore(%arg13 : memref<!tpu.dma_semaphore, #tpu.memory_space<semaphore_mem>>) {add = true}
      %mul3A_277 = arith.constant 5 : i32
      %mul3A_278 = arith.muli %add3A_237, %mul3A_277 : i32
      %add3A_279 = arith.constant 3 : i32
      %add3A_280 = arith.addi %mul3A_278, %add3A_279 : i32
      %dma_start3A_281 = arith.constant 240 : i32
      %dma_start3A_282 = arith.constant 0 : i32
      %dma_start3A_283 = tpu.memref_slice %arg7[%dma_start3A_281, %dma_start3A_282] : memref<400x32xf32, #tpu.memory_space<vmem>> -> memref<80x32xf32, #tpu.memory_space<vmem>>
      %dma_start3A_284 = arith.constant 0 : i32
      %dma_start3A_285 = tpu.memref_slice %arg5[%add3A_280, %dma_start3A_284] : memref<125x80xi32, #tpu.memory_space<vmem>> -> memref<1x80xi32, #tpu.memory_space<vmem>>
      %dma_start3A_286 = tpu.memref_squeeze %dma_start3A_285 : memref<1x80xi32, #tpu.memory_space<vmem>> -> memref<80xi32, #tpu.memory_space<vmem>>
      %dma_start3A_287 = arith.constant 0 : i32
      %dma_start3A_288 = arith.constant 0 : i32
      %dma_start3A_289 = tpu.memref_slice %arg9[%dma_start3A_287, %dma_start3A_288] : memref<10000x32xf32, #tpu.memory_space<vmem_shared>> -> memref<10000x32xf32, #tpu.memory_space<vmem_shared>>
      tpu.enqueue_indirect_dma source(%dma_start3A_283 : memref<80x32xf32, #tpu.memory_space<vmem>>) target(%dma_start3A_289 : memref<10000x32xf32, #tpu.memory_space<vmem_shared>>) offsets(%dma_start3A_286 : memref<80xi32, #tpu.memory_space<vmem>>) semaphore(%arg13 : memref<!tpu.dma_semaphore, #tpu.memory_space<semaphore_mem>>) {add = true}
      %mul3A_290 = arith.constant 5 : i32
      %mul3A_291 = arith.muli %add3A_237, %mul3A_290 : i32
      %add3A_292 = arith.constant 4 : i32
      %add3A_293 = arith.addi %mul3A_291, %add3A_292 : i32
      %dma_start3A_294 = arith.constant 320 : i32
      %dma_start3A_295 = arith.constant 0 : i32
      %dma_start3A_296 = tpu.memref_slice %arg7[%dma_start3A_294, %dma_start3A_295] : memref<400x32xf32, #tpu.memory_space<vmem>> -> memref<80x32xf32, #tpu.memory_space<vmem>>
      %dma_start3A_297 = arith.constant 0 : i32
      %dma_start3A_298 = tpu.memref_slice %arg5[%add3A_293, %dma_start3A_297] : memref<125x80xi32, #tpu.memory_space<vmem>> -> memref<1x80xi32, #tpu.memory_space<vmem>>
      %dma_start3A_299 = tpu.memref_squeeze %dma_start3A_298 : memref<1x80xi32, #tpu.memory_space<vmem>> -> memref<80xi32, #tpu.memory_space<vmem>>
      %dma_start3A_300 = arith.constant 0 : i32
      %dma_start3A_301 = arith.constant 0 : i32
      %dma_start3A_302 = tpu.memref_slice %arg9[%dma_start3A_300, %dma_start3A_301] : memref<10000x32xf32, #tpu.memory_space<vmem_shared>> -> memref<10000x32xf32, #tpu.memory_space<vmem_shared>>
      tpu.enqueue_indirect_dma source(%dma_start3A_296 : memref<80x32xf32, #tpu.memory_space<vmem>>) target(%dma_start3A_302 : memref<10000x32xf32, #tpu.memory_space<vmem_shared>>) offsets(%dma_start3A_299 : memref<80xi32, #tpu.memory_space<vmem>>) semaphore(%arg13 : memref<!tpu.dma_semaphore, #tpu.memory_space<semaphore_mem>>) {add = true}
      %dma_wait3A_303 = arith.constant 0 : i32
      %dma_wait3A_304 = arith.constant 0 : i32
      %dma_wait3A_305 = tpu.memref_slice %arg6[%dma_wait3A_303, %dma_wait3A_304] : memref<400x32xf32, #tpu.memory_space<vmem>> -> memref<80x32xf32, #tpu.memory_space<vmem>>
      %dma_wait3A_306 = arith.constant 0 : i32
      %dma_wait3A_307 = tpu.memref_slice %arg5[%add3A_168, %dma_wait3A_306] : memref<125x80xi32, #tpu.memory_space<vmem>> -> memref<1x80xi32, #tpu.memory_space<vmem>>
      %dma_wait3A_308 = tpu.memref_squeeze %dma_wait3A_307 : memref<1x80xi32, #tpu.memory_space<vmem>> -> memref<80xi32, #tpu.memory_space<vmem>>
      %dma_wait3A_309 = arith.constant 0 : i32
      %dma_wait3A_310 = arith.constant 0 : i32
      %dma_wait3A_311 = tpu.memref_slice %arg9[%dma_wait3A_309, %dma_wait3A_310] : memref<10000x32xf32, #tpu.memory_space<vmem_shared>> -> memref<10000x32xf32, #tpu.memory_space<vmem_shared>>
      tpu.wait_indirect_dma semaphore(%arg12 : memref<!tpu.dma_semaphore, #tpu.memory_space<semaphore_mem>>) src(%dma_wait3A_305 : memref<80x32xf32, #tpu.memory_space<vmem>>) dst(%dma_wait3A_311 : memref<10000x32xf32, #tpu.memory_space<vmem_shared>>)
      %dma_wait3A_312 = arith.constant 80 : i32
      %dma_wait3A_313 = arith.constant 0 : i32
      %dma_wait3A_314 = tpu.memref_slice %arg6[%dma_wait3A_312, %dma_wait3A_313] : memref<400x32xf32, #tpu.memory_space<vmem>> -> memref<80x32xf32, #tpu.memory_space<vmem>>
      %dma_wait3A_315 = arith.constant 0 : i32
      %dma_wait3A_316 = tpu.memref_slice %arg5[%add3A_181, %dma_wait3A_315] : memref<125x80xi32, #tpu.memory_space<vmem>> -> memref<1x80xi32, #tpu.memory_space<vmem>>
      %dma_wait3A_317 = tpu.memref_squeeze %dma_wait3A_316 : memref<1x80xi32, #tpu.memory_space<vmem>> -> memref<80xi32, #tpu.memory_space<vmem>>
      %dma_wait3A_318 = arith.constant 0 : i32
      %dma_wait3A_319 = arith.constant 0 : i32
      %dma_wait3A_320 = tpu.memref_slice %arg9[%dma_wait3A_318, %dma_wait3A_319] : memref<10000x32xf32, #tpu.memory_space<vmem_shared>> -> memref<10000x32xf32, #tpu.memory_space<vmem_shared>>
      tpu.wait_indirect_dma semaphore(%arg12 : memref<!tpu.dma_semaphore, #tpu.memory_space<semaphore_mem>>) src(%dma_wait3A_314 : memref<80x32xf32, #tpu.memory_space<vmem>>) dst(%dma_wait3A_320 : memref<10000x32xf32, #tpu.memory_space<vmem_shared>>)
      %dma_wait3A_321 = arith.constant 160 : i32
      %dma_wait3A_322 = arith.constant 0 : i32
      %dma_wait3A_323 = tpu.memref_slice %arg6[%dma_wait3A_321, %dma_wait3A_322] : memref<400x32xf32, #tpu.memory_space<vmem>> -> memref<80x32xf32, #tpu.memory_space<vmem>>
      %dma_wait3A_324 = arith.constant 0 : i32
      %dma_wait3A_325 = tpu.memref_slice %arg5[%add3A_194, %dma_wait3A_324] : memref<125x80xi32, #tpu.memory_space<vmem>> -> memref<1x80xi32, #tpu.memory_space<vmem>>
      %dma_wait3A_326 = tpu.memref_squeeze %dma_wait3A_325 : memref<1x80xi32, #tpu.memory_space<vmem>> -> memref<80xi32, #tpu.memory_space<vmem>>
      %dma_wait3A_327 = arith.constant 0 : i32
      %dma_wait3A_328 = arith.constant 0 : i32
      %dma_wait3A_329 = tpu.memref_slice %arg9[%dma_wait3A_327, %dma_wait3A_328] : memref<10000x32xf32, #tpu.memory_space<vmem_shared>> -> memref<10000x32xf32, #tpu.memory_space<vmem_shared>>
      tpu.wait_indirect_dma semaphore(%arg12 : memref<!tpu.dma_semaphore, #tpu.memory_space<semaphore_mem>>) src(%dma_wait3A_323 : memref<80x32xf32, #tpu.memory_space<vmem>>) dst(%dma_wait3A_329 : memref<10000x32xf32, #tpu.memory_space<vmem_shared>>)
      %dma_wait3A_330 = arith.constant 240 : i32
      %dma_wait3A_331 = arith.constant 0 : i32
      %dma_wait3A_332 = tpu.memref_slice %arg6[%dma_wait3A_330, %dma_wait3A_331] : memref<400x32xf32, #tpu.memory_space<vmem>> -> memref<80x32xf32, #tpu.memory_space<vmem>>
      %dma_wait3A_333 = arith.constant 0 : i32
      %dma_wait3A_334 = tpu.memref_slice %arg5[%add3A_207, %dma_wait3A_333] : memref<125x80xi32, #tpu.memory_space<vmem>> -> memref<1x80xi32, #tpu.memory_space<vmem>>
      %dma_wait3A_335 = tpu.memref_squeeze %dma_wait3A_334 : memref<1x80xi32, #tpu.memory_space<vmem>> -> memref<80xi32, #tpu.memory_space<vmem>>
      %dma_wait3A_336 = arith.constant 0 : i32
      %dma_wait3A_337 = arith.constant 0 : i32
      %dma_wait3A_338 = tpu.memref_slice %arg9[%dma_wait3A_336, %dma_wait3A_337] : memref<10000x32xf32, #tpu.memory_space<vmem_shared>> -> memref<10000x32xf32, #tpu.memory_space<vmem_shared>>
      tpu.wait_indirect_dma semaphore(%arg12 : memref<!tpu.dma_semaphore, #tpu.memory_space<semaphore_mem>>) src(%dma_wait3A_332 : memref<80x32xf32, #tpu.memory_space<vmem>>) dst(%dma_wait3A_338 : memref<10000x32xf32, #tpu.memory_space<vmem_shared>>)
      %dma_wait3A_339 = arith.constant 320 : i32
      %dma_wait3A_340 = arith.constant 0 : i32
      %dma_wait3A_341 = tpu.memref_slice %arg6[%dma_wait3A_339, %dma_wait3A_340] : memref<400x32xf32, #tpu.memory_space<vmem>> -> memref<80x32xf32, #tpu.memory_space<vmem>>
      %dma_wait3A_342 = arith.constant 0 : i32
      %dma_wait3A_343 = tpu.memref_slice %arg5[%add3A_220, %dma_wait3A_342] : memref<125x80xi32, #tpu.memory_space<vmem>> -> memref<1x80xi32, #tpu.memory_space<vmem>>
      %dma_wait3A_344 = tpu.memref_squeeze %dma_wait3A_343 : memref<1x80xi32, #tpu.memory_space<vmem>> -> memref<80xi32, #tpu.memory_space<vmem>>
      %dma_wait3A_345 = arith.constant 0 : i32
      %dma_wait3A_346 = arith.constant 0 : i32
      %dma_wait3A_347 = tpu.memref_slice %arg9[%dma_wait3A_345, %dma_wait3A_346] : memref<10000x32xf32, #tpu.memory_space<vmem_shared>> -> memref<10000x32xf32, #tpu.memory_space<vmem_shared>>
      tpu.wait_indirect_dma semaphore(%arg12 : memref<!tpu.dma_semaphore, #tpu.memory_space<semaphore_mem>>) src(%dma_wait3A_341 : memref<80x32xf32, #tpu.memory_space<vmem>>) dst(%dma_wait3A_347 : memref<10000x32xf32, #tpu.memory_space<vmem_shared>>)
      %dma_wait3A_348 = arith.constant 0 : i32
      %dma_wait3A_349 = arith.constant 0 : i32
      %dma_wait3A_350 = tpu.memref_slice %arg7[%dma_wait3A_348, %dma_wait3A_349] : memref<400x32xf32, #tpu.memory_space<vmem>> -> memref<80x32xf32, #tpu.memory_space<vmem>>
      %dma_wait3A_351 = arith.constant 0 : i32
      %dma_wait3A_352 = tpu.memref_slice %arg5[%add3A_241, %dma_wait3A_351] : memref<125x80xi32, #tpu.memory_space<vmem>> -> memref<1x80xi32, #tpu.memory_space<vmem>>
      %dma_wait3A_353 = tpu.memref_squeeze %dma_wait3A_352 : memref<1x80xi32, #tpu.memory_space<vmem>> -> memref<80xi32, #tpu.memory_space<vmem>>
      %dma_wait3A_354 = arith.constant 0 : i32
      %dma_wait3A_355 = arith.constant 0 : i32
      %dma_wait3A_356 = tpu.memref_slice %arg9[%dma_wait3A_354, %dma_wait3A_355] : memref<10000x32xf32, #tpu.memory_space<vmem_shared>> -> memref<10000x32xf32, #tpu.memory_space<vmem_shared>>
      tpu.wait_indirect_dma semaphore(%arg13 : memref<!tpu.dma_semaphore, #tpu.memory_space<semaphore_mem>>) src(%dma_wait3A_350 : memref<80x32xf32, #tpu.memory_space<vmem>>) dst(%dma_wait3A_356 : memref<10000x32xf32, #tpu.memory_space<vmem_shared>>)
      %dma_wait3A_357 = arith.constant 80 : i32
      %dma_wait3A_358 = arith.constant 0 : i32
      %dma_wait3A_359 = tpu.memref_slice %arg7[%dma_wait3A_357, %dma_wait3A_358] : memref<400x32xf32, #tpu.memory_space<vmem>> -> memref<80x32xf32, #tpu.memory_space<vmem>>
      %dma_wait3A_360 = arith.constant 0 : i32
      %dma_wait3A_361 = tpu.memref_slice %arg5[%add3A_254, %dma_wait3A_360] : memref<125x80xi32, #tpu.memory_space<vmem>> -> memref<1x80xi32, #tpu.memory_space<vmem>>
      %dma_wait3A_362 = tpu.memref_squeeze %dma_wait3A_361 : memref<1x80xi32, #tpu.memory_space<vmem>> -> memref<80xi32, #tpu.memory_space<vmem>>
      %dma_wait3A_363 = arith.constant 0 : i32
      %dma_wait3A_364 = arith.constant 0 : i32
      %dma_wait3A_365 = tpu.memref_slice %arg9[%dma_wait3A_363, %dma_wait3A_364] : memref<10000x32xf32, #tpu.memory_space<vmem_shared>> -> memref<10000x32xf32, #tpu.memory_space<vmem_shared>>
      tpu.wait_indirect_dma semaphore(%arg13 : memref<!tpu.dma_semaphore, #tpu.memory_space<semaphore_mem>>) src(%dma_wait3A_359 : memref<80x32xf32, #tpu.memory_space<vmem>>) dst(%dma_wait3A_365 : memref<10000x32xf32, #tpu.memory_space<vmem_shared>>)
      %dma_wait3A_366 = arith.constant 160 : i32
      %dma_wait3A_367 = arith.constant 0 : i32
      %dma_wait3A_368 = tpu.memref_slice %arg7[%dma_wait3A_366, %dma_wait3A_367] : memref<400x32xf32, #tpu.memory_space<vmem>> -> memref<80x32xf32, #tpu.memory_space<vmem>>
      %dma_wait3A_369 = arith.constant 0 : i32
      %dma_wait3A_370 = tpu.memref_slice %arg5[%add3A_267, %dma_wait3A_369] : memref<125x80xi32, #tpu.memory_space<vmem>> -> memref<1x80xi32, #tpu.memory_space<vmem>>
      %dma_wait3A_371 = tpu.memref_squeeze %dma_wait3A_370 : memref<1x80xi32, #tpu.memory_space<vmem>> -> memref<80xi32, #tpu.memory_space<vmem>>
      %dma_wait3A_372 = arith.constant 0 : i32
      %dma_wait3A_373 = arith.constant 0 : i32
      %dma_wait3A_374 = tpu.memref_slice %arg9[%dma_wait3A_372, %dma_wait3A_373] : memref<10000x32xf32, #tpu.memory_space<vmem_shared>> -> memref<10000x32xf32, #tpu.memory_space<vmem_shared>>
      tpu.wait_indirect_dma semaphore(%arg13 : memref<!tpu.dma_semaphore, #tpu.memory_space<semaphore_mem>>) src(%dma_wait3A_368 : memref<80x32xf32, #tpu.memory_space<vmem>>) dst(%dma_wait3A_374 : memref<10000x32xf32, #tpu.memory_space<vmem_shared>>)
      %dma_wait3A_375 = arith.constant 240 : i32
      %dma_wait3A_376 = arith.constant 0 : i32
      %dma_wait3A_377 = tpu.memref_slice %arg7[%dma_wait3A_375, %dma_wait3A_376] : memref<400x32xf32, #tpu.memory_space<vmem>> -> memref<80x32xf32, #tpu.memory_space<vmem>>
      %dma_wait3A_378 = arith.constant 0 : i32
      %dma_wait3A_379 = tpu.memref_slice %arg5[%add3A_280, %dma_wait3A_378] : memref<125x80xi32, #tpu.memory_space<vmem>> -> memref<1x80xi32, #tpu.memory_space<vmem>>
      %dma_wait3A_380 = tpu.memref_squeeze %dma_wait3A_379 : memref<1x80xi32, #tpu.memory_space<vmem>> -> memref<80xi32, #tpu.memory_space<vmem>>
      %dma_wait3A_381 = arith.constant 0 : i32
      %dma_wait3A_382 = arith.constant 0 : i32
      %dma_wait3A_383 = tpu.memref_slice %arg9[%dma_wait3A_381, %dma_wait3A_382] : memref<10000x32xf32, #tpu.memory_space<vmem_shared>> -> memref<10000x32xf32, #tpu.memory_space<vmem_shared>>
      tpu.wait_indirect_dma semaphore(%arg13 : memref<!tpu.dma_semaphore, #tpu.memory_space<semaphore_mem>>) src(%dma_wait3A_377 : memref<80x32xf32, #tpu.memory_space<vmem>>) dst(%dma_wait3A_383 : memref<10000x32xf32, #tpu.memory_space<vmem_shared>>)
      %dma_wait3A_384 = arith.constant 320 : i32
      %dma_wait3A_385 = arith.constant 0 : i32
      %dma_wait3A_386 = tpu.memref_slice %arg7[%dma_wait3A_384, %dma_wait3A_385] : memref<400x32xf32, #tpu.memory_space<vmem>> -> memref<80x32xf32, #tpu.memory_space<vmem>>
      %dma_wait3A_387 = arith.constant 0 : i32
      %dma_wait3A_388 = tpu.memref_slice %arg5[%add3A_293, %dma_wait3A_387] : memref<125x80xi32, #tpu.memory_space<vmem>> -> memref<1x80xi32, #tpu.memory_space<vmem>>
      %dma_wait3A_389 = tpu.memref_squeeze %dma_wait3A_388 : memref<1x80xi32, #tpu.memory_space<vmem>> -> memref<80xi32, #tpu.memory_space<vmem>>
      %dma_wait3A_390 = arith.constant 0 : i32
      %dma_wait3A_391 = arith.constant 0 : i32
      %dma_wait3A_392 = tpu.memref_slice %arg9[%dma_wait3A_390, %dma_wait3A_391] : memref<10000x32xf32, #tpu.memory_space<vmem_shared>> -> memref<10000x32xf32, #tpu.memory_space<vmem_shared>>
      tpu.wait_indirect_dma semaphore(%arg13 : memref<!tpu.dma_semaphore, #tpu.memory_space<semaphore_mem>>) src(%dma_wait3A_386 : memref<80x32xf32, #tpu.memory_space<vmem>>) dst(%dma_wait3A_392 : memref<10000x32xf32, #tpu.memory_space<vmem_shared>>)
    }
    %scan3A_22 = arith.constant 12 : i32
    %add3A_23 = arith.constant 9600 : i32
    %add3A_24 = arith.addi %mul3A_2, %add3A_23 : i32
    %dma_start3A = arith.constant 0 : i32
    %dma_start3A_25 = tpu.memref_slice %arg2[%add3A_24, %dma_start3A] : memref<320000x32xf32, #tpu.memory_space<hbm>> -> memref<400x32xf32, #tpu.memory_space<hbm>>
    %dma_start3A_26 = arith.constant 0 : i32
    %dma_start3A_27 = tpu.memref_slice %arg2[%add3A_24, %dma_start3A_26] : memref<320000x32xf32, #tpu.memory_space<hbm>> -> memref<400x32xf32, #tpu.memory_space<hbm>>
    tpu.enqueue_dma source(%dma_start3A_27 : memref<400x32xf32, #tpu.memory_space<hbm>>) target(%arg6 : memref<400x32xf32, #tpu.memory_space<vmem>>) target_semaphore(%arg10 : memref<!tpu.dma_semaphore, #tpu.memory_space<semaphore_mem>>)
    %dma_wait3A = arith.constant 0 : i32
    %dma_wait3A_28 = tpu.memref_slice %arg2[%add3A_24, %dma_wait3A] : memref<320000x32xf32, #tpu.memory_space<hbm>> -> memref<400x32xf32, #tpu.memory_space<hbm>>
    %dma_wait3A_29 = arith.constant 0 : i32
    %dma_wait3A_30 = tpu.memref_slice %arg2[%add3A_24, %dma_wait3A_29] : memref<320000x32xf32, #tpu.memory_space<hbm>> -> memref<400x32xf32, #tpu.memory_space<hbm>>
    tpu.wait_dma2 semaphore(%arg10 : memref<!tpu.dma_semaphore, #tpu.memory_space<semaphore_mem>>) src(%dma_wait3A_30 : memref<400x32xf32, #tpu.memory_space<hbm>>) dst(%arg6 : memref<400x32xf32, #tpu.memory_space<vmem>>)
    %dma_start3A_31 = arith.constant 120 : i32
    %dma_start3A_32 = arith.constant 0 : i32
    %dma_start3A_33 = arith.constant 0 : i32
    %dma_start3A_34 = tpu.memref_slice %arg6[%dma_start3A_32, %dma_start3A_33] : memref<400x32xf32, #tpu.memory_space<vmem>> -> memref<80x32xf32, #tpu.memory_space<vmem>>
    %dma_start3A_35 = arith.constant 0 : i32
    %dma_start3A_36 = tpu.memref_slice %arg5[%dma_start3A_31, %dma_start3A_35] : memref<125x80xi32, #tpu.memory_space<vmem>> -> memref<1x80xi32, #tpu.memory_space<vmem>>
    %dma_start3A_37 = tpu.memref_squeeze %dma_start3A_36 : memref<1x80xi32, #tpu.memory_space<vmem>> -> memref<80xi32, #tpu.memory_space<vmem>>
    %dma_start3A_38 = arith.constant 0 : i32
    %dma_start3A_39 = arith.constant 0 : i32
    %dma_start3A_40 = tpu.memref_slice %arg9[%dma_start3A_38, %dma_start3A_39] : memref<10000x32xf32, #tpu.memory_space<vmem_shared>> -> memref<10000x32xf32, #tpu.memory_space<vmem_shared>>
    tpu.enqueue_indirect_dma source(%dma_start3A_34 : memref<80x32xf32, #tpu.memory_space<vmem>>) target(%dma_start3A_40 : memref<10000x32xf32, #tpu.memory_space<vmem_shared>>) offsets(%dma_start3A_37 : memref<80xi32, #tpu.memory_space<vmem>>) semaphore(%arg12 : memref<!tpu.dma_semaphore, #tpu.memory_space<semaphore_mem>>) {add = true}
    %dma_start3A_41 = arith.constant 121 : i32
    %dma_start3A_42 = arith.constant 80 : i32
    %dma_start3A_43 = arith.constant 0 : i32
    %dma_start3A_44 = tpu.memref_slice %arg6[%dma_start3A_42, %dma_start3A_43] : memref<400x32xf32, #tpu.memory_space<vmem>> -> memref<80x32xf32, #tpu.memory_space<vmem>>
    %dma_start3A_45 = arith.constant 0 : i32
    %dma_start3A_46 = tpu.memref_slice %arg5[%dma_start3A_41, %dma_start3A_45] : memref<125x80xi32, #tpu.memory_space<vmem>> -> memref<1x80xi32, #tpu.memory_space<vmem>>
    %dma_start3A_47 = tpu.memref_squeeze %dma_start3A_46 : memref<1x80xi32, #tpu.memory_space<vmem>> -> memref<80xi32, #tpu.memory_space<vmem>>
    %dma_start3A_48 = arith.constant 0 : i32
    %dma_start3A_49 = arith.constant 0 : i32
    %dma_start3A_50 = tpu.memref_slice %arg9[%dma_start3A_48, %dma_start3A_49] : memref<10000x32xf32, #tpu.memory_space<vmem_shared>> -> memref<10000x32xf32, #tpu.memory_space<vmem_shared>>
    tpu.enqueue_indirect_dma source(%dma_start3A_44 : memref<80x32xf32, #tpu.memory_space<vmem>>) target(%dma_start3A_50 : memref<10000x32xf32, #tpu.memory_space<vmem_shared>>) offsets(%dma_start3A_47 : memref<80xi32, #tpu.memory_space<vmem>>) semaphore(%arg12 : memref<!tpu.dma_semaphore, #tpu.memory_space<semaphore_mem>>) {add = true}
    %dma_start3A_51 = arith.constant 122 : i32
    %dma_start3A_52 = arith.constant 160 : i32
    %dma_start3A_53 = arith.constant 0 : i32
    %dma_start3A_54 = tpu.memref_slice %arg6[%dma_start3A_52, %dma_start3A_53] : memref<400x32xf32, #tpu.memory_space<vmem>> -> memref<80x32xf32, #tpu.memory_space<vmem>>
    %dma_start3A_55 = arith.constant 0 : i32
    %dma_start3A_56 = tpu.memref_slice %arg5[%dma_start3A_51, %dma_start3A_55] : memref<125x80xi32, #tpu.memory_space<vmem>> -> memref<1x80xi32, #tpu.memory_space<vmem>>
    %dma_start3A_57 = tpu.memref_squeeze %dma_start3A_56 : memref<1x80xi32, #tpu.memory_space<vmem>> -> memref<80xi32, #tpu.memory_space<vmem>>
    %dma_start3A_58 = arith.constant 0 : i32
    %dma_start3A_59 = arith.constant 0 : i32
    %dma_start3A_60 = tpu.memref_slice %arg9[%dma_start3A_58, %dma_start3A_59] : memref<10000x32xf32, #tpu.memory_space<vmem_shared>> -> memref<10000x32xf32, #tpu.memory_space<vmem_shared>>
    tpu.enqueue_indirect_dma source(%dma_start3A_54 : memref<80x32xf32, #tpu.memory_space<vmem>>) target(%dma_start3A_60 : memref<10000x32xf32, #tpu.memory_space<vmem_shared>>) offsets(%dma_start3A_57 : memref<80xi32, #tpu.memory_space<vmem>>) semaphore(%arg12 : memref<!tpu.dma_semaphore, #tpu.memory_space<semaphore_mem>>) {add = true}
    %dma_start3A_61 = arith.constant 123 : i32
    %dma_start3A_62 = arith.constant 240 : i32
    %dma_start3A_63 = arith.constant 0 : i32
    %dma_start3A_64 = tpu.memref_slice %arg6[%dma_start3A_62, %dma_start3A_63] : memref<400x32xf32, #tpu.memory_space<vmem>> -> memref<80x32xf32, #tpu.memory_space<vmem>>
    %dma_start3A_65 = arith.constant 0 : i32
    %dma_start3A_66 = tpu.memref_slice %arg5[%dma_start3A_61, %dma_start3A_65] : memref<125x80xi32, #tpu.memory_space<vmem>> -> memref<1x80xi32, #tpu.memory_space<vmem>>
    %dma_start3A_67 = tpu.memref_squeeze %dma_start3A_66 : memref<1x80xi32, #tpu.memory_space<vmem>> -> memref<80xi32, #tpu.memory_space<vmem>>
    %dma_start3A_68 = arith.constant 0 : i32
    %dma_start3A_69 = arith.constant 0 : i32
    %dma_start3A_70 = tpu.memref_slice %arg9[%dma_start3A_68, %dma_start3A_69] : memref<10000x32xf32, #tpu.memory_space<vmem_shared>> -> memref<10000x32xf32, #tpu.memory_space<vmem_shared>>
    tpu.enqueue_indirect_dma source(%dma_start3A_64 : memref<80x32xf32, #tpu.memory_space<vmem>>) target(%dma_start3A_70 : memref<10000x32xf32, #tpu.memory_space<vmem_shared>>) offsets(%dma_start3A_67 : memref<80xi32, #tpu.memory_space<vmem>>) semaphore(%arg12 : memref<!tpu.dma_semaphore, #tpu.memory_space<semaphore_mem>>) {add = true}
    %dma_start3A_71 = arith.constant 124 : i32
    %dma_start3A_72 = arith.constant 320 : i32
    %dma_start3A_73 = arith.constant 0 : i32
    %dma_start3A_74 = tpu.memref_slice %arg6[%dma_start3A_72, %dma_start3A_73] : memref<400x32xf32, #tpu.memory_space<vmem>> -> memref<80x32xf32, #tpu.memory_space<vmem>>
    %dma_start3A_75 = arith.constant 0 : i32
    %dma_start3A_76 = tpu.memref_slice %arg5[%dma_start3A_71, %dma_start3A_75] : memref<125x80xi32, #tpu.memory_space<vmem>> -> memref<1x80xi32, #tpu.memory_space<vmem>>
    %dma_start3A_77 = tpu.memref_squeeze %dma_start3A_76 : memref<1x80xi32, #tpu.memory_space<vmem>> -> memref<80xi32, #tpu.memory_space<vmem>>
    %dma_start3A_78 = arith.constant 0 : i32
    %dma_start3A_79 = arith.constant 0 : i32
    %dma_start3A_80 = tpu.memref_slice %arg9[%dma_start3A_78, %dma_start3A_79] : memref<10000x32xf32, #tpu.memory_space<vmem_shared>> -> memref<10000x32xf32, #tpu.memory_space<vmem_shared>>
    tpu.enqueue_indirect_dma source(%dma_start3A_74 : memref<80x32xf32, #tpu.memory_space<vmem>>) target(%dma_start3A_80 : memref<10000x32xf32, #tpu.memory_space<vmem_shared>>) offsets(%dma_start3A_77 : memref<80xi32, #tpu.memory_space<vmem>>) semaphore(%arg12 : memref<!tpu.dma_semaphore, #tpu.memory_space<semaphore_mem>>) {add = true}
    %dma_wait3A_81 = arith.constant 120 : i32
    %dma_wait3A_82 = arith.constant 0 : i32
    %dma_wait3A_83 = arith.constant 0 : i32
    %dma_wait3A_84 = tpu.memref_slice %arg6[%dma_wait3A_82, %dma_wait3A_83] : memref<400x32xf32, #tpu.memory_space<vmem>> -> memref<80x32xf32, #tpu.memory_space<vmem>>
    %dma_wait3A_85 = arith.constant 0 : i32
    %dma_wait3A_86 = tpu.memref_slice %arg5[%dma_wait3A_81, %dma_wait3A_85] : memref<125x80xi32, #tpu.memory_space<vmem>> -> memref<1x80xi32, #tpu.memory_space<vmem>>
    %dma_wait3A_87 = tpu.memref_squeeze %dma_wait3A_86 : memref<1x80xi32, #tpu.memory_space<vmem>> -> memref<80xi32, #tpu.memory_space<vmem>>
    %dma_wait3A_88 = arith.constant 0 : i32
    %dma_wait3A_89 = arith.constant 0 : i32
    %dma_wait3A_90 = tpu.memref_slice %arg9[%dma_wait3A_88, %dma_wait3A_89] : memref<10000x32xf32, #tpu.memory_space<vmem_shared>> -> memref<10000x32xf32, #tpu.memory_space<vmem_shared>>
    tpu.wait_indirect_dma semaphore(%arg12 : memref<!tpu.dma_semaphore, #tpu.memory_space<semaphore_mem>>) src(%dma_wait3A_84 : memref<80x32xf32, #tpu.memory_space<vmem>>) dst(%dma_wait3A_90 : memref<10000x32xf32, #tpu.memory_space<vmem_shared>>)
    %dma_wait3A_91 = arith.constant 121 : i32
    %dma_wait3A_92 = arith.constant 80 : i32
    %dma_wait3A_93 = arith.constant 0 : i32
    %dma_wait3A_94 = tpu.memref_slice %arg6[%dma_wait3A_92, %dma_wait3A_93] : memref<400x32xf32, #tpu.memory_space<vmem>> -> memref<80x32xf32, #tpu.memory_space<vmem>>
    %dma_wait3A_95 = arith.constant 0 : i32
    %dma_wait3A_96 = tpu.memref_slice %arg5[%dma_wait3A_91, %dma_wait3A_95] : memref<125x80xi32, #tpu.memory_space<vmem>> -> memref<1x80xi32, #tpu.memory_space<vmem>>
    %dma_wait3A_97 = tpu.memref_squeeze %dma_wait3A_96 : memref<1x80xi32, #tpu.memory_space<vmem>> -> memref<80xi32, #tpu.memory_space<vmem>>
    %dma_wait3A_98 = arith.constant 0 : i32
    %dma_wait3A_99 = arith.constant 0 : i32
    %dma_wait3A_100 = tpu.memref_slice %arg9[%dma_wait3A_98, %dma_wait3A_99] : memref<10000x32xf32, #tpu.memory_space<vmem_shared>> -> memref<10000x32xf32, #tpu.memory_space<vmem_shared>>
    tpu.wait_indirect_dma semaphore(%arg12 : memref<!tpu.dma_semaphore, #tpu.memory_space<semaphore_mem>>) src(%dma_wait3A_94 : memref<80x32xf32, #tpu.memory_space<vmem>>) dst(%dma_wait3A_100 : memref<10000x32xf32, #tpu.memory_space<vmem_shared>>)
    %dma_wait3A_101 = arith.constant 122 : i32
    %dma_wait3A_102 = arith.constant 160 : i32
    %dma_wait3A_103 = arith.constant 0 : i32
    %dma_wait3A_104 = tpu.memref_slice %arg6[%dma_wait3A_102, %dma_wait3A_103] : memref<400x32xf32, #tpu.memory_space<vmem>> -> memref<80x32xf32, #tpu.memory_space<vmem>>
    %dma_wait3A_105 = arith.constant 0 : i32
    %dma_wait3A_106 = tpu.memref_slice %arg5[%dma_wait3A_101, %dma_wait3A_105] : memref<125x80xi32, #tpu.memory_space<vmem>> -> memref<1x80xi32, #tpu.memory_space<vmem>>
    %dma_wait3A_107 = tpu.memref_squeeze %dma_wait3A_106 : memref<1x80xi32, #tpu.memory_space<vmem>> -> memref<80xi32, #tpu.memory_space<vmem>>
    %dma_wait3A_108 = arith.constant 0 : i32
    %dma_wait3A_109 = arith.constant 0 : i32
    %dma_wait3A_110 = tpu.memref_slice %arg9[%dma_wait3A_108, %dma_wait3A_109] : memref<10000x32xf32, #tpu.memory_space<vmem_shared>> -> memref<10000x32xf32, #tpu.memory_space<vmem_shared>>
    tpu.wait_indirect_dma semaphore(%arg12 : memref<!tpu.dma_semaphore, #tpu.memory_space<semaphore_mem>>) src(%dma_wait3A_104 : memref<80x32xf32, #tpu.memory_space<vmem>>) dst(%dma_wait3A_110 : memref<10000x32xf32, #tpu.memory_space<vmem_shared>>)
    %dma_wait3A_111 = arith.constant 123 : i32
    %dma_wait3A_112 = arith.constant 240 : i32
    %dma_wait3A_113 = arith.constant 0 : i32
    %dma_wait3A_114 = tpu.memref_slice %arg6[%dma_wait3A_112, %dma_wait3A_113] : memref<400x32xf32, #tpu.memory_space<vmem>> -> memref<80x32xf32, #tpu.memory_space<vmem>>
    %dma_wait3A_115 = arith.constant 0 : i32
    %dma_wait3A_116 = tpu.memref_slice %arg5[%dma_wait3A_111, %dma_wait3A_115] : memref<125x80xi32, #tpu.memory_space<vmem>> -> memref<1x80xi32, #tpu.memory_space<vmem>>
    %dma_wait3A_117 = tpu.memref_squeeze %dma_wait3A_116 : memref<1x80xi32, #tpu.memory_space<vmem>> -> memref<80xi32, #tpu.memory_space<vmem>>
    %dma_wait3A_118 = arith.constant 0 : i32
    %dma_wait3A_119 = arith.constant 0 : i32
    %dma_wait3A_120 = tpu.memref_slice %arg9[%dma_wait3A_118, %dma_wait3A_119] : memref<10000x32xf32, #tpu.memory_space<vmem_shared>> -> memref<10000x32xf32, #tpu.memory_space<vmem_shared>>
    tpu.wait_indirect_dma semaphore(%arg12 : memref<!tpu.dma_semaphore, #tpu.memory_space<semaphore_mem>>) src(%dma_wait3A_114 : memref<80x32xf32, #tpu.memory_space<vmem>>) dst(%dma_wait3A_120 : memref<10000x32xf32, #tpu.memory_space<vmem_shared>>)
    %dma_wait3A_121 = arith.constant 124 : i32
    %dma_wait3A_122 = arith.constant 320 : i32
    %dma_wait3A_123 = arith.constant 0 : i32
    %dma_wait3A_124 = tpu.memref_slice %arg6[%dma_wait3A_122, %dma_wait3A_123] : memref<400x32xf32, #tpu.memory_space<vmem>> -> memref<80x32xf32, #tpu.memory_space<vmem>>
    %dma_wait3A_125 = arith.constant 0 : i32
    %dma_wait3A_126 = tpu.memref_slice %arg5[%dma_wait3A_121, %dma_wait3A_125] : memref<125x80xi32, #tpu.memory_space<vmem>> -> memref<1x80xi32, #tpu.memory_space<vmem>>
    %dma_wait3A_127 = tpu.memref_squeeze %dma_wait3A_126 : memref<1x80xi32, #tpu.memory_space<vmem>> -> memref<80xi32, #tpu.memory_space<vmem>>
    %dma_wait3A_128 = arith.constant 0 : i32
    %dma_wait3A_129 = arith.constant 0 : i32
    %dma_wait3A_130 = tpu.memref_slice %arg9[%dma_wait3A_128, %dma_wait3A_129] : memref<10000x32xf32, #tpu.memory_space<vmem_shared>> -> memref<10000x32xf32, #tpu.memory_space<vmem_shared>>
    tpu.wait_indirect_dma semaphore(%arg12 : memref<!tpu.dma_semaphore, #tpu.memory_space<semaphore_mem>>) src(%dma_wait3A_124 : memref<80x32xf32, #tpu.memory_space<vmem>>) dst(%dma_wait3A_130 : memref<10000x32xf32, #tpu.memory_space<vmem_shared>>)
    %barrier3A_131 = arith.constant 0 : index
    tpu.barrier barrier_id(%barrier3A_131)
    %scan3A_132 = arith.constant 0 : i32
    %scan3A_133 = arith.constant 0 : i32
    %scan3A_134 = arith.constant 5 : i32
    %scan3A_135 = arith.addi %scan3A_133, %scan3A_134 : i32
    %scan3A_136 = arith.constant 1 : i32
    scf.for %scan3A_138 = %scan3A_133 to %scan3A_135 step %scan3A_136  : i32 {
      %mul3A_139 = arith.constant 625 : i32
      %mul3A_140 = arith.muli %arg1, %mul3A_139 : i32
      %mul3A_141 = arith.constant 125 : i32
      %mul3A_142 = arith.muli %scan3A_138, %mul3A_141 : i32
      %add3A_143 = arith.addi %mul3A_140, %mul3A_142 : i32
      "tpu.region"() ({
        %run_scoped3A = tpu.sem_alloc : memref<!tpu.dma_semaphore, #tpu.memory_space<semaphore_mem>>
        %dma_start3A_144 = arith.constant 0 : i32
        %dma_start3A_145 = tpu.memref_slice %arg9[%add3A_143, %dma_start3A_144] : memref<10000x32xf32, #tpu.memory_space<vmem_shared>> -> memref<125x32xf32, #tpu.memory_space<vmem_shared>>
        %dma_start3A_146 = arith.constant 0 : i32
        %dma_start3A_147 = tpu.memref_slice %arg9[%add3A_143, %dma_start3A_146] : memref<10000x32xf32, #tpu.memory_space<vmem_shared>> -> memref<125x32xf32, #tpu.memory_space<vmem_shared>>
        tpu.enqueue_dma source(%dma_start3A_147 : memref<125x32xf32, #tpu.memory_space<vmem_shared>>) target(%arg8 : memref<125x32xf32, #tpu.memory_space<vmem>>) target_semaphore(%run_scoped3A : memref<!tpu.dma_semaphore, #tpu.memory_space<semaphore_mem>>)
        %dma_wait3A_148 = arith.constant 0 : i32
        %dma_wait3A_149 = tpu.memref_slice %arg9[%add3A_143, %dma_wait3A_148] : memref<10000x32xf32, #tpu.memory_space<vmem_shared>> -> memref<125x32xf32, #tpu.memory_space<vmem_shared>>
        %dma_wait3A_150 = arith.constant 0 : i32
        %dma_wait3A_151 = tpu.memref_slice %arg9[%add3A_143, %dma_wait3A_150] : memref<10000x32xf32, #tpu.memory_space<vmem_shared>> -> memref<125x32xf32, #tpu.memory_space<vmem_shared>>
        tpu.wait_dma2 semaphore(%run_scoped3A : memref<!tpu.dma_semaphore, #tpu.memory_space<semaphore_mem>>) src(%dma_wait3A_151 : memref<125x32xf32, #tpu.memory_space<vmem_shared>>) dst(%arg8 : memref<125x32xf32, #tpu.memory_space<vmem>>)
        tpu.yield
      }) : () -> ()
      "tpu.region"() ({
        %run_scoped3A = tpu.sem_alloc : memref<!tpu.dma_semaphore, #tpu.memory_space<semaphore_mem>>
        %dma_start3A_144 = arith.constant 0 : i32
        %dma_start3A_145 = tpu.memref_slice %arg4[%arg0, %add3A_143, %dma_start3A_144] : memref<2x10000x32xf32, #tpu.memory_space<hbm>> -> memref<1x125x32xf32, #tpu.memory_space<hbm>>
        %dma_start3A_146 = tpu.memref_squeeze %dma_start3A_145 : memref<1x125x32xf32, #tpu.memory_space<hbm>> -> memref<125x32xf32, #tpu.memory_space<hbm>>
        %dma_start3A_147 = arith.constant 0 : i32
        %dma_start3A_148 = tpu.memref_slice %arg4[%arg0, %add3A_143, %dma_start3A_147] : memref<2x10000x32xf32, #tpu.memory_space<hbm>> -> memref<1x125x32xf32, #tpu.memory_space<hbm>>
        %dma_start3A_149 = tpu.memref_squeeze %dma_start3A_148 : memref<1x125x32xf32, #tpu.memory_space<hbm>> -> memref<125x32xf32, #tpu.memory_space<hbm>>
        tpu.enqueue_dma source(%arg8 : memref<125x32xf32, #tpu.memory_space<vmem>>) target(%dma_start3A_149 : memref<125x32xf32, #tpu.memory_space<hbm>>) target_semaphore(%run_scoped3A : memref<!tpu.dma_semaphore, #tpu.memory_space<semaphore_mem>>)
        %dma_wait3A_150 = arith.constant 0 : i32
        %dma_wait3A_151 = tpu.memref_slice %arg4[%arg0, %add3A_143, %dma_wait3A_150] : memref<2x10000x32xf32, #tpu.memory_space<hbm>> -> memref<1x125x32xf32, #tpu.memory_space<hbm>>
        %dma_wait3A_152 = tpu.memref_squeeze %dma_wait3A_151 : memref<1x125x32xf32, #tpu.memory_space<hbm>> -> memref<125x32xf32, #tpu.memory_space<hbm>>
        %dma_wait3A_153 = arith.constant 0 : i32
        %dma_wait3A_154 = tpu.memref_slice %arg4[%arg0, %add3A_143, %dma_wait3A_153] : memref<2x10000x32xf32, #tpu.memory_space<hbm>> -> memref<1x125x32xf32, #tpu.memory_space<hbm>>
        %dma_wait3A_155 = tpu.memref_squeeze %dma_wait3A_154 : memref<1x125x32xf32, #tpu.memory_space<hbm>> -> memref<125x32xf32, #tpu.memory_space<hbm>>
        tpu.wait_dma2 semaphore(%run_scoped3A : memref<!tpu.dma_semaphore, #tpu.memory_space<semaphore_mem>>) src(%arg8 : memref<125x32xf32, #tpu.memory_space<vmem>>) dst(%dma_wait3A_155 : memref<125x32xf32, #tpu.memory_space<hbm>>)
        tpu.yield
      }) : () -> ()
    }
    %scan3A_137 = arith.constant 5 : i32
    return
  }
}

module attributes {stable_mosaic.version = 14 : i64} {
  func.func @_edge_body(%arg0: i32, %arg1: memref<1600x128xf32, #tpu.memory_space<vmem>>, %arg2: memref<1600x128xf32, #tpu.memory_space<vmem>>, %arg3: memref<4x6400xf32, #tpu.memory_space<vmem>>, %arg4: memref<4x64xf32, #tpu.memory_space<vmem>>, %arg5: memref<64x144xf32, #tpu.memory_space<vmem>>, %arg6: memref<3x12xf32, #tpu.memory_space<vmem>>, %arg7: memref<12x4xf32, #tpu.memory_space<vmem>>, %arg8: memref<12x96xf32, #tpu.memory_space<vmem>>, %arg9: memref<96x8xf32, #tpu.memory_space<vmem>>, %arg10: memref<8x32xf32, #tpu.memory_space<vmem>>, %arg11: memref<32x4xf32, #tpu.memory_space<vmem>>, %arg12: memref<4x12xf32, #tpu.memory_space<vmem>>, %arg13: memref<3x12xf32, #tpu.memory_space<vmem>>, %arg14: memref<16x48xf32, #tpu.memory_space<vmem>>, %arg15: memref<12x48xf32, #tpu.memory_space<vmem>>, %arg16: memref<48x12xf32, #tpu.memory_space<vmem>>, %arg17: memref<1600x128xf32, #tpu.memory_space<vmem>>) attributes {dimension_semantics = [#tpu.dimension_semantics<arbitrary>], iteration_bounds = array<i64: 50>, scalar_prefetch = 0 : i64, scratch_operands = 0 : i64, tpu.core_type = #tpu.core_type<tc>, window_params = [{transform_indices = @transform_0, window_bounds = array<i64: 1600, 128>}, {transform_indices = @transform_1, window_bounds = array<i64: 1600, 128>}, {transform_indices = @transform_2, window_bounds = array<i64: 4, 6400>}, {pipeline_mode = #tpu.pipeline_mode<synchronous>, transform_indices = @transform_3, window_bounds = array<i64: 4, 64>}, {pipeline_mode = #tpu.pipeline_mode<synchronous>, transform_indices = @transform_4, window_bounds = array<i64: 64, 144>}, {pipeline_mode = #tpu.pipeline_mode<synchronous>, transform_indices = @transform_5, window_bounds = array<i64: 3, 12>}, {pipeline_mode = #tpu.pipeline_mode<synchronous>, transform_indices = @transform_6, window_bounds = array<i64: 12, 4>}, {pipeline_mode = #tpu.pipeline_mode<synchronous>, transform_indices = @transform_7, window_bounds = array<i64: 12, 96>}, {pipeline_mode = #tpu.pipeline_mode<synchronous>, transform_indices = @transform_8, window_bounds = array<i64: 96, 8>}, {pipeline_mode = #tpu.pipeline_mode<synchronous>, transform_indices = @transform_9, window_bounds = array<i64: 8, 32>}, {pipeline_mode = #tpu.pipeline_mode<synchronous>, transform_indices = @transform_10, window_bounds = array<i64: 32, 4>}, {pipeline_mode = #tpu.pipeline_mode<synchronous>, transform_indices = @transform_11, window_bounds = array<i64: 4, 12>}, {pipeline_mode = #tpu.pipeline_mode<synchronous>, transform_indices = @transform_12, window_bounds = array<i64: 3, 12>}, {pipeline_mode = #tpu.pipeline_mode<synchronous>, transform_indices = @transform_13, window_bounds = array<i64: 16, 48>}, {pipeline_mode = #tpu.pipeline_mode<synchronous>, transform_indices = @transform_14, window_bounds = array<i64: 12, 48>}, {pipeline_mode = #tpu.pipeline_mode<synchronous>, transform_indices = @transform_15, window_bounds = array<i64: 48, 12>}, {transform_indices = @transform_16, window_bounds = array<i64: 1600, 128>}]} {
    %get3A = arith.constant 0 : index
    %get3A_0 = arith.constant 0 : index
    %get3A_1 = vector.load %arg1[%get3A, %get3A_0] : memref<1600x128xf32, #tpu.memory_space<vmem>>, vector<1600x128xf32>
    %get3A_2 = arith.constant 0 : index
    %get3A_3 = arith.constant 0 : index
    %get3A_4 = vector.load %arg2[%get3A_2, %get3A_3] : memref<1600x128xf32, #tpu.memory_space<vmem>>, vector<1600x128xf32>
    %get3A_5 = arith.constant 0 : index
    %get3A_6 = arith.constant 0 : index
    %get3A_7 = vector.load %arg3[%get3A_5, %get3A_6] : memref<4x6400xf32, #tpu.memory_space<vmem>>, vector<4x6400xf32>
    %get3A_8 = arith.constant 0 : index
    %get3A_9 = arith.constant 0 : index
    %get3A_10 = vector.load %arg4[%get3A_8, %get3A_9] : memref<4x64xf32, #tpu.memory_space<vmem>>, vector<4x64xf32>
    %get3A_11 = arith.constant 0 : index
    %get3A_12 = arith.constant 0 : index
    %get3A_13 = vector.load %arg5[%get3A_11, %get3A_12] : memref<64x144xf32, #tpu.memory_space<vmem>>, vector<64x144xf32>
    %get3A_14 = arith.constant 0 : index
    %get3A_15 = arith.constant 0 : index
    %get3A_16 = vector.load %arg6[%get3A_14, %get3A_15] : memref<3x12xf32, #tpu.memory_space<vmem>>, vector<3x12xf32>
    %get3A_17 = arith.constant 0 : index
    %get3A_18 = arith.constant 0 : index
    %get3A_19 = vector.load %arg7[%get3A_17, %get3A_18] : memref<12x4xf32, #tpu.memory_space<vmem>>, vector<12x4xf32>
    %get3A_20 = arith.constant 0 : index
    %get3A_21 = arith.constant 0 : index
    %get3A_22 = vector.load %arg8[%get3A_20, %get3A_21] : memref<12x96xf32, #tpu.memory_space<vmem>>, vector<12x96xf32>
    %get3A_23 = arith.constant 0 : index
    %get3A_24 = arith.constant 0 : index
    %get3A_25 = vector.load %arg9[%get3A_23, %get3A_24] : memref<96x8xf32, #tpu.memory_space<vmem>>, vector<96x8xf32>
    %get3A_26 = arith.constant 0 : index
    %get3A_27 = arith.constant 0 : index
    %get3A_28 = vector.load %arg10[%get3A_26, %get3A_27] : memref<8x32xf32, #tpu.memory_space<vmem>>, vector<8x32xf32>
    %get3A_29 = arith.constant 0 : index
    %get3A_30 = arith.constant 0 : index
    %get3A_31 = vector.load %arg11[%get3A_29, %get3A_30] : memref<32x4xf32, #tpu.memory_space<vmem>>, vector<32x4xf32>
    %get3A_32 = arith.constant 0 : index
    %get3A_33 = arith.constant 0 : index
    %get3A_34 = vector.load %arg12[%get3A_32, %get3A_33] : memref<4x12xf32, #tpu.memory_space<vmem>>, vector<4x12xf32>
    %get3A_35 = arith.constant 0 : index
    %get3A_36 = arith.constant 0 : index
    %get3A_37 = vector.load %arg13[%get3A_35, %get3A_36] : memref<3x12xf32, #tpu.memory_space<vmem>>, vector<3x12xf32>
    %get3A_38 = arith.constant 0 : index
    %get3A_39 = arith.constant 0 : index
    %get3A_40 = vector.load %arg14[%get3A_38, %get3A_39] : memref<16x48xf32, #tpu.memory_space<vmem>>, vector<16x48xf32>
    %get3A_41 = arith.constant 0 : index
    %get3A_42 = arith.constant 0 : index
    %get3A_43 = vector.load %arg15[%get3A_41, %get3A_42] : memref<12x48xf32, #tpu.memory_space<vmem>>, vector<12x48xf32>
    %get3A_44 = arith.constant 0 : index
    %get3A_45 = arith.constant 0 : index
    %get3A_46 = vector.load %arg16[%get3A_44, %get3A_45] : memref<48x12xf32, #tpu.memory_space<vmem>>, vector<48x12xf32>
    %slice3A = vector.extract_strided_slice %get3A_1 {offsets = [0, 0], sizes = [1600, 32], strides = [1, 1]} : vector<1600x128xf32> to vector<1600x32xf32>
    %slice3A_47 = vector.extract_strided_slice %get3A_4 {offsets = [0, 0], sizes = [1600, 32], strides = [1, 1]} : vector<1600x128xf32> to vector<1600x32xf32>
    %slice3A_48 = vector.extract_strided_slice %get3A_7 {offsets = [0, 0], sizes = [4, 1600], strides = [1, 1]} : vector<4x6400xf32> to vector<4x1600xf32>
    %slice3A_49 = vector.extract_strided_slice %slice3A_47 {offsets = [0, 20], sizes = [1600, 3], strides = [1, 1]} : vector<1600x32xf32> to vector<1600x3xf32>
    %slice3A_50 = vector.extract_strided_slice %slice3A {offsets = [0, 20], sizes = [1600, 3], strides = [1, 1]} : vector<1600x32xf32> to vector<1600x3xf32>
    %sub3A = arith.subf %slice3A_49, %slice3A_50 : vector<1600x3xf32>
    %mul3A = arith.mulf %sub3A, %sub3A : vector<1600x3xf32>
    %reduce_sum3A = arith.constant dense<0.000000e+00> : vector<1600xf32>
    %reduce_sum3A_51 = vector.multi_reduction <add>, %mul3A, %reduce_sum3A [1] : vector<1600x3xf32> to vector<1600xf32>
    %broadcast_in_dim3A = vector.shape_cast %reduce_sum3A_51 : vector<1600xf32> to vector<1600x1xf32>
    %sqrt3A = math.sqrt %broadcast_in_dim3A : vector<1600x1xf32>
    %max3A = arith.constant 9.99999996E-13 : f32
    %max3A_52 = vector.broadcast %max3A : f32 to vector<1600x1xf32>
    %max3A_53 = arith.maximumf %sqrt3A, %max3A_52 : vector<1600x1xf32>
    %div3A = vector.broadcast %max3A_53 : vector<1600x1xf32> to vector<1600x3xf32>
    %div3A_54 = arith.divf %sub3A, %div3A : vector<1600x3xf32>
    %slice3A_55 = vector.extract_strided_slice %div3A_54 {offsets = [0, 1], sizes = [1600, 1], strides = [1, 1]} : vector<1600x3xf32> to vector<1600x1xf32>
    %slice3A_56 = vector.extract_strided_slice %div3A_54 {offsets = [0, 2], sizes = [1600, 1], strides = [1, 1]} : vector<1600x3xf32> to vector<1600x1xf32>
    %slice3A_57 = vector.extract_strided_slice %div3A_54 {offsets = [0, 0], sizes = [1600, 1], strides = [1, 1]} : vector<1600x3xf32> to vector<1600x1xf32>
    %concatenate3A = tpu.concatenate %slice3A_55, %slice3A_56, %slice3A_57 in 1 : vector<1600x1xf32>, vector<1600x1xf32>, vector<1600x1xf32> -> vector<1600x3xf32>
    %mul3A_58 = arith.constant 1.73205078 : f32
    %mul3A_59 = vector.broadcast %mul3A_58 : f32 to vector<1600x3xf32>
    %mul3A_60 = arith.mulf %mul3A_59, %concatenate3A : vector<1600x3xf32>
    %dot_general3A = arith.constant dense<0.000000e+00> : vector<1600x64xf32>
    %dot_general3A_61 = tpu.matmul %slice3A_48, %get3A_10, %dot_general3A {dimension_numbers = #tpu.dot_dimension_numbers<[0], [0], [1], [1], [0, 1, 1, 1], [], []>, transpose_lhs_hint = false} : vector<4x1600xf32>, vector<4x64xf32>, vector<1600x64xf32> -> vector<1600x64xf32>
    %mul3A_62 = arith.constant 5.000000e-01 : f32
    %mul3A_63 = vector.broadcast %mul3A_62 : f32 to vector<1600x64xf32>
    %mul3A_64 = arith.mulf %dot_general3A_61, %mul3A_63 : vector<1600x64xf32>
    %logistic3A = arith.negf %mul3A_64 : vector<1600x64xf32>
    %logistic3A_65 = math.exp %logistic3A : vector<1600x64xf32>
    %logistic3A_66 = arith.constant 1.000000e+00 : f32
    %logistic3A_67 = vector.broadcast %logistic3A_66 : f32 to vector<1600x64xf32>
    %logistic3A_68 = arith.addf %logistic3A_67, %logistic3A_65 : vector<1600x64xf32>
    %logistic3A_69 = arith.divf %logistic3A_67, %logistic3A_68 : vector<1600x64xf32>
    %mul3A_70 = arith.mulf %mul3A_64, %logistic3A_69 : vector<1600x64xf32>
    %dot_general3A_71 = arith.constant dense<0.000000e+00> : vector<1600x144xf32>
    %dot_general3A_72 = tpu.matmul %mul3A_70, %get3A_13, %dot_general3A_71 {dimension_numbers = #tpu.dot_dimension_numbers<[1], [0], [0], [1], [0, 0, 1, 1], [], []>, transpose_lhs_hint = false} : vector<1600x64xf32>, vector<64x144xf32>, vector<1600x144xf32> -> vector<1600x144xf32>
    %mul3A_73 = arith.constant 1.250000e-01 : f32
    %mul3A_74 = vector.broadcast %mul3A_73 : f32 to vector<1600x144xf32>
    %mul3A_75 = arith.mulf %dot_general3A_72, %mul3A_74 : vector<1600x144xf32>
    %slice3A_76 = vector.extract_strided_slice %slice3A {offsets = [0, 0], sizes = [1600, 8], strides = [1, 1]} : vector<1600x32xf32> to vector<1600x8xf32>
    %slice3A_77 = vector.extract_strided_slice %slice3A {offsets = [0, 8], sizes = [1600, 12], strides = [1, 1]} : vector<1600x32xf32> to vector<1600x12xf32>
    %dot_general3A_78 = arith.constant dense<0.000000e+00> : vector<1600x12xf32>
    %dot_general3A_79 = tpu.matmul %mul3A_60, %get3A_16, %dot_general3A_78 {dimension_numbers = #tpu.dot_dimension_numbers<[1], [0], [0], [1], [0, 0, 1, 1], [], []>, transpose_lhs_hint = false} : vector<1600x3xf32>, vector<3x12xf32>, vector<1600x12xf32> -> vector<1600x12xf32>
    %mul3A_80 = arith.mulf %slice3A_77, %dot_general3A_79 : vector<1600x12xf32>
    %dot_general3A_81 = arith.constant dense<0.000000e+00> : vector<1600x4xf32>
    %dot_general3A_82 = tpu.matmul %mul3A_80, %get3A_19, %dot_general3A_81 {dimension_numbers = #tpu.dot_dimension_numbers<[1], [0], [0], [1], [0, 0, 1, 1], [], []>, transpose_lhs_hint = false} : vector<1600x12xf32>, vector<12x4xf32>, vector<1600x4xf32> -> vector<1600x4xf32>
    %concatenate3A_83 = tpu.concatenate %slice3A_76, %dot_general3A_82 in 1 : vector<1600x8xf32>, vector<1600x4xf32> -> vector<1600x12xf32>
    %dot_general3A_84 = arith.constant dense<0.000000e+00> : vector<1600x96xf32>
    %dot_general3A_85 = tpu.matmul %concatenate3A_83, %get3A_22, %dot_general3A_84 {dimension_numbers = #tpu.dot_dimension_numbers<[1], [0], [0], [1], [0, 0, 1, 1], [], []>, transpose_lhs_hint = false} : vector<1600x12xf32>, vector<12x96xf32>, vector<1600x96xf32> -> vector<1600x96xf32>
    %slice3A_86 = vector.extract_strided_slice %mul3A_75 {offsets = [0, 0], sizes = [1600, 96], strides = [1, 1]} : vector<1600x144xf32> to vector<1600x96xf32>
    %mul3A_87 = arith.mulf %slice3A_86, %dot_general3A_85 : vector<1600x96xf32>
    %dot_general3A_88 = arith.constant dense<0.000000e+00> : vector<1600x8xf32>
    %dot_general3A_89 = tpu.matmul %mul3A_87, %get3A_25, %dot_general3A_88 {dimension_numbers = #tpu.dot_dimension_numbers<[1], [0], [0], [1], [0, 0, 1, 1], [], []>, transpose_lhs_hint = false} : vector<1600x96xf32>, vector<96x8xf32>, vector<1600x8xf32> -> vector<1600x8xf32>
    %mul3A_90 = arith.constant 0.288675129 : f32
    %mul3A_91 = vector.broadcast %mul3A_90 : f32 to vector<1600x8xf32>
    %mul3A_92 = arith.mulf %dot_general3A_89, %mul3A_91 : vector<1600x8xf32>
    %slice3A_93 = vector.extract_strided_slice %mul3A_75 {offsets = [0, 96], sizes = [1600, 32], strides = [1, 1]} : vector<1600x144xf32> to vector<1600x32xf32>
    %dot_general3A_94 = arith.constant dense<0.000000e+00> : vector<1600x32xf32>
    %dot_general3A_95 = tpu.matmul %slice3A_76, %get3A_28, %dot_general3A_94 {dimension_numbers = #tpu.dot_dimension_numbers<[1], [0], [0], [1], [0, 0, 1, 1], [], []>, transpose_lhs_hint = false} : vector<1600x8xf32>, vector<8x32xf32>, vector<1600x32xf32> -> vector<1600x32xf32>
    %mul3A_96 = arith.mulf %slice3A_93, %dot_general3A_95 : vector<1600x32xf32>
    %dot_general3A_97 = arith.constant dense<0.000000e+00> : vector<1600x4xf32>
    %dot_general3A_98 = tpu.matmul %mul3A_96, %get3A_31, %dot_general3A_97 {dimension_numbers = #tpu.dot_dimension_numbers<[1], [0], [0], [1], [0, 0, 1, 1], [], []>, transpose_lhs_hint = false} : vector<1600x32xf32>, vector<32x4xf32>, vector<1600x4xf32> -> vector<1600x4xf32>
    %dot_general3A_99 = arith.constant dense<0.000000e+00> : vector<1600x12xf32>
    %dot_general3A_100 = tpu.matmul %dot_general3A_98, %get3A_34, %dot_general3A_99 {dimension_numbers = #tpu.dot_dimension_numbers<[1], [0], [0], [1], [0, 0, 1, 1], [], []>, transpose_lhs_hint = false} : vector<1600x4xf32>, vector<4x12xf32>, vector<1600x12xf32> -> vector<1600x12xf32>
    %dot_general3A_101 = arith.constant dense<0.000000e+00> : vector<1600x12xf32>
    %dot_general3A_102 = tpu.matmul %mul3A_60, %get3A_37, %dot_general3A_101 {dimension_numbers = #tpu.dot_dimension_numbers<[1], [0], [0], [1], [0, 0, 1, 1], [], []>, transpose_lhs_hint = false} : vector<1600x3xf32>, vector<3x12xf32>, vector<1600x12xf32> -> vector<1600x12xf32>
    %mul3A_103 = arith.mulf %dot_general3A_100, %dot_general3A_102 : vector<1600x12xf32>
    %slice3A_104 = vector.extract_strided_slice %mul3A_75 {offsets = [0, 128], sizes = [1600, 16], strides = [1, 1]} : vector<1600x144xf32> to vector<1600x16xf32>
    %dot_general3A_105 = arith.constant dense<0.000000e+00> : vector<1600x48xf32>
    %dot_general3A_106 = tpu.matmul %slice3A_104, %get3A_40, %dot_general3A_105 {dimension_numbers = #tpu.dot_dimension_numbers<[1], [0], [0], [1], [0, 0, 1, 1], [], []>, transpose_lhs_hint = false} : vector<1600x16xf32>, vector<16x48xf32>, vector<1600x48xf32> -> vector<1600x48xf32>
    %dot_general3A_107 = arith.constant dense<0.000000e+00> : vector<1600x48xf32>
    %dot_general3A_108 = tpu.matmul %slice3A_77, %get3A_43, %dot_general3A_107 {dimension_numbers = #tpu.dot_dimension_numbers<[1], [0], [0], [1], [0, 0, 1, 1], [], []>, transpose_lhs_hint = false} : vector<1600x12xf32>, vector<12x48xf32>, vector<1600x48xf32> -> vector<1600x48xf32>
    %mul3A_109 = arith.mulf %dot_general3A_106, %dot_general3A_108 : vector<1600x48xf32>
    %dot_general3A_110 = arith.constant dense<0.000000e+00> : vector<1600x12xf32>
    %dot_general3A_111 = tpu.matmul %mul3A_109, %get3A_46, %dot_general3A_110 {dimension_numbers = #tpu.dot_dimension_numbers<[1], [0], [0], [1], [0, 0, 1, 1], [], []>, transpose_lhs_hint = false} : vector<1600x48xf32>, vector<48x12xf32>, vector<1600x12xf32> -> vector<1600x12xf32>
    %add3A = arith.addf %mul3A_103, %dot_general3A_111 : vector<1600x12xf32>
    %mul3A_112 = arith.constant 0.288675129 : f32
    %mul3A_113 = vector.broadcast %mul3A_112 : f32 to vector<1600x12xf32>
    %mul3A_114 = arith.mulf %add3A, %mul3A_113 : vector<1600x12xf32>
    %broadcast_in_dim3A_115 = arith.constant 0.000000e+00 : f32
    %broadcast_in_dim3A_116 = vector.broadcast %broadcast_in_dim3A_115 : f32 to vector<1600x12xf32>
    %concatenate3A_117 = tpu.concatenate %mul3A_92, %mul3A_114, %broadcast_in_dim3A_116 in 1 : vector<1600x8xf32>, vector<1600x12xf32>, vector<1600x12xf32> -> vector<1600x32xf32>
    %slice3A_118 = vector.extract_strided_slice %get3A_1 {offsets = [0, 32], sizes = [1600, 32], strides = [1, 1]} : vector<1600x128xf32> to vector<1600x32xf32>
    %slice3A_119 = vector.extract_strided_slice %get3A_4 {offsets = [0, 32], sizes = [1600, 32], strides = [1, 1]} : vector<1600x128xf32> to vector<1600x32xf32>
    %slice3A_120 = vector.extract_strided_slice %get3A_7 {offsets = [0, 1600], sizes = [4, 1600], strides = [1, 1]} : vector<4x6400xf32> to vector<4x1600xf32>
    %slice3A_121 = vector.extract_strided_slice %slice3A_119 {offsets = [0, 20], sizes = [1600, 3], strides = [1, 1]} : vector<1600x32xf32> to vector<1600x3xf32>
    %slice3A_122 = vector.extract_strided_slice %slice3A_118 {offsets = [0, 20], sizes = [1600, 3], strides = [1, 1]} : vector<1600x32xf32> to vector<1600x3xf32>
    %sub3A_123 = arith.subf %slice3A_121, %slice3A_122 : vector<1600x3xf32>
    %mul3A_124 = arith.mulf %sub3A_123, %sub3A_123 : vector<1600x3xf32>
    %reduce_sum3A_125 = arith.constant dense<0.000000e+00> : vector<1600xf32>
    %reduce_sum3A_126 = vector.multi_reduction <add>, %mul3A_124, %reduce_sum3A_125 [1] : vector<1600x3xf32> to vector<1600xf32>
    %broadcast_in_dim3A_127 = vector.shape_cast %reduce_sum3A_126 : vector<1600xf32> to vector<1600x1xf32>
    %sqrt3A_128 = math.sqrt %broadcast_in_dim3A_127 : vector<1600x1xf32>
    %max3A_129 = arith.constant 9.99999996E-13 : f32
    %max3A_130 = vector.broadcast %max3A_129 : f32 to vector<1600x1xf32>
    %max3A_131 = arith.maximumf %sqrt3A_128, %max3A_130 : vector<1600x1xf32>
    %div3A_132 = vector.broadcast %max3A_131 : vector<1600x1xf32> to vector<1600x3xf32>
    %div3A_133 = arith.divf %sub3A_123, %div3A_132 : vector<1600x3xf32>
    %slice3A_134 = vector.extract_strided_slice %div3A_133 {offsets = [0, 1], sizes = [1600, 1], strides = [1, 1]} : vector<1600x3xf32> to vector<1600x1xf32>
    %slice3A_135 = vector.extract_strided_slice %div3A_133 {offsets = [0, 2], sizes = [1600, 1], strides = [1, 1]} : vector<1600x3xf32> to vector<1600x1xf32>
    %slice3A_136 = vector.extract_strided_slice %div3A_133 {offsets = [0, 0], sizes = [1600, 1], strides = [1, 1]} : vector<1600x3xf32> to vector<1600x1xf32>
    %concatenate3A_137 = tpu.concatenate %slice3A_134, %slice3A_135, %slice3A_136 in 1 : vector<1600x1xf32>, vector<1600x1xf32>, vector<1600x1xf32> -> vector<1600x3xf32>
    %mul3A_138 = arith.constant 1.73205078 : f32
    %mul3A_139 = vector.broadcast %mul3A_138 : f32 to vector<1600x3xf32>
    %mul3A_140 = arith.mulf %mul3A_139, %concatenate3A_137 : vector<1600x3xf32>
    %dot_general3A_141 = arith.constant dense<0.000000e+00> : vector<1600x64xf32>
    %dot_general3A_142 = tpu.matmul %slice3A_120, %get3A_10, %dot_general3A_141 {dimension_numbers = #tpu.dot_dimension_numbers<[0], [0], [1], [1], [0, 1, 1, 1], [], []>, transpose_lhs_hint = false} : vector<4x1600xf32>, vector<4x64xf32>, vector<1600x64xf32> -> vector<1600x64xf32>
    %mul3A_143 = arith.constant 5.000000e-01 : f32
    %mul3A_144 = vector.broadcast %mul3A_143 : f32 to vector<1600x64xf32>
    %mul3A_145 = arith.mulf %dot_general3A_142, %mul3A_144 : vector<1600x64xf32>
    %logistic3A_146 = arith.negf %mul3A_145 : vector<1600x64xf32>
    %logistic3A_147 = math.exp %logistic3A_146 : vector<1600x64xf32>
    %logistic3A_148 = arith.constant 1.000000e+00 : f32
    %logistic3A_149 = vector.broadcast %logistic3A_148 : f32 to vector<1600x64xf32>
    %logistic3A_150 = arith.addf %logistic3A_149, %logistic3A_147 : vector<1600x64xf32>
    %logistic3A_151 = arith.divf %logistic3A_149, %logistic3A_150 : vector<1600x64xf32>
    %mul3A_152 = arith.mulf %mul3A_145, %logistic3A_151 : vector<1600x64xf32>
    %dot_general3A_153 = arith.constant dense<0.000000e+00> : vector<1600x144xf32>
    %dot_general3A_154 = tpu.matmul %mul3A_152, %get3A_13, %dot_general3A_153 {dimension_numbers = #tpu.dot_dimension_numbers<[1], [0], [0], [1], [0, 0, 1, 1], [], []>, transpose_lhs_hint = false} : vector<1600x64xf32>, vector<64x144xf32>, vector<1600x144xf32> -> vector<1600x144xf32>
    %mul3A_155 = arith.constant 1.250000e-01 : f32
    %mul3A_156 = vector.broadcast %mul3A_155 : f32 to vector<1600x144xf32>
    %mul3A_157 = arith.mulf %dot_general3A_154, %mul3A_156 : vector<1600x144xf32>
    %slice3A_158 = vector.extract_strided_slice %slice3A_118 {offsets = [0, 0], sizes = [1600, 8], strides = [1, 1]} : vector<1600x32xf32> to vector<1600x8xf32>
    %slice3A_159 = vector.extract_strided_slice %slice3A_118 {offsets = [0, 8], sizes = [1600, 12], strides = [1, 1]} : vector<1600x32xf32> to vector<1600x12xf32>
    %dot_general3A_160 = arith.constant dense<0.000000e+00> : vector<1600x12xf32>
    %dot_general3A_161 = tpu.matmul %mul3A_140, %get3A_16, %dot_general3A_160 {dimension_numbers = #tpu.dot_dimension_numbers<[1], [0], [0], [1], [0, 0, 1, 1], [], []>, transpose_lhs_hint = false} : vector<1600x3xf32>, vector<3x12xf32>, vector<1600x12xf32> -> vector<1600x12xf32>
    %mul3A_162 = arith.mulf %slice3A_159, %dot_general3A_161 : vector<1600x12xf32>
    %dot_general3A_163 = arith.constant dense<0.000000e+00> : vector<1600x4xf32>
    %dot_general3A_164 = tpu.matmul %mul3A_162, %get3A_19, %dot_general3A_163 {dimension_numbers = #tpu.dot_dimension_numbers<[1], [0], [0], [1], [0, 0, 1, 1], [], []>, transpose_lhs_hint = false} : vector<1600x12xf32>, vector<12x4xf32>, vector<1600x4xf32> -> vector<1600x4xf32>
    %concatenate3A_165 = tpu.concatenate %slice3A_158, %dot_general3A_164 in 1 : vector<1600x8xf32>, vector<1600x4xf32> -> vector<1600x12xf32>
    %dot_general3A_166 = arith.constant dense<0.000000e+00> : vector<1600x96xf32>
    %dot_general3A_167 = tpu.matmul %concatenate3A_165, %get3A_22, %dot_general3A_166 {dimension_numbers = #tpu.dot_dimension_numbers<[1], [0], [0], [1], [0, 0, 1, 1], [], []>, transpose_lhs_hint = false} : vector<1600x12xf32>, vector<12x96xf32>, vector<1600x96xf32> -> vector<1600x96xf32>
    %slice3A_168 = vector.extract_strided_slice %mul3A_157 {offsets = [0, 0], sizes = [1600, 96], strides = [1, 1]} : vector<1600x144xf32> to vector<1600x96xf32>
    %mul3A_169 = arith.mulf %slice3A_168, %dot_general3A_167 : vector<1600x96xf32>
    %dot_general3A_170 = arith.constant dense<0.000000e+00> : vector<1600x8xf32>
    %dot_general3A_171 = tpu.matmul %mul3A_169, %get3A_25, %dot_general3A_170 {dimension_numbers = #tpu.dot_dimension_numbers<[1], [0], [0], [1], [0, 0, 1, 1], [], []>, transpose_lhs_hint = false} : vector<1600x96xf32>, vector<96x8xf32>, vector<1600x8xf32> -> vector<1600x8xf32>
    %mul3A_172 = arith.constant 0.288675129 : f32
    %mul3A_173 = vector.broadcast %mul3A_172 : f32 to vector<1600x8xf32>
    %mul3A_174 = arith.mulf %dot_general3A_171, %mul3A_173 : vector<1600x8xf32>
    %slice3A_175 = vector.extract_strided_slice %mul3A_157 {offsets = [0, 96], sizes = [1600, 32], strides = [1, 1]} : vector<1600x144xf32> to vector<1600x32xf32>
    %dot_general3A_176 = arith.constant dense<0.000000e+00> : vector<1600x32xf32>
    %dot_general3A_177 = tpu.matmul %slice3A_158, %get3A_28, %dot_general3A_176 {dimension_numbers = #tpu.dot_dimension_numbers<[1], [0], [0], [1], [0, 0, 1, 1], [], []>, transpose_lhs_hint = false} : vector<1600x8xf32>, vector<8x32xf32>, vector<1600x32xf32> -> vector<1600x32xf32>
    %mul3A_178 = arith.mulf %slice3A_175, %dot_general3A_177 : vector<1600x32xf32>
    %dot_general3A_179 = arith.constant dense<0.000000e+00> : vector<1600x4xf32>
    %dot_general3A_180 = tpu.matmul %mul3A_178, %get3A_31, %dot_general3A_179 {dimension_numbers = #tpu.dot_dimension_numbers<[1], [0], [0], [1], [0, 0, 1, 1], [], []>, transpose_lhs_hint = false} : vector<1600x32xf32>, vector<32x4xf32>, vector<1600x4xf32> -> vector<1600x4xf32>
    %dot_general3A_181 = arith.constant dense<0.000000e+00> : vector<1600x12xf32>
    %dot_general3A_182 = tpu.matmul %dot_general3A_180, %get3A_34, %dot_general3A_181 {dimension_numbers = #tpu.dot_dimension_numbers<[1], [0], [0], [1], [0, 0, 1, 1], [], []>, transpose_lhs_hint = false} : vector<1600x4xf32>, vector<4x12xf32>, vector<1600x12xf32> -> vector<1600x12xf32>
    %dot_general3A_183 = arith.constant dense<0.000000e+00> : vector<1600x12xf32>
    %dot_general3A_184 = tpu.matmul %mul3A_140, %get3A_37, %dot_general3A_183 {dimension_numbers = #tpu.dot_dimension_numbers<[1], [0], [0], [1], [0, 0, 1, 1], [], []>, transpose_lhs_hint = false} : vector<1600x3xf32>, vector<3x12xf32>, vector<1600x12xf32> -> vector<1600x12xf32>
    %mul3A_185 = arith.mulf %dot_general3A_182, %dot_general3A_184 : vector<1600x12xf32>
    %slice3A_186 = vector.extract_strided_slice %mul3A_157 {offsets = [0, 128], sizes = [1600, 16], strides = [1, 1]} : vector<1600x144xf32> to vector<1600x16xf32>
    %dot_general3A_187 = arith.constant dense<0.000000e+00> : vector<1600x48xf32>
    %dot_general3A_188 = tpu.matmul %slice3A_186, %get3A_40, %dot_general3A_187 {dimension_numbers = #tpu.dot_dimension_numbers<[1], [0], [0], [1], [0, 0, 1, 1], [], []>, transpose_lhs_hint = false} : vector<1600x16xf32>, vector<16x48xf32>, vector<1600x48xf32> -> vector<1600x48xf32>
    %dot_general3A_189 = arith.constant dense<0.000000e+00> : vector<1600x48xf32>
    %dot_general3A_190 = tpu.matmul %slice3A_159, %get3A_43, %dot_general3A_189 {dimension_numbers = #tpu.dot_dimension_numbers<[1], [0], [0], [1], [0, 0, 1, 1], [], []>, transpose_lhs_hint = false} : vector<1600x12xf32>, vector<12x48xf32>, vector<1600x48xf32> -> vector<1600x48xf32>
    %mul3A_191 = arith.mulf %dot_general3A_188, %dot_general3A_190 : vector<1600x48xf32>
    %dot_general3A_192 = arith.constant dense<0.000000e+00> : vector<1600x12xf32>
    %dot_general3A_193 = tpu.matmul %mul3A_191, %get3A_46, %dot_general3A_192 {dimension_numbers = #tpu.dot_dimension_numbers<[1], [0], [0], [1], [0, 0, 1, 1], [], []>, transpose_lhs_hint = false} : vector<1600x48xf32>, vector<48x12xf32>, vector<1600x12xf32> -> vector<1600x12xf32>
    %add3A_194 = arith.addf %mul3A_185, %dot_general3A_193 : vector<1600x12xf32>
    %mul3A_195 = arith.constant 0.288675129 : f32
    %mul3A_196 = vector.broadcast %mul3A_195 : f32 to vector<1600x12xf32>
    %mul3A_197 = arith.mulf %add3A_194, %mul3A_196 : vector<1600x12xf32>
    %broadcast_in_dim3A_198 = arith.constant 0.000000e+00 : f32
    %broadcast_in_dim3A_199 = vector.broadcast %broadcast_in_dim3A_198 : f32 to vector<1600x12xf32>
    %concatenate3A_200 = tpu.concatenate %mul3A_174, %mul3A_197, %broadcast_in_dim3A_199 in 1 : vector<1600x8xf32>, vector<1600x12xf32>, vector<1600x12xf32> -> vector<1600x32xf32>
    %slice3A_201 = vector.extract_strided_slice %get3A_1 {offsets = [0, 64], sizes = [1600, 32], strides = [1, 1]} : vector<1600x128xf32> to vector<1600x32xf32>
    %slice3A_202 = vector.extract_strided_slice %get3A_4 {offsets = [0, 64], sizes = [1600, 32], strides = [1, 1]} : vector<1600x128xf32> to vector<1600x32xf32>
    %slice3A_203 = vector.extract_strided_slice %get3A_7 {offsets = [0, 3200], sizes = [4, 1600], strides = [1, 1]} : vector<4x6400xf32> to vector<4x1600xf32>
    %slice3A_204 = vector.extract_strided_slice %slice3A_202 {offsets = [0, 20], sizes = [1600, 3], strides = [1, 1]} : vector<1600x32xf32> to vector<1600x3xf32>
    %slice3A_205 = vector.extract_strided_slice %slice3A_201 {offsets = [0, 20], sizes = [1600, 3], strides = [1, 1]} : vector<1600x32xf32> to vector<1600x3xf32>
    %sub3A_206 = arith.subf %slice3A_204, %slice3A_205 : vector<1600x3xf32>
    %mul3A_207 = arith.mulf %sub3A_206, %sub3A_206 : vector<1600x3xf32>
    %reduce_sum3A_208 = arith.constant dense<0.000000e+00> : vector<1600xf32>
    %reduce_sum3A_209 = vector.multi_reduction <add>, %mul3A_207, %reduce_sum3A_208 [1] : vector<1600x3xf32> to vector<1600xf32>
    %broadcast_in_dim3A_210 = vector.shape_cast %reduce_sum3A_209 : vector<1600xf32> to vector<1600x1xf32>
    %sqrt3A_211 = math.sqrt %broadcast_in_dim3A_210 : vector<1600x1xf32>
    %max3A_212 = arith.constant 9.99999996E-13 : f32
    %max3A_213 = vector.broadcast %max3A_212 : f32 to vector<1600x1xf32>
    %max3A_214 = arith.maximumf %sqrt3A_211, %max3A_213 : vector<1600x1xf32>
    %div3A_215 = vector.broadcast %max3A_214 : vector<1600x1xf32> to vector<1600x3xf32>
    %div3A_216 = arith.divf %sub3A_206, %div3A_215 : vector<1600x3xf32>
    %slice3A_217 = vector.extract_strided_slice %div3A_216 {offsets = [0, 1], sizes = [1600, 1], strides = [1, 1]} : vector<1600x3xf32> to vector<1600x1xf32>
    %slice3A_218 = vector.extract_strided_slice %div3A_216 {offsets = [0, 2], sizes = [1600, 1], strides = [1, 1]} : vector<1600x3xf32> to vector<1600x1xf32>
    %slice3A_219 = vector.extract_strided_slice %div3A_216 {offsets = [0, 0], sizes = [1600, 1], strides = [1, 1]} : vector<1600x3xf32> to vector<1600x1xf32>
    %concatenate3A_220 = tpu.concatenate %slice3A_217, %slice3A_218, %slice3A_219 in 1 : vector<1600x1xf32>, vector<1600x1xf32>, vector<1600x1xf32> -> vector<1600x3xf32>
    %mul3A_221 = arith.constant 1.73205078 : f32
    %mul3A_222 = vector.broadcast %mul3A_221 : f32 to vector<1600x3xf32>
    %mul3A_223 = arith.mulf %mul3A_222, %concatenate3A_220 : vector<1600x3xf32>
    %dot_general3A_224 = arith.constant dense<0.000000e+00> : vector<1600x64xf32>
    %dot_general3A_225 = tpu.matmul %slice3A_203, %get3A_10, %dot_general3A_224 {dimension_numbers = #tpu.dot_dimension_numbers<[0], [0], [1], [1], [0, 1, 1, 1], [], []>, transpose_lhs_hint = false} : vector<4x1600xf32>, vector<4x64xf32>, vector<1600x64xf32> -> vector<1600x64xf32>
    %mul3A_226 = arith.constant 5.000000e-01 : f32
    %mul3A_227 = vector.broadcast %mul3A_226 : f32 to vector<1600x64xf32>
    %mul3A_228 = arith.mulf %dot_general3A_225, %mul3A_227 : vector<1600x64xf32>
    %logistic3A_229 = arith.negf %mul3A_228 : vector<1600x64xf32>
    %logistic3A_230 = math.exp %logistic3A_229 : vector<1600x64xf32>
    %logistic3A_231 = arith.constant 1.000000e+00 : f32
    %logistic3A_232 = vector.broadcast %logistic3A_231 : f32 to vector<1600x64xf32>
    %logistic3A_233 = arith.addf %logistic3A_232, %logistic3A_230 : vector<1600x64xf32>
    %logistic3A_234 = arith.divf %logistic3A_232, %logistic3A_233 : vector<1600x64xf32>
    %mul3A_235 = arith.mulf %mul3A_228, %logistic3A_234 : vector<1600x64xf32>
    %dot_general3A_236 = arith.constant dense<0.000000e+00> : vector<1600x144xf32>
    %dot_general3A_237 = tpu.matmul %mul3A_235, %get3A_13, %dot_general3A_236 {dimension_numbers = #tpu.dot_dimension_numbers<[1], [0], [0], [1], [0, 0, 1, 1], [], []>, transpose_lhs_hint = false} : vector<1600x64xf32>, vector<64x144xf32>, vector<1600x144xf32> -> vector<1600x144xf32>
    %mul3A_238 = arith.constant 1.250000e-01 : f32
    %mul3A_239 = vector.broadcast %mul3A_238 : f32 to vector<1600x144xf32>
    %mul3A_240 = arith.mulf %dot_general3A_237, %mul3A_239 : vector<1600x144xf32>
    %slice3A_241 = vector.extract_strided_slice %slice3A_201 {offsets = [0, 0], sizes = [1600, 8], strides = [1, 1]} : vector<1600x32xf32> to vector<1600x8xf32>
    %slice3A_242 = vector.extract_strided_slice %slice3A_201 {offsets = [0, 8], sizes = [1600, 12], strides = [1, 1]} : vector<1600x32xf32> to vector<1600x12xf32>
    %dot_general3A_243 = arith.constant dense<0.000000e+00> : vector<1600x12xf32>
    %dot_general3A_244 = tpu.matmul %mul3A_223, %get3A_16, %dot_general3A_243 {dimension_numbers = #tpu.dot_dimension_numbers<[1], [0], [0], [1], [0, 0, 1, 1], [], []>, transpose_lhs_hint = false} : vector<1600x3xf32>, vector<3x12xf32>, vector<1600x12xf32> -> vector<1600x12xf32>
    %mul3A_245 = arith.mulf %slice3A_242, %dot_general3A_244 : vector<1600x12xf32>
    %dot_general3A_246 = arith.constant dense<0.000000e+00> : vector<1600x4xf32>
    %dot_general3A_247 = tpu.matmul %mul3A_245, %get3A_19, %dot_general3A_246 {dimension_numbers = #tpu.dot_dimension_numbers<[1], [0], [0], [1], [0, 0, 1, 1], [], []>, transpose_lhs_hint = false} : vector<1600x12xf32>, vector<12x4xf32>, vector<1600x4xf32> -> vector<1600x4xf32>
    %concatenate3A_248 = tpu.concatenate %slice3A_241, %dot_general3A_247 in 1 : vector<1600x8xf32>, vector<1600x4xf32> -> vector<1600x12xf32>
    %dot_general3A_249 = arith.constant dense<0.000000e+00> : vector<1600x96xf32>
    %dot_general3A_250 = tpu.matmul %concatenate3A_248, %get3A_22, %dot_general3A_249 {dimension_numbers = #tpu.dot_dimension_numbers<[1], [0], [0], [1], [0, 0, 1, 1], [], []>, transpose_lhs_hint = false} : vector<1600x12xf32>, vector<12x96xf32>, vector<1600x96xf32> -> vector<1600x96xf32>
    %slice3A_251 = vector.extract_strided_slice %mul3A_240 {offsets = [0, 0], sizes = [1600, 96], strides = [1, 1]} : vector<1600x144xf32> to vector<1600x96xf32>
    %mul3A_252 = arith.mulf %slice3A_251, %dot_general3A_250 : vector<1600x96xf32>
    %dot_general3A_253 = arith.constant dense<0.000000e+00> : vector<1600x8xf32>
    %dot_general3A_254 = tpu.matmul %mul3A_252, %get3A_25, %dot_general3A_253 {dimension_numbers = #tpu.dot_dimension_numbers<[1], [0], [0], [1], [0, 0, 1, 1], [], []>, transpose_lhs_hint = false} : vector<1600x96xf32>, vector<96x8xf32>, vector<1600x8xf32> -> vector<1600x8xf32>
    %mul3A_255 = arith.constant 0.288675129 : f32
    %mul3A_256 = vector.broadcast %mul3A_255 : f32 to vector<1600x8xf32>
    %mul3A_257 = arith.mulf %dot_general3A_254, %mul3A_256 : vector<1600x8xf32>
    %slice3A_258 = vector.extract_strided_slice %mul3A_240 {offsets = [0, 96], sizes = [1600, 32], strides = [1, 1]} : vector<1600x144xf32> to vector<1600x32xf32>
    %dot_general3A_259 = arith.constant dense<0.000000e+00> : vector<1600x32xf32>
    %dot_general3A_260 = tpu.matmul %slice3A_241, %get3A_28, %dot_general3A_259 {dimension_numbers = #tpu.dot_dimension_numbers<[1], [0], [0], [1], [0, 0, 1, 1], [], []>, transpose_lhs_hint = false} : vector<1600x8xf32>, vector<8x32xf32>, vector<1600x32xf32> -> vector<1600x32xf32>
    %mul3A_261 = arith.mulf %slice3A_258, %dot_general3A_260 : vector<1600x32xf32>
    %dot_general3A_262 = arith.constant dense<0.000000e+00> : vector<1600x4xf32>
    %dot_general3A_263 = tpu.matmul %mul3A_261, %get3A_31, %dot_general3A_262 {dimension_numbers = #tpu.dot_dimension_numbers<[1], [0], [0], [1], [0, 0, 1, 1], [], []>, transpose_lhs_hint = false} : vector<1600x32xf32>, vector<32x4xf32>, vector<1600x4xf32> -> vector<1600x4xf32>
    %dot_general3A_264 = arith.constant dense<0.000000e+00> : vector<1600x12xf32>
    %dot_general3A_265 = tpu.matmul %dot_general3A_263, %get3A_34, %dot_general3A_264 {dimension_numbers = #tpu.dot_dimension_numbers<[1], [0], [0], [1], [0, 0, 1, 1], [], []>, transpose_lhs_hint = false} : vector<1600x4xf32>, vector<4x12xf32>, vector<1600x12xf32> -> vector<1600x12xf32>
    %dot_general3A_266 = arith.constant dense<0.000000e+00> : vector<1600x12xf32>
    %dot_general3A_267 = tpu.matmul %mul3A_223, %get3A_37, %dot_general3A_266 {dimension_numbers = #tpu.dot_dimension_numbers<[1], [0], [0], [1], [0, 0, 1, 1], [], []>, transpose_lhs_hint = false} : vector<1600x3xf32>, vector<3x12xf32>, vector<1600x12xf32> -> vector<1600x12xf32>
    %mul3A_268 = arith.mulf %dot_general3A_265, %dot_general3A_267 : vector<1600x12xf32>
    %slice3A_269 = vector.extract_strided_slice %mul3A_240 {offsets = [0, 128], sizes = [1600, 16], strides = [1, 1]} : vector<1600x144xf32> to vector<1600x16xf32>
    %dot_general3A_270 = arith.constant dense<0.000000e+00> : vector<1600x48xf32>
    %dot_general3A_271 = tpu.matmul %slice3A_269, %get3A_40, %dot_general3A_270 {dimension_numbers = #tpu.dot_dimension_numbers<[1], [0], [0], [1], [0, 0, 1, 1], [], []>, transpose_lhs_hint = false} : vector<1600x16xf32>, vector<16x48xf32>, vector<1600x48xf32> -> vector<1600x48xf32>
    %dot_general3A_272 = arith.constant dense<0.000000e+00> : vector<1600x48xf32>
    %dot_general3A_273 = tpu.matmul %slice3A_242, %get3A_43, %dot_general3A_272 {dimension_numbers = #tpu.dot_dimension_numbers<[1], [0], [0], [1], [0, 0, 1, 1], [], []>, transpose_lhs_hint = false} : vector<1600x12xf32>, vector<12x48xf32>, vector<1600x48xf32> -> vector<1600x48xf32>
    %mul3A_274 = arith.mulf %dot_general3A_271, %dot_general3A_273 : vector<1600x48xf32>
    %dot_general3A_275 = arith.constant dense<0.000000e+00> : vector<1600x12xf32>
    %dot_general3A_276 = tpu.matmul %mul3A_274, %get3A_46, %dot_general3A_275 {dimension_numbers = #tpu.dot_dimension_numbers<[1], [0], [0], [1], [0, 0, 1, 1], [], []>, transpose_lhs_hint = false} : vector<1600x48xf32>, vector<48x12xf32>, vector<1600x12xf32> -> vector<1600x12xf32>
    %add3A_277 = arith.addf %mul3A_268, %dot_general3A_276 : vector<1600x12xf32>
    %mul3A_278 = arith.constant 0.288675129 : f32
    %mul3A_279 = vector.broadcast %mul3A_278 : f32 to vector<1600x12xf32>
    %mul3A_280 = arith.mulf %add3A_277, %mul3A_279 : vector<1600x12xf32>
    %broadcast_in_dim3A_281 = arith.constant 0.000000e+00 : f32
    %broadcast_in_dim3A_282 = vector.broadcast %broadcast_in_dim3A_281 : f32 to vector<1600x12xf32>
    %concatenate3A_283 = tpu.concatenate %mul3A_257, %mul3A_280, %broadcast_in_dim3A_282 in 1 : vector<1600x8xf32>, vector<1600x12xf32>, vector<1600x12xf32> -> vector<1600x32xf32>
    %slice3A_284 = vector.extract_strided_slice %get3A_1 {offsets = [0, 96], sizes = [1600, 32], strides = [1, 1]} : vector<1600x128xf32> to vector<1600x32xf32>
    %slice3A_285 = vector.extract_strided_slice %get3A_4 {offsets = [0, 96], sizes = [1600, 32], strides = [1, 1]} : vector<1600x128xf32> to vector<1600x32xf32>
    %slice3A_286 = vector.extract_strided_slice %get3A_7 {offsets = [0, 4800], sizes = [4, 1600], strides = [1, 1]} : vector<4x6400xf32> to vector<4x1600xf32>
    %slice3A_287 = vector.extract_strided_slice %slice3A_285 {offsets = [0, 20], sizes = [1600, 3], strides = [1, 1]} : vector<1600x32xf32> to vector<1600x3xf32>
    %slice3A_288 = vector.extract_strided_slice %slice3A_284 {offsets = [0, 20], sizes = [1600, 3], strides = [1, 1]} : vector<1600x32xf32> to vector<1600x3xf32>
    %sub3A_289 = arith.subf %slice3A_287, %slice3A_288 : vector<1600x3xf32>
    %mul3A_290 = arith.mulf %sub3A_289, %sub3A_289 : vector<1600x3xf32>
    %reduce_sum3A_291 = arith.constant dense<0.000000e+00> : vector<1600xf32>
    %reduce_sum3A_292 = vector.multi_reduction <add>, %mul3A_290, %reduce_sum3A_291 [1] : vector<1600x3xf32> to vector<1600xf32>
    %broadcast_in_dim3A_293 = vector.shape_cast %reduce_sum3A_292 : vector<1600xf32> to vector<1600x1xf32>
    %sqrt3A_294 = math.sqrt %broadcast_in_dim3A_293 : vector<1600x1xf32>
    %max3A_295 = arith.constant 9.99999996E-13 : f32
    %max3A_296 = vector.broadcast %max3A_295 : f32 to vector<1600x1xf32>
    %max3A_297 = arith.maximumf %sqrt3A_294, %max3A_296 : vector<1600x1xf32>
    %div3A_298 = vector.broadcast %max3A_297 : vector<1600x1xf32> to vector<1600x3xf32>
    %div3A_299 = arith.divf %sub3A_289, %div3A_298 : vector<1600x3xf32>
    %slice3A_300 = vector.extract_strided_slice %div3A_299 {offsets = [0, 1], sizes = [1600, 1], strides = [1, 1]} : vector<1600x3xf32> to vector<1600x1xf32>
    %slice3A_301 = vector.extract_strided_slice %div3A_299 {offsets = [0, 2], sizes = [1600, 1], strides = [1, 1]} : vector<1600x3xf32> to vector<1600x1xf32>
    %slice3A_302 = vector.extract_strided_slice %div3A_299 {offsets = [0, 0], sizes = [1600, 1], strides = [1, 1]} : vector<1600x3xf32> to vector<1600x1xf32>
    %concatenate3A_303 = tpu.concatenate %slice3A_300, %slice3A_301, %slice3A_302 in 1 : vector<1600x1xf32>, vector<1600x1xf32>, vector<1600x1xf32> -> vector<1600x3xf32>
    %mul3A_304 = arith.constant 1.73205078 : f32
    %mul3A_305 = vector.broadcast %mul3A_304 : f32 to vector<1600x3xf32>
    %mul3A_306 = arith.mulf %mul3A_305, %concatenate3A_303 : vector<1600x3xf32>
    %dot_general3A_307 = arith.constant dense<0.000000e+00> : vector<1600x64xf32>
    %dot_general3A_308 = tpu.matmul %slice3A_286, %get3A_10, %dot_general3A_307 {dimension_numbers = #tpu.dot_dimension_numbers<[0], [0], [1], [1], [0, 1, 1, 1], [], []>, transpose_lhs_hint = false} : vector<4x1600xf32>, vector<4x64xf32>, vector<1600x64xf32> -> vector<1600x64xf32>
    %mul3A_309 = arith.constant 5.000000e-01 : f32
    %mul3A_310 = vector.broadcast %mul3A_309 : f32 to vector<1600x64xf32>
    %mul3A_311 = arith.mulf %dot_general3A_308, %mul3A_310 : vector<1600x64xf32>
    %logistic3A_312 = arith.negf %mul3A_311 : vector<1600x64xf32>
    %logistic3A_313 = math.exp %logistic3A_312 : vector<1600x64xf32>
    %logistic3A_314 = arith.constant 1.000000e+00 : f32
    %logistic3A_315 = vector.broadcast %logistic3A_314 : f32 to vector<1600x64xf32>
    %logistic3A_316 = arith.addf %logistic3A_315, %logistic3A_313 : vector<1600x64xf32>
    %logistic3A_317 = arith.divf %logistic3A_315, %logistic3A_316 : vector<1600x64xf32>
    %mul3A_318 = arith.mulf %mul3A_311, %logistic3A_317 : vector<1600x64xf32>
    %dot_general3A_319 = arith.constant dense<0.000000e+00> : vector<1600x144xf32>
    %dot_general3A_320 = tpu.matmul %mul3A_318, %get3A_13, %dot_general3A_319 {dimension_numbers = #tpu.dot_dimension_numbers<[1], [0], [0], [1], [0, 0, 1, 1], [], []>, transpose_lhs_hint = false} : vector<1600x64xf32>, vector<64x144xf32>, vector<1600x144xf32> -> vector<1600x144xf32>
    %mul3A_321 = arith.constant 1.250000e-01 : f32
    %mul3A_322 = vector.broadcast %mul3A_321 : f32 to vector<1600x144xf32>
    %mul3A_323 = arith.mulf %dot_general3A_320, %mul3A_322 : vector<1600x144xf32>
    %slice3A_324 = vector.extract_strided_slice %slice3A_284 {offsets = [0, 0], sizes = [1600, 8], strides = [1, 1]} : vector<1600x32xf32> to vector<1600x8xf32>
    %slice3A_325 = vector.extract_strided_slice %slice3A_284 {offsets = [0, 8], sizes = [1600, 12], strides = [1, 1]} : vector<1600x32xf32> to vector<1600x12xf32>
    %dot_general3A_326 = arith.constant dense<0.000000e+00> : vector<1600x12xf32>
    %dot_general3A_327 = tpu.matmul %mul3A_306, %get3A_16, %dot_general3A_326 {dimension_numbers = #tpu.dot_dimension_numbers<[1], [0], [0], [1], [0, 0, 1, 1], [], []>, transpose_lhs_hint = false} : vector<1600x3xf32>, vector<3x12xf32>, vector<1600x12xf32> -> vector<1600x12xf32>
    %mul3A_328 = arith.mulf %slice3A_325, %dot_general3A_327 : vector<1600x12xf32>
    %dot_general3A_329 = arith.constant dense<0.000000e+00> : vector<1600x4xf32>
    %dot_general3A_330 = tpu.matmul %mul3A_328, %get3A_19, %dot_general3A_329 {dimension_numbers = #tpu.dot_dimension_numbers<[1], [0], [0], [1], [0, 0, 1, 1], [], []>, transpose_lhs_hint = false} : vector<1600x12xf32>, vector<12x4xf32>, vector<1600x4xf32> -> vector<1600x4xf32>
    %concatenate3A_331 = tpu.concatenate %slice3A_324, %dot_general3A_330 in 1 : vector<1600x8xf32>, vector<1600x4xf32> -> vector<1600x12xf32>
    %dot_general3A_332 = arith.constant dense<0.000000e+00> : vector<1600x96xf32>
    %dot_general3A_333 = tpu.matmul %concatenate3A_331, %get3A_22, %dot_general3A_332 {dimension_numbers = #tpu.dot_dimension_numbers<[1], [0], [0], [1], [0, 0, 1, 1], [], []>, transpose_lhs_hint = false} : vector<1600x12xf32>, vector<12x96xf32>, vector<1600x96xf32> -> vector<1600x96xf32>
    %slice3A_334 = vector.extract_strided_slice %mul3A_323 {offsets = [0, 0], sizes = [1600, 96], strides = [1, 1]} : vector<1600x144xf32> to vector<1600x96xf32>
    %mul3A_335 = arith.mulf %slice3A_334, %dot_general3A_333 : vector<1600x96xf32>
    %dot_general3A_336 = arith.constant dense<0.000000e+00> : vector<1600x8xf32>
    %dot_general3A_337 = tpu.matmul %mul3A_335, %get3A_25, %dot_general3A_336 {dimension_numbers = #tpu.dot_dimension_numbers<[1], [0], [0], [1], [0, 0, 1, 1], [], []>, transpose_lhs_hint = false} : vector<1600x96xf32>, vector<96x8xf32>, vector<1600x8xf32> -> vector<1600x8xf32>
    %mul3A_338 = arith.constant 0.288675129 : f32
    %mul3A_339 = vector.broadcast %mul3A_338 : f32 to vector<1600x8xf32>
    %mul3A_340 = arith.mulf %dot_general3A_337, %mul3A_339 : vector<1600x8xf32>
    %slice3A_341 = vector.extract_strided_slice %mul3A_323 {offsets = [0, 96], sizes = [1600, 32], strides = [1, 1]} : vector<1600x144xf32> to vector<1600x32xf32>
    %dot_general3A_342 = arith.constant dense<0.000000e+00> : vector<1600x32xf32>
    %dot_general3A_343 = tpu.matmul %slice3A_324, %get3A_28, %dot_general3A_342 {dimension_numbers = #tpu.dot_dimension_numbers<[1], [0], [0], [1], [0, 0, 1, 1], [], []>, transpose_lhs_hint = false} : vector<1600x8xf32>, vector<8x32xf32>, vector<1600x32xf32> -> vector<1600x32xf32>
    %mul3A_344 = arith.mulf %slice3A_341, %dot_general3A_343 : vector<1600x32xf32>
    %dot_general3A_345 = arith.constant dense<0.000000e+00> : vector<1600x4xf32>
    %dot_general3A_346 = tpu.matmul %mul3A_344, %get3A_31, %dot_general3A_345 {dimension_numbers = #tpu.dot_dimension_numbers<[1], [0], [0], [1], [0, 0, 1, 1], [], []>, transpose_lhs_hint = false} : vector<1600x32xf32>, vector<32x4xf32>, vector<1600x4xf32> -> vector<1600x4xf32>
    %dot_general3A_347 = arith.constant dense<0.000000e+00> : vector<1600x12xf32>
    %dot_general3A_348 = tpu.matmul %dot_general3A_346, %get3A_34, %dot_general3A_347 {dimension_numbers = #tpu.dot_dimension_numbers<[1], [0], [0], [1], [0, 0, 1, 1], [], []>, transpose_lhs_hint = false} : vector<1600x4xf32>, vector<4x12xf32>, vector<1600x12xf32> -> vector<1600x12xf32>
    %dot_general3A_349 = arith.constant dense<0.000000e+00> : vector<1600x12xf32>
    %dot_general3A_350 = tpu.matmul %mul3A_306, %get3A_37, %dot_general3A_349 {dimension_numbers = #tpu.dot_dimension_numbers<[1], [0], [0], [1], [0, 0, 1, 1], [], []>, transpose_lhs_hint = false} : vector<1600x3xf32>, vector<3x12xf32>, vector<1600x12xf32> -> vector<1600x12xf32>
    %mul3A_351 = arith.mulf %dot_general3A_348, %dot_general3A_350 : vector<1600x12xf32>
    %slice3A_352 = vector.extract_strided_slice %mul3A_323 {offsets = [0, 128], sizes = [1600, 16], strides = [1, 1]} : vector<1600x144xf32> to vector<1600x16xf32>
    %dot_general3A_353 = arith.constant dense<0.000000e+00> : vector<1600x48xf32>
    %dot_general3A_354 = tpu.matmul %slice3A_352, %get3A_40, %dot_general3A_353 {dimension_numbers = #tpu.dot_dimension_numbers<[1], [0], [0], [1], [0, 0, 1, 1], [], []>, transpose_lhs_hint = false} : vector<1600x16xf32>, vector<16x48xf32>, vector<1600x48xf32> -> vector<1600x48xf32>
    %dot_general3A_355 = arith.constant dense<0.000000e+00> : vector<1600x48xf32>
    %dot_general3A_356 = tpu.matmul %slice3A_325, %get3A_43, %dot_general3A_355 {dimension_numbers = #tpu.dot_dimension_numbers<[1], [0], [0], [1], [0, 0, 1, 1], [], []>, transpose_lhs_hint = false} : vector<1600x12xf32>, vector<12x48xf32>, vector<1600x48xf32> -> vector<1600x48xf32>
    %mul3A_357 = arith.mulf %dot_general3A_354, %dot_general3A_356 : vector<1600x48xf32>
    %dot_general3A_358 = arith.constant dense<0.000000e+00> : vector<1600x12xf32>
    %dot_general3A_359 = tpu.matmul %mul3A_357, %get3A_46, %dot_general3A_358 {dimension_numbers = #tpu.dot_dimension_numbers<[1], [0], [0], [1], [0, 0, 1, 1], [], []>, transpose_lhs_hint = false} : vector<1600x48xf32>, vector<48x12xf32>, vector<1600x12xf32> -> vector<1600x12xf32>
    %add3A_360 = arith.addf %mul3A_351, %dot_general3A_359 : vector<1600x12xf32>
    %mul3A_361 = arith.constant 0.288675129 : f32
    %mul3A_362 = vector.broadcast %mul3A_361 : f32 to vector<1600x12xf32>
    %mul3A_363 = arith.mulf %add3A_360, %mul3A_362 : vector<1600x12xf32>
    %broadcast_in_dim3A_364 = arith.constant 0.000000e+00 : f32
    %broadcast_in_dim3A_365 = vector.broadcast %broadcast_in_dim3A_364 : f32 to vector<1600x12xf32>
    %concatenate3A_366 = tpu.concatenate %mul3A_340, %mul3A_363, %broadcast_in_dim3A_365 in 1 : vector<1600x8xf32>, vector<1600x12xf32>, vector<1600x12xf32> -> vector<1600x32xf32>
    %concatenate3A_367 = tpu.concatenate %concatenate3A_117, %concatenate3A_200, %concatenate3A_283, %concatenate3A_366 in 1 : vector<1600x32xf32>, vector<1600x32xf32>, vector<1600x32xf32>, vector<1600x32xf32> -> vector<1600x128xf32>
    %swap3A = arith.constant 0 : index
    %swap3A_368 = arith.constant 0 : index
    %swap3A_369 = vector.load %arg17[%swap3A, %swap3A_368] : memref<1600x128xf32, #tpu.memory_space<vmem>>, vector<1600x128xf32>
    tpu.vector_store %arg17[%swap3A, %swap3A_368], %concatenate3A_367 {strides = array<i32>} : memref<1600x128xf32, #tpu.memory_space<vmem>>, vector<1600x128xf32>,
    return
  }
  func.func @transform_0(%arg0: i32) -> (i32, i32) {
    %c0_i32 = arith.constant 0 : i32
    %c0_i32_0 = arith.constant 0 : i32
    return %arg0, %c0_i32 : i32, i32
  }
  func.func @transform_1(%arg0: i32) -> (i32, i32) {
    %c0_i32 = arith.constant 0 : i32
    %c0_i32_0 = arith.constant 0 : i32
    return %arg0, %c0_i32 : i32, i32
  }
  func.func @transform_2(%arg0: i32) -> (i32, i32) {
    %c0_i32 = arith.constant 0 : i32
    %c0_i32_0 = arith.constant 0 : i32
    return %c0_i32, %arg0 : i32, i32
  }
  func.func @transform_3(%arg0: i32) -> (i32, i32) {
    %c0_i32 = arith.constant 0 : i32
    %c0_i32_0 = arith.constant 0 : i32
    %c0_i32_1 = arith.constant 0 : i32
    return %c0_i32, %c0_i32_0 : i32, i32
  }
  func.func @transform_4(%arg0: i32) -> (i32, i32) {
    %c0_i32 = arith.constant 0 : i32
    %c0_i32_0 = arith.constant 0 : i32
    %c0_i32_1 = arith.constant 0 : i32
    return %c0_i32, %c0_i32_0 : i32, i32
  }
  func.func @transform_5(%arg0: i32) -> (i32, i32) {
    %c0_i32 = arith.constant 0 : i32
    %c0_i32_0 = arith.constant 0 : i32
    %c0_i32_1 = arith.constant 0 : i32
    return %c0_i32, %c0_i32_0 : i32, i32
  }
  func.func @transform_6(%arg0: i32) -> (i32, i32) {
    %c0_i32 = arith.constant 0 : i32
    %c0_i32_0 = arith.constant 0 : i32
    %c0_i32_1 = arith.constant 0 : i32
    return %c0_i32, %c0_i32_0 : i32, i32
  }
  func.func @transform_7(%arg0: i32) -> (i32, i32) {
    %c0_i32 = arith.constant 0 : i32
    %c0_i32_0 = arith.constant 0 : i32
    %c0_i32_1 = arith.constant 0 : i32
    return %c0_i32, %c0_i32_0 : i32, i32
  }
  func.func @transform_8(%arg0: i32) -> (i32, i32) {
    %c0_i32 = arith.constant 0 : i32
    %c0_i32_0 = arith.constant 0 : i32
    %c0_i32_1 = arith.constant 0 : i32
    return %c0_i32, %c0_i32_0 : i32, i32
  }
  func.func @transform_9(%arg0: i32) -> (i32, i32) {
    %c0_i32 = arith.constant 0 : i32
    %c0_i32_0 = arith.constant 0 : i32
    %c0_i32_1 = arith.constant 0 : i32
    return %c0_i32, %c0_i32_0 : i32, i32
  }
  func.func @transform_10(%arg0: i32) -> (i32, i32) {
    %c0_i32 = arith.constant 0 : i32
    %c0_i32_0 = arith.constant 0 : i32
    %c0_i32_1 = arith.constant 0 : i32
    return %c0_i32, %c0_i32_0 : i32, i32
  }
  func.func @transform_11(%arg0: i32) -> (i32, i32) {
    %c0_i32 = arith.constant 0 : i32
    %c0_i32_0 = arith.constant 0 : i32
    %c0_i32_1 = arith.constant 0 : i32
    return %c0_i32, %c0_i32_0 : i32, i32
  }
  func.func @transform_12(%arg0: i32) -> (i32, i32) {
    %c0_i32 = arith.constant 0 : i32
    %c0_i32_0 = arith.constant 0 : i32
    %c0_i32_1 = arith.constant 0 : i32
    return %c0_i32, %c0_i32_0 : i32, i32
  }
  func.func @transform_13(%arg0: i32) -> (i32, i32) {
    %c0_i32 = arith.constant 0 : i32
    %c0_i32_0 = arith.constant 0 : i32
    %c0_i32_1 = arith.constant 0 : i32
    return %c0_i32, %c0_i32_0 : i32, i32
  }
  func.func @transform_14(%arg0: i32) -> (i32, i32) {
    %c0_i32 = arith.constant 0 : i32
    %c0_i32_0 = arith.constant 0 : i32
    %c0_i32_1 = arith.constant 0 : i32
    return %c0_i32, %c0_i32_0 : i32, i32
  }
  func.func @transform_15(%arg0: i32) -> (i32, i32) {
    %c0_i32 = arith.constant 0 : i32
    %c0_i32_0 = arith.constant 0 : i32
    %c0_i32_1 = arith.constant 0 : i32
    return %c0_i32, %c0_i32_0 : i32, i32
  }
  func.func @transform_16(%arg0: i32) -> (i32, i32) {
    %c0_i32 = arith.constant 0 : i32
    %c0_i32_0 = arith.constant 0 : i32
    return %arg0, %c0_i32 : i32, i32
  }
}

module attributes {stable_mosaic.version = 14 : i64} {
  func.func @_node_body(%arg0: i32, %arg1: memref<2000x32xf32, #tpu.memory_space<vmem>>, %arg2: memref<2000x32xf32, #tpu.memory_space<vmem>>, %arg3: memref<2000x20xf32, #tpu.memory_space<vmem>>, %arg4: memref<1x1xf32, #tpu.memory_space<smem>>, %arg5: memref<16x128xf32, #tpu.memory_space<vmem>>, %arg6: memref<128x8xf32, #tpu.memory_space<vmem>>, %arg7: memref<2000x20xf32, #tpu.memory_space<vmem>>) attributes {dimension_semantics = [#tpu.dimension_semantics<arbitrary>], iteration_bounds = array<i64: 5>, scalar_prefetch = 0 : i64, scratch_operands = 0 : i64, tpu.core_type = #tpu.core_type<tc>, window_params = [{transform_indices = @transform_0, window_bounds = array<i64: 2000, 32>}, {transform_indices = @transform_1, window_bounds = array<i64: 2000, 32>}, {transform_indices = @transform_2, window_bounds = array<i64: 2000, 20>}, {transform_indices = @transform_3, window_bounds = array<i64: 1, 1>}, {pipeline_mode = #tpu.pipeline_mode<synchronous>, transform_indices = @transform_4, window_bounds = array<i64: 16, 128>}, {pipeline_mode = #tpu.pipeline_mode<synchronous>, transform_indices = @transform_5, window_bounds = array<i64: 128, 8>}, {transform_indices = @transform_6, window_bounds = array<i64: 2000, 20>}]} {
    %get3A = arith.constant 0 : index
    %get3A_0 = arith.constant 0 : index
    %get3A_1 = vector.load %arg1[%get3A, %get3A_0] : memref<2000x32xf32, #tpu.memory_space<vmem>>, vector<2000x32xf32>
    %get3A_2 = arith.constant 0 : index
    %get3A_3 = arith.constant 0 : index
    %get3A_4 = vector.load %arg2[%get3A_2, %get3A_3] : memref<2000x32xf32, #tpu.memory_space<vmem>>, vector<2000x32xf32>
    %add3A = arith.addf %get3A_1, %get3A_4 : vector<2000x32xf32>
    %slice3A = vector.extract_strided_slice %add3A {offsets = [0, 0], sizes = [2000, 20], strides = [1, 1]} : vector<2000x32xf32> to vector<2000x20xf32>
    %get3A_5 = arith.constant 0 : index
    %get3A_6 = arith.constant 0 : index
    %get3A_7 = memref.load %arg4[%get3A_5, %get3A_6] : memref<1x1xf32, #tpu.memory_space<smem>>
    %mul3A = arith.constant 0.176776692 : f32
    %mul3A_8 = arith.mulf %get3A_7, %mul3A : f32
    %mul3A_9 = vector.broadcast %mul3A_8 : f32 to vector<2000x20xf32>
    %mul3A_10 = arith.mulf %slice3A, %mul3A_9 : vector<2000x20xf32>
    %get3A_11 = arith.constant 0 : index
    %get3A_12 = arith.constant 0 : index
    %get3A_13 = vector.load %arg3[%get3A_11, %get3A_12] : memref<2000x20xf32, #tpu.memory_space<vmem>>, vector<2000x20xf32>
    %slice3A_14 = vector.extract_strided_slice %mul3A_10 {offsets = [0, 0], sizes = [2000, 8], strides = [1, 1]} : vector<2000x20xf32> to vector<2000x8xf32>
    %slice3A_15 = vector.extract_strided_slice %get3A_13 {offsets = [0, 0], sizes = [2000, 8], strides = [1, 1]} : vector<2000x20xf32> to vector<2000x8xf32>
    %concatenate3A = tpu.concatenate %slice3A_14, %slice3A_15 in 1 : vector<2000x8xf32>, vector<2000x8xf32> -> vector<2000x16xf32>
    %get3A_16 = arith.constant 0 : index
    %get3A_17 = arith.constant 0 : index
    %get3A_18 = vector.load %arg5[%get3A_16, %get3A_17] : memref<16x128xf32, #tpu.memory_space<vmem>>, vector<16x128xf32>
    %dot_general3A = arith.constant dense<0.000000e+00> : vector<2000x128xf32>
    %dot_general3A_19 = tpu.matmul %concatenate3A, %get3A_18, %dot_general3A {dimension_numbers = #tpu.dot_dimension_numbers<[1], [0], [0], [1], [0, 0, 1, 1], [], []>, transpose_lhs_hint = false} : vector<2000x16xf32>, vector<16x128xf32>, vector<2000x128xf32> -> vector<2000x128xf32>
    %mul3A_20 = arith.constant 2.500000e-01 : f32
    %mul3A_21 = vector.broadcast %mul3A_20 : f32 to vector<2000x128xf32>
    %mul3A_22 = arith.mulf %dot_general3A_19, %mul3A_21 : vector<2000x128xf32>
    %logistic3A = arith.negf %mul3A_22 : vector<2000x128xf32>
    %logistic3A_23 = math.exp %logistic3A : vector<2000x128xf32>
    %logistic3A_24 = arith.constant 1.000000e+00 : f32
    %logistic3A_25 = vector.broadcast %logistic3A_24 : f32 to vector<2000x128xf32>
    %logistic3A_26 = arith.addf %logistic3A_25, %logistic3A_23 : vector<2000x128xf32>
    %logistic3A_27 = arith.divf %logistic3A_25, %logistic3A_26 : vector<2000x128xf32>
    %mul3A_28 = arith.mulf %mul3A_22, %logistic3A_27 : vector<2000x128xf32>
    %get3A_29 = arith.constant 0 : index
    %get3A_30 = arith.constant 0 : index
    %get3A_31 = vector.load %arg6[%get3A_29, %get3A_30] : memref<128x8xf32, #tpu.memory_space<vmem>>, vector<128x8xf32>
    %dot_general3A_32 = arith.constant dense<0.000000e+00> : vector<2000x8xf32>
    %dot_general3A_33 = tpu.matmul %mul3A_28, %get3A_31, %dot_general3A_32 {dimension_numbers = #tpu.dot_dimension_numbers<[1], [0], [0], [1], [0, 0, 1, 1], [], []>, transpose_lhs_hint = false} : vector<2000x128xf32>, vector<128x8xf32>, vector<2000x8xf32> -> vector<2000x8xf32>
    %mul3A_34 = arith.constant 0.0883883461 : f32
    %mul3A_35 = vector.broadcast %mul3A_34 : f32 to vector<2000x8xf32>
    %mul3A_36 = arith.mulf %dot_general3A_33, %mul3A_35 : vector<2000x8xf32>
    %slice3A_37 = vector.extract_strided_slice %mul3A_10 {offsets = [0, 8], sizes = [2000, 12], strides = [1, 1]} : vector<2000x20xf32> to vector<2000x12xf32>
    %slice3A_38 = vector.extract_strided_slice %get3A_13 {offsets = [0, 8], sizes = [2000, 12], strides = [1, 1]} : vector<2000x20xf32> to vector<2000x12xf32>
    %add3A_39 = arith.addf %slice3A_37, %slice3A_38 : vector<2000x12xf32>
    %mul3A_40 = arith.constant 5.000000e-01 : f32
    %mul3A_41 = vector.broadcast %mul3A_40 : f32 to vector<2000x12xf32>
    %mul3A_42 = arith.mulf %add3A_39, %mul3A_41 : vector<2000x12xf32>
    %concatenate3A_43 = tpu.concatenate %mul3A_36, %mul3A_42 in 1 : vector<2000x8xf32>, vector<2000x12xf32> -> vector<2000x20xf32>
    %swap3A = arith.constant 0 : index
    %swap3A_44 = arith.constant 0 : index
    %swap3A_45 = vector.load %arg7[%swap3A, %swap3A_44] : memref<2000x20xf32, #tpu.memory_space<vmem>>, vector<2000x20xf32>
    tpu.vector_store %arg7[%swap3A, %swap3A_44], %concatenate3A_43 {strides = array<i32>} : memref<2000x20xf32, #tpu.memory_space<vmem>>, vector<2000x20xf32>,
    return
  }
  func.func @transform_0(%arg0: i32) -> (i32, i32) {
    %c0_i32 = arith.constant 0 : i32
    %c0_i32_0 = arith.constant 0 : i32
    return %arg0, %c0_i32 : i32, i32
  }
  func.func @transform_1(%arg0: i32) -> (i32, i32) {
    %c0_i32 = arith.constant 0 : i32
    %c0_i32_0 = arith.constant 0 : i32
    return %arg0, %c0_i32 : i32, i32
  }
  func.func @transform_2(%arg0: i32) -> (i32, i32) {
    %c0_i32 = arith.constant 0 : i32
    %c0_i32_0 = arith.constant 0 : i32
    return %arg0, %c0_i32 : i32, i32
  }
  func.func @transform_3(%arg0: i32) -> (i32, i32) {
    %c0_i32 = arith.constant 0 : i32
    %c0_i32_0 = arith.constant 0 : i32
    %c0_i32_1 = arith.constant 0 : i32
    return %c0_i32, %c0_i32_0 : i32, i32
  }
  func.func @transform_4(%arg0: i32) -> (i32, i32) {
    %c0_i32 = arith.constant 0 : i32
    %c0_i32_0 = arith.constant 0 : i32
    %c0_i32_1 = arith.constant 0 : i32
    return %c0_i32, %c0_i32_0 : i32, i32
  }
  func.func @transform_5(%arg0: i32) -> (i32, i32) {
    %c0_i32 = arith.constant 0 : i32
    %c0_i32_0 = arith.constant 0 : i32
    %c0_i32_1 = arith.constant 0 : i32
    return %c0_i32, %c0_i32_0 : i32, i32
  }
  func.func @transform_6(%arg0: i32) -> (i32, i32) {
    %c0_i32 = arith.constant 0 : i32
    %c0_i32_0 = arith.constant 0 : i32
    return %arg0, %c0_i32 : i32, i32
  }
}

</mosaic_0001>

<sc_bundles>
// kernel: gather_offload_async_start.1
scs
__scs_entry_jumppad:
0x0: {  	(pc) =	sbr.rel $0x88, $3  }
0x1: {  	(tag) =	ssettag $0x0;
	lr =	simm.s32 $0x1  }
0x2: {  	[smem:$0x3F98] =	sst lr;
	_ =	strace $0xD0000000  }
0x3: {  	_ = 	snop  }
0x4: {  	_ = 	snop  }
0x5: {  	_ = 	snop  }
0x6: {  	_ = 	snop  }
0x7: {  	_ = 	snop  }
__scs_overlays_trampoline_lowered:
0x8: {  	[smem:$0x3FA7] =	sst s0  }
0x9: {  	[smem:$0x3FA8] =	sst s1  }
0xa: {  	[smem:$0x3FA9] =	sst s2  }
0xb: {  	[smem:$0x3FAA] =	sst s3  }
0xc: {  	[smem:$0x3FAB] =	sst s4  }
0xd: {  	[smem:$0x3FAC] =	sst s5  }
0xe: {  	[smem:$0x3FAD] =	sst s6  }
0xf: {  	[smem:$0x3FAE] =	sst s7  }
0x10: {  	[smem:$0x3FAF] =	sst s8  }
0x11: {  	[smem:$0x3FB0] =	sst s9;
	s0 =	simm.s32 @!p0 $0x0  }
0x12: {  	s1 =	sld [smem:$0x3F96];
	s0 =	simm.s32 @p0 $0x1  }
0x13: {  	[smem:$0x3FB1] =	sst s0;
	s0 =	simm.s32 @!p1 $0x0  }
0x14: {  	s2 =	sld [smem:$0x3F95];
	s0 =	simm.s32 @p1 $0x1  }
0x15: {  	[smem:$0x3FB2] =	sst s0;
	s0 =	simm.s32 @!p2 $0x0  }
0x16: {  	s3 =	sld [smem:$0x3FDB];
	s0 =	simm.s32 @p2 $0x1  }
0x17: {  	s4 =	simm.s32 $0x1BF5;
	[smem:$0x3FB4] =	sst s0  }
0x18: {  	s0 =	sld [smem:$0x3F97];
	_ =	swait.ge [sflag:s4], $0x0  }
0x19: {  	s7 =	sld [smem:$0x3F98]  }
0x1a: {  	s8 =	sadd.s32 $0xFFFFE003, lr  }
0x1b: {  	s9 =	sadd.s32 $0xFFFFFEF7, lr;
	s5 =	simm.s32 $0xFFFFFFFF;
	p2 =	slt.u32 s8, $0xFFFFF086  }
0x1c: {  	p1 =	slt.u32 s9, $0xF7A;
	s5 =	simm.s32 @!p2 $0x0  }
0x1d: {  	s5 =	simm.s32 @p1 $0x1;
	p0 =	seq.s32 s7, s2  }
0x1e: {  	s7 =	smul.u32 @!p0 $0xF7A, s2;
	p2 =	seq.s32 @!p0 s5, $0x0  }
0x1f: {  	s9 =	smul.u32 $0xF7A, s1;
	s8 =	simm.s32 @!p0 $0x1BF5;
	p2 =	por !p2, p0  }
0x20: {  	[sflag:s8] =	ssyncset.s32 @!p0 $0xFFFFF086;
	s6 =	sadd.s32 @!p0 s3, s7;
	s7 =	simm.s32 @!p0 $0x108  }
0x21: {  	s3 =	sadd.s32 s3, s9;
	s6 =	sadd.s32 @!p0 $0x88, s6;
	s7 =	simm.s32 @p2 $0x1082  }
0x22: {  	[simem:s7], [sflag:s8] =	dma.local @!p0 [hbm:s6], $0xF7A  }
0x23: {  	s9 =	sor.u32 $0xD0000000, s2;
	s6 =	simm.s32 $0x108;
	_ =	swait.ge @!p0 [sflag:s8], $0x0  }
0x24: {  	s3 =	sadd.s32 $0x88, s3;
	s6 =	simm.s32 @!p1 $0x1082;
	[sflag:s4] =	ssyncset.s32 $0xFFFFF086  }
0x25: {  	[simem:s6], [sflag:s4] =	dma.local [hbm:s3], $0xF7A  }
0x26: {  	[smem:$0x3F98] =	sst s1;
	(tag) =	ssettag s2;
	_ =	strace s9  }
0x27: {  	s1 =	sld [smem:$0x3FA8]  }
0x28: {  	s2 =	sld [smem:$0x3FA9]  }
0x29: {  	s4 =	sld [smem:$0x3FAB]  }
0x2a: {  	p0 =	seq.s32 s5, $0x0;
	s5 =	sld [smem:$0x3FAC]  }
0x2b: {  	s6 =	sld [smem:$0x3FAD]  }
0x2c: {  	s7 =	sld [smem:$0x3FAE]  }
0x2d: {  	s3 =	simm.s32 $0x108;
	s8 =	sld [smem:$0x3FAF]  }
0x2e: {  	s3 =	simm.s32 @!p0 $0x1082;
	s9 =	sld [smem:$0x3FB0]  }
0x2f: {  	lr =	sadd.s32 s0, s3;
	s0 =	sld [smem:$0x3FA7]  }
0x30: {  	s3 =	sld [smem:$0x3FAA]  }
0x31: {  	[smem:$0x3FB3] =	sst s10  }
0x32: {  	s10 =	sld [smem:$0x3FB1];
	_ =	sdelay $0x3  }
0x33: {  	p0 =	seq.s32 s10, $0x1;
	s10 =	sld [smem:$0x3FB3];
	_ =	sdelay $0x3  }
0x34: {  	[smem:$0x3FB3] =	sst s10  }
0x35: {  	s10 =	sld [smem:$0x3FB2];
	_ =	sdelay $0x3  }
0x36: {  	p1 =	seq.s32 s10, $0x1;
	s10 =	sld [smem:$0x3FB3];
	_ =	sdelay $0x3  }
0x37: {  	[smem:$0x3FB3] =	sst s10  }
0x38: {  	s10 =	sld [smem:$0x3FB4]  }
0x39: {  	_ = 	snop;
	(pc) =	sbr.ind lr, $3  }
0x3a: {  	_ = 	snop  }
0x3b: {  	_ = 	snop  }
0x3c: {  	p2 =	seq.s32 s10, $0x1;
	s10 =	sld [smem:$0x3FB3]  }
0x3d: {  	_ =	shalt  }
0x3e: {  	_ =	shalt  }
0x3f: {  	_ =	shalt  }
0x40: {  	_ =	shalt  }
0x41: {  	_ =	shalt  }
0x42: {  	_ =	shalt  }
0x43: {  	_ =	shalt  }
0x44: {  	_ =	shalt  }
0x45: {  	_ =	shalt  }
0x46: {  	_ =	shalt  }
0x47: {  	_ =	shalt  }
0x48: {  	_ =	shalt  }
0x49: {  	_ =	shalt  }
0x4a: {  	_ =	shalt  }
0x4b: {  	_ =	shalt  }
0x4c: {  	_ =	shalt  }
0x4d: {  	_ =	shalt  }
0x4e: {  	_ =	shalt  }
0x4f: {  	_ =	shalt  }
0x50: {  	_ =	shalt  }
0x51: {  	_ =	shalt  }
0x52: {  	_ =	shalt  }
0x53: {  	_ =	shalt  }
0x54: {  	_ =	shalt  }
0x55: {  	_ =	shalt  }
0x56: {  	_ =	shalt  }
0x57: {  	_ =	shalt  }
0x58: {  	_ =	shalt  }
0x59: {  	_ =	shalt  }
0x5a: {  	_ =	shalt  }
0x5b: {  	_ =	shalt  }
0x5c: {  	_ =	shalt  }
0x5d: {  	_ =	shalt  }
0x5e: {  	_ =	shalt  }
0x5f: {  	_ =	shalt  }
0x60: {  	_ =	shalt  }
0x61: {  	_ =	shalt  }
0x62: {  	_ =	shalt  }
0x63: {  	_ =	shalt  }
0x64: {  	_ =	shalt  }
0x65: {  	_ =	shalt  }
0x66: {  	_ =	shalt  }
0x67: {  	_ =	shalt  }
0x68: {  	_ =	shalt  }
0x69: {  	_ =	shalt  }
0x6a: {  	_ =	shalt  }
0x6b: {  	_ =	shalt  }
0x6c: {  	_ =	shalt  }
0x6d: {  	_ =	shalt  }
0x6e: {  	_ =	shalt  }
0x6f: {  	_ =	shalt  }
0x70: {  	_ =	shalt  }
0x71: {  	_ =	shalt  }
0x72: {  	_ =	shalt  }
0x73: {  	_ =	shalt  }
0x74: {  	_ =	shalt  }
0x75: {  	_ =	shalt  }
0x76: {  	_ =	shalt  }
0x77: {  	_ =	shalt  }
0x78: {  	_ =	shalt  }
0x79: {  	_ =	shalt  }
0x7a: {  	_ =	shalt  }
0x7b: {  	_ =	shalt  }
0x7c: {  	_ =	shalt  }
0x7d: {  	_ =	shalt  }
0x7e: {  	_ =	shalt  }
0x7f: {  	_ =	shalt  }
0x80: {  	_ =	shalt  }
0x81: {  	_ =	shalt  }
0x82: {  	_ =	shalt  }
0x83: {  	_ =	shalt  }
0x84: {  	_ =	shalt  }
0x85: {  	_ =	shalt  }
0x86: {  	_ =	shalt  }
0x87: {  	_ =	shalt  }
.Lfunc_end0:
.L_simem_size_0:
called_computation.1_lowered:
.L_overlay_start_0:
0x88: {  	s2 =	sld [smem:$0x3FD9]  }
0x89: {  	s3 =	sld [smem:$0x3FFE];
	_ =	sdelay $0x1  }
0x8a: {  	s1 =	srdreg.scid  }
0x8b: {  	s0 =	sand.u32 $0x1, s1  }
0x8c: {  	s16 =	sshll.u32 s0, $0xA;
	s2 =	sadd.s32 s3, s2  }
0x8d: {  	s2 =	sadd.s32 s2, s16  }
0x8e: {  	[smem:$0x3FBF] =	sst s2  }
0x8f: {  	_ = 	snop  }
0x90: {  	(tm) =	ssettm $0x1  }
0x91: {  	s17 =	sld [smem:$0x3FFB];
	_ =	sdelay $0x3  }
0x92: {  	_ =	strace s17  }
0x93: {  	s2 =	sld [smem:$0x3FFC];
	_ =	sdelay $0x3  }
0x94: {  	_ =	strace s2  }
0x95: {  	s2 =	sld [smem:$0x3FFD];
	_ =	sdelay $0x3  }
0x96: {  	_ =	strace s2  }
0x97: {  	_ =	strace $0x8FFFFFFF  }
0x98: {  	s18 =	sld [smem:$0x3FDB];
	_ =	sdelay $0x1  }
0x99: {  	s19 =	simm.s32 $_scs_section_size  }
0x9a: {  	s4 =	simm.s32 $_size__tile_overlayer_lowered;
	s5 =	simm.s32 $_tile_overlayer_lowered  }
0x9b: {  	s22 =	simm.s32 $0x1BFF;
	s21 =	sshll.u32 s5, $0x1;
	s2 =	sadd.s32 s19, s18  }
0x9c: {  	s6 =	simm.s32 $0x0;
	s20 =	sshll.u32 s4, $0x1;
	s4 =	sadd.s32 s21, s2  }
0x9d: {  	[timem:s6], [sflag:s22] =	dma.local [hbm:s4], s20  }
0x9e: {  	_ =	swait.ge [sflag:s22], s20  }
0x9f: {  	s3 =	ssub.s32 $0x0, s20;
	[sflag:s22] =	ssyncset.done $0x0  }
0xa0: {  	[sflag:s22] =	ssyncadd.s32 s3;
	_ =	sdelay $0x1  }
0xa1: {  	s23 =	simm.s32 $0x1B8B  }
0xa2: {  	_ =	swait.ge [sflag:s23], $0x1  }
0xa3: {  	[sflag:s23] =	ssyncset.done $0x0  }
0xa4: {  	s25 =	simm.s32 $0x1B8E;
	s24 =	sld [smem:$0x3FFE];
	[sflag:s23] =	ssyncadd.s32 $0xFFFFFFFF  }
0xa5: {  	s26 =	simm.s32 $execute0_lowered;
	[smem:$0x3FD2] =	sst s25  }
0xa6: {  	s4 =	sshll.u32 s26, $0x1;
	_ =	strace $0x80000046;
	[dreg:$0x1] =	wrdreg $0xFFFFFFFF  }
0xa7: {  	s28 =	simm.s32 $_size_execute0_lowered;
	s2 =	sadd.s32 s2, s4;
	[dreg:$0x0] =	wrdreg $0x0  }
0xa8: {  	s4 =	sshll.u32 s28, $0x1;
	[dreg:$0x2] =	wrdreg s2  }
0xa9: {  	[dreg:$0x3] =	wrdreg s4  }
0xaa: {  	[dreg:$0x4] =	wrdreg $0xC0  }
0xab: {  	_ =	task [dreg:s6], $0x5FFFF  }
0xac: {  	[dreg:$0x1] =	wrdreg $0xFFFFFFFF  }
0xad: {  	[dreg:$0x0] =	wrdreg $0x60  }
0xae: {  	[dreg:$0x2] =	wrdreg s24  }
0xaf: {  	[dreg:$0x3] =	wrdreg $0xA  }
0xb0: {  	_ =	task.clear_ibuf [dreg:s6], $0x4FFFF;
	_ =	strace $0x90000046  }
0xb1: {  	s29 =	simm.s32 $0xA;
	_ =	strace $0x80000048  }
0xb2: {  	_ =	swait.ge [sflag:s29], $0x1  }
0xb3: {  	[sflag:s29] =	ssyncadd.s32 $0xFFFFFFFF  }
0xb4: {  	_ =	strace $0x90000048  }
0xb5: {  	_ =	sfence  }
0xb6: {  	s30 =	sld [smem:$0x0];
	_ =	sdelay $0x2  }
0xb7: {  	s31 =	sshll.u32 s1, $0xD;
	s1 =	sshrl.u32 s1, $0x2  }
0xb8: {  	s3 =	sand.u32 $0x4000, s31;
	s1 =	sadd.s32 s1, s30  }
0xb9: {  	s0 =	sor.u32 s3, s0;
	s1 =	sshll.u32 s1, $0x11  }
0xba: {  	s0 =	sor.u32 s1, s0  }
0xbb: {  	s0 =	sadd.s32 $0x8F2B, s0  }
0xbc: {  	[sflag:s0] =	ssyncadd.remote.s32 $0x1  }
0xbd: {  	_ =	sfence.sel $0xFFFF  }
0xbe: {  	[dreg:$0x0] =	wrdreg $0xFFFFFFFF;
	(pc) =	sbr.abs _section_cstart, $3  }
0xbf: {  	[dreg:$0x1] =	wrdreg $0xFFFFFFFF  }
0xc0: {  	_ =	task.clear_ibuf [dreg:s6], $0x2FFFF;
	_ =	strace $0x9FFFFFFF  }
0xc1: {  	(tm) =	ssettm $0x7FFFFFFF  }
tec
execute0_lowered:
.L_overlay_start_1:
0x0: {  	(tag) =	ssettag $0x1  }
0x1: {  	s8 =	rddreg [dreg:$0x0]  }
0x2: {  	s0 =	rddreg [dreg:$0x1];
	_ =	strace $0x80000047;
	s1 =	stileid.u32  }
0x3: {  	s3 =	srdreg.scid;
	s4 =	simm.s32 $0x1;
	s7 =	simm.s32 $0x1  }
0x4: {  	s9 =	simm.s32 $0x1;
	s10 =	simm.s32 $0x3;
	s13 =	simm.s32 $0x0  }
0x5: {  	s12 =	simm.s32 $0x0;
	s5 =	sand.u32 $0x1, s3;
	s6 =	sshll.u32 s1, $0x1  }
0x6: {  	s2 =	sadd.s32 $0x3A00, s8;
	s3 =	sadd.s32 $0x17600, s8;
	s5 =	sor.u32 s6, s5  }
.Ltmp0:
0x7: {  	[sflag:s4] =	ssyncpa.u1 $0x0;
	p0 =	slt.u32 s5, $0x9;
	(pc) =	sbr.rel .LBB2_1-.Ltmp0, $4  }
0x8: {  	s6 =	simm.s32 $0x2;
	s7 =	simm.s32 @!p0 $0x0;
	p0 =	sne.s32 s5, $0x8  }
0x9: {  	[sflag:s6] =	ssyncpa.u1 $0x0;
	s5 =	smul.u32 $0x1F40, s5;
	s9 =	simm.s32 @!p0 $0x0  }
0xa: {  	s8 =	sadd.s32 $0x2B200, s8;
	[sflag:s10] =	ssyncpa.u1 $0x0;
	s7 =	sadd.s32 s9, s7  }
0xb: {  	vm0 =	vmmov $0xffff;
	s10 =	simm.s32 $0x0;
	s11 =	smov.u32 s5;
	s9 =	sadd.s32 $0x1, s7  }
.LBB2_4:
0xc: {  	v2 =	vnsel vm1, $0x0, v2  }
0xd: {  	vm1 =	vgt.s32 v0, $0x0;
	v2 =	vmin.u32 v2, $0x4E1FF  }
0xe: {  	v0 =	vnsel vm1, $0x0, v0  }
0xf: {  	v0 =	vmin.u32 v0, $0x4E1FF  }
0x10: {  	[tilespmem:s18], [sflag:$0x1] =	stream.indirect_vreg.gather [hbm4b:s2+s10], $0x1, v1, vm0, $0x4038;
	[tilespmem:$0x7D00] =	vst v63  }
0x11: {  	(ifvalue) =	ssetifvalue $0x7FFFFFFF  }
0x12: {  	[tilespmem:s15], [sflag:$0x1] =	stream.indirect_vreg.gather [hbm4b:s2+s10], $0x1, v2, vm0, $0x4038;
	[tilespmem:$0x7D00] =	vst v63  }
0x13: {  	s29 =	sadd.s32 $0x10, s15;
	(ifvalue) =	ssetifvalue $0x7FFFFFFF  }
0x14: {  	[tilespmem:s29], [sflag:$0x1] =	stream.indirect_vreg.gather [hbm4b:s2+s10], $0x1, v0, vm0, $0x4038;
	[tilespmem:$0x7D00] =	vst v63  }
0x15: {  	_ =	swait.ge [sflag:s4], $0x1F40  }
0x16: {  	s30 =	sshrl.u32 s13, $0x3;
	[sflag:s4] =	ssyncset.done $0x0  }
0x17: {  	s31 =	sand.u32 $0x7, s13;
	s15 =	sadd.s32 s8, s30;
	[sflag:s4] =	ssyncadd.s32 $0xFFFFE0C0  }
0x18: {  	[hbm4b:s15+s31] =	stream.linear.scatter [tilespmem:s14], [sflag:$0x3], $0x1F40, $0x38;
	[tilespmem:$0x7D00] =	vst v63  }
.LBB2_5:
0x19: {  	s15 =	sadd.s32 $0x3E800, s11  }
0x1a: {  	p1 =	sgt.s32 s15, $0x4E1FF  }
0x1b: {  	s15 =	smov.u32 @p1 s5;
	p1 =	sne.s32 s12, s9  }
.Ltmp1:
0x1c: {  	p0 =	slt.u32 s12, $0x2;
	(pc) =	sbr.rel @!p1 .LBB2_6-.Ltmp1, $4  }
0x1d: {  	s14 =	simm.s32 @!p0 $0x3  }
0x1e: {  	_ =	swait.ge @!p0 [sflag:s14], $0x1F40  }
0x1f: {  	s16 =	sadd.s32 $0x1, s12;
	s13 =	smov.u32 s11;
	[sflag:s14] =	ssyncset.done @!p0 $0x0  }
0x20: {  	s12 =	smov.u32 s16;
	s11 =	smov.u32 s15;
	[sflag:s14] =	ssyncadd.s32 @!p0 $0xFFFFE0C0  }
.LBB2_1:
0x21: {  	p0 =	sge.u32 s12, s7  }
0x22: {  	s14 =	sxor.u32 @!p0 $0x1, s12  }
0x23: {  	s14 =	smul.u32 @!p0 $0x7D00, s14  }
0x24: {  	s31 =	sadd.s32 $0xFFFFFFFF, s12;
	s15 =	sshrl.u32 @!p0 s11, $0x3  }
0x25: {  	s16 =	sand.u32 @!p0 $0x7, s11;
	s15 =	sadd.s32 @!p0 s3, s15;
	s14 =	sshra.s32 @!p0 s14, $0x2  }
0x26: {  	[tilespmem:s14], [sflag:$0x2] =	stream.linear.gather @!p0 [hbm4b:s15+s16], $0x1F40, $0x38;
	[tilespmem:$0x7D00] =	vst v63  }
0x27: {  	p0 =	sge.u32 s31, s7  }
.Ltmp2:
0x28: {  	_ = 	snop;
	(pc) =	sbr.rel @p0 .LBB2_5-.Ltmp2, $1  }
0x29: {  	_ =	sdelay $0x3  }
0x2a: {  	s14 =	sand.u32 $0x1, s12  }
0x2b: {  	_ =	swait.ge [sflag:s6], $0x1F40;
	p0 =	seq.s32 s14, $0x1;
	s14 =	simm.s32 $0x1F40  }
0x2c: {  	[sflag:s6] =	ssyncset.done $0x0;
	s14 =	simm.s32 @!p0 $0x0  }
0x2d: {  	[sflag:s6] =	ssyncadd.s32 $0xFFFFE0C0;
	(ifvalue) =	ssetifvalue $0x7FFFFFFF;
	v0 =	vld.msk [tilespmem:s14+$0x0 ss:$0x1], $0xffff;
	_ =	sdelay $0x4  }
0x2e: {  	s15 =	sadd.s32 $0x10, s14;
	vm1 =	vgt.s32 v0, $0x0  }
0x2f: {  	v2 =	vld.msk [tilespmem:s15+$0x0 ss:$0x1], $0xffff;
	v1 =	vnsel vm1, $0x0, v0  }
0x30: {  	v1 =	vmin.u32 v1, $0x4E1FF;
	_ =	sdelay $0x2  }
0x31: {  	s17 =	simm.s32 $0x20;
	s14 =	sadd.s32 $0x3E80, s14;
	s16 =	sadd.s32 $0x10, s15  }
0x32: {  	s15 =	sadd.s32 $0x10, s14;
	s18 =	smov.u32 s14;
	v0 =	vld.msk [tilespmem:s16+$0x0 ss:$0x1], $0xffff;
	vm1 =	vgt.s32 v2, $0x0;
	(ifvalue) =	ssetifvalue $0x7FFFFFFF  }
.LBB2_3:
0x33: {  	[tilespmem:s18], [sflag:$0x1] =	stream.indirect_vreg.gather [hbm4b:s2+s10], $0x1, v1, vm0, $0x4038;
	[tilespmem:$0x7D00] =	vst v63  }
0x34: {  	s17 =	sadd.s32 $0x10, s17  }
0x35: {  	v2 =	vnsel vm1, $0x0, v2;
	p0 =	slt.u32 s17, $0x1F30  }
.Ltmp3:
0x36: {  	s18 =	smov.u32 s15;
	v1 =	vmin.u32 v2, $0x4E1FF;
	(pc) =	sbr.rel @p0 .LBB2_3-.Ltmp3, $3  }
0x37: {  	_ =	sdelay $0x1  }
0x38: {  	s16 =	sadd.s32 $0x10, s16  }
0x39: {  	vm1 =	vgt.s32 v0, $0x0;
	s15 =	sadd.s32 $0x10, s15;
	v2 =	vmov v0;
	(ifvalue) =	ssetifvalue $0x7FFFFFFF;
	v0 =	vld.msk [tilespmem:s16+$0x0 ss:$0x1], $0xffff  }
.Ltmp4:
0x3a: {  	_ = 	snop;
	(pc) =	sbr.rel .LBB2_4-.Ltmp4, $1  }
0x3b: {  	_ =	sdelay $0x3  }
.LBB2_6:
0x3c: {  	_ =	sfence.sel $0x180000  }
0x3d: {  	s2 =	simm.s32 $0x2;
	[bflag:$0x0] =	sbarrier.arrive $0xFFFF  }
0x3e: {  	s30 =	simm.s32 $0x3;
	[sflag:s2] =	ssyncpa.u1 $0x1  }
0x3f: {  	s31 =	simm.s32 $0x1;
	[sflag:s30] =	ssyncpa.u1 $0x1  }
0x40: {  	[sflag:s31] =	ssyncpa.u1 $0x1  }
0x41: {  	p0 =	sne.s32 s1, $0x0;
	_ =	strace $0x90000047  }
0x42: {  	s0 =	sadd.s32 @!p0 $0x100000, s0;
	[bflag:$0x2] =	sbarrier.arrive $0xFFFF  }
0x43: {  	[sflag:s0] =	ssyncadd.tile.s32 @!p0 $0x1;
	_ =	shalt  }
.Lfunc_end2:
_tile_overlayer_lowered:
.L_overlay_start_2:
0x44: {  	(tag) =	ssettag $0x2  }
0x45: {  	s0 =	rddreg [dreg:$0x0];
	s2 =	stileid.u32  }
0x46: {  	s1 =	rddreg [dreg:$0x1];
	p0 =	sne.s32 s2, $0x0  }
0x47: {  	s3 =	rddreg [dreg:$0x2];
	[bflag:$0x3] =	sbarrier.arrive $0xFFFF;
	s2 =	simm.s32 @!p0 $0x1C01  }
0x48: {  	[timem:s3], [sflag:s2] =	dma.local @!p0 [hbm:s0], s1  }
0x49: {  	s0 =	simm.s32 @!p0 $0x1  }
0x4a: {  	_ =	swait.ge @!p0 [sflag:s0], s1  }
0x4b: {  	s1 =	ssub.s32 @!p0 $0x0, s1;
	[sflag:s0] =	ssyncset.done @!p0 $0x0  }
0x4c: {  	[sflag:s0] =	ssyncadd.s32 @!p0 s1  }
0x4d: {  	[bflag:$0x3] =	sbarrier.arrive $0xFFFF  }
0x4e: {  	_ =	shalt  }

// kernel: gather_offload_async_start
scs
__scs_entry_jumppad:
0x0: {  	(pc) =	sbr.rel $0x88, $3  }
0x1: {  	(tag) =	ssettag $0x0;
	lr =	simm.s32 $0x1  }
0x2: {  	[smem:$0x3F98] =	sst lr;
	_ =	strace $0xD0000000  }
0x3: {  	_ = 	snop  }
0x4: {  	_ = 	snop  }
0x5: {  	_ = 	snop  }
0x6: {  	_ = 	snop  }
0x7: {  	_ = 	snop  }
__scs_overlays_trampoline_lowered:
0x8: {  	[smem:$0x3FA7] =	sst s0  }
0x9: {  	[smem:$0x3FA8] =	sst s1  }
0xa: {  	[smem:$0x3FA9] =	sst s2  }
0xb: {  	[smem:$0x3FAA] =	sst s3  }
0xc: {  	[smem:$0x3FAB] =	sst s4  }
0xd: {  	[smem:$0x3FAC] =	sst s5  }
0xe: {  	[smem:$0x3FAD] =	sst s6  }
0xf: {  	[smem:$0x3FAE] =	sst s7  }
0x10: {  	[smem:$0x3FAF] =	sst s8  }
0x11: {  	[smem:$0x3FB0] =	sst s9;
	s0 =	simm.s32 @!p0 $0x0  }
0x12: {  	s1 =	sld [smem:$0x3F96];
	s0 =	simm.s32 @p0 $0x1  }
0x13: {  	[smem:$0x3FB1] =	sst s0;
	s0 =	simm.s32 @!p1 $0x0  }
0x14: {  	s2 =	sld [smem:$0x3F95];
	s0 =	simm.s32 @p1 $0x1  }
0x15: {  	[smem:$0x3FB2] =	sst s0;
	s0 =	simm.s32 @!p2 $0x0  }
0x16: {  	s3 =	sld [smem:$0x3FDB];
	s0 =	simm.s32 @p2 $0x1  }
0x17: {  	s4 =	simm.s32 $0x1BF5;
	[smem:$0x3FB4] =	sst s0  }
0x18: {  	s0 =	sld [smem:$0x3F97];
	_ =	swait.ge [sflag:s4], $0x0  }
0x19: {  	s7 =	sld [smem:$0x3F98]  }
0x1a: {  	s8 =	sadd.s32 $0xFFFFE003, lr  }
0x1b: {  	s9 =	sadd.s32 $0xFFFFFEF7, lr;
	s5 =	simm.s32 $0xFFFFFFFF;
	p2 =	slt.u32 s8, $0xFFFFF086  }
0x1c: {  	p1 =	slt.u32 s9, $0xF7A;
	s5 =	simm.s32 @!p2 $0x0  }
0x1d: {  	s5 =	simm.s32 @p1 $0x1;
	p0 =	seq.s32 s7, s2  }
0x1e: {  	s7 =	smul.u32 @!p0 $0xF7A, s2;
	p2 =	seq.s32 @!p0 s5, $0x0  }
0x1f: {  	s9 =	smul.u32 $0xF7A, s1;
	s8 =	simm.s32 @!p0 $0x1BF5;
	p2 =	por !p2, p0  }
0x20: {  	[sflag:s8] =	ssyncset.s32 @!p0 $0xFFFFF086;
	s6 =	sadd.s32 @!p0 s3, s7;
	s7 =	simm.s32 @!p0 $0x108  }
0x21: {  	s3 =	sadd.s32 s3, s9;
	s6 =	sadd.s32 @!p0 $0x88, s6;
	s7 =	simm.s32 @p2 $0x1082  }
0x22: {  	[simem:s7], [sflag:s8] =	dma.local @!p0 [hbm:s6], $0xF7A  }
0x23: {  	s9 =	sor.u32 $0xD0000000, s2;
	s6 =	simm.s32 $0x108;
	_ =	swait.ge @!p0 [sflag:s8], $0x0  }
0x24: {  	s3 =	sadd.s32 $0x88, s3;
	s6 =	simm.s32 @!p1 $0x1082;
	[sflag:s4] =	ssyncset.s32 $0xFFFFF086  }
0x25: {  	[simem:s6], [sflag:s4] =	dma.local [hbm:s3], $0xF7A  }
0x26: {  	[smem:$0x3F98] =	sst s1;
	(tag) =	ssettag s2;
	_ =	strace s9  }
0x27: {  	s1 =	sld [smem:$0x3FA8]  }
0x28: {  	s2 =	sld [smem:$0x3FA9]  }
0x29: {  	s4 =	sld [smem:$0x3FAB]  }
0x2a: {  	p0 =	seq.s32 s5, $0x0;
	s5 =	sld [smem:$0x3FAC]  }
0x2b: {  	s6 =	sld [smem:$0x3FAD]  }
0x2c: {  	s7 =	sld [smem:$0x3FAE]  }
0x2d: {  	s3 =	simm.s32 $0x108;
	s8 =	sld [smem:$0x3FAF]  }
0x2e: {  	s3 =	simm.s32 @!p0 $0x1082;
	s9 =	sld [smem:$0x3FB0]  }
0x2f: {  	lr =	sadd.s32 s0, s3;
	s0 =	sld [smem:$0x3FA7]  }
0x30: {  	s3 =	sld [smem:$0x3FAA]  }
0x31: {  	[smem:$0x3FB3] =	sst s10  }
0x32: {  	s10 =	sld [smem:$0x3FB1];
	_ =	sdelay $0x3  }
0x33: {  	p0 =	seq.s32 s10, $0x1;
	s10 =	sld [smem:$0x3FB3];
	_ =	sdelay $0x3  }
0x34: {  	[smem:$0x3FB3] =	sst s10  }
0x35: {  	s10 =	sld [smem:$0x3FB2];
	_ =	sdelay $0x3  }
0x36: {  	p1 =	seq.s32 s10, $0x1;
	s10 =	sld [smem:$0x3FB3];
	_ =	sdelay $0x3  }
0x37: {  	[smem:$0x3FB3] =	sst s10  }
0x38: {  	s10 =	sld [smem:$0x3FB4]  }
0x39: {  	_ = 	snop;
	(pc) =	sbr.ind lr, $3  }
0x3a: {  	_ = 	snop  }
0x3b: {  	_ = 	snop  }
0x3c: {  	p2 =	seq.s32 s10, $0x1;
	s10 =	sld [smem:$0x3FB3]  }
0x3d: {  	_ =	shalt  }
0x3e: {  	_ =	shalt  }
0x3f: {  	_ =	shalt  }
0x40: {  	_ =	shalt  }
0x41: {  	_ =	shalt  }
0x42: {  	_ =	shalt  }
0x43: {  	_ =	shalt  }
0x44: {  	_ =	shalt  }
0x45: {  	_ =	shalt  }
0x46: {  	_ =	shalt  }
0x47: {  	_ =	shalt  }
0x48: {  	_ =	shalt  }
0x49: {  	_ =	shalt  }
0x4a: {  	_ =	shalt  }
0x4b: {  	_ =	shalt  }
0x4c: {  	_ =	shalt  }
0x4d: {  	_ =	shalt  }
0x4e: {  	_ =	shalt  }
0x4f: {  	_ =	shalt  }
0x50: {  	_ =	shalt  }
0x51: {  	_ =	shalt  }
0x52: {  	_ =	shalt  }
0x53: {  	_ =	shalt  }
0x54: {  	_ =	shalt  }
0x55: {  	_ =	shalt  }
0x56: {  	_ =	shalt  }
0x57: {  	_ =	shalt  }
0x58: {  	_ =	shalt  }
0x59: {  	_ =	shalt  }
0x5a: {  	_ =	shalt  }
0x5b: {  	_ =	shalt  }
0x5c: {  	_ =	shalt  }
0x5d: {  	_ =	shalt  }
0x5e: {  	_ =	shalt  }
0x5f: {  	_ =	shalt  }
0x60: {  	_ =	shalt  }
0x61: {  	_ =	shalt  }
0x62: {  	_ =	shalt  }
0x63: {  	_ =	shalt  }
0x64: {  	_ =	shalt  }
0x65: {  	_ =	shalt  }
0x66: {  	_ =	shalt  }
0x67: {  	_ =	shalt  }
0x68: {  	_ =	shalt  }
0x69: {  	_ =	shalt  }
0x6a: {  	_ =	shalt  }
0x6b: {  	_ =	shalt  }
0x6c: {  	_ =	shalt  }
0x6d: {  	_ =	shalt  }
0x6e: {  	_ =	shalt  }
0x6f: {  	_ =	shalt  }
0x70: {  	_ =	shalt  }
0x71: {  	_ =	shalt  }
0x72: {  	_ =	shalt  }
0x73: {  	_ =	shalt  }
0x74: {  	_ =	shalt  }
0x75: {  	_ =	shalt  }
0x76: {  	_ =	shalt  }
0x77: {  	_ =	shalt  }
0x78: {  	_ =	shalt  }
0x79: {  	_ =	shalt  }
0x7a: {  	_ =	shalt  }
0x7b: {  	_ =	shalt  }
0x7c: {  	_ =	shalt  }
0x7d: {  	_ =	shalt  }
0x7e: {  	_ =	shalt  }
0x7f: {  	_ =	shalt  }
0x80: {  	_ =	shalt  }
0x81: {  	_ =	shalt  }
0x82: {  	_ =	shalt  }
0x83: {  	_ =	shalt  }
0x84: {  	_ =	shalt  }
0x85: {  	_ =	shalt  }
0x86: {  	_ =	shalt  }
0x87: {  	_ =	shalt  }
.Lfunc_end0:
.L_simem_size_0:
called_computation_lowered:
.L_overlay_start_0:
0x88: {  	s2 =	sld [smem:$0x3FD9]  }
0x89: {  	s3 =	sld [smem:$0x3FFE];
	_ =	sdelay $0x1  }
0x8a: {  	s1 =	srdreg.scid  }
0x8b: {  	s0 =	sand.u32 $0x1, s1  }
0x8c: {  	s17 =	sshll.u32 s0, $0xA;
	s2 =	sadd.s32 s3, s2  }
0x8d: {  	s2 =	sadd.s32 s2, s17  }
0x8e: {  	[smem:$0x3FBF] =	sst s2  }
0x8f: {  	_ = 	snop  }
0x90: {  	(tm) =	ssettm $0x1  }
0x91: {  	s18 =	sld [smem:$0x3FFB];
	_ =	sdelay $0x3  }
0x92: {  	_ =	strace s18  }
0x93: {  	s2 =	sld [smem:$0x3FFC];
	_ =	sdelay $0x3  }
0x94: {  	_ =	strace s2  }
0x95: {  	s2 =	sld [smem:$0x3FFD];
	_ =	sdelay $0x3  }
0x96: {  	_ =	strace s2  }
0x97: {  	_ =	strace $0x8FFFFFFF  }
0x98: {  	s19 =	sld [smem:$0x3FDB];
	_ =	sdelay $0x1  }
0x99: {  	s20 =	simm.s32 $_scs_section_size  }
0x9a: {  	s4 =	simm.s32 $_size__tile_overlayer_lowered;
	s5 =	simm.s32 $_tile_overlayer_lowered  }
0x9b: {  	s6 =	simm.s32 $0x1BFF;
	s21 =	sshll.u32 s5, $0x1;
	s3 =	sadd.s32 s20, s19  }
0x9c: {  	s22 =	simm.s32 $0x0;
	s4 =	sshll.u32 s4, $0x1;
	s5 =	sadd.s32 s21, s3  }
0x9d: {  	[timem:s22], [sflag:s6] =	dma.local [hbm:s5], s4  }
0x9e: {  	_ =	swait.ge [sflag:s6], s4  }
0x9f: {  	s4 =	ssub.s32 $0x0, s4;
	[sflag:s6] =	ssyncset.done $0x0  }
0xa0: {  	[sflag:s6] =	ssyncadd.s32 s4;
	_ =	sdelay $0x1  }
0xa1: {  	s23 =	simm.s32 $0x1B8B  }
0xa2: {  	_ =	swait.ge [sflag:s23], $0x1  }
0xa3: {  	[sflag:s23] =	ssyncset.done $0x0  }
0xa4: {  	[sflag:s23] =	ssyncadd.s32 $0xFFFFFFFF  }
0xa5: {  	s4 =	sld [smem:$0x0]  }
0xa6: {  	s5 =	sand.u32 $0xFFFFFFFE, s1  }
0xa7: {  	p0 =	sne.s32 s1, s5  }
0xa8: {  	s5 =	sshll.u32 @p0 s5, $0xE  }
0xa9: {  	s5 =	sadd.s32 @p0 $0x11B8D, s5;
	s6 =	sshll.u32 @p0 s4, $0x11  }
0xaa: {  	s5 =	sor.u32 @p0 s6, s5  }
0xab: {  	[sflag:s5] =	ssyncadd.remote.s32 @p0 $0x1;
	_ =	sdelay $0x1  }
0xac: {  	s5 =	simm.s32 @p0 $0x1B8D  }
0xad: {  	_ =	swait.eq @p0 [sflag:s5], $0x1  }
0xae: {  	[sflag:s5] =	ssyncadd.s32 @p0 $0xFFFFFFFF  }
0xaf: {  	s6 =	sshll.u32 @!p0 s1, $0xE  }
0xb0: {  	s6 =	sor.u32 @!p0 $0x4000, s6;
	s5 =	simm.s32 @!p0 $0x1B8D  }
0xb1: {  	s4 =	sshll.u32 @!p0 s4, $0x11;
	s6 =	sadd.s32 @!p0 $0x11B8D, s6;
	_ =	swait.eq @!p0 [sflag:s5], $0x1  }
0xb2: {  	s4 =	sor.u32 @!p0 s4, s6;
	[sflag:s5] =	ssyncadd.s32 @!p0 $0xFFFFFFFF  }
0xb3: {  	s25 =	simm.s32 $0x1B8E;
	s24 =	sld [smem:$0x3FFE];
	[sflag:s4] =	ssyncadd.remote.s32 @!p0 $0x1  }
0xb4: {  	s26 =	simm.s32 $execute0_lowered;
	[smem:$0x3FD2] =	sst s25  }
0xb5: {  	s5 =	sshll.u32 s26, $0x1;
	_ =	strace $0x80000049;
	[dreg:$0x1] =	wrdreg $0xFFFFFFFF  }
0xb6: {  	s28 =	simm.s32 $_size_execute0_lowered;
	s3 =	sadd.s32 s3, s5;
	[dreg:$0x0] =	wrdreg $0x0  }
0xb7: {  	s5 =	sshll.u32 s28, $0x1;
	[dreg:$0x2] =	wrdreg s3  }
0xb8: {  	[dreg:$0x3] =	wrdreg s5  }
0xb9: {  	[dreg:$0x4] =	wrdreg $0xC0  }
0xba: {  	_ =	task [dreg:s22], $0x5FFFF  }
0xbb: {  	[dreg:$0x1] =	wrdreg $0xFFFFFFFF  }
0xbc: {  	[dreg:$0x0] =	wrdreg $0x60  }
0xbd: {  	[dreg:$0x2] =	wrdreg s24  }
0xbe: {  	[dreg:$0x3] =	wrdreg $0x9  }
0xbf: {  	_ =	task.clear_ibuf [dreg:s22], $0x4FFFF;
	_ =	strace $0x90000049  }
0xc0: {  	s29 =	simm.s32 $0x9;
	_ =	strace $0x8000004B  }
0xc1: {  	_ =	swait.ge [sflag:s29], $0x1  }
0xc2: {  	[sflag:s29] =	ssyncadd.s32 $0xFFFFFFFF  }
0xc3: {  	_ =	strace $0x9000004B  }
0xc4: {  	_ =	sfence  }
0xc5: {  	s30 =	sld [smem:$0x0];
	_ =	sdelay $0x2  }
0xc6: {  	s31 =	sshll.u32 s1, $0xD;
	s1 =	sshrl.u32 s1, $0x2  }
0xc7: {  	s4 =	sand.u32 $0x4000, s31;
	s1 =	sadd.s32 s1, s30  }
0xc8: {  	s0 =	sor.u32 s4, s0;
	s1 =	sshll.u32 s1, $0x11  }
0xc9: {  	s0 =	sor.u32 s1, s0  }
0xca: {  	s0 =	sadd.s32 $0x8F2B, s0  }
0xcb: {  	[sflag:s0] =	ssyncadd.remote.s32 $0x1  }
0xcc: {  	_ =	sfence.sel $0xFFFF  }
0xcd: {  	[dreg:$0x0] =	wrdreg $0xFFFFFFFF;
	(pc) =	sbr.abs _section_cstart, $3  }
0xce: {  	[dreg:$0x1] =	wrdreg $0xFFFFFFFF  }
0xcf: {  	_ =	task.clear_ibuf [dreg:s22], $0x2FFFF;
	_ =	strace $0x9FFFFFFF  }
0xd0: {  	(tm) =	ssettm $0x7FFFFFFF  }
0xd1: {  	_ =	shalt  }
tec
execute0_lowered:
.L_overlay_start_1:
0x0: {  	(tag) =	ssettag $0x1  }
0x1: {  	s8 =	rddreg [dreg:$0x0]  }
0x2: {  	s0 =	rddreg [dreg:$0x1];
	_ =	strace $0x8000004A;
	s1 =	stileid.u32  }
0x3: {  	s3 =	srdreg.scid;
	s4 =	simm.s32 $0x1;
	s7 =	simm.s32 $0x1  }
0x4: {  	s9 =	simm.s32 $0x1;
	s10 =	simm.s32 $0x3;
	s13 =	simm.s32 $0x0  }
0x5: {  	s12 =	simm.s32 $0x0;
	s5 =	sand.u32 $0x1, s3;
	s6 =	sshll.u32 s1, $0x1  }
0x6: {  	s2 =	sadd.s32 $0xD800, s8;
	s3 =	sadd.s32 $0x17600, s8;
	s5 =	sor.u32 s6, s5  }
.Ltmp0:
0x7: {  	[sflag:s4] =	ssyncpa.u1 $0x0;
	p0 =	slt.u32 s5, $0x9;
	(pc) =	sbr.rel .LBB2_1-.Ltmp0, $4  }
0x8: {  	s6 =	simm.s32 $0x2;
	s7 =	simm.s32 @!p0 $0x0;
	p0 =	sne.s32 s5, $0x8  }
0x9: {  	[sflag:s6] =	ssyncpa.u1 $0x0;
	s5 =	smul.u32 $0x1F40, s5;
	s9 =	simm.s32 @!p0 $0x0  }
0xa: {  	s8 =	sadd.s32 $0x35000, s8;
	[sflag:s10] =	ssyncpa.u1 $0x0;
	s7 =	sadd.s32 s9, s7  }
0xb: {  	vm0 =	vmmov $0xffff;
	s10 =	simm.s32 $0x0;
	s11 =	smov.u32 s5;
	s9 =	sadd.s32 $0x1, s7  }
.LBB2_4:
0xc: {  	v2 =	vnsel vm1, $0x0, v2  }
0xd: {  	vm1 =	vgt.s32 v0, $0x0;
	v2 =	vmin.u32 v2, $0x4E1FF  }
0xe: {  	v0 =	vnsel vm1, $0x0, v0  }
0xf: {  	v0 =	vmin.u32 v0, $0x4E1FF  }
0x10: {  	[tilespmem:s18], [sflag:$0x1] =	stream.indirect_vreg.gather [hbm4b:s2+s10], $0x1, v1, vm0, $0x4038;
	[tilespmem:$0x7D00] =	vst v63  }
0x11: {  	(ifvalue) =	ssetifvalue $0x7FFFFFFF  }
0x12: {  	[tilespmem:s15], [sflag:$0x1] =	stream.indirect_vreg.gather [hbm4b:s2+s10], $0x1, v2, vm0, $0x4038;
	[tilespmem:$0x7D00] =	vst v63  }
0x13: {  	s29 =	sadd.s32 $0x10, s15;
	(ifvalue) =	ssetifvalue $0x7FFFFFFF  }
0x14: {  	[tilespmem:s29], [sflag:$0x1] =	stream.indirect_vreg.gather [hbm4b:s2+s10], $0x1, v0, vm0, $0x4038;
	[tilespmem:$0x7D00] =	vst v63  }
0x15: {  	_ =	swait.ge [sflag:s4], $0x1F40  }
0x16: {  	s30 =	sshrl.u32 s13, $0x3;
	[sflag:s4] =	ssyncset.done $0x0  }
0x17: {  	s31 =	sand.u32 $0x7, s13;
	s15 =	sadd.s32 s8, s30;
	[sflag:s4] =	ssyncadd.s32 $0xFFFFE0C0  }
0x18: {  	[hbm4b:s15+s31] =	stream.linear.scatter [tilespmem:s14], [sflag:$0x3], $0x1F40, $0x38;
	[tilespmem:$0x7D00] =	vst v63  }
.LBB2_5:
0x19: {  	s15 =	sadd.s32 $0x3E800, s11  }
0x1a: {  	p1 =	sgt.s32 s15, $0x4E1FF  }
0x1b: {  	s15 =	smov.u32 @p1 s5;
	p1 =	sne.s32 s12, s9  }
.Ltmp1:
0x1c: {  	p0 =	slt.u32 s12, $0x2;
	(pc) =	sbr.rel @!p1 .LBB2_6-.Ltmp1, $4  }
0x1d: {  	s14 =	simm.s32 @!p0 $0x3  }
0x1e: {  	_ =	swait.ge @!p0 [sflag:s14], $0x1F40  }
0x1f: {  	s16 =	sadd.s32 $0x1, s12;
	s13 =	smov.u32 s11;
	[sflag:s14] =	ssyncset.done @!p0 $0x0  }
0x20: {  	s12 =	smov.u32 s16;
	s11 =	smov.u32 s15;
	[sflag:s14] =	ssyncadd.s32 @!p0 $0xFFFFE0C0  }
.LBB2_1:
0x21: {  	p0 =	sge.u32 s12, s7  }
0x22: {  	s14 =	sxor.u32 @!p0 $0x1, s12  }
0x23: {  	s14 =	smul.u32 @!p0 $0x7D00, s14  }
0x24: {  	s31 =	sadd.s32 $0xFFFFFFFF, s12;
	s15 =	sshrl.u32 @!p0 s11, $0x3  }
0x25: {  	s16 =	sand.u32 @!p0 $0x7, s11;
	s15 =	sadd.s32 @!p0 s3, s15;
	s14 =	sshra.s32 @!p0 s14, $0x2  }
0x26: {  	[tilespmem:s14], [sflag:$0x2] =	stream.linear.gather @!p0 [hbm4b:s15+s16], $0x1F40, $0x38;
	[tilespmem:$0x7D00] =	vst v63  }
0x27: {  	p0 =	sge.u32 s31, s7  }
.Ltmp2:
0x28: {  	_ = 	snop;
	(pc) =	sbr.rel @p0 .LBB2_5-.Ltmp2, $1  }
0x29: {  	_ =	sdelay $0x3  }
0x2a: {  	s14 =	sand.u32 $0x1, s12  }
0x2b: {  	_ =	swait.ge [sflag:s6], $0x1F40;
	p0 =	seq.s32 s14, $0x1;
	s14 =	simm.s32 $0x1F40  }
0x2c: {  	[sflag:s6] =	ssyncset.done $0x0;
	s14 =	simm.s32 @!p0 $0x0  }
0x2d: {  	[sflag:s6] =	ssyncadd.s32 $0xFFFFE0C0;
	(ifvalue) =	ssetifvalue $0x7FFFFFFF;
	v0 =	vld.msk [tilespmem:s14+$0x0 ss:$0x1], $0xffff;
	_ =	sdelay $0x4  }
0x2e: {  	s15 =	sadd.s32 $0x10, s14;
	vm1 =	vgt.s32 v0, $0x0  }
0x2f: {  	v2 =	vld.msk [tilespmem:s15+$0x0 ss:$0x1], $0xffff;
	v1 =	vnsel vm1, $0x0, v0  }
0x30: {  	v1 =	vmin.u32 v1, $0x4E1FF;
	_ =	sdelay $0x2  }
0x31: {  	s17 =	simm.s32 $0x20;
	s14 =	sadd.s32 $0x3E80, s14;
	s16 =	sadd.s32 $0x10, s15  }
0x32: {  	s15 =	sadd.s32 $0x10, s14;
	s18 =	smov.u32 s14;
	v0 =	vld.msk [tilespmem:s16+$0x0 ss:$0x1], $0xffff;
	vm1 =	vgt.s32 v2, $0x0;
	(ifvalue) =	ssetifvalue $0x7FFFFFFF  }
.LBB2_3:
0x33: {  	[tilespmem:s18], [sflag:$0x1] =	stream.indirect_vreg.gather [hbm4b:s2+s10], $0x1, v1, vm0, $0x4038;
	[tilespmem:$0x7D00] =	vst v63  }
0x34: {  	s17 =	sadd.s32 $0x10, s17  }
0x35: {  	v2 =	vnsel vm1, $0x0, v2;
	p0 =	slt.u32 s17, $0x1F30  }
.Ltmp3:
0x36: {  	s18 =	smov.u32 s15;
	v1 =	vmin.u32 v2, $0x4E1FF;
	(pc) =	sbr.rel @p0 .LBB2_3-.Ltmp3, $3  }
0x37: {  	_ =	sdelay $0x1  }
0x38: {  	s16 =	sadd.s32 $0x10, s16  }
0x39: {  	vm1 =	vgt.s32 v0, $0x0;
	s15 =	sadd.s32 $0x10, s15;
	v2 =	vmov v0;
	(ifvalue) =	ssetifvalue $0x7FFFFFFF;
	v0 =	vld.msk [tilespmem:s16+$0x0 ss:$0x1], $0xffff  }
.Ltmp4:
0x3a: {  	_ = 	snop;
	(pc) =	sbr.rel .LBB2_4-.Ltmp4, $1  }
0x3b: {  	_ =	sdelay $0x3  }
.LBB2_6:
0x3c: {  	_ =	sfence.sel $0x180000  }
0x3d: {  	s2 =	simm.s32 $0x2;
	[bflag:$0x0] =	sbarrier.arrive $0xFFFF  }
0x3e: {  	s30 =	simm.s32 $0x3;
	[sflag:s2] =	ssyncpa.u1 $0x1  }
0x3f: {  	s31 =	simm.s32 $0x1;
	[sflag:s30] =	ssyncpa.u1 $0x1  }
0x40: {  	[sflag:s31] =	ssyncpa.u1 $0x1  }
0x41: {  	p0 =	sne.s32 s1, $0x0;
	_ =	strace $0x9000004A  }
0x42: {  	s0 =	sadd.s32 @!p0 $0x100000, s0;
	[bflag:$0x2] =	sbarrier.arrive $0xFFFF  }
0x43: {  	[sflag:s0] =	ssyncadd.tile.s32 @!p0 $0x1;
	_ =	shalt  }
.Lfunc_end2:
_tile_overlayer_lowered:
.L_overlay_start_2:
0x44: {  	(tag) =	ssettag $0x2  }
0x45: {  	s0 =	rddreg [dreg:$0x0];
	s2 =	stileid.u32  }
0x46: {  	s1 =	rddreg [dreg:$0x1];
	p0 =	sne.s32 s2, $0x0  }
0x47: {  	s3 =	rddreg [dreg:$0x2];
	[bflag:$0x3] =	sbarrier.arrive $0xFFFF;
	s2 =	simm.s32 @!p0 $0x1C01  }
0x48: {  	[timem:s3], [sflag:s2] =	dma.local @!p0 [hbm:s0], s1  }
0x49: {  	s0 =	simm.s32 @!p0 $0x1  }
0x4a: {  	_ =	swait.ge @!p0 [sflag:s0], s1  }
0x4b: {  	s1 =	ssub.s32 @!p0 $0x0, s1;
	[sflag:s0] =	ssyncset.done @!p0 $0x0  }
0x4c: {  	[sflag:s0] =	ssyncadd.s32 @!p0 s1  }
0x4d: {  	[bflag:$0x3] =	sbarrier.arrive $0xFFFF  }
0x4e: {  	_ =	shalt  }

// kernel: kernel.6.cloned.1.call-start
scs
__scs_entry_jumppad:
0x0: {  	(pc) =	sbr.rel $0x88, $3  }
0x1: {  	(tag) =	ssettag $0x0;
	lr =	simm.s32 $0x1  }
0x2: {  	[smem:$0x3F98] =	sst lr;
	_ =	strace $0xD0000000  }
0x3: {  	_ = 	snop  }
0x4: {  	_ = 	snop  }
0x5: {  	_ = 	snop  }
0x6: {  	_ = 	snop  }
0x7: {  	_ = 	snop  }
__scs_overlays_trampoline_lowered:
0x8: {  	[smem:$0x3FA7] =	sst s0  }
0x9: {  	[smem:$0x3FA8] =	sst s1  }
0xa: {  	[smem:$0x3FA9] =	sst s2  }
0xb: {  	[smem:$0x3FAA] =	sst s3  }
0xc: {  	[smem:$0x3FAB] =	sst s4  }
0xd: {  	[smem:$0x3FAC] =	sst s5  }
0xe: {  	[smem:$0x3FAD] =	sst s6  }
0xf: {  	[smem:$0x3FAE] =	sst s7  }
0x10: {  	[smem:$0x3FAF] =	sst s8  }
0x11: {  	[smem:$0x3FB0] =	sst s9;
	s0 =	simm.s32 @!p0 $0x0  }
0x12: {  	s1 =	sld [smem:$0x3F96];
	s0 =	simm.s32 @p0 $0x1  }
0x13: {  	[smem:$0x3FB1] =	sst s0;
	s0 =	simm.s32 @!p1 $0x0  }
0x14: {  	s2 =	sld [smem:$0x3F95];
	s0 =	simm.s32 @p1 $0x1  }
0x15: {  	[smem:$0x3FB2] =	sst s0;
	s0 =	simm.s32 @!p2 $0x0  }
0x16: {  	s3 =	sld [smem:$0x3FDB];
	s0 =	simm.s32 @p2 $0x1  }
0x17: {  	s4 =	simm.s32 $0x1BF5;
	[smem:$0x3FB4] =	sst s0  }
0x18: {  	s0 =	sld [smem:$0x3F97];
	_ =	swait.ge [sflag:s4], $0x0  }
0x19: {  	s7 =	sld [smem:$0x3F98]  }
0x1a: {  	s8 =	sadd.s32 $0xFFFFE003, lr  }
0x1b: {  	s9 =	sadd.s32 $0xFFFFFEF7, lr;
	s5 =	simm.s32 $0xFFFFFFFF;
	p2 =	slt.u32 s8, $0xFFFFF086  }
0x1c: {  	p1 =	slt.u32 s9, $0xF7A;
	s5 =	simm.s32 @!p2 $0x0  }
0x1d: {  	s5 =	simm.s32 @p1 $0x1;
	p0 =	seq.s32 s7, s2  }
0x1e: {  	s7 =	smul.u32 @!p0 $0xF7A, s2;
	p2 =	seq.s32 @!p0 s5, $0x0  }
0x1f: {  	s9 =	smul.u32 $0xF7A, s1;
	s8 =	simm.s32 @!p0 $0x1BF5;
	p2 =	por !p2, p0  }
0x20: {  	[sflag:s8] =	ssyncset.s32 @!p0 $0xFFFFF086;
	s6 =	sadd.s32 @!p0 s3, s7;
	s7 =	simm.s32 @!p0 $0x108  }
0x21: {  	s3 =	sadd.s32 s3, s9;
	s6 =	sadd.s32 @!p0 $0x88, s6;
	s7 =	simm.s32 @p2 $0x1082  }
0x22: {  	[simem:s7], [sflag:s8] =	dma.local @!p0 [hbm:s6], $0xF7A  }
0x23: {  	s9 =	sor.u32 $0xD0000000, s2;
	s6 =	simm.s32 $0x108;
	_ =	swait.ge @!p0 [sflag:s8], $0x0  }
0x24: {  	s3 =	sadd.s32 $0x88, s3;
	s6 =	simm.s32 @!p1 $0x1082;
	[sflag:s4] =	ssyncset.s32 $0xFFFFF086  }
0x25: {  	[simem:s6], [sflag:s4] =	dma.local [hbm:s3], $0xF7A  }
0x26: {  	[smem:$0x3F98] =	sst s1;
	(tag) =	ssettag s2;
	_ =	strace s9  }
0x27: {  	s1 =	sld [smem:$0x3FA8]  }
0x28: {  	s2 =	sld [smem:$0x3FA9]  }
0x29: {  	s4 =	sld [smem:$0x3FAB]  }
0x2a: {  	p0 =	seq.s32 s5, $0x0;
	s5 =	sld [smem:$0x3FAC]  }
0x2b: {  	s6 =	sld [smem:$0x3FAD]  }
0x2c: {  	s7 =	sld [smem:$0x3FAE]  }
0x2d: {  	s3 =	simm.s32 $0x108;
	s8 =	sld [smem:$0x3FAF]  }
0x2e: {  	s3 =	simm.s32 @!p0 $0x1082;
	s9 =	sld [smem:$0x3FB0]  }
0x2f: {  	lr =	sadd.s32 s0, s3;
	s0 =	sld [smem:$0x3FA7]  }
0x30: {  	s3 =	sld [smem:$0x3FAA]  }
0x31: {  	[smem:$0x3FB3] =	sst s10  }
0x32: {  	s10 =	sld [smem:$0x3FB1];
	_ =	sdelay $0x3  }
0x33: {  	p0 =	seq.s32 s10, $0x1;
	s10 =	sld [smem:$0x3FB3];
	_ =	sdelay $0x3  }
0x34: {  	[smem:$0x3FB3] =	sst s10  }
0x35: {  	s10 =	sld [smem:$0x3FB2];
	_ =	sdelay $0x3  }
0x36: {  	p1 =	seq.s32 s10, $0x1;
	s10 =	sld [smem:$0x3FB3];
	_ =	sdelay $0x3  }
0x37: {  	[smem:$0x3FB3] =	sst s10  }
0x38: {  	s10 =	sld [smem:$0x3FB4]  }
0x39: {  	_ = 	snop;
	(pc) =	sbr.ind lr, $3  }
0x3a: {  	_ = 	snop  }
0x3b: {  	_ = 	snop  }
0x3c: {  	p2 =	seq.s32 s10, $0x1;
	s10 =	sld [smem:$0x3FB3]  }
0x3d: {  	_ =	shalt  }
0x3e: {  	_ =	shalt  }
0x3f: {  	_ =	shalt  }
0x40: {  	_ =	shalt  }
0x41: {  	_ =	shalt  }
0x42: {  	_ =	shalt  }
0x43: {  	_ =	shalt  }
0x44: {  	_ =	shalt  }
0x45: {  	_ =	shalt  }
0x46: {  	_ =	shalt  }
0x47: {  	_ =	shalt  }
0x48: {  	_ =	shalt  }
0x49: {  	_ =	shalt  }
0x4a: {  	_ =	shalt  }
0x4b: {  	_ =	shalt  }
0x4c: {  	_ =	shalt  }
0x4d: {  	_ =	shalt  }
0x4e: {  	_ =	shalt  }
0x4f: {  	_ =	shalt  }
0x50: {  	_ =	shalt  }
0x51: {  	_ =	shalt  }
0x52: {  	_ =	shalt  }
0x53: {  	_ =	shalt  }
0x54: {  	_ =	shalt  }
0x55: {  	_ =	shalt  }
0x56: {  	_ =	shalt  }
0x57: {  	_ =	shalt  }
0x58: {  	_ =	shalt  }
0x59: {  	_ =	shalt  }
0x5a: {  	_ =	shalt  }
0x5b: {  	_ =	shalt  }
0x5c: {  	_ =	shalt  }
0x5d: {  	_ =	shalt  }
0x5e: {  	_ =	shalt  }
0x5f: {  	_ =	shalt  }
0x60: {  	_ =	shalt  }
0x61: {  	_ =	shalt  }
0x62: {  	_ =	shalt  }
0x63: {  	_ =	shalt  }
0x64: {  	_ =	shalt  }
0x65: {  	_ =	shalt  }
0x66: {  	_ =	shalt  }
0x67: {  	_ =	shalt  }
0x68: {  	_ =	shalt  }
0x69: {  	_ =	shalt  }
0x6a: {  	_ =	shalt  }
0x6b: {  	_ =	shalt  }
0x6c: {  	_ =	shalt  }
0x6d: {  	_ =	shalt  }
0x6e: {  	_ =	shalt  }
0x6f: {  	_ =	shalt  }
0x70: {  	_ =	shalt  }
0x71: {  	_ =	shalt  }
0x72: {  	_ =	shalt  }
0x73: {  	_ =	shalt  }
0x74: {  	_ =	shalt  }
0x75: {  	_ =	shalt  }
0x76: {  	_ =	shalt  }
0x77: {  	_ =	shalt  }
0x78: {  	_ =	shalt  }
0x79: {  	_ =	shalt  }
0x7a: {  	_ =	shalt  }
0x7b: {  	_ =	shalt  }
0x7c: {  	_ =	shalt  }
0x7d: {  	_ =	shalt  }
0x7e: {  	_ =	shalt  }
0x7f: {  	_ =	shalt  }
0x80: {  	_ =	shalt  }
0x81: {  	_ =	shalt  }
0x82: {  	_ =	shalt  }
0x83: {  	_ =	shalt  }
0x84: {  	_ =	shalt  }
0x85: {  	_ =	shalt  }
0x86: {  	_ =	shalt  }
0x87: {  	_ =	shalt  }
.Lfunc_end0:
.L_simem_size_0:
called_computation.2_lowered:
.L_overlay_start_0:
0x88: {  	s2 =	sld [smem:$0x3FD9]  }
0x89: {  	s3 =	sld [smem:$0x3FFE];
	_ =	sdelay $0x1  }
0x8a: {  	s1 =	srdreg.scid  }
0x8b: {  	s0 =	sand.u32 $0x1, s1  }
0x8c: {  	s16 =	sshll.u32 s0, $0xA;
	s2 =	sadd.s32 s3, s2  }
0x8d: {  	s2 =	sadd.s32 s2, s16  }
0x8e: {  	[smem:$0x3FBF] =	sst s2  }
0x8f: {  	_ = 	snop  }
0x90: {  	(tm) =	ssettm $0x1  }
0x91: {  	s17 =	sld [smem:$0x3FFB];
	_ =	sdelay $0x3  }
0x92: {  	_ =	strace s17  }
0x93: {  	s2 =	sld [smem:$0x3FFC];
	_ =	sdelay $0x3  }
0x94: {  	_ =	strace s2  }
0x95: {  	s2 =	sld [smem:$0x3FFD];
	_ =	sdelay $0x3  }
0x96: {  	_ =	strace s2  }
0x97: {  	_ =	strace $0x8FFFFFFF  }
0x98: {  	s18 =	sld [smem:$0x3FDB];
	_ =	sdelay $0x1  }
0x99: {  	s19 =	simm.s32 $_scs_section_size  }
0x9a: {  	s4 =	simm.s32 $_size__tile_overlayer_lowered;
	s5 =	simm.s32 $_tile_overlayer_lowered  }
0x9b: {  	s22 =	simm.s32 $0x1BFF;
	s21 =	sshll.u32 s5, $0x1;
	s2 =	sadd.s32 s19, s18  }
0x9c: {  	s6 =	simm.s32 $0x0;
	s20 =	sshll.u32 s4, $0x1;
	s4 =	sadd.s32 s21, s2  }
0x9d: {  	[timem:s6], [sflag:s22] =	dma.local [hbm:s4], s20  }
0x9e: {  	_ =	swait.ge [sflag:s22], s20  }
0x9f: {  	s3 =	ssub.s32 $0x0, s20;
	[sflag:s22] =	ssyncset.done $0x0  }
0xa0: {  	[sflag:s22] =	ssyncadd.s32 s3;
	_ =	sdelay $0x1  }
0xa1: {  	s23 =	simm.s32 $0x1B8B  }
0xa2: {  	_ =	swait.ge [sflag:s23], $0x1  }
0xa3: {  	[sflag:s23] =	ssyncset.done $0x0  }
0xa4: {  	s25 =	simm.s32 $0x1B8E;
	s24 =	sld [smem:$0x3FFE];
	[sflag:s23] =	ssyncadd.s32 $0xFFFFFFFF  }
0xa5: {  	s26 =	simm.s32 $execute0_lowered;
	[smem:$0x3FD2] =	sst s25  }
0xa6: {  	s4 =	sshll.u32 s26, $0x1;
	_ =	strace $0x8000004C;
	[dreg:$0x1] =	wrdreg $0xFFFFFFFF  }
0xa7: {  	s28 =	simm.s32 $_size_execute0_lowered;
	s2 =	sadd.s32 s2, s4;
	[dreg:$0x0] =	wrdreg $0x0  }
0xa8: {  	s4 =	sshll.u32 s28, $0x1;
	[dreg:$0x2] =	wrdreg s2  }
0xa9: {  	[dreg:$0x3] =	wrdreg s4  }
0xaa: {  	[dreg:$0x4] =	wrdreg $0xC0  }
0xab: {  	_ =	task [dreg:s6], $0x5FFFF  }
0xac: {  	[dreg:$0x1] =	wrdreg $0xFFFFFFFF  }
0xad: {  	[dreg:$0x0] =	wrdreg $0x60  }
0xae: {  	[dreg:$0x2] =	wrdreg s24  }
0xaf: {  	[dreg:$0x3] =	wrdreg $0x9  }
0xb0: {  	_ =	task.clear_ibuf [dreg:s6], $0x4FFFF;
	_ =	strace $0x9000004C  }
0xb1: {  	s29 =	simm.s32 $0x9;
	_ =	strace $0x8000004E  }
0xb2: {  	_ =	swait.ge [sflag:s29], $0x1  }
0xb3: {  	[sflag:s29] =	ssyncadd.s32 $0xFFFFFFFF  }
0xb4: {  	_ =	strace $0x9000004E  }
0xb5: {  	_ =	sfence  }
0xb6: {  	s30 =	sld [smem:$0x0];
	_ =	sdelay $0x2  }
0xb7: {  	s31 =	sshll.u32 s1, $0xD;
	s1 =	sshrl.u32 s1, $0x2  }
0xb8: {  	s3 =	sand.u32 $0x4000, s31;
	s1 =	sadd.s32 s1, s30  }
0xb9: {  	s0 =	sor.u32 s3, s0;
	s1 =	sshll.u32 s1, $0x11  }
0xba: {  	s0 =	sor.u32 s1, s0  }
0xbb: {  	s0 =	sadd.s32 $0x8F2B, s0  }
0xbc: {  	[sflag:s0] =	ssyncadd.remote.s32 $0x1  }
0xbd: {  	_ =	sfence.sel $0xFFFF  }
0xbe: {  	[dreg:$0x0] =	wrdreg $0xFFFFFFFF;
	(pc) =	sbr.abs _section_cstart, $3  }
0xbf: {  	[dreg:$0x1] =	wrdreg $0xFFFFFFFF  }
0xc0: {  	_ =	task.clear_ibuf [dreg:s6], $0x2FFFF;
	_ =	strace $0x9FFFFFFF  }
0xc1: {  	(tm) =	ssettm $0x7FFFFFFF  }
tec
execute0_lowered:
.L_overlay_start_1:
0x0: {  	(tag) =	ssettag $0x1  }
0x1: {  	s0 =	srdreg.scid  }
0x2: {  	s12 =	stileid.u32;
	s1 =	rddreg [dreg:$0x0];
	s2 =	simm.s32 $0x0  }
0x3: {  	s13 =	simm.s32 $0xB220;
	s22 =	simm.s32 $0x8A20;
	s23 =	simm.s32 $0xEE20  }
0x4: {  	s24 =	simm.s32 $0x9420;
	s25 =	simm.s32 $0xF820;
	s26 =	simm.s32 $0x9E20  }
0x5: {  	s29 =	simm.s32 $0x10220;
	s30 =	simm.s32 $0xA820;
	s31 =	simm.s32 $0x10C20  }
0x6: {  	s28 =	simm.s32 $0x4;
	s0 =	sand.u32 $0x1, s0;
	[smem:$0x7FF] =	sst s2  }
0x7: {  	s3 =	sshll.u32 s12, $0x1;
	_ =	strace $0x8000004D;
	[dreg:$0x6] =	wrdreg s22  }
0x8: {  	s6 =	smul.u32 $0x4E20, s12;
	s7 =	sadd.s32 $0x3EE00, s1;
	[dreg:$0x7] =	wrdreg s23  }
0x9: {  	s18 =	smul.u32 $0x13880, s12;
	s12 =	simm.s32 $0x4E20;
	[dreg:$0x8] =	wrdreg s24  }
0xa: {  	s4 =	sor.u32 s0, s3;
	s3 =	sadd.s32 $0x21400, s1;
	[dreg:$0x9] =	wrdreg s25  }
0xb: {  	s8 =	ssub.s32 $0x2, s0;
	s9 =	smul.u32 $0x2710, s0;
	[dreg:$0xa] =	wrdreg s26  }
0xc: {  	s0 =	smul.u32 $0x9C40, s0;
	s22 =	simm.s32 $0x1;
	[dreg:$0xb] =	wrdreg s29  }
0xd: {  	s23 =	simm.s32 $0x2;
	s24 =	simm.s32 $0x8020;
	[dreg:$0xc] =	wrdreg s30  }
0xe: {  	[dreg:$0xd] =	wrdreg s31;
	s25 =	simm.s32 $0xE420;
	s5 =	smul.u32 $0x4E2, s4  }
0xf: {  	s26 =	simm.s32 $0x3;
	s10 =	sshrl.u32 s8, $0x1;
	s11 =	smul.u32 $0x4E200, s4  }
0x10: {  	s8 =	ssub.s32 s8, s10;
	s6 =	sadd.s32 s9, s6;
	s5 =	sadd.s32 s5, s1  }
0x11: {  	s1 =	sadd.s32 $0x177600, s1;
	s16 =	sshrl.u32 s11, $0x3;
	s6 =	sshll.u32 s6, $0x2  }
0x12: {  	s11 =	sadd.s32 s18, s7;
	s8 =	smax.u32 s8, $0x1;
	s14 =	sadd.s32 $0x35000, s5  }
0x13: {  	s15 =	sadd.s32 $0x2B200, s5;
	s9 =	sadd.s32 $0x9600, s16;
	s17 =	sadd.s32 $0x640, s6  }
0x14: {  	s20 =	sadd.s32 s18, s1;
	s16 =	simm.s32 $0x6220;
	[dreg:$0xe] =	wrdreg s14  }
0x15: {  	s18 =	simm.s32 $0x6C20;
	[dreg:$0xf] =	wrdreg s15;
	s6 =	sadd.s32 s7, s9  }
0x16: {  	s19 =	sadd.s32 s17, s7;
	s10 =	sadd.s32 s17, s1;
	s21 =	sadd.s32 s0, s20  }
0x17: {  	s7 =	sadd.s32 s1, s9;
	s0 =	sadd.s32 s0, s11;
	[dreg:$0x2] =	wrdreg s19  }
0x18: {  	s9 =	simm.s32 $0x5;
	s11 =	simm.s32 $0x50;
	[dreg:$0x3] =	wrdreg s10  }
0x19: {  	s14 =	simm.s32 $0x5820;
	s15 =	simm.s32 $0xBC20;
	[dreg:$0x4] =	wrdreg s21  }
0x1a: {  	s17 =	simm.s32 $0xC620;
	s20 =	simm.s32 $0x7620;
	[dreg:$0x5] =	wrdreg s0  }
0x1b: {  	s19 =	simm.s32 $0xD020;
	s21 =	simm.s32 $0xDA20;
	s0 =	simm.s32 $0x0  }
.LBB2_1:
0x1c: {  	s1 =	rddreg [dreg:$0xe]  }
0x1d: {  	[tilespmem:s2], [sflag:$0x5] =	stream.linear.gather [hbm4b:s1+s2], $0x2710, $0x38;
	[tilespmem:$0x11620] =	vst v63  }
0x1e: {  	_ =	swait.ge [sflag:s9], $0x2710  }
0x1f: {  	[sflag:s9] =	ssyncset.done $0x0  }
0x20: {  	s4 =	simm.s32 $0x2710;
	s30 =	rddreg [dreg:$0xf];
	[sflag:s9] =	ssyncadd.s32 $0xFFFFD8F0  }
0x21: {  	[tilespmem:s4], [sflag:$0x5] =	stream.linear.gather [hbm4b:s30+s2], $0x2710, $0x38;
	[tilespmem:$0x11620] =	vst v63  }
0x22: {  	_ =	swait.ge [sflag:s9], $0x2710  }
0x23: {  	[sflag:s9] =	ssyncset.done $0x0  }
0x24: {  	s31 =	simm.s32 $0x0;
	[sflag:s9] =	ssyncadd.s32 $0xFFFFD8F0  }
0x25: {  	[tilespmem:s12], [sflag:$0x1] =	stream.indirect.gather [hbm4b:s3+s11], $0x20, s31, s11, $0xb8;
	[tilespmem:$0x11620] =	vst v63  }
0x26: {  	s4 =	simm.s32 $0x2710  }
0x27: {  	[tilespmem:s13], [sflag:$0x2] =	stream.indirect.gather [hbm4b:s3+s11], $0x20, s4, s11, $0xb8;
	[tilespmem:$0x11620] =	vst v63  }
0x28: {  	s5 =	simm.s32 $0x50  }
0x29: {  	[tilespmem:s14], [sflag:$0x1] =	stream.indirect.gather [hbm4b:s3+s11], $0x20, s5, s11, $0xb8;
	[tilespmem:$0x11620] =	vst v63  }
0x2a: {  	s10 =	simm.s32 $0x2760  }
0x2b: {  	[tilespmem:s15], [sflag:$0x2] =	stream.indirect.gather [hbm4b:s3+s11], $0x20, s10, s11, $0xb8;
	[tilespmem:$0x11620] =	vst v63  }
0x2c: {  	s30 =	simm.s32 $0xA0  }
0x2d: {  	[tilespmem:s16], [sflag:$0x1] =	stream.indirect.gather [hbm4b:s3+s11], $0x20, s30, s11, $0xb8;
	[tilespmem:$0x11620] =	vst v63  }
0x2e: {  	s31 =	simm.s32 $0x27B0  }
0x2f: {  	[tilespmem:s17], [sflag:$0x2] =	stream.indirect.gather [hbm4b:s3+s11], $0x20, s31, s11, $0xb8;
	[tilespmem:$0x11620] =	vst v63  }
0x30: {  	s4 =	simm.s32 $0xF0  }
0x31: {  	[tilespmem:s18], [sflag:$0x1] =	stream.indirect.gather [hbm4b:s3+s11], $0x20, s4, s11, $0xb8;
	[tilespmem:$0x11620] =	vst v63  }
0x32: {  	s5 =	simm.s32 $0x2800  }
0x33: {  	[tilespmem:s19], [sflag:$0x2] =	stream.indirect.gather [hbm4b:s3+s11], $0x20, s5, s11, $0xb8;
	[tilespmem:$0x11620] =	vst v63  }
0x34: {  	s10 =	simm.s32 $0x140  }
0x35: {  	[tilespmem:s20], [sflag:$0x1] =	stream.indirect.gather [hbm4b:s3+s11], $0x20, s10, s11, $0xb8;
	[tilespmem:$0x11620] =	vst v63  }
0x36: {  	s30 =	simm.s32 $0x2850  }
0x37: {  	[tilespmem:s21], [sflag:$0x2] =	stream.indirect.gather [hbm4b:s3+s11], $0x20, s30, s11, $0xb8;
	[tilespmem:$0x11620] =	vst v63  }
0x38: {  	_ =	swait.ge [sflag:s22], $0xA00  }
0x39: {  	[sflag:s22] =	ssyncset.done $0x0  }
0x3a: {  	[sflag:s22] =	ssyncadd.s32 $0xFFFFF600  }
0x3b: {  	_ =	swait.ge [sflag:s23], $0xA00  }
0x3c: {  	[sflag:s23] =	ssyncset.done $0x0  }
0x3d: {  	[sflag:s23] =	ssyncadd.s32 $0xFFFFF600  }
0x3e: {  	_ =	swait.ge [sflag:s22], $0xA00  }
0x3f: {  	[sflag:s22] =	ssyncset.done $0x0  }
0x40: {  	[sflag:s22] =	ssyncadd.s32 $0xFFFFF600  }
0x41: {  	_ =	swait.ge [sflag:s23], $0xA00  }
0x42: {  	[sflag:s23] =	ssyncset.done $0x0  }
0x43: {  	[sflag:s23] =	ssyncadd.s32 $0xFFFFF600  }
0x44: {  	_ =	swait.ge [sflag:s22], $0xA00  }
0x45: {  	[sflag:s22] =	ssyncset.done $0x0  }
0x46: {  	[sflag:s22] =	ssyncadd.s32 $0xFFFFF600  }
0x47: {  	_ =	swait.ge [sflag:s23], $0xA00  }
0x48: {  	[sflag:s23] =	ssyncset.done $0x0  }
0x49: {  	[sflag:s23] =	ssyncadd.s32 $0xFFFFF600  }
0x4a: {  	_ =	swait.ge [sflag:s22], $0xA00  }
0x4b: {  	[sflag:s22] =	ssyncset.done $0x0  }
0x4c: {  	[sflag:s22] =	ssyncadd.s32 $0xFFFFF600  }
0x4d: {  	_ =	swait.ge [sflag:s23], $0xA00  }
0x4e: {  	[sflag:s23] =	ssyncset.done $0x0  }
0x4f: {  	[sflag:s23] =	ssyncadd.s32 $0xFFFFF600  }
0x50: {  	_ =	swait.ge [sflag:s22], $0xA00  }
0x51: {  	[sflag:s22] =	ssyncset.done $0x0  }
0x52: {  	[sflag:s22] =	ssyncadd.s32 $0xFFFFF600  }
0x53: {  	_ =	swait.ge [sflag:s23], $0xA00  }
0x54: {  	s31 =	rddreg [dreg:$0x5];
	[sflag:s23] =	ssyncset.done $0x0  }
0x55: {  	s10 =	rddreg [dreg:$0x4];
	[sflag:s23] =	ssyncadd.s32 $0xFFFFF600;
	s1 =	sadd.s32 $0x0, s31  }
0x56: {  	[hbm4b:s1+s2] =	stream.linear.scatter [tilespmem:s12], [sflag:$0x3], $0x3200, $0x38;
	[tilespmem:$0x11620] =	vst v63  }
0x57: {  	s4 =	sadd.s32 $0x0, s10  }
0x58: {  	[hbm4b:s4+s2] =	stream.linear.scatter [tilespmem:s13], [sflag:$0x3], $0x3200, $0x38;
	[tilespmem:$0x11620] =	vst v63  }
0x59: {  	s5 =	simm.s32 $0x190  }
0x5a: {  	[tilespmem:s24], [sflag:$0x1] =	stream.indirect.gather [hbm4b:s3+s11], $0x20, s5, s11, $0xb8;
	[tilespmem:$0x11620] =	vst v63  }
0x5b: {  	s10 =	simm.s32 $0x28A0  }
0x5c: {  	[tilespmem:s25], [sflag:$0x2] =	stream.indirect.gather [hbm4b:s3+s11], $0x20, s10, s11, $0xb8;
	[tilespmem:$0x11620] =	vst v63  }
0x5d: {  	s30 =	rddreg [dreg:$0x6];
	s31 =	simm.s32 $0x1E0  }
0x5e: {  	[tilespmem:s30], [sflag:$0x1] =	stream.indirect.gather [hbm4b:s3+s11], $0x20, s31, s11, $0xb8;
	[tilespmem:$0x11620] =	vst v63  }
0x5f: {  	s29 =	rddreg [dreg:$0x7];
	s4 =	simm.s32 $0x28F0  }
0x60: {  	[tilespmem:s29], [sflag:$0x2] =	stream.indirect.gather [hbm4b:s3+s11], $0x20, s4, s11, $0xb8;
	[tilespmem:$0x11620] =	vst v63  }
0x61: {  	s5 =	rddreg [dreg:$0x8];
	s30 =	simm.s32 $0x230  }
0x62: {  	[tilespmem:s5], [sflag:$0x1] =	stream.indirect.gather [hbm4b:s3+s11], $0x20, s30, s11, $0xb8;
	[tilespmem:$0x11620] =	vst v63  }
0x63: {  	s31 =	simm.s32 $0x2940;
	s29 =	rddreg [dreg:$0x9]  }
0x64: {  	[tilespmem:s29], [sflag:$0x2] =	stream.indirect.gather [hbm4b:s3+s11], $0x20, s31, s11, $0xb8;
	[tilespmem:$0x11620] =	vst v63  }
0x65: {  	s4 =	rddreg [dreg:$0xa];
	s5 =	simm.s32 $0x280  }
0x66: {  	[tilespmem:s4], [sflag:$0x1] =	stream.indirect.gather [hbm4b:s3+s11], $0x20, s5, s11, $0xb8;
	[tilespmem:$0x11620] =	vst v63  }
0x67: {  	s30 =	simm.s32 $0x2990;
	s29 =	rddreg [dreg:$0xb]  }
0x68: {  	[tilespmem:s29], [sflag:$0x2] =	stream.indirect.gather [hbm4b:s3+s11], $0x20, s30, s11, $0xb8;
	[tilespmem:$0x11620] =	vst v63  }
0x69: {  	s31 =	rddreg [dreg:$0xc];
	s4 =	simm.s32 $0x2D0  }
0x6a: {  	[tilespmem:s31], [sflag:$0x1] =	stream.indirect.gather [hbm4b:s3+s11], $0x20, s4, s11, $0xb8;
	[tilespmem:$0x11620] =	vst v63  }
0x6b: {  	s5 =	simm.s32 $0x29E0;
	s29 =	rddreg [dreg:$0xd]  }
0x6c: {  	[tilespmem:s29], [sflag:$0x2] =	stream.indirect.gather [hbm4b:s3+s11], $0x20, s5, s11, $0xb8;
	[tilespmem:$0x11620] =	vst v63  }
0x6d: {  	_ =	swait.ge [sflag:s22], $0xA00  }
0x6e: {  	[sflag:s22] =	ssyncset.done $0x0  }
0x6f: {  	[sflag:s22] =	ssyncadd.s32 $0xFFFFF600  }
0x70: {  	_ =	swait.ge [sflag:s23], $0xA00  }
0x71: {  	[sflag:s23] =	ssyncset.done $0x0  }
0x72: {  	[sflag:s23] =	ssyncadd.s32 $0xFFFFF600  }
0x73: {  	_ =	swait.ge [sflag:s22], $0xA00  }
0x74: {  	[sflag:s22] =	ssyncset.done $0x0  }
0x75: {  	[sflag:s22] =	ssyncadd.s32 $0xFFFFF600  }
0x76: {  	_ =	swait.ge [sflag:s23], $0xA00  }
0x77: {  	[sflag:s23] =	ssyncset.done $0x0  }
0x78: {  	[sflag:s23] =	ssyncadd.s32 $0xFFFFF600  }
0x79: {  	_ =	swait.ge [sflag:s22], $0xA00  }
0x7a: {  	[sflag:s22] =	ssyncset.done $0x0  }
0x7b: {  	[sflag:s22] =	ssyncadd.s32 $0xFFFFF600  }
0x7c: {  	_ =	swait.ge [sflag:s23], $0xA00  }
0x7d: {  	[sflag:s23] =	ssyncset.done $0x0  }
0x7e: {  	[sflag:s23] =	ssyncadd.s32 $0xFFFFF600  }
0x7f: {  	_ =	swait.ge [sflag:s22], $0xA00  }
0x80: {  	[sflag:s22] =	ssyncset.done $0x0  }
0x81: {  	[sflag:s22] =	ssyncadd.s32 $0xFFFFF600  }
0x82: {  	_ =	swait.ge [sflag:s23], $0xA00  }
0x83: {  	[sflag:s23] =	ssyncset.done $0x0  }
0x84: {  	[sflag:s23] =	ssyncadd.s32 $0xFFFFF600  }
0x85: {  	_ =	swait.ge [sflag:s22], $0xA00  }
0x86: {  	[sflag:s22] =	ssyncset.done $0x0  }
0x87: {  	[sflag:s22] =	ssyncadd.s32 $0xFFFFF600  }
0x88: {  	_ =	swait.ge [sflag:s23], $0xA00  }
0x89: {  	s10 =	rddreg [dreg:$0x2];
	[sflag:s23] =	ssyncset.done $0x0  }
0x8a: {  	s30 =	rddreg [dreg:$0x3];
	[sflag:s23] =	ssyncadd.s32 $0xFFFFF600;
	s1 =	sadd.s32 $0x0, s10  }
0x8b: {  	[hbm4b:s1+s2] =	stream.linear.scatter [tilespmem:s24], [sflag:$0x4], $0x3200, $0x38;
	[tilespmem:$0x11620] =	vst v63  }
0x8c: {  	s31 =	sadd.s32 $0x0, s30  }
0x8d: {  	[hbm4b:s31+s2] =	stream.linear.scatter [tilespmem:s25], [sflag:$0x4], $0x3200, $0x38;
	[tilespmem:$0x11620] =	vst v63  }
0x8e: {  	_ =	swait.ge [sflag:s26], $0x3200  }
0x8f: {  	[sflag:s26] =	ssyncset.done $0x0  }
0x90: {  	[sflag:s26] =	ssyncadd.s32 $0xFFFFCE00  }
0x91: {  	_ =	swait.ge [sflag:s26], $0x3200  }
0x92: {  	[sflag:s26] =	ssyncset.done $0x0  }
0x93: {  	[sflag:s26] =	ssyncadd.s32 $0xFFFFCE00  }
0x94: {  	_ =	swait.ge [sflag:s28], $0x3200  }
0x95: {  	[sflag:s28] =	ssyncset.done $0x0  }
0x96: {  	[sflag:s28] =	ssyncadd.s32 $0xFFFFCE00  }
0x97: {  	_ =	swait.ge [sflag:s28], $0x3200  }
0x98: {  	s29 =	simm.s32 $0x1900;
	s10 =	simm.s32 $0xC80;
	[sflag:s28] =	ssyncset.done $0x0  }
.LBB2_2:
0x99: {  	s31 =	sshra.s32 s10, $0x2;
	[sflag:s28] =	ssyncadd.s32 $0xFFFFCE00;
	s30 =	smov.u32 s29  }
0x9a: {  	[tilespmem:s12], [sflag:$0x1] =	stream.indirect.gather [hbm4b:s3+s11], $0x20, s31, s11, $0xb8;
	[tilespmem:$0x11620] =	vst v63  }
0x9b: {  	s1 =	sadd.s32 $0xC80, s29;
	p0 =	sne.s32 s29, $0x8980;
	s29 =	sadd.s32 $0x2710, s31  }
0x9c: {  	[tilespmem:s13], [sflag:$0x2] =	stream.indirect.gather [hbm4b:s3+s11], $0x20, s29, s11, $0xb8;
	[tilespmem:$0x11620] =	vst v63  }
0x9d: {  	s29 =	sadd.s32 $0x50, s31  }
0x9e: {  	[tilespmem:s14], [sflag:$0x1] =	stream.indirect.gather [hbm4b:s3+s11], $0x20, s29, s11, $0xb8;
	[tilespmem:$0x11620] =	vst v63  }
0x9f: {  	s29 =	sadd.s32 $0x2760, s31  }
0xa0: {  	[tilespmem:s15], [sflag:$0x2] =	stream.indirect.gather [hbm4b:s3+s11], $0x20, s29, s11, $0xb8;
	[tilespmem:$0x11620] =	vst v63  }
0xa1: {  	s29 =	sadd.s32 $0xA0, s31  }
0xa2: {  	[tilespmem:s16], [sflag:$0x1] =	stream.indirect.gather [hbm4b:s3+s11], $0x20, s29, s11, $0xb8;
	[tilespmem:$0x11620] =	vst v63  }
0xa3: {  	s29 =	sadd.s32 $0x27B0, s31  }
0xa4: {  	[tilespmem:s17], [sflag:$0x2] =	stream.indirect.gather [hbm4b:s3+s11], $0x20, s29, s11, $0xb8;
	[tilespmem:$0x11620] =	vst v63  }
0xa5: {  	s29 =	sadd.s32 $0xF0, s31  }
0xa6: {  	[tilespmem:s18], [sflag:$0x1] =	stream.indirect.gather [hbm4b:s3+s11], $0x20, s29, s11, $0xb8;
	[tilespmem:$0x11620] =	vst v63  }
0xa7: {  	s29 =	sadd.s32 $0x2800, s31  }
0xa8: {  	[tilespmem:s19], [sflag:$0x2] =	stream.indirect.gather [hbm4b:s3+s11], $0x20, s29, s11, $0xb8;
	[tilespmem:$0x11620] =	vst v63  }
0xa9: {  	s29 =	sadd.s32 $0x140, s31  }
0xaa: {  	[tilespmem:s20], [sflag:$0x1] =	stream.indirect.gather [hbm4b:s3+s11], $0x20, s29, s11, $0xb8;
	[tilespmem:$0x11620] =	vst v63  }
0xab: {  	s29 =	sadd.s32 $0x2850, s31  }
0xac: {  	[tilespmem:s21], [sflag:$0x2] =	stream.indirect.gather [hbm4b:s3+s11], $0x20, s29, s11, $0xb8;
	[tilespmem:$0x11620] =	vst v63  }
0xad: {  	_ =	swait.ge [sflag:s22], $0xA00  }
0xae: {  	[sflag:s22] =	ssyncset.done $0x0  }
0xaf: {  	[sflag:s22] =	ssyncadd.s32 $0xFFFFF600  }
0xb0: {  	_ =	swait.ge [sflag:s23], $0xA00  }
0xb1: {  	[sflag:s23] =	ssyncset.done $0x0  }
0xb2: {  	[sflag:s23] =	ssyncadd.s32 $0xFFFFF600  }
0xb3: {  	_ =	swait.ge [sflag:s22], $0xA00  }
0xb4: {  	[sflag:s22] =	ssyncset.done $0x0  }
0xb5: {  	[sflag:s22] =	ssyncadd.s32 $0xFFFFF600  }
0xb6: {  	_ =	swait.ge [sflag:s23], $0xA00  }
0xb7: {  	[sflag:s23] =	ssyncset.done $0x0  }
0xb8: {  	[sflag:s23] =	ssyncadd.s32 $0xFFFFF600  }
0xb9: {  	_ =	swait.ge [sflag:s22], $0xA00  }
0xba: {  	[sflag:s22] =	ssyncset.done $0x0  }
0xbb: {  	[sflag:s22] =	ssyncadd.s32 $0xFFFFF600  }
0xbc: {  	_ =	swait.ge [sflag:s23], $0xA00  }
0xbd: {  	[sflag:s23] =	ssyncset.done $0x0  }
0xbe: {  	[sflag:s23] =	ssyncadd.s32 $0xFFFFF600  }
0xbf: {  	_ =	swait.ge [sflag:s22], $0xA00  }
0xc0: {  	[sflag:s22] =	ssyncset.done $0x0  }
0xc1: {  	[sflag:s22] =	ssyncadd.s32 $0xFFFFF600  }
0xc2: {  	_ =	swait.ge [sflag:s23], $0xA00  }
0xc3: {  	[sflag:s23] =	ssyncset.done $0x0  }
0xc4: {  	[sflag:s23] =	ssyncadd.s32 $0xFFFFF600  }
0xc5: {  	_ =	swait.ge [sflag:s22], $0xA00  }
0xc6: {  	[sflag:s22] =	ssyncset.done $0x0  }
0xc7: {  	[sflag:s22] =	ssyncadd.s32 $0xFFFFF600  }
0xc8: {  	_ =	swait.ge [sflag:s23], $0xA00  }
0xc9: {  	s29 =	rddreg [dreg:$0x5];
	[sflag:s23] =	ssyncset.done $0x0  }
0xca: {  	s4 =	rddreg [dreg:$0x4];
	[sflag:s23] =	ssyncadd.s32 $0xFFFFF600;
	s29 =	sadd.s32 s10, s29  }
0xcb: {  	[hbm4b:s29+s2] =	stream.linear.scatter [tilespmem:s12], [sflag:$0x3], $0x3200, $0x38;
	[tilespmem:$0x11620] =	vst v63  }
0xcc: {  	s4 =	sadd.s32 s10, s4  }
0xcd: {  	[hbm4b:s4+s2] =	stream.linear.scatter [tilespmem:s13], [sflag:$0x3], $0x3200, $0x38;
	[tilespmem:$0x11620] =	vst v63  }
0xce: {  	s5 =	sadd.s32 $0x190, s31  }
0xcf: {  	[tilespmem:s24], [sflag:$0x1] =	stream.indirect.gather [hbm4b:s3+s11], $0x20, s5, s11, $0xb8;
	[tilespmem:$0x11620] =	vst v63  }
0xd0: {  	s5 =	sadd.s32 $0x28A0, s31  }
0xd1: {  	[tilespmem:s25], [sflag:$0x2] =	stream.indirect.gather [hbm4b:s3+s11], $0x20, s5, s11, $0xb8;
	[tilespmem:$0x11620] =	vst v63  }
0xd2: {  	s29 =	rddreg [dreg:$0x6];
	s4 =	sadd.s32 $0x1E0, s31  }
0xd3: {  	[tilespmem:s29], [sflag:$0x1] =	stream.indirect.gather [hbm4b:s3+s11], $0x20, s4, s11, $0xb8;
	[tilespmem:$0x11620] =	vst v63  }
0xd4: {  	s5 =	rddreg [dreg:$0x7];
	s4 =	sadd.s32 $0x28F0, s31  }
0xd5: {  	[tilespmem:s5], [sflag:$0x2] =	stream.indirect.gather [hbm4b:s3+s11], $0x20, s4, s11, $0xb8;
	[tilespmem:$0x11620] =	vst v63  }
0xd6: {  	s29 =	rddreg [dreg:$0x8];
	s4 =	sadd.s32 $0x230, s31  }
0xd7: {  	[tilespmem:s29], [sflag:$0x1] =	stream.indirect.gather [hbm4b:s3+s11], $0x20, s4, s11, $0xb8;
	[tilespmem:$0x11620] =	vst v63  }
0xd8: {  	s5 =	rddreg [dreg:$0x9];
	s4 =	sadd.s32 $0x2940, s31  }
0xd9: {  	[tilespmem:s5], [sflag:$0x2] =	stream.indirect.gather [hbm4b:s3+s11], $0x20, s4, s11, $0xb8;
	[tilespmem:$0x11620] =	vst v63  }
0xda: {  	s29 =	rddreg [dreg:$0xa];
	s4 =	sadd.s32 $0x280, s31  }
0xdb: {  	[tilespmem:s29], [sflag:$0x1] =	stream.indirect.gather [hbm4b:s3+s11], $0x20, s4, s11, $0xb8;
	[tilespmem:$0x11620] =	vst v63  }
0xdc: {  	s5 =	rddreg [dreg:$0xb];
	s4 =	sadd.s32 $0x2990, s31  }
0xdd: {  	[tilespmem:s5], [sflag:$0x2] =	stream.indirect.gather [hbm4b:s3+s11], $0x20, s4, s11, $0xb8;
	[tilespmem:$0x11620] =	vst v63  }
0xde: {  	s29 =	rddreg [dreg:$0xc];
	s4 =	sadd.s32 $0x2D0, s31  }
0xdf: {  	[tilespmem:s29], [sflag:$0x1] =	stream.indirect.gather [hbm4b:s3+s11], $0x20, s4, s11, $0xb8;
	[tilespmem:$0x11620] =	vst v63  }
0xe0: {  	s5 =	rddreg [dreg:$0xd];
	s31 =	sadd.s32 $0x29E0, s31  }
0xe1: {  	[tilespmem:s5], [sflag:$0x2] =	stream.indirect.gather [hbm4b:s3+s11], $0x20, s31, s11, $0xb8;
	[tilespmem:$0x11620] =	vst v63  }
0xe2: {  	_ =	swait.ge [sflag:s22], $0xA00  }
0xe3: {  	[sflag:s22] =	ssyncset.done $0x0  }
0xe4: {  	[sflag:s22] =	ssyncadd.s32 $0xFFFFF600  }
0xe5: {  	_ =	swait.ge [sflag:s23], $0xA00  }
0xe6: {  	[sflag:s23] =	ssyncset.done $0x0  }
0xe7: {  	[sflag:s23] =	ssyncadd.s32 $0xFFFFF600  }
0xe8: {  	_ =	swait.ge [sflag:s22], $0xA00  }
0xe9: {  	[sflag:s22] =	ssyncset.done $0x0  }
0xea: {  	[sflag:s22] =	ssyncadd.s32 $0xFFFFF600  }
0xeb: {  	_ =	swait.ge [sflag:s23], $0xA00  }
0xec: {  	[sflag:s23] =	ssyncset.done $0x0  }
0xed: {  	[sflag:s23] =	ssyncadd.s32 $0xFFFFF600  }
0xee: {  	_ =	swait.ge [sflag:s22], $0xA00  }
0xef: {  	[sflag:s22] =	ssyncset.done $0x0  }
0xf0: {  	[sflag:s22] =	ssyncadd.s32 $0xFFFFF600  }
0xf1: {  	_ =	swait.ge [sflag:s23], $0xA00  }
0xf2: {  	[sflag:s23] =	ssyncset.done $0x0  }
0xf3: {  	[sflag:s23] =	ssyncadd.s32 $0xFFFFF600  }
0xf4: {  	_ =	swait.ge [sflag:s22], $0xA00  }
0xf5: {  	[sflag:s22] =	ssyncset.done $0x0  }
0xf6: {  	[sflag:s22] =	ssyncadd.s32 $0xFFFFF600  }
0xf7: {  	_ =	swait.ge [sflag:s23], $0xA00  }
0xf8: {  	[sflag:s23] =	ssyncset.done $0x0  }
0xf9: {  	[sflag:s23] =	ssyncadd.s32 $0xFFFFF600  }
0xfa: {  	_ =	swait.ge [sflag:s22], $0xA00  }
0xfb: {  	[sflag:s22] =	ssyncset.done $0x0  }
0xfc: {  	[sflag:s22] =	ssyncadd.s32 $0xFFFFF600  }
0xfd: {  	_ =	swait.ge [sflag:s23], $0xA00  }
0xfe: {  	s5 =	rddreg [dreg:$0x2];
	[sflag:s23] =	ssyncset.done $0x0  }
0xff: {  	s31 =	rddreg [dreg:$0x3];
	[sflag:s23] =	ssyncadd.s32 $0xFFFFF600;
	s4 =	sadd.s32 s10, s5  }
0x100: {  	[hbm4b:s4+s2] =	stream.linear.scatter [tilespmem:s24], [sflag:$0x4], $0x3200, $0x38;
	[tilespmem:$0x11620] =	vst v63  }
0x101: {  	s31 =	sadd.s32 s10, s31  }
0x102: {  	[hbm4b:s31+s2] =	stream.linear.scatter [tilespmem:s25], [sflag:$0x4], $0x3200, $0x38;
	[tilespmem:$0x11620] =	vst v63  }
0x103: {  	_ =	swait.ge [sflag:s26], $0x3200  }
0x104: {  	[sflag:s26] =	ssyncset.done $0x0  }
0x105: {  	[sflag:s26] =	ssyncadd.s32 $0xFFFFCE00  }
0x106: {  	_ =	swait.ge [sflag:s26], $0x3200  }
0x107: {  	[sflag:s26] =	ssyncset.done $0x0  }
0x108: {  	[sflag:s26] =	ssyncadd.s32 $0xFFFFCE00  }
.Ltmp0:
0x109: {  	_ =	swait.ge [sflag:s28], $0x3200;
	(pc) =	sbr.rel @p0 .LBB2_2-.Ltmp0, $4  }
0x10a: {  	[sflag:s28] =	ssyncset.done $0x0  }
0x10b: {  	[sflag:s28] =	ssyncadd.s32 $0xFFFFCE00  }
0x10c: {  	_ =	swait.ge [sflag:s28], $0x3200  }
0x10d: {  	s29 =	smov.u32 s1;
	s10 =	smov.u32 s30;
	[sflag:s28] =	ssyncset.done $0x0  }
0x10e: {  	s29 =	sshra.s32 s10, $0x2;
	[sflag:s28] =	ssyncadd.s32 $0xFFFFCE00  }
0x10f: {  	[tilespmem:s12], [sflag:$0x1] =	stream.indirect.gather [hbm4b:s3+s11], $0x20, s29, s11, $0xb8;
	[tilespmem:$0x11620] =	vst v63  }
0x110: {  	s1 =	sadd.s32 $0x2710, s29  }
0x111: {  	[tilespmem:s13], [sflag:$0x2] =	stream.indirect.gather [hbm4b:s3+s11], $0x20, s1, s11, $0xb8;
	[tilespmem:$0x11620] =	vst v63  }
0x112: {  	s30 =	sadd.s32 $0x50, s29  }
0x113: {  	[tilespmem:s14], [sflag:$0x1] =	stream.indirect.gather [hbm4b:s3+s11], $0x20, s30, s11, $0xb8;
	[tilespmem:$0x11620] =	vst v63  }
0x114: {  	s31 =	sadd.s32 $0x2760, s29  }
0x115: {  	[tilespmem:s15], [sflag:$0x2] =	stream.indirect.gather [hbm4b:s3+s11], $0x20, s31, s11, $0xb8;
	[tilespmem:$0x11620] =	vst v63  }
0x116: {  	s4 =	sadd.s32 $0xA0, s29  }
0x117: {  	[tilespmem:s16], [sflag:$0x1] =	stream.indirect.gather [hbm4b:s3+s11], $0x20, s4, s11, $0xb8;
	[tilespmem:$0x11620] =	vst v63  }
0x118: {  	s5 =	sadd.s32 $0x27B0, s29  }
0x119: {  	[tilespmem:s17], [sflag:$0x2] =	stream.indirect.gather [hbm4b:s3+s11], $0x20, s5, s11, $0xb8;
	[tilespmem:$0x11620] =	vst v63  }
0x11a: {  	s30 =	sadd.s32 $0xF0, s29  }
0x11b: {  	[tilespmem:s18], [sflag:$0x1] =	stream.indirect.gather [hbm4b:s3+s11], $0x20, s30, s11, $0xb8;
	[tilespmem:$0x11620] =	vst v63  }
0x11c: {  	s31 =	sadd.s32 $0x2800, s29  }
0x11d: {  	[tilespmem:s19], [sflag:$0x2] =	stream.indirect.gather [hbm4b:s3+s11], $0x20, s31, s11, $0xb8;
	[tilespmem:$0x11620] =	vst v63  }
0x11e: {  	s4 =	sadd.s32 $0x140, s29  }
0x11f: {  	[tilespmem:s20], [sflag:$0x1] =	stream.indirect.gather [hbm4b:s3+s11], $0x20, s4, s11, $0xb8;
	[tilespmem:$0x11620] =	vst v63  }
0x120: {  	s5 =	sadd.s32 $0x2850, s29  }
0x121: {  	[tilespmem:s21], [sflag:$0x2] =	stream.indirect.gather [hbm4b:s3+s11], $0x20, s5, s11, $0xb8;
	[tilespmem:$0x11620] =	vst v63  }
0x122: {  	_ =	swait.ge [sflag:s22], $0xA00  }
0x123: {  	[sflag:s22] =	ssyncset.done $0x0  }
0x124: {  	[sflag:s22] =	ssyncadd.s32 $0xFFFFF600  }
0x125: {  	_ =	swait.ge [sflag:s23], $0xA00  }
0x126: {  	[sflag:s23] =	ssyncset.done $0x0  }
0x127: {  	[sflag:s23] =	ssyncadd.s32 $0xFFFFF600  }
0x128: {  	_ =	swait.ge [sflag:s22], $0xA00  }
0x129: {  	[sflag:s22] =	ssyncset.done $0x0  }
0x12a: {  	[sflag:s22] =	ssyncadd.s32 $0xFFFFF600  }
0x12b: {  	_ =	swait.ge [sflag:s23], $0xA00  }
0x12c: {  	[sflag:s23] =	ssyncset.done $0x0  }
0x12d: {  	[sflag:s23] =	ssyncadd.s32 $0xFFFFF600  }
0x12e: {  	_ =	swait.ge [sflag:s22], $0xA00  }
0x12f: {  	[sflag:s22] =	ssyncset.done $0x0  }
0x130: {  	[sflag:s22] =	ssyncadd.s32 $0xFFFFF600  }
0x131: {  	_ =	swait.ge [sflag:s23], $0xA00  }
0x132: {  	[sflag:s23] =	ssyncset.done $0x0  }
0x133: {  	[sflag:s23] =	ssyncadd.s32 $0xFFFFF600  }
0x134: {  	_ =	swait.ge [sflag:s22], $0xA00  }
0x135: {  	[sflag:s22] =	ssyncset.done $0x0  }
0x136: {  	[sflag:s22] =	ssyncadd.s32 $0xFFFFF600  }
0x137: {  	_ =	swait.ge [sflag:s23], $0xA00  }
0x138: {  	[sflag:s23] =	ssyncset.done $0x0  }
0x139: {  	[sflag:s23] =	ssyncadd.s32 $0xFFFFF600  }
0x13a: {  	_ =	swait.ge [sflag:s22], $0xA00  }
0x13b: {  	[sflag:s22] =	ssyncset.done $0x0  }
0x13c: {  	[sflag:s22] =	ssyncadd.s32 $0xFFFFF600  }
0x13d: {  	_ =	swait.ge [sflag:s23], $0xA00  }
0x13e: {  	s30 =	rddreg [dreg:$0x5];
	[sflag:s23] =	ssyncset.done $0x0  }
0x13f: {  	s4 =	rddreg [dreg:$0x4];
	[sflag:s23] =	ssyncadd.s32 $0xFFFFF600;
	s1 =	sadd.s32 s10, s30  }
0x140: {  	[hbm4b:s1+s2] =	stream.linear.scatter [tilespmem:s12], [sflag:$0x3], $0x3200, $0x38;
	[tilespmem:$0x11620] =	vst v63  }
0x141: {  	s31 =	sadd.s32 s10, s4  }
0x142: {  	[hbm4b:s31+s2] =	stream.linear.scatter [tilespmem:s13], [sflag:$0x3], $0x3200, $0x38;
	[tilespmem:$0x11620] =	vst v63  }
0x143: {  	s4 =	sadd.s32 $0x190, s29  }
0x144: {  	[tilespmem:s24], [sflag:$0x1] =	stream.indirect.gather [hbm4b:s3+s11], $0x20, s4, s11, $0xb8;
	[tilespmem:$0x11620] =	vst v63  }
0x145: {  	s5 =	sadd.s32 $0x28A0, s29  }
0x146: {  	[tilespmem:s25], [sflag:$0x2] =	stream.indirect.gather [hbm4b:s3+s11], $0x20, s5, s11, $0xb8;
	[tilespmem:$0x11620] =	vst v63  }
0x147: {  	s30 =	rddreg [dreg:$0x6];
	s31 =	sadd.s32 $0x1E0, s29  }
0x148: {  	[tilespmem:s30], [sflag:$0x1] =	stream.indirect.gather [hbm4b:s3+s11], $0x20, s31, s11, $0xb8;
	[tilespmem:$0x11620] =	vst v63  }
0x149: {  	s4 =	sadd.s32 $0x28F0, s29;
	s5 =	rddreg [dreg:$0x7]  }
0x14a: {  	[tilespmem:s5], [sflag:$0x2] =	stream.indirect.gather [hbm4b:s3+s11], $0x20, s4, s11, $0xb8;
	[tilespmem:$0x11620] =	vst v63  }
0x14b: {  	s30 =	rddreg [dreg:$0x8];
	s31 =	sadd.s32 $0x230, s29  }
0x14c: {  	[tilespmem:s30], [sflag:$0x1] =	stream.indirect.gather [hbm4b:s3+s11], $0x20, s31, s11, $0xb8;
	[tilespmem:$0x11620] =	vst v63  }
0x14d: {  	s5 =	rddreg [dreg:$0x9];
	s30 =	sadd.s32 $0x2940, s29  }
0x14e: {  	[tilespmem:s5], [sflag:$0x2] =	stream.indirect.gather [hbm4b:s3+s11], $0x20, s30, s11, $0xb8;
	[tilespmem:$0x11620] =	vst v63  }
0x14f: {  	s31 =	rddreg [dreg:$0xa];
	s5 =	sadd.s32 $0x280, s29  }
0x150: {  	[tilespmem:s31], [sflag:$0x1] =	stream.indirect.gather [hbm4b:s3+s11], $0x20, s5, s11, $0xb8;
	[tilespmem:$0x11620] =	vst v63  }
0x151: {  	s30 =	rddreg [dreg:$0xb];
	s31 =	sadd.s32 $0x2990, s29  }
0x152: {  	[tilespmem:s30], [sflag:$0x2] =	stream.indirect.gather [hbm4b:s3+s11], $0x20, s31, s11, $0xb8;
	[tilespmem:$0x11620] =	vst v63  }
0x153: {  	s4 =	rddreg [dreg:$0xc];
	s30 =	sadd.s32 $0x2D0, s29  }
0x154: {  	[tilespmem:s4], [sflag:$0x1] =	stream.indirect.gather [hbm4b:s3+s11], $0x20, s30, s11, $0xb8;
	[tilespmem:$0x11620] =	vst v63  }
0x155: {  	s31 =	rddreg [dreg:$0xd];
	s29 =	sadd.s32 $0x29E0, s29  }
0x156: {  	[tilespmem:s31], [sflag:$0x2] =	stream.indirect.gather [hbm4b:s3+s11], $0x20, s29, s11, $0xb8;
	[tilespmem:$0x11620] =	vst v63  }
0x157: {  	_ =	swait.ge [sflag:s22], $0xA00  }
0x158: {  	[sflag:s22] =	ssyncset.done $0x0  }
0x159: {  	[sflag:s22] =	ssyncadd.s32 $0xFFFFF600  }
0x15a: {  	_ =	swait.ge [sflag:s23], $0xA00  }
0x15b: {  	[sflag:s23] =	ssyncset.done $0x0  }
0x15c: {  	[sflag:s23] =	ssyncadd.s32 $0xFFFFF600  }
0x15d: {  	_ =	swait.ge [sflag:s22], $0xA00  }
0x15e: {  	[sflag:s22] =	ssyncset.done $0x0  }
0x15f: {  	[sflag:s22] =	ssyncadd.s32 $0xFFFFF600  }
0x160: {  	_ =	swait.ge [sflag:s23], $0xA00  }
0x161: {  	[sflag:s23] =	ssyncset.done $0x0  }
0x162: {  	[sflag:s23] =	ssyncadd.s32 $0xFFFFF600  }
0x163: {  	_ =	swait.ge [sflag:s22], $0xA00  }
0x164: {  	[sflag:s22] =	ssyncset.done $0x0  }
0x165: {  	[sflag:s22] =	ssyncadd.s32 $0xFFFFF600  }
0x166: {  	_ =	swait.ge [sflag:s23], $0xA00  }
0x167: {  	[sflag:s23] =	ssyncset.done $0x0  }
0x168: {  	[sflag:s23] =	ssyncadd.s32 $0xFFFFF600  }
0x169: {  	_ =	swait.ge [sflag:s22], $0xA00  }
0x16a: {  	[sflag:s22] =	ssyncset.done $0x0  }
0x16b: {  	[sflag:s22] =	ssyncadd.s32 $0xFFFFF600  }
0x16c: {  	_ =	swait.ge [sflag:s23], $0xA00  }
0x16d: {  	[sflag:s23] =	ssyncset.done $0x0  }
0x16e: {  	[sflag:s23] =	ssyncadd.s32 $0xFFFFF600  }
0x16f: {  	_ =	swait.ge [sflag:s22], $0xA00  }
0x170: {  	[sflag:s22] =	ssyncset.done $0x0  }
0x171: {  	[sflag:s22] =	ssyncadd.s32 $0xFFFFF600  }
0x172: {  	_ =	swait.ge [sflag:s23], $0xA00  }
0x173: {  	s30 =	rddreg [dreg:$0x2];
	[sflag:s23] =	ssyncset.done $0x0  }
0x174: {  	s31 =	rddreg [dreg:$0x3];
	[sflag:s23] =	ssyncadd.s32 $0xFFFFF600;
	s1 =	sadd.s32 s10, s30  }
0x175: {  	[hbm4b:s1+s2] =	stream.linear.scatter [tilespmem:s24], [sflag:$0x4], $0x3200, $0x38;
	[tilespmem:$0x11620] =	vst v63  }
0x176: {  	s5 =	sadd.s32 s10, s31  }
0x177: {  	[hbm4b:s5+s2] =	stream.linear.scatter [tilespmem:s25], [sflag:$0x4], $0x3200, $0x38;
	[tilespmem:$0x11620] =	vst v63  }
0x178: {  	_ =	swait.ge [sflag:s26], $0x3200  }
0x179: {  	[sflag:s26] =	ssyncset.done $0x0  }
0x17a: {  	[sflag:s26] =	ssyncadd.s32 $0xFFFFCE00  }
0x17b: {  	_ =	swait.ge [sflag:s26], $0x3200  }
0x17c: {  	[sflag:s26] =	ssyncset.done $0x0  }
0x17d: {  	[sflag:s26] =	ssyncadd.s32 $0xFFFFCE00  }
0x17e: {  	_ =	swait.ge [sflag:s28], $0x3200  }
0x17f: {  	[sflag:s28] =	ssyncset.done $0x0  }
0x180: {  	[sflag:s28] =	ssyncadd.s32 $0xFFFFCE00  }
0x181: {  	_ =	swait.ge [sflag:s28], $0x3200  }
0x182: {  	[sflag:s28] =	ssyncset.done $0x0  }
0x183: {  	s10 =	simm.s32 $0x2580;
	[sflag:s28] =	ssyncadd.s32 $0xFFFFCE00  }
0x184: {  	[tilespmem:s12], [sflag:$0x1] =	stream.indirect.gather [hbm4b:s3+s11], $0x20, s10, s11, $0xb8;
	[tilespmem:$0x11620] =	vst v63  }
0x185: {  	s29 =	simm.s32 $0x4C90  }
0x186: {  	[tilespmem:s13], [sflag:$0x2] =	stream.indirect.gather [hbm4b:s3+s11], $0x20, s29, s11, $0xb8;
	[tilespmem:$0x11620] =	vst v63  }
0x187: {  	s30 =	simm.s32 $0x25D0  }
0x188: {  	[tilespmem:s14], [sflag:$0x1] =	stream.indirect.gather [hbm4b:s3+s11], $0x20, s30, s11, $0xb8;
	[tilespmem:$0x11620] =	vst v63  }
0x189: {  	s31 =	simm.s32 $0x4CE0  }
0x18a: {  	[tilespmem:s15], [sflag:$0x2] =	stream.indirect.gather [hbm4b:s3+s11], $0x20, s31, s11, $0xb8;
	[tilespmem:$0x11620] =	vst v63  }
0x18b: {  	s4 =	simm.s32 $0x2620  }
0x18c: {  	[tilespmem:s16], [sflag:$0x1] =	stream.indirect.gather [hbm4b:s3+s11], $0x20, s4, s11, $0xb8;
	[tilespmem:$0x11620] =	vst v63  }
0x18d: {  	s5 =	simm.s32 $0x4D30  }
0x18e: {  	[tilespmem:s17], [sflag:$0x2] =	stream.indirect.gather [hbm4b:s3+s11], $0x20, s5, s11, $0xb8;
	[tilespmem:$0x11620] =	vst v63  }
0x18f: {  	s10 =	simm.s32 $0x2670  }
0x190: {  	[tilespmem:s18], [sflag:$0x1] =	stream.indirect.gather [hbm4b:s3+s11], $0x20, s10, s11, $0xb8;
	[tilespmem:$0x11620] =	vst v63  }
0x191: {  	s29 =	simm.s32 $0x4D80  }
0x192: {  	[tilespmem:s19], [sflag:$0x2] =	stream.indirect.gather [hbm4b:s3+s11], $0x20, s29, s11, $0xb8;
	[tilespmem:$0x11620] =	vst v63  }
0x193: {  	s30 =	simm.s32 $0x26C0  }
0x194: {  	[tilespmem:s20], [sflag:$0x1] =	stream.indirect.gather [hbm4b:s3+s11], $0x20, s30, s11, $0xb8;
	[tilespmem:$0x11620] =	vst v63  }
0x195: {  	s31 =	simm.s32 $0x4DD0  }
0x196: {  	[tilespmem:s21], [sflag:$0x2] =	stream.indirect.gather [hbm4b:s3+s11], $0x20, s31, s11, $0xb8;
	[tilespmem:$0x11620] =	vst v63  }
0x197: {  	_ =	swait.ge [sflag:s22], $0xA00  }
0x198: {  	[sflag:s22] =	ssyncset.done $0x0  }
0x199: {  	[sflag:s22] =	ssyncadd.s32 $0xFFFFF600  }
0x19a: {  	_ =	swait.ge [sflag:s23], $0xA00  }
0x19b: {  	[sflag:s23] =	ssyncset.done $0x0  }
0x19c: {  	[sflag:s23] =	ssyncadd.s32 $0xFFFFF600  }
0x19d: {  	_ =	swait.ge [sflag:s22], $0xA00  }
0x19e: {  	[sflag:s22] =	ssyncset.done $0x0  }
0x19f: {  	[sflag:s22] =	ssyncadd.s32 $0xFFFFF600  }
0x1a0: {  	_ =	swait.ge [sflag:s23], $0xA00  }
0x1a1: {  	[sflag:s23] =	ssyncset.done $0x0  }
0x1a2: {  	[sflag:s23] =	ssyncadd.s32 $0xFFFFF600  }
0x1a3: {  	_ =	swait.ge [sflag:s22], $0xA00  }
0x1a4: {  	[sflag:s22] =	ssyncset.done $0x0  }
0x1a5: {  	[sflag:s22] =	ssyncadd.s32 $0xFFFFF600  }
0x1a6: {  	_ =	swait.ge [sflag:s23], $0xA00  }
0x1a7: {  	[sflag:s23] =	ssyncset.done $0x0  }
0x1a8: {  	[sflag:s23] =	ssyncadd.s32 $0xFFFFF600  }
0x1a9: {  	_ =	swait.ge [sflag:s22], $0xA00  }
0x1aa: {  	[sflag:s22] =	ssyncset.done $0x0  }
0x1ab: {  	[sflag:s22] =	ssyncadd.s32 $0xFFFFF600  }
0x1ac: {  	_ =	swait.ge [sflag:s23], $0xA00  }
0x1ad: {  	[sflag:s23] =	ssyncset.done $0x0  }
0x1ae: {  	[sflag:s23] =	ssyncadd.s32 $0xFFFFF600  }
0x1af: {  	_ =	swait.ge [sflag:s22], $0xA00  }
0x1b0: {  	[sflag:s22] =	ssyncset.done $0x0  }
0x1b1: {  	[sflag:s22] =	ssyncadd.s32 $0xFFFFF600  }
0x1b2: {  	_ =	swait.ge [sflag:s23], $0xA00  }
0x1b3: {  	[sflag:s23] =	ssyncset.done $0x0  }
0x1b4: {  	[sflag:s23] =	ssyncadd.s32 $0xFFFFF600  }
0x1b5: {  	[hbm4b:s6+s2] =	stream.linear.scatter [tilespmem:s12], [sflag:$0x3], $0x3200, $0x38;
	[tilespmem:$0x11620] =	vst v63  }
0x1b6: {  	s0 =	sadd.s32 $0x1, s0  }
0x1b7: {  	[hbm4b:s7+s2] =	stream.linear.scatter [tilespmem:s13], [sflag:$0x3], $0x3200, $0x38;
	[tilespmem:$0x11620] =	vst v63  }
0x1b8: {  	p0 =	sne.s32 s0, s8;
	_ =	swait.ge [sflag:s26], $0x3200  }
.Ltmp1:
0x1b9: {  	[sflag:s26] =	ssyncset.done $0x0;
	(pc) =	sbr.rel @p0 .LBB2_1-.Ltmp1, $4  }
0x1ba: {  	[sflag:s26] =	ssyncadd.s32 $0xFFFFCE00  }
0x1bb: {  	_ =	swait.ge [sflag:s26], $0x3200  }
0x1bc: {  	[sflag:s26] =	ssyncset.done $0x0  }
0x1bd: {  	[sflag:s26] =	ssyncadd.s32 $0xFFFFCE00  }
0x1be: {  	_ =	sfence.sel $0x180000  }
0x1bf: {  	[bflag:$0x0] =	sbarrier.arrive $0xFFFF  }
0x1c0: {  	_ =	strace $0x9000004D  }
0x1c1: {  	s0 =	stileid.u32;
	[bflag:$0x2] =	sbarrier.arrive $0xFFFF  }
0x1c2: {  	p0 =	sne.s32 s0, $0x0;
	s0 =	rddreg [dreg:$0x1]  }
0x1c3: {  	s0 =	sadd.s32 @!p0 $0x100000, s0  }
0x1c4: {  	[sflag:s0] =	ssyncadd.tile.s32 @!p0 $0x1;
	_ =	shalt  }
.Lfunc_end2:
_tile_overlayer_lowered:
.L_overlay_start_2:
0x1c5: {  	(tag) =	ssettag $0x2  }
0x1c6: {  	s0 =	rddreg [dreg:$0x0];
	s2 =	stileid.u32  }
0x1c7: {  	s1 =	rddreg [dreg:$0x1];
	p0 =	sne.s32 s2, $0x0  }
0x1c8: {  	s3 =	rddreg [dreg:$0x2];
	[bflag:$0x3] =	sbarrier.arrive $0xFFFF;
	s2 =	simm.s32 @!p0 $0x1C05  }
0x1c9: {  	[timem:s3], [sflag:s2] =	dma.local @!p0 [hbm:s0], s1  }
0x1ca: {  	s0 =	simm.s32 @!p0 $0x5  }
0x1cb: {  	_ =	swait.ge @!p0 [sflag:s0], s1  }
0x1cc: {  	s1 =	ssub.s32 @!p0 $0x0, s1;
	[sflag:s0] =	ssyncset.done @!p0 $0x0  }
0x1cd: {  	[sflag:s0] =	ssyncadd.s32 @!p0 s1  }
0x1ce: {  	[bflag:$0x3] =	sbarrier.arrive $0xFFFF  }
0x1cf: {  	_ =	shalt  }

// kernel: kernel.9.cloned.1.call-start
scs
__scs_entry_jumppad:
0x0: {  	(pc) =	sbr.rel $0x88, $3  }
0x1: {  	(tag) =	ssettag $0x0;
	lr =	simm.s32 $0x1  }
0x2: {  	[smem:$0x3F98] =	sst lr;
	_ =	strace $0xD0000000  }
0x3: {  	_ = 	snop  }
0x4: {  	_ = 	snop  }
0x5: {  	_ = 	snop  }
0x6: {  	_ = 	snop  }
0x7: {  	_ = 	snop  }
__scs_overlays_trampoline_lowered:
0x8: {  	[smem:$0x3FA7] =	sst s0  }
0x9: {  	[smem:$0x3FA8] =	sst s1  }
0xa: {  	[smem:$0x3FA9] =	sst s2  }
0xb: {  	[smem:$0x3FAA] =	sst s3  }
0xc: {  	[smem:$0x3FAB] =	sst s4  }
0xd: {  	[smem:$0x3FAC] =	sst s5  }
0xe: {  	[smem:$0x3FAD] =	sst s6  }
0xf: {  	[smem:$0x3FAE] =	sst s7  }
0x10: {  	[smem:$0x3FAF] =	sst s8  }
0x11: {  	[smem:$0x3FB0] =	sst s9;
	s0 =	simm.s32 @!p0 $0x0  }
0x12: {  	s1 =	sld [smem:$0x3F96];
	s0 =	simm.s32 @p0 $0x1  }
0x13: {  	[smem:$0x3FB1] =	sst s0;
	s0 =	simm.s32 @!p1 $0x0  }
0x14: {  	s2 =	sld [smem:$0x3F95];
	s0 =	simm.s32 @p1 $0x1  }
0x15: {  	[smem:$0x3FB2] =	sst s0;
	s0 =	simm.s32 @!p2 $0x0  }
0x16: {  	s3 =	sld [smem:$0x3FDB];
	s0 =	simm.s32 @p2 $0x1  }
0x17: {  	s4 =	simm.s32 $0x1BF5;
	[smem:$0x3FB4] =	sst s0  }
0x18: {  	s0 =	sld [smem:$0x3F97];
	_ =	swait.ge [sflag:s4], $0x0  }
0x19: {  	s7 =	sld [smem:$0x3F98]  }
0x1a: {  	s8 =	sadd.s32 $0xFFFFE003, lr  }
0x1b: {  	s9 =	sadd.s32 $0xFFFFFEF7, lr;
	s5 =	simm.s32 $0xFFFFFFFF;
	p2 =	slt.u32 s8, $0xFFFFF086  }
0x1c: {  	p1 =	slt.u32 s9, $0xF7A;
	s5 =	simm.s32 @!p2 $0x0  }
0x1d: {  	s5 =	simm.s32 @p1 $0x1;
	p0 =	seq.s32 s7, s2  }
0x1e: {  	s7 =	smul.u32 @!p0 $0xF7A, s2;
	p2 =	seq.s32 @!p0 s5, $0x0  }
0x1f: {  	s9 =	smul.u32 $0xF7A, s1;
	s8 =	simm.s32 @!p0 $0x1BF5;
	p2 =	por !p2, p0  }
0x20: {  	[sflag:s8] =	ssyncset.s32 @!p0 $0xFFFFF086;
	s6 =	sadd.s32 @!p0 s3, s7;
	s7 =	simm.s32 @!p0 $0x108  }
0x21: {  	s3 =	sadd.s32 s3, s9;
	s6 =	sadd.s32 @!p0 $0x88, s6;
	s7 =	simm.s32 @p2 $0x1082  }
0x22: {  	[simem:s7], [sflag:s8] =	dma.local @!p0 [hbm:s6], $0xF7A  }
0x23: {  	s9 =	sor.u32 $0xD0000000, s2;
	s6 =	simm.s32 $0x108;
	_ =	swait.ge @!p0 [sflag:s8], $0x0  }
0x24: {  	s3 =	sadd.s32 $0x88, s3;
	s6 =	simm.s32 @!p1 $0x1082;
	[sflag:s4] =	ssyncset.s32 $0xFFFFF086  }
0x25: {  	[simem:s6], [sflag:s4] =	dma.local [hbm:s3], $0xF7A  }
0x26: {  	[smem:$0x3F98] =	sst s1;
	(tag) =	ssettag s2;
	_ =	strace s9  }
0x27: {  	s1 =	sld [smem:$0x3FA8]  }
0x28: {  	s2 =	sld [smem:$0x3FA9]  }
0x29: {  	s4 =	sld [smem:$0x3FAB]  }
0x2a: {  	p0 =	seq.s32 s5, $0x0;
	s5 =	sld [smem:$0x3FAC]  }
0x2b: {  	s6 =	sld [smem:$0x3FAD]  }
0x2c: {  	s7 =	sld [smem:$0x3FAE]  }
0x2d: {  	s3 =	simm.s32 $0x108;
	s8 =	sld [smem:$0x3FAF]  }
0x2e: {  	s3 =	simm.s32 @!p0 $0x1082;
	s9 =	sld [smem:$0x3FB0]  }
0x2f: {  	lr =	sadd.s32 s0, s3;
	s0 =	sld [smem:$0x3FA7]  }
0x30: {  	s3 =	sld [smem:$0x3FAA]  }
0x31: {  	[smem:$0x3FB3] =	sst s10  }
0x32: {  	s10 =	sld [smem:$0x3FB1];
	_ =	sdelay $0x3  }
0x33: {  	p0 =	seq.s32 s10, $0x1;
	s10 =	sld [smem:$0x3FB3];
	_ =	sdelay $0x3  }
0x34: {  	[smem:$0x3FB3] =	sst s10  }
0x35: {  	s10 =	sld [smem:$0x3FB2];
	_ =	sdelay $0x3  }
0x36: {  	p1 =	seq.s32 s10, $0x1;
	s10 =	sld [smem:$0x3FB3];
	_ =	sdelay $0x3  }
0x37: {  	[smem:$0x3FB3] =	sst s10  }
0x38: {  	s10 =	sld [smem:$0x3FB4]  }
0x39: {  	_ = 	snop;
	(pc) =	sbr.ind lr, $3  }
0x3a: {  	_ = 	snop  }
0x3b: {  	_ = 	snop  }
0x3c: {  	p2 =	seq.s32 s10, $0x1;
	s10 =	sld [smem:$0x3FB3]  }
0x3d: {  	_ =	shalt  }
0x3e: {  	_ =	shalt  }
0x3f: {  	_ =	shalt  }
0x40: {  	_ =	shalt  }
0x41: {  	_ =	shalt  }
0x42: {  	_ =	shalt  }
0x43: {  	_ =	shalt  }
0x44: {  	_ =	shalt  }
0x45: {  	_ =	shalt  }
0x46: {  	_ =	shalt  }
0x47: {  	_ =	shalt  }
0x48: {  	_ =	shalt  }
0x49: {  	_ =	shalt  }
0x4a: {  	_ =	shalt  }
0x4b: {  	_ =	shalt  }
0x4c: {  	_ =	shalt  }
0x4d: {  	_ =	shalt  }
0x4e: {  	_ =	shalt  }
0x4f: {  	_ =	shalt  }
0x50: {  	_ =	shalt  }
0x51: {  	_ =	shalt  }
0x52: {  	_ =	shalt  }
0x53: {  	_ =	shalt  }
0x54: {  	_ =	shalt  }
0x55: {  	_ =	shalt  }
0x56: {  	_ =	shalt  }
0x57: {  	_ =	shalt  }
0x58: {  	_ =	shalt  }
0x59: {  	_ =	shalt  }
0x5a: {  	_ =	shalt  }
0x5b: {  	_ =	shalt  }
0x5c: {  	_ =	shalt  }
0x5d: {  	_ =	shalt  }
0x5e: {  	_ =	shalt  }
0x5f: {  	_ =	shalt  }
0x60: {  	_ =	shalt  }
0x61: {  	_ =	shalt  }
0x62: {  	_ =	shalt  }
0x63: {  	_ =	shalt  }
0x64: {  	_ =	shalt  }
0x65: {  	_ =	shalt  }
0x66: {  	_ =	shalt  }
0x67: {  	_ =	shalt  }
0x68: {  	_ =	shalt  }
0x69: {  	_ =	shalt  }
0x6a: {  	_ =	shalt  }
0x6b: {  	_ =	shalt  }
0x6c: {  	_ =	shalt  }
0x6d: {  	_ =	shalt  }
0x6e: {  	_ =	shalt  }
0x6f: {  	_ =	shalt  }
0x70: {  	_ =	shalt  }
0x71: {  	_ =	shalt  }
0x72: {  	_ =	shalt  }
0x73: {  	_ =	shalt  }
0x74: {  	_ =	shalt  }
0x75: {  	_ =	shalt  }
0x76: {  	_ =	shalt  }
0x77: {  	_ =	shalt  }
0x78: {  	_ =	shalt  }
0x79: {  	_ =	shalt  }
0x7a: {  	_ =	shalt  }
0x7b: {  	_ =	shalt  }
0x7c: {  	_ =	shalt  }
0x7d: {  	_ =	shalt  }
0x7e: {  	_ =	shalt  }
0x7f: {  	_ =	shalt  }
0x80: {  	_ =	shalt  }
0x81: {  	_ =	shalt  }
0x82: {  	_ =	shalt  }
0x83: {  	_ =	shalt  }
0x84: {  	_ =	shalt  }
0x85: {  	_ =	shalt  }
0x86: {  	_ =	shalt  }
0x87: {  	_ =	shalt  }
.Lfunc_end0:
.L_simem_size_0:
called_computation.3_lowered:
.L_overlay_start_0:
0x88: {  	s2 =	sld [smem:$0x3FD9]  }
0x89: {  	s3 =	sld [smem:$0x3FFE];
	_ =	sdelay $0x1  }
0x8a: {  	s1 =	srdreg.scid  }
0x8b: {  	s0 =	sand.u32 $0x1, s1  }
0x8c: {  	s16 =	sshll.u32 s0, $0xA;
	s2 =	sadd.s32 s3, s2  }
0x8d: {  	s2 =	sadd.s32 s2, s16  }
0x8e: {  	[smem:$0x3FBF] =	sst s2  }
0x8f: {  	_ = 	snop  }
0x90: {  	(tm) =	ssettm $0x1  }
0x91: {  	s17 =	sld [smem:$0x3FFB];
	_ =	sdelay $0x3  }
0x92: {  	_ =	strace s17  }
0x93: {  	s2 =	sld [smem:$0x3FFC];
	_ =	sdelay $0x3  }
0x94: {  	_ =	strace s2  }
0x95: {  	s2 =	sld [smem:$0x3FFD];
	_ =	sdelay $0x3  }
0x96: {  	_ =	strace s2  }
0x97: {  	_ =	strace $0x8FFFFFFF  }
0x98: {  	s18 =	sld [smem:$0x3FDB];
	_ =	sdelay $0x1  }
0x99: {  	s19 =	simm.s32 $_scs_section_size  }
0x9a: {  	s4 =	simm.s32 $_size__tile_overlayer_lowered;
	s5 =	simm.s32 $_tile_overlayer_lowered  }
0x9b: {  	s22 =	simm.s32 $0x1BFF;
	s21 =	sshll.u32 s5, $0x1;
	s2 =	sadd.s32 s19, s18  }
0x9c: {  	s6 =	simm.s32 $0x0;
	s20 =	sshll.u32 s4, $0x1;
	s4 =	sadd.s32 s21, s2  }
0x9d: {  	[timem:s6], [sflag:s22] =	dma.local [hbm:s4], s20  }
0x9e: {  	_ =	swait.ge [sflag:s22], s20  }
0x9f: {  	s3 =	ssub.s32 $0x0, s20;
	[sflag:s22] =	ssyncset.done $0x0  }
0xa0: {  	[sflag:s22] =	ssyncadd.s32 s3;
	_ =	sdelay $0x1  }
0xa1: {  	s23 =	simm.s32 $0x1B8B  }
0xa2: {  	_ =	swait.ge [sflag:s23], $0x1  }
0xa3: {  	[sflag:s23] =	ssyncset.done $0x0  }
0xa4: {  	s25 =	simm.s32 $0x1B8E;
	s24 =	sld [smem:$0x3FFE];
	[sflag:s23] =	ssyncadd.s32 $0xFFFFFFFF  }
0xa5: {  	s26 =	simm.s32 $execute0_lowered;
	[smem:$0x3FD2] =	sst s25  }
0xa6: {  	s4 =	sshll.u32 s26, $0x1;
	_ =	strace $0x8000004F;
	[dreg:$0x1] =	wrdreg $0xFFFFFFFF  }
0xa7: {  	s28 =	simm.s32 $_size_execute0_lowered;
	s2 =	sadd.s32 s2, s4;
	[dreg:$0x0] =	wrdreg $0x0  }
0xa8: {  	s4 =	sshll.u32 s28, $0x1;
	[dreg:$0x2] =	wrdreg s2  }
0xa9: {  	[dreg:$0x3] =	wrdreg s4  }
0xaa: {  	[dreg:$0x4] =	wrdreg $0xC0  }
0xab: {  	_ =	task [dreg:s6], $0x5FFFF  }
0xac: {  	[dreg:$0x1] =	wrdreg $0xFFFFFFFF  }
0xad: {  	[dreg:$0x0] =	wrdreg $0x60  }
0xae: {  	[dreg:$0x2] =	wrdreg s24  }
0xaf: {  	[dreg:$0x3] =	wrdreg $0x9AB00  }
0xb0: {  	[dreg:$0x4] =	wrdreg $0x9  }
0xb1: {  	_ =	task.clear_ibuf [dreg:s6], $0x5FFFF;
	_ =	strace $0x9000004F  }
0xb2: {  	s29 =	simm.s32 $0x9;
	_ =	strace $0x80000051  }
0xb3: {  	_ =	swait.ge [sflag:s29], $0x1  }
0xb4: {  	[sflag:s29] =	ssyncadd.s32 $0xFFFFFFFF  }
0xb5: {  	_ =	strace $0x90000051  }
0xb6: {  	_ =	sfence  }
0xb7: {  	s30 =	sld [smem:$0x0];
	_ =	sdelay $0x2  }
0xb8: {  	s31 =	sshll.u32 s1, $0xD;
	s1 =	sshrl.u32 s1, $0x2  }
0xb9: {  	s3 =	sand.u32 $0x4000, s31;
	s1 =	sadd.s32 s1, s30  }
0xba: {  	s0 =	sor.u32 s3, s0;
	s1 =	sshll.u32 s1, $0x11  }
0xbb: {  	s0 =	sor.u32 s1, s0  }
0xbc: {  	s0 =	sadd.s32 $0x8F2B, s0  }
0xbd: {  	[sflag:s0] =	ssyncadd.remote.s32 $0x1  }
0xbe: {  	_ =	sfence.sel $0xFFFF  }
0xbf: {  	[dreg:$0x0] =	wrdreg $0xFFFFFFFF;
	(pc) =	sbr.abs _section_cstart, $3  }
0xc0: {  	[dreg:$0x1] =	wrdreg $0xFFFFFFFF  }
0xc1: {  	_ =	task.clear_ibuf [dreg:s6], $0x2FFFF;
	_ =	strace $0x9FFFFFFF  }
0xc2: {  	(tm) =	ssettm $0x7FFFFFFF  }
0xc3: {  	_ =	shalt  }
tec
execute0_lowered:
.L_overlay_start_1:
0x0: {  	(tag) =	ssettag $0x1  }
0x1: {  	s0 =	rddreg [dreg:$0x0]  }
0x2: {  	s1 =	srdreg.scid;
	s10 =	stileid.u32  }
0x3: {  	s2 =	rddreg [dreg:$0x1];
	s3 =	simm.s32 $0x0;
	s28 =	simm.s32 $0x4510  }
0x4: {  	s29 =	simm.s32 $0x4F10;
	s30 =	simm.s32 $0x2;
	s8 =	smul.u32 $0x4E20, s10  }
0x5: {  	s1 =	sand.u32 $0x1, s1;
	s4 =	sshll.u32 s10, $0x1;
	s13 =	smul.u32 $0x13880, s10  }
0x6: {  	s31 =	simm.s32 $0x6310;
	s4 =	sor.u32 s1, s4;
	s26 =	smul.u32 $0x4E200, s1  }
0x7: {  	[smem:$0x7FF] =	sst s3;
	s6 =	sadd.s32 $0x2AFE00, s0;
	s5 =	smul.u32 $0x4E2, s4  }
0x8: {  	_ =	strace $0x80000050;
	s7 =	ssub.s32 $0x2, s1;
	s4 =	smul.u32 $0x4E200, s4  }
0x9: {  	s9 =	sshrl.u32 s7, $0x1;
	s15 =	sadd.s32 s8, s2;
	s16 =	sshrl.u32 s13, $0x2  }
0xa: {  	s17 =	sadd.s32 $0xFA0, s8;
	s18 =	sadd.s32 $0x1F40, s8;
	s14 =	sadd.s32 $0x2EE0, s8  }
0xb: {  	s7 =	ssub.s32 s7, s9;
	[dreg:$0x6] =	wrdreg s15;
	s9 =	sadd.s32 s17, s2  }
0xc: {  	s19 =	sadd.s32 s18, s2;
	s11 =	sadd.s32 s14, s2;
	s15 =	sadd.s32 $0x3E80, s8  }
0xd: {  	s21 =	sadd.s32 s26, s18;
	s22 =	sadd.s32 s26, s14;
	s5 =	sadd.s32 s5, s0  }
0xe: {  	s0 =	sadd.s32 $0x3A00, s0;
	s4 =	sshrl.u32 s4, $0x3;
	s7 =	smax.u32 s7, $0x1  }
0xf: {  	[dreg:$0x9] =	wrdreg s19;
	s12 =	sadd.s32 s15, s2;
	s23 =	sshrl.u32 s22, $0x3  }
0x10: {  	s4 =	sadd.s32 s6, s4;
	s5 =	sadd.s32 $0x2B200, s5;
	[dreg:$0x7] =	wrdreg s7  }
0x11: {  	s19 =	simm.s32 $0x5;
	[dreg:$0x4] =	wrdreg s5;
	s4 =	sadd.s32 $0x9600, s4  }
0x12: {  	s22 =	simm.s32 $0x5910;
	s5 =	sadd.s32 s16, s2;
	[dreg:$0x5] =	wrdreg s4  }
0x13: {  	s7 =	simm.s32 $0x0;
	s16 =	sadd.s32 s26, s8;
	[dreg:$0x8] =	wrdreg s5  }
0x14: {  	s5 =	sadd.s32 s26, s17;
	s16 =	sshrl.u32 s16, $0x3;
	s17 =	smul.u32 $0x2710, s1  }
0x15: {  	s4 =	sadd.s32 s26, s15;
	s1 =	smul.u32 $0x9C40, s1;
	s26 =	sadd.s32 s13, s6  }
0x16: {  	s5 =	sshrl.u32 s5, $0x3;
	s20 =	sadd.s32 s0, s16;
	s4 =	sshrl.u32 s4, $0x3  }
0x17: {  	[dreg:$0xa] =	wrdreg s20;
	s5 =	sadd.s32 s0, s5;
	s8 =	sadd.s32 s17, s8  }
0x18: {  	s18 =	sadd.s32 s1, s26;
	s20 =	simm.s32 $0x8B10;
	s26 =	simm.s32 $0x3B10  }
0x19: {  	s1 =	simm.s32 $0x6D10;
	[dreg:$0xb] =	wrdreg s5;
	s5 =	sshrl.u32 s21, $0x3  }
0x1a: {  	s24 =	sshll.u32 s8, $0x2;
	s21 =	simm.s32 $0x2710;
	s5 =	sadd.s32 s0, s5  }
0x1b: {  	s25 =	sadd.s32 s6, s24;
	s24 =	simm.s32 $0x50;
	s6 =	simm.s32 $0x4  }
0x1c: {  	[dreg:$0xc] =	wrdreg s5;
	s5 =	sadd.s32 s0, s23;
	s0 =	sadd.s32 s0, s4  }
0x1d: {  	s23 =	simm.s32 $0x1;
	s4 =	simm.s32 $0x8110;
	[dreg:$0xd] =	wrdreg s5  }
0x1e: {  	s5 =	sadd.s32 $0x640, s25;
	[dreg:$0xe] =	wrdreg s0;
	s25 =	simm.s32 $0x3110  }
0x1f: {  	v0 =	vimm.f32 $0.0e+00;
	s0 =	simm.s32 $0x7710;
	[dreg:$0x3] =	wrdreg s5;
	s5 =	simm.s32 $0x3  }
.LBB2_1:
0x20: {  	s8 =	rddreg [dreg:$0x4]  }
0x21: {  	[tilespmem:s3], [sflag:$0x5] =	stream.linear.gather [hbm4b:s8+s3], $0x2710, $0x38;
	[tilespmem:$0xE8D0] =	vst v63  }
0x22: {  	_ =	swait.ge [sflag:s19], $0x2710  }
0x23: {  	[sflag:s19] =	ssyncset.done $0x0  }
0x24: {  	s13 =	simm.s32 $0x0;
	s8 =	simm.s32 $0x80;
	[sflag:s19] =	ssyncadd.s32 $0xFFFFD8F0  }
.LBB2_2:
0x25: {  	p0 =	sne.s32 s8, $0x3E00;
	[tilespmem:s13+$0x8B10] =	vst v0;
	s14 =	smov.u32 s8;
	s8 =	sadd.s32 $0x80, s8  }
.Ltmp0:
0x26: {  	[tilespmem:s13+$0x8B20] =	vst v0;
	(pc) =	sbr.rel @p0 .LBB2_2-.Ltmp0, $2  }
0x27: {  	_ =	sdelay $0x2  }
0x28: {  	s13 =	sshra.s32 s14, $0x2  }
0x29: {  	[tilespmem:s13+$0x8B10] =	vst v0  }
0x2a: {  	[tilespmem:s13+$0x8B20] =	vst v0;
	s8 =	rddreg [dreg:$0x8]  }
0x2b: {  	[spmem:s8] =	stream.linear.scatter [tilespmem:s20], [sflag:$0x5], $0xFA0, $0x38;
	[tilespmem:$0xE8D0] =	vst v63  }
0x2c: {  	_ =	swait.ge [sflag:s19], $0xFA0  }
0x2d: {  	[sflag:s19] =	ssyncset.done $0x0  }
0x2e: {  	[sflag:s19] =	ssyncadd.s32 $0xFFFFF060  }
0x2f: {  	[spmem:s9] =	stream.linear.scatter [tilespmem:s20], [sflag:$0x5], $0xFA0, $0x38;
	[tilespmem:$0xE8D0] =	vst v63  }
0x30: {  	_ =	swait.ge [sflag:s19], $0xFA0  }
0x31: {  	[sflag:s19] =	ssyncset.done $0x0  }
0x32: {  	s16 =	rddreg [dreg:$0x9];
	[sflag:s19] =	ssyncadd.s32 $0xFFFFF060  }
0x33: {  	[spmem:s16] =	stream.linear.scatter [tilespmem:s20], [sflag:$0x5], $0xFA0, $0x38;
	[tilespmem:$0xE8D0] =	vst v63  }
0x34: {  	_ =	swait.ge [sflag:s19], $0xFA0  }
0x35: {  	[sflag:s19] =	ssyncset.done $0x0  }
0x36: {  	[sflag:s19] =	ssyncadd.s32 $0xFFFFF060  }
0x37: {  	[spmem:s11] =	stream.linear.scatter [tilespmem:s20], [sflag:$0x5], $0xFA0, $0x38;
	[tilespmem:$0xE8D0] =	vst v63  }
0x38: {  	_ =	swait.ge [sflag:s19], $0xFA0  }
0x39: {  	[sflag:s19] =	ssyncset.done $0x0  }
0x3a: {  	[sflag:s19] =	ssyncadd.s32 $0xFFFFF060  }
0x3b: {  	[spmem:s12] =	stream.linear.scatter [tilespmem:s20], [sflag:$0x5], $0xFA0, $0x38;
	[tilespmem:$0xE8D0] =	vst v63  }
0x3c: {  	_ =	swait.ge [sflag:s19], $0xFA0  }
0x3d: {  	[sflag:s19] =	ssyncset.done $0x0  }
0x3e: {  	[sflag:s19] =	ssyncadd.s32 $0xFFFFF060  }
0x3f: {  	[bflag:$0x0] =	sbarrier.arrive $0xFFFF  }
0x40: {  	s10 =	smov.u32 s9;
	s9 =	sadd.s32 $0x0, s18;
	s17 =	rddreg [dreg:$0x3]  }
0x41: {  	[tilespmem:s21], [sflag:$0x1] =	stream.linear.gather [hbm4b:s9+s3], $0x3200, $0x38;
	[tilespmem:$0xE8D0] =	vst v63  }
0x42: {  	s8 =	sadd.s32 $0x0, s17  }
0x43: {  	[tilespmem:s22], [sflag:$0x2] =	stream.linear.gather [hbm4b:s8+s3], $0x3200, $0x38;
	[tilespmem:$0xE8D0] =	vst v63  }
0x44: {  	_ =	swait.ge [sflag:s23], $0x3200  }
0x45: {  	[sflag:s23] =	ssyncset.done $0x0  }
0x46: {  	s14 =	simm.s32 $0x0;
	[sflag:s23] =	ssyncadd.s32 $0xFFFFCE00  }
0x47: {  	[spmem:s2] =	stream.indirect.scatter.add.f32 [tilespmem:s21], [sflag:$0x3], $0x20, s14, s24, $0xb8;
	[tilespmem:$0xE8D0] =	vst v63  }
0x48: {  	s15 =	simm.s32 $0x50  }
0x49: {  	[spmem:s2] =	stream.indirect.scatter.add.f32 [tilespmem:s25], [sflag:$0x3], $0x20, s15, s24, $0xb8;
	[tilespmem:$0xE8D0] =	vst v63  }
0x4a: {  	s16 =	simm.s32 $0xA0  }
0x4b: {  	[spmem:s2] =	stream.indirect.scatter.add.f32 [tilespmem:s26], [sflag:$0x3], $0x20, s16, s24, $0xb8;
	[tilespmem:$0xE8D0] =	vst v63  }
0x4c: {  	s17 =	simm.s32 $0xF0  }
0x4d: {  	[spmem:s2] =	stream.indirect.scatter.add.f32 [tilespmem:s28], [sflag:$0x3], $0x20, s17, s24, $0xb8;
	[tilespmem:$0xE8D0] =	vst v63  }
0x4e: {  	s9 =	simm.s32 $0x140  }
0x4f: {  	[spmem:s2] =	stream.indirect.scatter.add.f32 [tilespmem:s29], [sflag:$0x3], $0x20, s9, s24, $0xb8;
	[tilespmem:$0xE8D0] =	vst v63  }
0x50: {  	_ =	swait.ge [sflag:s30], $0x3200  }
0x51: {  	[sflag:s30] =	ssyncset.done $0x0  }
0x52: {  	s13 =	simm.s32 $0x190;
	[sflag:s30] =	ssyncadd.s32 $0xFFFFCE00  }
0x53: {  	[spmem:s2] =	stream.indirect.scatter.add.f32 [tilespmem:s22], [sflag:$0x4], $0x20, s13, s24, $0xb8;
	[tilespmem:$0xE8D0] =	vst v63  }
0x54: {  	s14 =	simm.s32 $0x1E0  }
0x55: {  	[spmem:s2] =	stream.indirect.scatter.add.f32 [tilespmem:s31], [sflag:$0x4], $0x20, s14, s24, $0xb8;
	[tilespmem:$0xE8D0] =	vst v63  }
0x56: {  	s15 =	simm.s32 $0x230  }
0x57: {  	[spmem:s2] =	stream.indirect.scatter.add.f32 [tilespmem:s1], [sflag:$0x4], $0x20, s15, s24, $0xb8;
	[tilespmem:$0xE8D0] =	vst v63  }
0x58: {  	s16 =	simm.s32 $0x280  }
0x59: {  	[spmem:s2] =	stream.indirect.scatter.add.f32 [tilespmem:s0], [sflag:$0x4], $0x20, s16, s24, $0xb8;
	[tilespmem:$0xE8D0] =	vst v63  }
0x5a: {  	s17 =	simm.s32 $0x2D0  }
0x5b: {  	[spmem:s2] =	stream.indirect.scatter.add.f32 [tilespmem:s4], [sflag:$0x4], $0x20, s17, s24, $0xb8;
	[tilespmem:$0xE8D0] =	vst v63  }
0x5c: {  	_ =	swait.ge [sflag:s5], $0xA00  }
0x5d: {  	[sflag:s5] =	ssyncset.done $0x0  }
0x5e: {  	[sflag:s5] =	ssyncadd.s32 $0xFFFFF600  }
0x5f: {  	_ =	swait.ge [sflag:s5], $0xA00  }
0x60: {  	[sflag:s5] =	ssyncset.done $0x0  }
0x61: {  	[sflag:s5] =	ssyncadd.s32 $0xFFFFF600  }
0x62: {  	_ =	swait.ge [sflag:s5], $0xA00  }
0x63: {  	[sflag:s5] =	ssyncset.done $0x0  }
0x64: {  	[sflag:s5] =	ssyncadd.s32 $0xFFFFF600  }
0x65: {  	_ =	swait.ge [sflag:s5], $0xA00  }
0x66: {  	[sflag:s5] =	ssyncset.done $0x0  }
0x67: {  	[sflag:s5] =	ssyncadd.s32 $0xFFFFF600  }
0x68: {  	_ =	swait.ge [sflag:s5], $0xA00  }
0x69: {  	[sflag:s5] =	ssyncset.done $0x0  }
0x6a: {  	[sflag:s5] =	ssyncadd.s32 $0xFFFFF600  }
0x6b: {  	_ =	swait.ge [sflag:s6], $0xA00  }
0x6c: {  	[sflag:s6] =	ssyncset.done $0x0  }
0x6d: {  	[sflag:s6] =	ssyncadd.s32 $0xFFFFF600  }
0x6e: {  	_ =	swait.ge [sflag:s6], $0xA00  }
0x6f: {  	[sflag:s6] =	ssyncset.done $0x0  }
0x70: {  	[sflag:s6] =	ssyncadd.s32 $0xFFFFF600  }
0x71: {  	_ =	swait.ge [sflag:s6], $0xA00  }
0x72: {  	[sflag:s6] =	ssyncset.done $0x0  }
0x73: {  	[sflag:s6] =	ssyncadd.s32 $0xFFFFF600  }
0x74: {  	_ =	swait.ge [sflag:s6], $0xA00  }
0x75: {  	[sflag:s6] =	ssyncset.done $0x0  }
0x76: {  	[sflag:s6] =	ssyncadd.s32 $0xFFFFF600  }
0x77: {  	s8 =	simm.s32 $0xC80;
	s13 =	sadd.s32 $0xC80, s18;
	_ =	swait.ge [sflag:s6], $0xA00  }
0x78: {  	s14 =	simm.s32 $0x1900;
	s15 =	rddreg [dreg:$0x3];
	[sflag:s6] =	ssyncset.done $0x0  }
.LBB2_4:
0x79: {  	[sflag:s6] =	ssyncadd.s32 $0xFFFFF600  }
0x7a: {  	[tilespmem:s21], [sflag:$0x1] =	stream.linear.gather [hbm4b:s13+s3], $0x3200, $0x38;
	[tilespmem:$0xE8D0] =	vst v63  }
0x7b: {  	s15 =	sadd.s32 s8, s15  }
0x7c: {  	[tilespmem:s22], [sflag:$0x2] =	stream.linear.gather [hbm4b:s15+s3], $0x3200, $0x38;
	[tilespmem:$0xE8D0] =	vst v63  }
0x7d: {  	s17 =	sadd.s32 s14, s18;
	_ =	swait.ge [sflag:s23], $0x3200  }
0x7e: {  	s9 =	smov.u32 s14;
	s16 =	sadd.s32 $0xC80, s14;
	[sflag:s23] =	ssyncset.done $0x0  }
0x7f: {  	p0 =	sne.s32 s14, $0x8980;
	s14 =	sshra.s32 s8, $0x2;
	[sflag:s23] =	ssyncadd.s32 $0xFFFFCE00  }
0x80: {  	[spmem:s2] =	stream.indirect.scatter.add.f32 [tilespmem:s21], [sflag:$0x3], $0x20, s14, s24, $0xb8;
	[tilespmem:$0xE8D0] =	vst v63  }
0x81: {  	s13 =	smov.u32 s17;
	s17 =	sadd.s32 $0x50, s14  }
0x82: {  	[spmem:s2] =	stream.indirect.scatter.add.f32 [tilespmem:s25], [sflag:$0x3], $0x20, s17, s24, $0xb8;
	[tilespmem:$0xE8D0] =	vst v63  }
0x83: {  	s15 =	sadd.s32 $0xA0, s14  }
0x84: {  	[spmem:s2] =	stream.indirect.scatter.add.f32 [tilespmem:s26], [sflag:$0x3], $0x20, s15, s24, $0xb8;
	[tilespmem:$0xE8D0] =	vst v63  }
0x85: {  	s17 =	sadd.s32 $0xF0, s14  }
0x86: {  	[spmem:s2] =	stream.indirect.scatter.add.f32 [tilespmem:s28], [sflag:$0x3], $0x20, s17, s24, $0xb8;
	[tilespmem:$0xE8D0] =	vst v63  }
0x87: {  	s15 =	sadd.s32 $0x140, s14  }
0x88: {  	[spmem:s2] =	stream.indirect.scatter.add.f32 [tilespmem:s29], [sflag:$0x3], $0x20, s15, s24, $0xb8;
	[tilespmem:$0xE8D0] =	vst v63  }
0x89: {  	_ =	swait.ge [sflag:s30], $0x3200  }
0x8a: {  	[sflag:s30] =	ssyncset.done $0x0  }
0x8b: {  	s17 =	sadd.s32 $0x190, s14;
	[sflag:s30] =	ssyncadd.s32 $0xFFFFCE00  }
0x8c: {  	[spmem:s2] =	stream.indirect.scatter.add.f32 [tilespmem:s22], [sflag:$0x4], $0x20, s17, s24, $0xb8;
	[tilespmem:$0xE8D0] =	vst v63  }
0x8d: {  	s15 =	sadd.s32 $0x1E0, s14  }
0x8e: {  	[spmem:s2] =	stream.indirect.scatter.add.f32 [tilespmem:s31], [sflag:$0x4], $0x20, s15, s24, $0xb8;
	[tilespmem:$0xE8D0] =	vst v63  }
0x8f: {  	s17 =	sadd.s32 $0x230, s14  }
0x90: {  	[spmem:s2] =	stream.indirect.scatter.add.f32 [tilespmem:s1], [sflag:$0x4], $0x20, s17, s24, $0xb8;
	[tilespmem:$0xE8D0] =	vst v63  }
0x91: {  	s15 =	sadd.s32 $0x280, s14  }
0x92: {  	[spmem:s2] =	stream.indirect.scatter.add.f32 [tilespmem:s0], [sflag:$0x4], $0x20, s15, s24, $0xb8;
	[tilespmem:$0xE8D0] =	vst v63  }
0x93: {  	s17 =	sadd.s32 $0x2D0, s14  }
0x94: {  	[spmem:s2] =	stream.indirect.scatter.add.f32 [tilespmem:s4], [sflag:$0x4], $0x20, s17, s24, $0xb8;
	[tilespmem:$0xE8D0] =	vst v63  }
0x95: {  	_ =	swait.ge [sflag:s5], $0xA00  }
0x96: {  	[sflag:s5] =	ssyncset.done $0x0  }
0x97: {  	[sflag:s5] =	ssyncadd.s32 $0xFFFFF600  }
0x98: {  	_ =	swait.ge [sflag:s5], $0xA00  }
0x99: {  	[sflag:s5] =	ssyncset.done $0x0  }
0x9a: {  	[sflag:s5] =	ssyncadd.s32 $0xFFFFF600  }
0x9b: {  	_ =	swait.ge [sflag:s5], $0xA00  }
0x9c: {  	[sflag:s5] =	ssyncset.done $0x0  }
0x9d: {  	[sflag:s5] =	ssyncadd.s32 $0xFFFFF600  }
0x9e: {  	_ =	swait.ge [sflag:s5], $0xA00  }
0x9f: {  	[sflag:s5] =	ssyncset.done $0x0  }
0xa0: {  	[sflag:s5] =	ssyncadd.s32 $0xFFFFF600  }
0xa1: {  	_ =	swait.ge [sflag:s5], $0xA00  }
0xa2: {  	[sflag:s5] =	ssyncset.done $0x0  }
0xa3: {  	[sflag:s5] =	ssyncadd.s32 $0xFFFFF600  }
0xa4: {  	_ =	swait.ge [sflag:s6], $0xA00  }
0xa5: {  	[sflag:s6] =	ssyncset.done $0x0  }
0xa6: {  	[sflag:s6] =	ssyncadd.s32 $0xFFFFF600  }
0xa7: {  	_ =	swait.ge [sflag:s6], $0xA00  }
0xa8: {  	[sflag:s6] =	ssyncset.done $0x0  }
0xa9: {  	[sflag:s6] =	ssyncadd.s32 $0xFFFFF600  }
0xaa: {  	_ =	swait.ge [sflag:s6], $0xA00  }
0xab: {  	[sflag:s6] =	ssyncset.done $0x0  }
0xac: {  	[sflag:s6] =	ssyncadd.s32 $0xFFFFF600  }
.Ltmp1:
0xad: {  	_ =	swait.ge [sflag:s6], $0xA00;
	(pc) =	sbr.rel @p0 .LBB2_4-.Ltmp1, $4  }
0xae: {  	[sflag:s6] =	ssyncset.done $0x0  }
0xaf: {  	[sflag:s6] =	ssyncadd.s32 $0xFFFFF600  }
0xb0: {  	s8 =	smov.u32 s9;
	_ =	swait.ge [sflag:s6], $0xA00  }
0xb1: {  	s14 =	smov.u32 s16;
	s15 =	rddreg [dreg:$0x3];
	[sflag:s6] =	ssyncset.done $0x0  }
0xb2: {  	[sflag:s6] =	ssyncadd.s32 $0xFFFFF600  }
0xb3: {  	[tilespmem:s21], [sflag:$0x1] =	stream.linear.gather [hbm4b:s13+s3], $0x3200, $0x38;
	[tilespmem:$0xE8D0] =	vst v63  }
0xb4: {  	s9 =	sadd.s32 s8, s15  }
0xb5: {  	[tilespmem:s22], [sflag:$0x2] =	stream.linear.gather [hbm4b:s9+s3], $0x3200, $0x38;
	[tilespmem:$0xE8D0] =	vst v63  }
0xb6: {  	_ =	swait.ge [sflag:s23], $0x3200  }
0xb7: {  	[sflag:s23] =	ssyncset.done $0x0  }
0xb8: {  	s8 =	sshra.s32 s8, $0x2;
	[sflag:s23] =	ssyncadd.s32 $0xFFFFCE00  }
0xb9: {  	[spmem:s2] =	stream.indirect.scatter.add.f32 [tilespmem:s21], [sflag:$0x3], $0x20, s8, s24, $0xb8;
	[tilespmem:$0xE8D0] =	vst v63  }
0xba: {  	s14 =	sadd.s32 $0x50, s8  }
0xbb: {  	[spmem:s2] =	stream.indirect.scatter.add.f32 [tilespmem:s25], [sflag:$0x3], $0x20, s14, s24, $0xb8;
	[tilespmem:$0xE8D0] =	vst v63  }
0xbc: {  	s15 =	sadd.s32 $0xA0, s8  }
0xbd: {  	[spmem:s2] =	stream.indirect.scatter.add.f32 [tilespmem:s26], [sflag:$0x3], $0x20, s15, s24, $0xb8;
	[tilespmem:$0xE8D0] =	vst v63  }
0xbe: {  	s16 =	sadd.s32 $0xF0, s8  }
0xbf: {  	[spmem:s2] =	stream.indirect.scatter.add.f32 [tilespmem:s28], [sflag:$0x3], $0x20, s16, s24, $0xb8;
	[tilespmem:$0xE8D0] =	vst v63  }
0xc0: {  	s17 =	sadd.s32 $0x140, s8  }
0xc1: {  	[spmem:s2] =	stream.indirect.scatter.add.f32 [tilespmem:s29], [sflag:$0x3], $0x20, s17, s24, $0xb8;
	[tilespmem:$0xE8D0] =	vst v63  }
0xc2: {  	_ =	swait.ge [sflag:s30], $0x3200  }
0xc3: {  	[sflag:s30] =	ssyncset.done $0x0  }
0xc4: {  	s13 =	sadd.s32 $0x190, s8;
	[sflag:s30] =	ssyncadd.s32 $0xFFFFCE00  }
0xc5: {  	[spmem:s2] =	stream.indirect.scatter.add.f32 [tilespmem:s22], [sflag:$0x4], $0x20, s13, s24, $0xb8;
	[tilespmem:$0xE8D0] =	vst v63  }
0xc6: {  	s14 =	sadd.s32 $0x1E0, s8  }
0xc7: {  	[spmem:s2] =	stream.indirect.scatter.add.f32 [tilespmem:s31], [sflag:$0x4], $0x20, s14, s24, $0xb8;
	[tilespmem:$0xE8D0] =	vst v63  }
0xc8: {  	s15 =	sadd.s32 $0x230, s8  }
0xc9: {  	[spmem:s2] =	stream.indirect.scatter.add.f32 [tilespmem:s1], [sflag:$0x4], $0x20, s15, s24, $0xb8;
	[tilespmem:$0xE8D0] =	vst v63  }
0xca: {  	s16 =	sadd.s32 $0x280, s8  }
0xcb: {  	[spmem:s2] =	stream.indirect.scatter.add.f32 [tilespmem:s0], [sflag:$0x4], $0x20, s16, s24, $0xb8;
	[tilespmem:$0xE8D0] =	vst v63  }
0xcc: {  	s8 =	sadd.s32 $0x2D0, s8  }
0xcd: {  	[spmem:s2] =	stream.indirect.scatter.add.f32 [tilespmem:s4], [sflag:$0x4], $0x20, s8, s24, $0xb8;
	[tilespmem:$0xE8D0] =	vst v63  }
0xce: {  	_ =	swait.ge [sflag:s5], $0xA00  }
0xcf: {  	[sflag:s5] =	ssyncset.done $0x0  }
0xd0: {  	[sflag:s5] =	ssyncadd.s32 $0xFFFFF600  }
0xd1: {  	_ =	swait.ge [sflag:s5], $0xA00  }
0xd2: {  	[sflag:s5] =	ssyncset.done $0x0  }
0xd3: {  	[sflag:s5] =	ssyncadd.s32 $0xFFFFF600  }
0xd4: {  	_ =	swait.ge [sflag:s5], $0xA00  }
0xd5: {  	[sflag:s5] =	ssyncset.done $0x0  }
0xd6: {  	[sflag:s5] =	ssyncadd.s32 $0xFFFFF600  }
0xd7: {  	_ =	swait.ge [sflag:s5], $0xA00  }
0xd8: {  	[sflag:s5] =	ssyncset.done $0x0  }
0xd9: {  	[sflag:s5] =	ssyncadd.s32 $0xFFFFF600  }
0xda: {  	_ =	swait.ge [sflag:s5], $0xA00  }
0xdb: {  	[sflag:s5] =	ssyncset.done $0x0  }
0xdc: {  	[sflag:s5] =	ssyncadd.s32 $0xFFFFF600  }
0xdd: {  	_ =	swait.ge [sflag:s6], $0xA00  }
0xde: {  	[sflag:s6] =	ssyncset.done $0x0  }
0xdf: {  	[sflag:s6] =	ssyncadd.s32 $0xFFFFF600  }
0xe0: {  	_ =	swait.ge [sflag:s6], $0xA00  }
0xe1: {  	[sflag:s6] =	ssyncset.done $0x0  }
0xe2: {  	[sflag:s6] =	ssyncadd.s32 $0xFFFFF600  }
0xe3: {  	_ =	swait.ge [sflag:s6], $0xA00  }
0xe4: {  	[sflag:s6] =	ssyncset.done $0x0  }
0xe5: {  	[sflag:s6] =	ssyncadd.s32 $0xFFFFF600  }
0xe6: {  	_ =	swait.ge [sflag:s6], $0xA00  }
0xe7: {  	[sflag:s6] =	ssyncset.done $0x0  }
0xe8: {  	[sflag:s6] =	ssyncadd.s32 $0xFFFFF600  }
0xe9: {  	_ =	swait.ge [sflag:s6], $0xA00  }
0xea: {  	[sflag:s6] =	ssyncset.done $0x0  }
0xeb: {  	s17 =	rddreg [dreg:$0x5];
	[sflag:s6] =	ssyncadd.s32 $0xFFFFF600  }
0xec: {  	[tilespmem:s21], [sflag:$0x1] =	stream.linear.gather [hbm4b:s17+s3], $0x3200, $0x38;
	[tilespmem:$0xE8D0] =	vst v63  }
0xed: {  	_ =	swait.ge [sflag:s23], $0x3200  }
0xee: {  	[sflag:s23] =	ssyncset.done $0x0  }
0xef: {  	s9 =	simm.s32 $0x2580;
	[sflag:s23] =	ssyncadd.s32 $0xFFFFCE00  }
0xf0: {  	[spmem:s2] =	stream.indirect.scatter.add.f32 [tilespmem:s21], [sflag:$0x3], $0x20, s9, s24, $0xb8;
	[tilespmem:$0xE8D0] =	vst v63  }
0xf1: {  	s13 =	simm.s32 $0x25D0  }
0xf2: {  	[spmem:s2] =	stream.indirect.scatter.add.f32 [tilespmem:s25], [sflag:$0x3], $0x20, s13, s24, $0xb8;
	[tilespmem:$0xE8D0] =	vst v63  }
0xf3: {  	s14 =	simm.s32 $0x2620  }
0xf4: {  	[spmem:s2] =	stream.indirect.scatter.add.f32 [tilespmem:s26], [sflag:$0x3], $0x20, s14, s24, $0xb8;
	[tilespmem:$0xE8D0] =	vst v63  }
0xf5: {  	s15 =	simm.s32 $0x2670  }
0xf6: {  	[spmem:s2] =	stream.indirect.scatter.add.f32 [tilespmem:s28], [sflag:$0x3], $0x20, s15, s24, $0xb8;
	[tilespmem:$0xE8D0] =	vst v63  }
0xf7: {  	s16 =	simm.s32 $0x26C0  }
0xf8: {  	[spmem:s2] =	stream.indirect.scatter.add.f32 [tilespmem:s29], [sflag:$0x3], $0x20, s16, s24, $0xb8;
	[tilespmem:$0xE8D0] =	vst v63  }
0xf9: {  	_ =	swait.ge [sflag:s5], $0xA00  }
0xfa: {  	[sflag:s5] =	ssyncset.done $0x0  }
0xfb: {  	[sflag:s5] =	ssyncadd.s32 $0xFFFFF600  }
0xfc: {  	_ =	swait.ge [sflag:s5], $0xA00  }
0xfd: {  	[sflag:s5] =	ssyncset.done $0x0  }
0xfe: {  	[sflag:s5] =	ssyncadd.s32 $0xFFFFF600  }
0xff: {  	_ =	swait.ge [sflag:s5], $0xA00  }
0x100: {  	[sflag:s5] =	ssyncset.done $0x0  }
0x101: {  	[sflag:s5] =	ssyncadd.s32 $0xFFFFF600  }
0x102: {  	_ =	swait.ge [sflag:s5], $0xA00  }
0x103: {  	[sflag:s5] =	ssyncset.done $0x0  }
0x104: {  	[sflag:s5] =	ssyncadd.s32 $0xFFFFF600  }
0x105: {  	_ =	swait.ge [sflag:s5], $0xA00  }
0x106: {  	[sflag:s5] =	ssyncset.done $0x0  }
0x107: {  	[sflag:s5] =	ssyncadd.s32 $0xFFFFF600  }
0x108: {  	[bflag:$0x0] =	sbarrier.arrive $0xFFFF  }
0x109: {  	s17 =	rddreg [dreg:$0x6]  }
0x10a: {  	[tilespmem:s20], [sflag:$0x5] =	stream.linear.gather [spmem:s17], $0xFA0, $0x38;
	[tilespmem:$0xE8D0] =	vst v63  }
0x10b: {  	_ =	swait.ge [sflag:s19], $0xFA0  }
0x10c: {  	[sflag:s19] =	ssyncset.done $0x0  }
0x10d: {  	s9 =	rddreg [dreg:$0xa];
	[sflag:s19] =	ssyncadd.s32 $0xFFFFF060  }
0x10e: {  	[hbm4b:s9+s3] =	stream.linear.scatter [tilespmem:s20], [sflag:$0x5], $0xFA0, $0x38;
	[tilespmem:$0xE8D0] =	vst v63  }
0x10f: {  	_ =	swait.ge [sflag:s19], $0xFA0  }
0x110: {  	[sflag:s19] =	ssyncset.done $0x0  }
0x111: {  	[sflag:s19] =	ssyncadd.s32 $0xFFFFF060  }
0x112: {  	[tilespmem:s20], [sflag:$0x5] =	stream.linear.gather [spmem:s10], $0xFA0, $0x38;
	[tilespmem:$0xE8D0] =	vst v63  }
0x113: {  	_ =	swait.ge [sflag:s19], $0xFA0  }
0x114: {  	[sflag:s19] =	ssyncset.done $0x0  }
0x115: {  	s9 =	smov.u32 s10;
	s10 =	rddreg [dreg:$0xb];
	[sflag:s19] =	ssyncadd.s32 $0xFFFFF060  }
0x116: {  	[hbm4b:s10+s3] =	stream.linear.scatter [tilespmem:s20], [sflag:$0x5], $0xFA0, $0x38;
	[tilespmem:$0xE8D0] =	vst v63  }
0x117: {  	_ =	swait.ge [sflag:s19], $0xFA0  }
0x118: {  	[sflag:s19] =	ssyncset.done $0x0  }
0x119: {  	s13 =	rddreg [dreg:$0x9];
	[sflag:s19] =	ssyncadd.s32 $0xFFFFF060  }
0x11a: {  	[tilespmem:s20], [sflag:$0x5] =	stream.linear.gather [spmem:s13], $0xFA0, $0x38;
	[tilespmem:$0xE8D0] =	vst v63  }
0x11b: {  	_ =	swait.ge [sflag:s19], $0xFA0  }
0x11c: {  	[sflag:s19] =	ssyncset.done $0x0  }
0x11d: {  	s14 =	rddreg [dreg:$0xc];
	[sflag:s19] =	ssyncadd.s32 $0xFFFFF060  }
0x11e: {  	[hbm4b:s14+s3] =	stream.linear.scatter [tilespmem:s20], [sflag:$0x5], $0xFA0, $0x38;
	[tilespmem:$0xE8D0] =	vst v63  }
0x11f: {  	_ =	swait.ge [sflag:s19], $0xFA0  }
0x120: {  	[sflag:s19] =	ssyncset.done $0x0  }
0x121: {  	[sflag:s19] =	ssyncadd.s32 $0xFFFFF060  }
0x122: {  	[tilespmem:s20], [sflag:$0x5] =	stream.linear.gather [spmem:s11], $0xFA0, $0x38;
	[tilespmem:$0xE8D0] =	vst v63  }
0x123: {  	_ =	swait.ge [sflag:s19], $0xFA0  }
0x124: {  	[sflag:s19] =	ssyncset.done $0x0  }
0x125: {  	s15 =	rddreg [dreg:$0xd];
	[sflag:s19] =	ssyncadd.s32 $0xFFFFF060  }
0x126: {  	[hbm4b:s15+s3] =	stream.linear.scatter [tilespmem:s20], [sflag:$0x5], $0xFA0, $0x38;
	[tilespmem:$0xE8D0] =	vst v63  }
0x127: {  	_ =	swait.ge [sflag:s19], $0xFA0  }
0x128: {  	[sflag:s19] =	ssyncset.done $0x0  }
0x129: {  	[sflag:s19] =	ssyncadd.s32 $0xFFFFF060  }
0x12a: {  	[tilespmem:s20], [sflag:$0x5] =	stream.linear.gather [spmem:s12], $0xFA0, $0x38;
	[tilespmem:$0xE8D0] =	vst v63  }
0x12b: {  	_ =	swait.ge [sflag:s19], $0xFA0  }
0x12c: {  	[sflag:s19] =	ssyncset.done $0x0  }
0x12d: {  	s16 =	rddreg [dreg:$0xe];
	[sflag:s19] =	ssyncadd.s32 $0xFFFFF060  }
0x12e: {  	[hbm4b:s16+s3] =	stream.linear.scatter [tilespmem:s20], [sflag:$0x5], $0xFA0, $0x38;
	[tilespmem:$0xE8D0] =	vst v63  }
0x12f: {  	_ =	swait.ge [sflag:s19], $0xFA0  }
0x130: {  	s7 =	sadd.s32 $0x1, s7;
	s17 =	rddreg [dreg:$0x7]  }
0x131: {  	p0 =	sne.s32 s7, s17  }
.Ltmp2:
0x132: {  	_ = 	snop;
	(pc) =	sbr.rel @p0 .LBB2_1-.Ltmp2, $3  }
0x133: {  	_ =	sdelay $0x1  }
0x134: {  	[sflag:s19] =	ssyncset.done $0x0  }
0x135: {  	[sflag:s19] =	ssyncadd.s32 $0xFFFFF060  }
0x136: {  	_ =	sfence.sel $0x180000  }
0x137: {  	[bflag:$0x0] =	sbarrier.arrive $0xFFFF  }
0x138: {  	_ =	strace $0x90000050  }
0x139: {  	s0 =	stileid.u32;
	[bflag:$0x2] =	sbarrier.arrive $0xFFFF  }
0x13a: {  	p0 =	sne.s32 s0, $0x0;
	s0 =	rddreg [dreg:$0x2]  }
0x13b: {  	s0 =	sadd.s32 @!p0 $0x100000, s0  }
0x13c: {  	[sflag:s0] =	ssyncadd.tile.s32 @!p0 $0x1;
	_ =	shalt  }
.Lfunc_end2:
_tile_overlayer_lowered:
.L_overlay_start_2:
0x13d: {  	(tag) =	ssettag $0x2  }
0x13e: {  	s0 =	rddreg [dreg:$0x0];
	s2 =	stileid.u32  }
0x13f: {  	s1 =	rddreg [dreg:$0x1];
	p0 =	sne.s32 s2, $0x0  }
0x140: {  	s3 =	rddreg [dreg:$0x2];
	[bflag:$0x3] =	sbarrier.arrive $0xFFFF;
	s2 =	simm.s32 @!p0 $0x1C05  }
0x141: {  	[timem:s3], [sflag:s2] =	dma.local @!p0 [hbm:s0], s1  }
0x142: {  	s0 =	simm.s32 @!p0 $0x5  }
0x143: {  	_ =	swait.ge @!p0 [sflag:s0], s1  }
0x144: {  	s1 =	ssub.s32 @!p0 $0x0, s1;
	[sflag:s0] =	ssyncset.done @!p0 $0x0  }
0x145: {  	[sflag:s0] =	ssyncadd.s32 @!p0 s1  }
0x146: {  	[bflag:$0x3] =	sbarrier.arrive $0xFFFF  }
0x147: {  	_ =	shalt  }

</sc_bundles>
